<compile_context>
chip_gen: v7x
topology: tpu7x:2x2x1
jax: 0.10.2.dev20260603
libtpu: 0.0.44.dev20260713+nightly
codegen_flags: <defaults>
</compile_context>

<pallas_src>
import functools

import jax
import jax.numpy as jnp
from jax import lax
from jax.experimental import pallas as pl
from jax.experimental.pallas import tpu as pltpu
from jax.experimental.pallas import tpu_sc as plsc

NG = 4
R = 128
C = 128
N = R * C

_NW = 32
_CHUNK = N // _NW
_NSTREAM = _CHUNK // 128


def _iotas():
    row = lax.broadcasted_iota(jnp.int32, (R, C), 0)
    col = lax.broadcasted_iota(jnp.int32, (R, C), 1)
    return row, col


def _cumsum2d(x):
    ii = lax.broadcasted_iota(jnp.int32, (R, R), 0)
    jj = lax.broadcasted_iota(jnp.int32, (R, R), 1)
    upper_incl = (ii <= jj).astype(jnp.float32)
    lower_strict = (jj < ii).astype(jnp.float32)
    rowc = jnp.dot(x, upper_incl, preferred_element_type=jnp.float32)
    totals = rowc[:, C - 1:C]
    prefix = jnp.dot(lower_strict, totals, preferred_element_type=jnp.float32)
    return rowc + prefix


def _sort_kernel(pred_ref, grp_ref, vs_ref, idx_ref, payload_ref):
    v = pred_ref[...]
    g = grp_ref[...].astype(jnp.float32)
    row, col = _iotas()

    masks = [(g == float(gi)).astype(jnp.float32) for gi in range(NG)]
    cums = [_cumsum2d(m) for m in masks]
    counts = [jnp.sum(m) for m in masks]
    max_len = counts[0]
    for gi in range(1, NG):
        max_len = jnp.maximum(max_len, counts[gi])

    weight = jnp.zeros((R, C), jnp.float32)
    for gi in range(NG):
        n = jnp.maximum(counts[gi], 1.0)
        q = jnp.floor(max_len / n)
        q = jnp.where(q * n > max_len, q - 1.0, q)
        q = jnp.where((q + 1.0) * n <= max_len, q + 1.0, q)
        r_extra = max_len - q * n
        w_g = q + (cums[gi] - 1.0 < r_extra).astype(jnp.float32)
        weight = weight + masks[gi] * w_g

    payload_ref[...] = g * 65536.0 + weight

    idxf = (row * C + col).astype(jnp.float32)

    def partner_of(x, bit_set, dist, axis):
        size = (R, C)[axis]
        fwd = pltpu.roll(x, size - dist, axis)
        bwd = pltpu.roll(x, dist, axis)
        return jnp.where(bit_set, bwd, fwd)

    for K in range(1, 15):
        if K < 7:
            dir_int = (col >> K) & 1
        elif K < 14:
            dir_int = (row >> (K - 7)) & 1
        else:
            dir_int = jnp.zeros((R, C), jnp.int32)
        for j in range(K - 1, -1, -1):
            if j < 7:
                bit_int = (col >> j) & 1
                axis, dist = 1, 1 << j
            else:
                bit_int = (row >> (j - 7)) & 1
                axis, dist = 0, 1 << (j - 7)
            bit = bit_int == 1
            keep_min = (dir_int ^ bit_int) == 0
            pv = partner_of(v, bit, dist, axis)
            pw = partner_of(idxf, bit, dist, axis)
            cc = jnp.where(keep_min, v, pv)
            dd = jnp.where(keep_min, pv, v)
            take = dd < cc
            v = jnp.where(take, pv, v)
            idxf = jnp.where(take, pw, idxf)

    vs_ref[...] = v
    idx_ref[...] = idxf.astype(jnp.int32)


def _finish_kernel(vs_ref, ps_ref, out_ref):
    v = vs_ref[...]
    payload = ps_ref[...]
    row, col = _iotas()

    g_sorted = jnp.floor(payload * (1.0 / 65536.0))
    w_sorted = payload - g_sorted * 65536.0

    max_len = jnp.zeros((), jnp.float32)
    cw = []
    for gi in range(NG):
        m = (g_sorted == float(gi)).astype(jnp.float32)
        max_len = jnp.maximum(max_len, jnp.sum(m))
        cw.append(_cumsum2d(w_sorted * m))

    s_abs = jnp.zeros((R, C), jnp.float32)
    for i in range(NG - 1):
        for j in range(i + 1, NG):
            s_abs = s_abs + jnp.abs(cw[i] - cw[j])

    nxt_lane = pltpu.roll(v, C - 1, 1)
    nxt_row = pltpu.roll(v, R - 1, 0)
    v_next = jnp.where(col == C - 1, nxt_row[:, 0:1], nxt_lane)
    dv = v_next - v
    total = jnp.sum(dv * s_abs)

    npairs = NG * (NG - 1) // 2
    out_ref[...] = jnp.broadcast_to(total / (float(npairs) * max_len), (1, 1))


def _sc_gather_body(payload_hbm, idx_hbm, out_hbm, idx_v, vals_v, stage, sem):
    sid = lax.axis_index("s")
    wid = sid * 2 + lax.axis_index("c")

    @pl.when(sid == 0)
    def _():
        pltpu.sync_copy(payload_hbm, stage)

    pltpu.sync_copy(idx_hbm.at[wid], idx_v)
    plsc.subcore_barrier()
    copies = [
        pltpu.async_copy(stage.at[idx_v.at[j]], vals_v.at[j], sem)
        for j in range(_NSTREAM)
    ]
    for c in copies:
        c.wait()
    pltpu.sync_copy(vals_v, out_hbm.at[wid])


def _gather_sorted(payload_flat, idx3):
    mesh = plsc.VectorSubcoreMesh(core_axis_name="c", subcore_axis_name="s")
    run = functools.partial(
        pl.kernel,
        mesh=mesh,
        out_type=jax.ShapeDtypeStruct((_NW, _NSTREAM, 128), jnp.float32),
        scratch_types=[
            pltpu.VMEM((_NSTREAM, 128), jnp.int32),
            pltpu.VMEM((_NSTREAM, 128), jnp.float32),
            pltpu.MemorySpace.VMEM_SHARED((N,), jnp.float32),
            pltpu.SemaphoreType.DMA,
        ],
    )(_sc_gather_body)
    return run(payload_flat, idx3)


def kernel(batch_pred, batch_group):
    v2 = batch_pred.reshape(R, C)
    g2 = batch_group.reshape(R, C)

    vs, idx, payload = pl.pallas_call(
        _sort_kernel,
        out_shape=[
            jax.ShapeDtypeStruct((R, C), jnp.float32),
            jax.ShapeDtypeStruct((R, C), jnp.int32),
            jax.ShapeDtypeStruct((R, C), jnp.float32),
        ],
        in_specs=[
            pl.BlockSpec(memory_space=pltpu.VMEM),
            pl.BlockSpec(memory_space=pltpu.VMEM),
        ],
        out_specs=[pl.BlockSpec(memory_space=pltpu.VMEM)] * 3,
    )(v2, g2)

    payload_sorted = _gather_sorted(
        payload.reshape(N), idx.reshape(_NW, _NSTREAM, 128))

    out = pl.pallas_call(
        _finish_kernel,
        out_shape=jax.ShapeDtypeStruct((1, 1), jnp.float32),
        in_specs=[
            pl.BlockSpec(memory_space=pltpu.VMEM),
            pl.BlockSpec(memory_space=pltpu.VMEM),
        ],
        out_specs=pl.BlockSpec(memory_space=pltpu.VMEM),
    )(vs, payload_sorted.reshape(R, C))
    return out[0, 0]

# --- scband reference (transcript-rebuilt; emitter-appended) ---
"""Pipeline reference for scband-prediction-oversampling-wdloss-18176301597020 (READ-ONLY COPY).

The authoritative reference and input builder live on the scoring server;
editing this copy changes nothing except your own understanding.
"""

import jax, jax.numpy as jnp
import numpy as np
import math
from functools import reduce

NUM_GROUP = 4
MODE = 'mean'
LCM = False
BATCH = 16384


def setup_inputs(seed: int = 0) -> dict:
    key = jax.random.key(seed)
    k1, k2 = jax.random.split(key)
    batch_pred = jax.random.normal(k1, (BATCH,), dtype=jnp.float32)
    batch_group = jax.random.randint(k2, (BATCH,), 0, NUM_GROUP, dtype=jnp.int32)
    return {"batch_pred": batch_pred, "batch_group": batch_group}


def reference(batch_pred, batch_group):
    n_total = batch_pred.shape[0]
    iota = jnp.arange(n_total, dtype=jnp.int32)
    mask_list = []
    group_len_list = []
    for i in range(NUM_GROUP):
        mask = batch_group == i
        mask_list.append(mask)
        group_len_list.append(jnp.sum(mask.astype(jnp.int32)))
    if LCM:
        max_len = reduce(lambda x, y: x * y // math.gcd(x, y), group_len_list)
    else:
        max_len = jnp.max(jnp.stack(group_len_list))
    group_pred_list = []
    for gi in range(NUM_GROUP):
        mask = mask_list[gi]
        n = group_len_list[gi]
        rank = jnp.cumsum(mask.astype(jnp.int32)) - 1
        q = max_len // n
        r = max_len % n
        weight = jnp.where(mask, q + (rank < r).astype(jnp.int32), 0)
        sort_key = jnp.where(mask, batch_pred, jnp.inf)
        order = jnp.argsort(sort_key)
        sorted_vals = jnp.take(batch_pred, order)
        sorted_weights = jnp.take(weight, order)
        cum_weights = jnp.cumsum(sorted_weights)
        pos = jnp.searchsorted(cum_weights, iota, side='right')
        pos = jnp.minimum(pos, n_total - 1)
        expanded_sorted = jnp.take(sorted_vals, pos)
        group_pred_list.append(expanded_sorted)
    valid = iota < max_len
    wd_distances = []
    for i in range(len(group_pred_list) - 1):
        for j in range(i + 1, len(group_pred_list)):
            group1 = group_pred_list[i]
            group2 = group_pred_list[j]
            diff = jnp.abs(group1 - group2)
            distance = jnp.sum(jnp.where(valid, diff, 0.0)) / max_len
            wd_distances.append(distance)
    if MODE == 'mean':
        return jnp.stack(wd_distances).mean()
    elif MODE == 'max':
        return jnp.stack(wd_distances).max()
    else:
        return jnp.zeros(())

if __name__ == "__main__":
    import jax
    _d = setup_inputs()
    print(jax.jit(kernel)(*tuple(_d.values())))

</pallas_src>

<mosaic_0001>
#map = affine_map<(d0, d1) -> (0)>
#map1 = affine_map<(d0, d1) -> (0, 0, 0)>
module attributes {stable_mosaic.version = 14 : i64} {
  func.func @_sc_gather_body(%arg0: i32, %arg1: i32, %arg2: memref<16384xf32, #tpu.memory_space<hbm>>, %arg3: memref<32x4x128xi32, #tpu.memory_space<hbm>>, %arg4: memref<32x4x128xf32, #tpu.memory_space<hbm>>, %arg5: memref<4x128xi32, #tpu.memory_space<vmem>>, %arg6: memref<4x128xf32, #tpu.memory_space<vmem>>, %arg7: memref<16384xf32, #tpu.memory_space<vmem_shared>>, %arg8: memref<!tpu.dma_semaphore, #tpu.memory_space<semaphore_mem>>) attributes {dimension_semantics = [#tpu.dimension_semantics<core_parallel>, #tpu.dimension_semantics<subcore_parallel>], iteration_bounds = array<i64: 2, 16>, scalar_prefetch = 0 : i64, scratch_operands = 4 : i64, tpu.core_type = #tpu.core_type<sc_vector_subcore>, window_params = [{transform_indices = #map}, {transform_indices = #map1}, {transform_indices = #map1}]} {
    %mul3A = arith.constant 2 : i32
    %mul3A_0 = arith.muli %arg1, %mul3A : i32
    %add3A = arith.addi %mul3A_0, %arg0 : i32
    %eq3A = arith.constant 0 : i32
    %eq3A_1 = arith.cmpi eq, %arg1, %eq3A : i32
    %convert_element_type3A = arith.extui %eq3A_1 : i1 to i32
    %cond3A = arith.constant 0 : i32
    %cond3A_2 = arith.cmpi ne, %convert_element_type3A, %cond3A : i32
    scf.if %cond3A_2 {
      "tpu.region"() ({
        %run_scoped3A = tpu.sem_alloc : memref<!tpu.dma_semaphore, #tpu.memory_space<semaphore_mem>>
        tpu.enqueue_dma source(%arg2 : memref<16384xf32, #tpu.memory_space<hbm>>) target(%arg7 : memref<16384xf32, #tpu.memory_space<vmem_shared>>) target_semaphore(%run_scoped3A : memref<!tpu.dma_semaphore, #tpu.memory_space<semaphore_mem>>)
        tpu.wait_dma2 semaphore(%run_scoped3A : memref<!tpu.dma_semaphore, #tpu.memory_space<semaphore_mem>>) src(%arg2 : memref<16384xf32, #tpu.memory_space<hbm>>) dst(%arg7 : memref<16384xf32, #tpu.memory_space<vmem_shared>>)
        tpu.yield
      }) : () -> ()
    } else {
    }
    "tpu.region"() ({
      %run_scoped3A = tpu.sem_alloc : memref<!tpu.dma_semaphore, #tpu.memory_space<semaphore_mem>>
      %dma_start3A_81 = arith.constant 0 : i32
      %dma_start3A_82 = arith.constant 0 : i32
      %dma_start3A_83 = tpu.memref_slice %arg3[%add3A, %dma_start3A_81, %dma_start3A_82] : memref<32x4x128xi32, #tpu.memory_space<hbm>> -> memref<1x4x128xi32, #tpu.memory_space<hbm>>
      %dma_start3A_84 = tpu.memref_squeeze %dma_start3A_83 : memref<1x4x128xi32, #tpu.memory_space<hbm>> -> memref<4x128xi32, #tpu.memory_space<hbm>>
      %dma_start3A_85 = arith.constant 0 : i32
      %dma_start3A_86 = arith.constant 0 : i32
      %dma_start3A_87 = tpu.memref_slice %arg3[%add3A, %dma_start3A_85, %dma_start3A_86] : memref<32x4x128xi32, #tpu.memory_space<hbm>> -> memref<1x4x128xi32, #tpu.memory_space<hbm>>
      %dma_start3A_88 = tpu.memref_squeeze %dma_start3A_87 : memref<1x4x128xi32, #tpu.memory_space<hbm>> -> memref<4x128xi32, #tpu.memory_space<hbm>>
      tpu.enqueue_dma source(%dma_start3A_88 : memref<4x128xi32, #tpu.memory_space<hbm>>) target(%arg5 : memref<4x128xi32, #tpu.memory_space<vmem>>) target_semaphore(%run_scoped3A : memref<!tpu.dma_semaphore, #tpu.memory_space<semaphore_mem>>)
      %dma_wait3A_89 = arith.constant 0 : i32
      %dma_wait3A_90 = arith.constant 0 : i32
      %dma_wait3A_91 = tpu.memref_slice %arg3[%add3A, %dma_wait3A_89, %dma_wait3A_90] : memref<32x4x128xi32, #tpu.memory_space<hbm>> -> memref<1x4x128xi32, #tpu.memory_space<hbm>>
      %dma_wait3A_92 = tpu.memref_squeeze %dma_wait3A_91 : memref<1x4x128xi32, #tpu.memory_space<hbm>> -> memref<4x128xi32, #tpu.memory_space<hbm>>
      %dma_wait3A_93 = arith.constant 0 : i32
      %dma_wait3A_94 = arith.constant 0 : i32
      %dma_wait3A_95 = tpu.memref_slice %arg3[%add3A, %dma_wait3A_93, %dma_wait3A_94] : memref<32x4x128xi32, #tpu.memory_space<hbm>> -> memref<1x4x128xi32, #tpu.memory_space<hbm>>
      %dma_wait3A_96 = tpu.memref_squeeze %dma_wait3A_95 : memref<1x4x128xi32, #tpu.memory_space<hbm>> -> memref<4x128xi32, #tpu.memory_space<hbm>>
      tpu.wait_dma2 semaphore(%run_scoped3A : memref<!tpu.dma_semaphore, #tpu.memory_space<semaphore_mem>>) src(%dma_wait3A_96 : memref<4x128xi32, #tpu.memory_space<hbm>>) dst(%arg5 : memref<4x128xi32, #tpu.memory_space<vmem>>)
      tpu.yield
    }) : () -> ()
    %barrier3A = arith.constant 0 : index
    tpu.barrier barrier_id(%barrier3A)
    %dma_start3A = arith.constant 0 : i32
    %dma_start3A_3 = arith.constant 0 : i32
    %dma_start3A_4 = arith.constant 0 : i32
    %dma_start3A_5 = tpu.memref_slice %arg6[%dma_start3A_3, %dma_start3A_4] : memref<4x128xf32, #tpu.memory_space<vmem>> -> memref<1x128xf32, #tpu.memory_space<vmem>>
    %dma_start3A_6 = tpu.memref_squeeze %dma_start3A_5 : memref<1x128xf32, #tpu.memory_space<vmem>> -> memref<128xf32, #tpu.memory_space<vmem>>
    %dma_start3A_7 = arith.constant 0 : i32
    %dma_start3A_8 = tpu.memref_slice %arg5[%dma_start3A, %dma_start3A_7] : memref<4x128xi32, #tpu.memory_space<vmem>> -> memref<1x128xi32, #tpu.memory_space<vmem>>
    %dma_start3A_9 = tpu.memref_squeeze %dma_start3A_8 : memref<1x128xi32, #tpu.memory_space<vmem>> -> memref<128xi32, #tpu.memory_space<vmem>>
    %dma_start3A_10 = arith.constant 0 : i32
    %dma_start3A_11 = tpu.memref_slice %arg7[%dma_start3A_10] : memref<16384xf32, #tpu.memory_space<vmem_shared>> -> memref<16384xf32, #tpu.memory_space<vmem_shared>>
    tpu.enqueue_indirect_dma source(%dma_start3A_11 : memref<16384xf32, #tpu.memory_space<vmem_shared>>) target(%dma_start3A_6 : memref<128xf32, #tpu.memory_space<vmem>>) offsets(%dma_start3A_9 : memref<128xi32, #tpu.memory_space<vmem>>) semaphore(%arg8 : memref<!tpu.dma_semaphore, #tpu.memory_space<semaphore_mem>>)
    %dma_start3A_12 = arith.constant 1 : i32
    %dma_start3A_13 = arith.constant 1 : i32
    %dma_start3A_14 = arith.constant 0 : i32
    %dma_start3A_15 = tpu.memref_slice %arg6[%dma_start3A_13, %dma_start3A_14] : memref<4x128xf32, #tpu.memory_space<vmem>> -> memref<1x128xf32, #tpu.memory_space<vmem>>
    %dma_start3A_16 = tpu.memref_squeeze %dma_start3A_15 : memref<1x128xf32, #tpu.memory_space<vmem>> -> memref<128xf32, #tpu.memory_space<vmem>>
    %dma_start3A_17 = arith.constant 0 : i32
    %dma_start3A_18 = tpu.memref_slice %arg5[%dma_start3A_12, %dma_start3A_17] : memref<4x128xi32, #tpu.memory_space<vmem>> -> memref<1x128xi32, #tpu.memory_space<vmem>>
    %dma_start3A_19 = tpu.memref_squeeze %dma_start3A_18 : memref<1x128xi32, #tpu.memory_space<vmem>> -> memref<128xi32, #tpu.memory_space<vmem>>
    %dma_start3A_20 = arith.constant 0 : i32
    %dma_start3A_21 = tpu.memref_slice %arg7[%dma_start3A_20] : memref<16384xf32, #tpu.memory_space<vmem_shared>> -> memref<16384xf32, #tpu.memory_space<vmem_shared>>
    tpu.enqueue_indirect_dma source(%dma_start3A_21 : memref<16384xf32, #tpu.memory_space<vmem_shared>>) target(%dma_start3A_16 : memref<128xf32, #tpu.memory_space<vmem>>) offsets(%dma_start3A_19 : memref<128xi32, #tpu.memory_space<vmem>>) semaphore(%arg8 : memref<!tpu.dma_semaphore, #tpu.memory_space<semaphore_mem>>)
    %dma_start3A_22 = arith.constant 2 : i32
    %dma_start3A_23 = arith.constant 2 : i32
    %dma_start3A_24 = arith.constant 0 : i32
    %dma_start3A_25 = tpu.memref_slice %arg6[%dma_start3A_23, %dma_start3A_24] : memref<4x128xf32, #tpu.memory_space<vmem>> -> memref<1x128xf32, #tpu.memory_space<vmem>>
    %dma_start3A_26 = tpu.memref_squeeze %dma_start3A_25 : memref<1x128xf32, #tpu.memory_space<vmem>> -> memref<128xf32, #tpu.memory_space<vmem>>
    %dma_start3A_27 = arith.constant 0 : i32
    %dma_start3A_28 = tpu.memref_slice %arg5[%dma_start3A_22, %dma_start3A_27] : memref<4x128xi32, #tpu.memory_space<vmem>> -> memref<1x128xi32, #tpu.memory_space<vmem>>
    %dma_start3A_29 = tpu.memref_squeeze %dma_start3A_28 : memref<1x128xi32, #tpu.memory_space<vmem>> -> memref<128xi32, #tpu.memory_space<vmem>>
    %dma_start3A_30 = arith.constant 0 : i32
    %dma_start3A_31 = tpu.memref_slice %arg7[%dma_start3A_30] : memref<16384xf32, #tpu.memory_space<vmem_shared>> -> memref<16384xf32, #tpu.memory_space<vmem_shared>>
    tpu.enqueue_indirect_dma source(%dma_start3A_31 : memref<16384xf32, #tpu.memory_space<vmem_shared>>) target(%dma_start3A_26 : memref<128xf32, #tpu.memory_space<vmem>>) offsets(%dma_start3A_29 : memref<128xi32, #tpu.memory_space<vmem>>) semaphore(%arg8 : memref<!tpu.dma_semaphore, #tpu.memory_space<semaphore_mem>>)
    %dma_start3A_32 = arith.constant 3 : i32
    %dma_start3A_33 = arith.constant 3 : i32
    %dma_start3A_34 = arith.constant 0 : i32
    %dma_start3A_35 = tpu.memref_slice %arg6[%dma_start3A_33, %dma_start3A_34] : memref<4x128xf32, #tpu.memory_space<vmem>> -> memref<1x128xf32, #tpu.memory_space<vmem>>
    %dma_start3A_36 = tpu.memref_squeeze %dma_start3A_35 : memref<1x128xf32, #tpu.memory_space<vmem>> -> memref<128xf32, #tpu.memory_space<vmem>>
    %dma_start3A_37 = arith.constant 0 : i32
    %dma_start3A_38 = tpu.memref_slice %arg5[%dma_start3A_32, %dma_start3A_37] : memref<4x128xi32, #tpu.memory_space<vmem>> -> memref<1x128xi32, #tpu.memory_space<vmem>>
    %dma_start3A_39 = tpu.memref_squeeze %dma_start3A_38 : memref<1x128xi32, #tpu.memory_space<vmem>> -> memref<128xi32, #tpu.memory_space<vmem>>
    %dma_start3A_40 = arith.constant 0 : i32
    %dma_start3A_41 = tpu.memref_slice %arg7[%dma_start3A_40] : memref<16384xf32, #tpu.memory_space<vmem_shared>> -> memref<16384xf32, #tpu.memory_space<vmem_shared>>
    tpu.enqueue_indirect_dma source(%dma_start3A_41 : memref<16384xf32, #tpu.memory_space<vmem_shared>>) target(%dma_start3A_36 : memref<128xf32, #tpu.memory_space<vmem>>) offsets(%dma_start3A_39 : memref<128xi32, #tpu.memory_space<vmem>>) semaphore(%arg8 : memref<!tpu.dma_semaphore, #tpu.memory_space<semaphore_mem>>)
    %dma_wait3A = arith.constant 0 : i32
    %dma_wait3A_42 = arith.constant 0 : i32
    %dma_wait3A_43 = arith.constant 0 : i32
    %dma_wait3A_44 = tpu.memref_slice %arg6[%dma_wait3A_42, %dma_wait3A_43] : memref<4x128xf32, #tpu.memory_space<vmem>> -> memref<1x128xf32, #tpu.memory_space<vmem>>
    %dma_wait3A_45 = tpu.memref_squeeze %dma_wait3A_44 : memref<1x128xf32, #tpu.memory_space<vmem>> -> memref<128xf32, #tpu.memory_space<vmem>>
    %dma_wait3A_46 = arith.constant 0 : i32
    %dma_wait3A_47 = tpu.memref_slice %arg5[%dma_wait3A, %dma_wait3A_46] : memref<4x128xi32, #tpu.memory_space<vmem>> -> memref<1x128xi32, #tpu.memory_space<vmem>>
    %dma_wait3A_48 = tpu.memref_squeeze %dma_wait3A_47 : memref<1x128xi32, #tpu.memory_space<vmem>> -> memref<128xi32, #tpu.memory_space<vmem>>
    %dma_wait3A_49 = arith.constant 0 : i32
    %dma_wait3A_50 = tpu.memref_slice %arg7[%dma_wait3A_49] : memref<16384xf32, #tpu.memory_space<vmem_shared>> -> memref<16384xf32, #tpu.memory_space<vmem_shared>>
    tpu.wait_indirect_dma semaphore(%arg8 : memref<!tpu.dma_semaphore, #tpu.memory_space<semaphore_mem>>) src(%dma_wait3A_50 : memref<16384xf32, #tpu.memory_space<vmem_shared>>) dst(%dma_wait3A_45 : memref<128xf32, #tpu.memory_space<vmem>>)
    %dma_wait3A_51 = arith.constant 1 : i32
    %dma_wait3A_52 = arith.constant 1 : i32
    %dma_wait3A_53 = arith.constant 0 : i32
    %dma_wait3A_54 = tpu.memref_slice %arg6[%dma_wait3A_52, %dma_wait3A_53] : memref<4x128xf32, #tpu.memory_space<vmem>> -> memref<1x128xf32, #tpu.memory_space<vmem>>
    %dma_wait3A_55 = tpu.memref_squeeze %dma_wait3A_54 : memref<1x128xf32, #tpu.memory_space<vmem>> -> memref<128xf32, #tpu.memory_space<vmem>>
    %dma_wait3A_56 = arith.constant 0 : i32
    %dma_wait3A_57 = tpu.memref_slice %arg5[%dma_wait3A_51, %dma_wait3A_56] : memref<4x128xi32, #tpu.memory_space<vmem>> -> memref<1x128xi32, #tpu.memory_space<vmem>>
    %dma_wait3A_58 = tpu.memref_squeeze %dma_wait3A_57 : memref<1x128xi32, #tpu.memory_space<vmem>> -> memref<128xi32, #tpu.memory_space<vmem>>
    %dma_wait3A_59 = arith.constant 0 : i32
    %dma_wait3A_60 = tpu.memref_slice %arg7[%dma_wait3A_59] : memref<16384xf32, #tpu.memory_space<vmem_shared>> -> memref<16384xf32, #tpu.memory_space<vmem_shared>>
    tpu.wait_indirect_dma semaphore(%arg8 : memref<!tpu.dma_semaphore, #tpu.memory_space<semaphore_mem>>) src(%dma_wait3A_60 : memref<16384xf32, #tpu.memory_space<vmem_shared>>) dst(%dma_wait3A_55 : memref<128xf32, #tpu.memory_space<vmem>>)
    %dma_wait3A_61 = arith.constant 2 : i32
    %dma_wait3A_62 = arith.constant 2 : i32
    %dma_wait3A_63 = arith.constant 0 : i32
    %dma_wait3A_64 = tpu.memref_slice %arg6[%dma_wait3A_62, %dma_wait3A_63] : memref<4x128xf32, #tpu.memory_space<vmem>> -> memref<1x128xf32, #tpu.memory_space<vmem>>
    %dma_wait3A_65 = tpu.memref_squeeze %dma_wait3A_64 : memref<1x128xf32, #tpu.memory_space<vmem>> -> memref<128xf32, #tpu.memory_space<vmem>>
    %dma_wait3A_66 = arith.constant 0 : i32
    %dma_wait3A_67 = tpu.memref_slice %arg5[%dma_wait3A_61, %dma_wait3A_66] : memref<4x128xi32, #tpu.memory_space<vmem>> -> memref<1x128xi32, #tpu.memory_space<vmem>>
    %dma_wait3A_68 = tpu.memref_squeeze %dma_wait3A_67 : memref<1x128xi32, #tpu.memory_space<vmem>> -> memref<128xi32, #tpu.memory_space<vmem>>
    %dma_wait3A_69 = arith.constant 0 : i32
    %dma_wait3A_70 = tpu.memref_slice %arg7[%dma_wait3A_69] : memref<16384xf32, #tpu.memory_space<vmem_shared>> -> memref<16384xf32, #tpu.memory_space<vmem_shared>>
    tpu.wait_indirect_dma semaphore(%arg8 : memref<!tpu.dma_semaphore, #tpu.memory_space<semaphore_mem>>) src(%dma_wait3A_70 : memref<16384xf32, #tpu.memory_space<vmem_shared>>) dst(%dma_wait3A_65 : memref<128xf32, #tpu.memory_space<vmem>>)
    %dma_wait3A_71 = arith.constant 3 : i32
    %dma_wait3A_72 = arith.constant 3 : i32
    %dma_wait3A_73 = arith.constant 0 : i32
    %dma_wait3A_74 = tpu.memref_slice %arg6[%dma_wait3A_72, %dma_wait3A_73] : memref<4x128xf32, #tpu.memory_space<vmem>> -> memref<1x128xf32, #tpu.memory_space<vmem>>
    %dma_wait3A_75 = tpu.memref_squeeze %dma_wait3A_74 : memref<1x128xf32, #tpu.memory_space<vmem>> -> memref<128xf32, #tpu.memory_space<vmem>>
    %dma_wait3A_76 = arith.constant 0 : i32
    %dma_wait3A_77 = tpu.memref_slice %arg5[%dma_wait3A_71, %dma_wait3A_76] : memref<4x128xi32, #tpu.memory_space<vmem>> -> memref<1x128xi32, #tpu.memory_space<vmem>>
    %dma_wait3A_78 = tpu.memref_squeeze %dma_wait3A_77 : memref<1x128xi32, #tpu.memory_space<vmem>> -> memref<128xi32, #tpu.memory_space<vmem>>
    %dma_wait3A_79 = arith.constant 0 : i32
    %dma_wait3A_80 = tpu.memref_slice %arg7[%dma_wait3A_79] : memref<16384xf32, #tpu.memory_space<vmem_shared>> -> memref<16384xf32, #tpu.memory_space<vmem_shared>>
    tpu.wait_indirect_dma semaphore(%arg8 : memref<!tpu.dma_semaphore, #tpu.memory_space<semaphore_mem>>) src(%dma_wait3A_80 : memref<16384xf32, #tpu.memory_space<vmem_shared>>) dst(%dma_wait3A_75 : memref<128xf32, #tpu.memory_space<vmem>>)
    "tpu.region"() ({
      %run_scoped3A = tpu.sem_alloc : memref<!tpu.dma_semaphore, #tpu.memory_space<semaphore_mem>>
      %dma_start3A_81 = arith.constant 0 : i32
      %dma_start3A_82 = arith.constant 0 : i32
      %dma_start3A_83 = tpu.memref_slice %arg4[%add3A, %dma_start3A_81, %dma_start3A_82] : memref<32x4x128xf32, #tpu.memory_space<hbm>> -> memref<1x4x128xf32, #tpu.memory_space<hbm>>
      %dma_start3A_84 = tpu.memref_squeeze %dma_start3A_83 : memref<1x4x128xf32, #tpu.memory_space<hbm>> -> memref<4x128xf32, #tpu.memory_space<hbm>>
      %dma_start3A_85 = arith.constant 0 : i32
      %dma_start3A_86 = arith.constant 0 : i32
      %dma_start3A_87 = tpu.memref_slice %arg4[%add3A, %dma_start3A_85, %dma_start3A_86] : memref<32x4x128xf32, #tpu.memory_space<hbm>> -> memref<1x4x128xf32, #tpu.memory_space<hbm>>
      %dma_start3A_88 = tpu.memref_squeeze %dma_start3A_87 : memref<1x4x128xf32, #tpu.memory_space<hbm>> -> memref<4x128xf32, #tpu.memory_space<hbm>>
      tpu.enqueue_dma source(%arg6 : memref<4x128xf32, #tpu.memory_space<vmem>>) target(%dma_start3A_88 : memref<4x128xf32, #tpu.memory_space<hbm>>) target_semaphore(%run_scoped3A : memref<!tpu.dma_semaphore, #tpu.memory_space<semaphore_mem>>)
      %dma_wait3A_89 = arith.constant 0 : i32
      %dma_wait3A_90 = arith.constant 0 : i32
      %dma_wait3A_91 = tpu.memref_slice %arg4[%add3A, %dma_wait3A_89, %dma_wait3A_90] : memref<32x4x128xf32, #tpu.memory_space<hbm>> -> memref<1x4x128xf32, #tpu.memory_space<hbm>>
      %dma_wait3A_92 = tpu.memref_squeeze %dma_wait3A_91 : memref<1x4x128xf32, #tpu.memory_space<hbm>> -> memref<4x128xf32, #tpu.memory_space<hbm>>
      %dma_wait3A_93 = arith.constant 0 : i32
      %dma_wait3A_94 = arith.constant 0 : i32
      %dma_wait3A_95 = tpu.memref_slice %arg4[%add3A, %dma_wait3A_93, %dma_wait3A_94] : memref<32x4x128xf32, #tpu.memory_space<hbm>> -> memref<1x4x128xf32, #tpu.memory_space<hbm>>
      %dma_wait3A_96 = tpu.memref_squeeze %dma_wait3A_95 : memref<1x4x128xf32, #tpu.memory_space<hbm>> -> memref<4x128xf32, #tpu.memory_space<hbm>>
      tpu.wait_dma2 semaphore(%run_scoped3A : memref<!tpu.dma_semaphore, #tpu.memory_space<semaphore_mem>>) src(%arg6 : memref<4x128xf32, #tpu.memory_space<vmem>>) dst(%dma_wait3A_96 : memref<4x128xf32, #tpu.memory_space<hbm>>)
      tpu.yield
    }) : () -> ()
    return
  }
}

module attributes {stable_mosaic.version = 14 : i64} {
  func.func @_finish_kernel(%arg0: memref<128x128xf32, #tpu.memory_space<vmem>>, %arg1: memref<128x128xf32, #tpu.memory_space<vmem>>, %arg2: memref<1x1xf32, #tpu.memory_space<vmem>>) attributes {dimension_semantics = [], scalar_prefetch = 0 : i64, scratch_operands = 0 : i64, tpu.core_type = #tpu.core_type<tc>} {
    %get3A = arith.constant 0 : index
    %get3A_0 = arith.constant 0 : index
    %get3A_1 = vector.load %arg0[%get3A, %get3A_0] : memref<128x128xf32, #tpu.memory_space<vmem>>, vector<128x128xf32>
    %get3A_2 = arith.constant 0 : index
    %get3A_3 = arith.constant 0 : index
    %get3A_4 = vector.load %arg1[%get3A_2, %get3A_3] : memref<128x128xf32, #tpu.memory_space<vmem>>, vector<128x128xf32>
    %iota3A = tpu.iota {dimensions = array<i32: 1>} : vector<128x128xi32>
    %mul3A = arith.constant 1.52587891E-5 : f32
    %mul3A_5 = vector.broadcast %mul3A : f32 to vector<128x128xf32>
    %mul3A_6 = arith.mulf %get3A_4, %mul3A_5 : vector<128x128xf32>
    %floor3A = math.floor %mul3A_6 : vector<128x128xf32>
    %mul3A_7 = arith.constant 6.553600e+04 : f32
    %mul3A_8 = vector.broadcast %mul3A_7 : f32 to vector<128x128xf32>
    %mul3A_9 = arith.mulf %floor3A, %mul3A_8 : vector<128x128xf32>
    %sub3A = arith.subf %get3A_4, %mul3A_9 : vector<128x128xf32>
    %eq3A = arith.constant 0.000000e+00 : f32
    %eq3A_10 = vector.broadcast %eq3A : f32 to vector<128x128xf32>
    %eq3A_11 = arith.cmpf oeq, %floor3A, %eq3A_10 : vector<128x128xf32>
    %convert_element_type3A = arith.extui %eq3A_11 : vector<128x128xi1> to vector<128x128xi32>
    %convert_element_type3A_12 = arith.sitofp %convert_element_type3A : vector<128x128xi32> to vector<128x128xf32>
    %reduce_sum3A = vector.shape_cast %convert_element_type3A_12 : vector<128x128xf32> to vector<1x128x128xf32>
    %reduce_sum3A_13 = arith.constant dense<0.000000e+00> : vector<1xf32>
    %reduce_sum3A_14 = vector.multi_reduction <add>, %reduce_sum3A, %reduce_sum3A_13 [1, 2] : vector<1x128x128xf32> to vector<1xf32>
    %reduce_sum3A_15 = vector.shape_cast %reduce_sum3A_14 : vector<1xf32> to vector<1x1x1xf32>
    %reduce_sum3A_16 = vector.extract %reduce_sum3A_15[0, 0, 0] : f32 from vector<1x1x1xf32>
    %max3A = arith.constant 0.000000e+00 : f32
    %max3A_17 = arith.maximumf %max3A, %reduce_sum3A_16 : f32
    %mul3A_18 = arith.mulf %sub3A, %convert_element_type3A_12 : vector<128x128xf32>
    %iota3A_19 = tpu.iota {dimensions = array<i32: 0>} : vector<128x128xi32>
    %iota3A_20 = tpu.iota {dimensions = array<i32: 1>} : vector<128x128xi32>
    %le3A = arith.cmpi sle, %iota3A_19, %iota3A_20 : vector<128x128xi32>
    %convert_element_type3A_21 = arith.extui %le3A : vector<128x128xi1> to vector<128x128xi32>
    %convert_element_type3A_22 = arith.sitofp %convert_element_type3A_21 : vector<128x128xi32> to vector<128x128xf32>
    %lt3A = arith.cmpi slt, %iota3A_20, %iota3A_19 : vector<128x128xi32>
    %convert_element_type3A_23 = arith.extui %lt3A : vector<128x128xi1> to vector<128x128xi32>
    %convert_element_type3A_24 = arith.sitofp %convert_element_type3A_23 : vector<128x128xi32> to vector<128x128xf32>
    %dot_general3A = arith.constant dense<0.000000e+00> : vector<128x128xf32>
    %dot_general3A_25 = tpu.matmul %mul3A_18, %convert_element_type3A_22, %dot_general3A {dimension_numbers = #tpu.dot_dimension_numbers<[1], [0], [0], [1], [0, 0, 1, 1], [], []>, transpose_lhs_hint = false} : vector<128x128xf32>, vector<128x128xf32>, vector<128x128xf32> -> vector<128x128xf32>
    %slice3A = vector.extract_strided_slice %dot_general3A_25 {offsets = [0, 127], sizes = [128, 1], strides = [1, 1]} : vector<128x128xf32> to vector<128x1xf32>
    %dot_general3A_26 = arith.constant dense<0.000000e+00> : vector<128x1xf32>
    %dot_general3A_27 = tpu.matmul %convert_element_type3A_24, %slice3A, %dot_general3A_26 {dimension_numbers = #tpu.dot_dimension_numbers<[1], [0], [0], [1], [0, 0, 1, 1], [], []>, transpose_lhs_hint = false} : vector<128x128xf32>, vector<128x1xf32>, vector<128x1xf32> -> vector<128x1xf32>
    %add3A = vector.broadcast %dot_general3A_27 : vector<128x1xf32> to vector<128x128xf32>
    %add3A_28 = arith.addf %dot_general3A_25, %add3A : vector<128x128xf32>
    %eq3A_29 = arith.constant 1.000000e+00 : f32
    %eq3A_30 = vector.broadcast %eq3A_29 : f32 to vector<128x128xf32>
    %eq3A_31 = arith.cmpf oeq, %floor3A, %eq3A_30 : vector<128x128xf32>
    %convert_element_type3A_32 = arith.extui %eq3A_31 : vector<128x128xi1> to vector<128x128xi32>
    %convert_element_type3A_33 = arith.sitofp %convert_element_type3A_32 : vector<128x128xi32> to vector<128x128xf32>
    %reduce_sum3A_34 = vector.shape_cast %convert_element_type3A_33 : vector<128x128xf32> to vector<1x128x128xf32>
    %reduce_sum3A_35 = arith.constant dense<0.000000e+00> : vector<1xf32>
    %reduce_sum3A_36 = vector.multi_reduction <add>, %reduce_sum3A_34, %reduce_sum3A_35 [1, 2] : vector<1x128x128xf32> to vector<1xf32>
    %reduce_sum3A_37 = vector.shape_cast %reduce_sum3A_36 : vector<1xf32> to vector<1x1x1xf32>
    %reduce_sum3A_38 = vector.extract %reduce_sum3A_37[0, 0, 0] : f32 from vector<1x1x1xf32>
    %max3A_39 = arith.maximumf %max3A_17, %reduce_sum3A_38 : f32
    %mul3A_40 = arith.mulf %sub3A, %convert_element_type3A_33 : vector<128x128xf32>
    %iota3A_41 = tpu.iota {dimensions = array<i32: 0>} : vector<128x128xi32>
    %iota3A_42 = tpu.iota {dimensions = array<i32: 1>} : vector<128x128xi32>
    %le3A_43 = arith.cmpi sle, %iota3A_41, %iota3A_42 : vector<128x128xi32>
    %convert_element_type3A_44 = arith.extui %le3A_43 : vector<128x128xi1> to vector<128x128xi32>
    %convert_element_type3A_45 = arith.sitofp %convert_element_type3A_44 : vector<128x128xi32> to vector<128x128xf32>
    %lt3A_46 = arith.cmpi slt, %iota3A_42, %iota3A_41 : vector<128x128xi32>
    %convert_element_type3A_47 = arith.extui %lt3A_46 : vector<128x128xi1> to vector<128x128xi32>
    %convert_element_type3A_48 = arith.sitofp %convert_element_type3A_47 : vector<128x128xi32> to vector<128x128xf32>
    %dot_general3A_49 = arith.constant dense<0.000000e+00> : vector<128x128xf32>
    %dot_general3A_50 = tpu.matmul %mul3A_40, %convert_element_type3A_45, %dot_general3A_49 {dimension_numbers = #tpu.dot_dimension_numbers<[1], [0], [0], [1], [0, 0, 1, 1], [], []>, transpose_lhs_hint = false} : vector<128x128xf32>, vector<128x128xf32>, vector<128x128xf32> -> vector<128x128xf32>
    %slice3A_51 = vector.extract_strided_slice %dot_general3A_50 {offsets = [0, 127], sizes = [128, 1], strides = [1, 1]} : vector<128x128xf32> to vector<128x1xf32>
    %dot_general3A_52 = arith.constant dense<0.000000e+00> : vector<128x1xf32>
    %dot_general3A_53 = tpu.matmul %convert_element_type3A_48, %slice3A_51, %dot_general3A_52 {dimension_numbers = #tpu.dot_dimension_numbers<[1], [0], [0], [1], [0, 0, 1, 1], [], []>, transpose_lhs_hint = false} : vector<128x128xf32>, vector<128x1xf32>, vector<128x1xf32> -> vector<128x1xf32>
    %add3A_54 = vector.broadcast %dot_general3A_53 : vector<128x1xf32> to vector<128x128xf32>
    %add3A_55 = arith.addf %dot_general3A_50, %add3A_54 : vector<128x128xf32>
    %eq3A_56 = arith.constant 2.000000e+00 : f32
    %eq3A_57 = vector.broadcast %eq3A_56 : f32 to vector<128x128xf32>
    %eq3A_58 = arith.cmpf oeq, %floor3A, %eq3A_57 : vector<128x128xf32>
    %convert_element_type3A_59 = arith.extui %eq3A_58 : vector<128x128xi1> to vector<128x128xi32>
    %convert_element_type3A_60 = arith.sitofp %convert_element_type3A_59 : vector<128x128xi32> to vector<128x128xf32>
    %reduce_sum3A_61 = vector.shape_cast %convert_element_type3A_60 : vector<128x128xf32> to vector<1x128x128xf32>
    %reduce_sum3A_62 = arith.constant dense<0.000000e+00> : vector<1xf32>
    %reduce_sum3A_63 = vector.multi_reduction <add>, %reduce_sum3A_61, %reduce_sum3A_62 [1, 2] : vector<1x128x128xf32> to vector<1xf32>
    %reduce_sum3A_64 = vector.shape_cast %reduce_sum3A_63 : vector<1xf32> to vector<1x1x1xf32>
    %reduce_sum3A_65 = vector.extract %reduce_sum3A_64[0, 0, 0] : f32 from vector<1x1x1xf32>
    %max3A_66 = arith.maximumf %max3A_39, %reduce_sum3A_65 : f32
    %mul3A_67 = arith.mulf %sub3A, %convert_element_type3A_60 : vector<128x128xf32>
    %iota3A_68 = tpu.iota {dimensions = array<i32: 0>} : vector<128x128xi32>
    %iota3A_69 = tpu.iota {dimensions = array<i32: 1>} : vector<128x128xi32>
    %le3A_70 = arith.cmpi sle, %iota3A_68, %iota3A_69 : vector<128x128xi32>
    %convert_element_type3A_71 = arith.extui %le3A_70 : vector<128x128xi1> to vector<128x128xi32>
    %convert_element_type3A_72 = arith.sitofp %convert_element_type3A_71 : vector<128x128xi32> to vector<128x128xf32>
    %lt3A_73 = arith.cmpi slt, %iota3A_69, %iota3A_68 : vector<128x128xi32>
    %convert_element_type3A_74 = arith.extui %lt3A_73 : vector<128x128xi1> to vector<128x128xi32>
    %convert_element_type3A_75 = arith.sitofp %convert_element_type3A_74 : vector<128x128xi32> to vector<128x128xf32>
    %dot_general3A_76 = arith.constant dense<0.000000e+00> : vector<128x128xf32>
    %dot_general3A_77 = tpu.matmul %mul3A_67, %convert_element_type3A_72, %dot_general3A_76 {dimension_numbers = #tpu.dot_dimension_numbers<[1], [0], [0], [1], [0, 0, 1, 1], [], []>, transpose_lhs_hint = false} : vector<128x128xf32>, vector<128x128xf32>, vector<128x128xf32> -> vector<128x128xf32>
    %slice3A_78 = vector.extract_strided_slice %dot_general3A_77 {offsets = [0, 127], sizes = [128, 1], strides = [1, 1]} : vector<128x128xf32> to vector<128x1xf32>
    %dot_general3A_79 = arith.constant dense<0.000000e+00> : vector<128x1xf32>
    %dot_general3A_80 = tpu.matmul %convert_element_type3A_75, %slice3A_78, %dot_general3A_79 {dimension_numbers = #tpu.dot_dimension_numbers<[1], [0], [0], [1], [0, 0, 1, 1], [], []>, transpose_lhs_hint = false} : vector<128x128xf32>, vector<128x1xf32>, vector<128x1xf32> -> vector<128x1xf32>
    %add3A_81 = vector.broadcast %dot_general3A_80 : vector<128x1xf32> to vector<128x128xf32>
    %add3A_82 = arith.addf %dot_general3A_77, %add3A_81 : vector<128x128xf32>
    %eq3A_83 = arith.constant 3.000000e+00 : f32
    %eq3A_84 = vector.broadcast %eq3A_83 : f32 to vector<128x128xf32>
    %eq3A_85 = arith.cmpf oeq, %floor3A, %eq3A_84 : vector<128x128xf32>
    %convert_element_type3A_86 = arith.extui %eq3A_85 : vector<128x128xi1> to vector<128x128xi32>
    %convert_element_type3A_87 = arith.sitofp %convert_element_type3A_86 : vector<128x128xi32> to vector<128x128xf32>
    %reduce_sum3A_88 = vector.shape_cast %convert_element_type3A_87 : vector<128x128xf32> to vector<1x128x128xf32>
    %reduce_sum3A_89 = arith.constant dense<0.000000e+00> : vector<1xf32>
    %reduce_sum3A_90 = vector.multi_reduction <add>, %reduce_sum3A_88, %reduce_sum3A_89 [1, 2] : vector<1x128x128xf32> to vector<1xf32>
    %reduce_sum3A_91 = vector.shape_cast %reduce_sum3A_90 : vector<1xf32> to vector<1x1x1xf32>
    %reduce_sum3A_92 = vector.extract %reduce_sum3A_91[0, 0, 0] : f32 from vector<1x1x1xf32>
    %max3A_93 = arith.maximumf %max3A_66, %reduce_sum3A_92 : f32
    %mul3A_94 = arith.mulf %sub3A, %convert_element_type3A_87 : vector<128x128xf32>
    %iota3A_95 = tpu.iota {dimensions = array<i32: 0>} : vector<128x128xi32>
    %iota3A_96 = tpu.iota {dimensions = array<i32: 1>} : vector<128x128xi32>
    %le3A_97 = arith.cmpi sle, %iota3A_95, %iota3A_96 : vector<128x128xi32>
    %convert_element_type3A_98 = arith.extui %le3A_97 : vector<128x128xi1> to vector<128x128xi32>
    %convert_element_type3A_99 = arith.sitofp %convert_element_type3A_98 : vector<128x128xi32> to vector<128x128xf32>
    %lt3A_100 = arith.cmpi slt, %iota3A_96, %iota3A_95 : vector<128x128xi32>
    %convert_element_type3A_101 = arith.extui %lt3A_100 : vector<128x128xi1> to vector<128x128xi32>
    %convert_element_type3A_102 = arith.sitofp %convert_element_type3A_101 : vector<128x128xi32> to vector<128x128xf32>
    %dot_general3A_103 = arith.constant dense<0.000000e+00> : vector<128x128xf32>
    %dot_general3A_104 = tpu.matmul %mul3A_94, %convert_element_type3A_99, %dot_general3A_103 {dimension_numbers = #tpu.dot_dimension_numbers<[1], [0], [0], [1], [0, 0, 1, 1], [], []>, transpose_lhs_hint = false} : vector<128x128xf32>, vector<128x128xf32>, vector<128x128xf32> -> vector<128x128xf32>
    %slice3A_105 = vector.extract_strided_slice %dot_general3A_104 {offsets = [0, 127], sizes = [128, 1], strides = [1, 1]} : vector<128x128xf32> to vector<128x1xf32>
    %dot_general3A_106 = arith.constant dense<0.000000e+00> : vector<128x1xf32>
    %dot_general3A_107 = tpu.matmul %convert_element_type3A_102, %slice3A_105, %dot_general3A_106 {dimension_numbers = #tpu.dot_dimension_numbers<[1], [0], [0], [1], [0, 0, 1, 1], [], []>, transpose_lhs_hint = false} : vector<128x128xf32>, vector<128x1xf32>, vector<128x1xf32> -> vector<128x1xf32>
    %add3A_108 = vector.broadcast %dot_general3A_107 : vector<128x1xf32> to vector<128x128xf32>
    %add3A_109 = arith.addf %dot_general3A_104, %add3A_108 : vector<128x128xf32>
    %broadcast_in_dim3A = arith.constant 0.000000e+00 : f32
    %broadcast_in_dim3A_110 = vector.broadcast %broadcast_in_dim3A : f32 to vector<128x128xf32>
    %sub3A_111 = arith.subf %add3A_28, %add3A_55 : vector<128x128xf32>
    %abs3A = math.absf %sub3A_111 : vector<128x128xf32>
    %add3A_112 = arith.addf %broadcast_in_dim3A_110, %abs3A : vector<128x128xf32>
    %sub3A_113 = arith.subf %add3A_28, %add3A_82 : vector<128x128xf32>
    %abs3A_114 = math.absf %sub3A_113 : vector<128x128xf32>
    %add3A_115 = arith.addf %add3A_112, %abs3A_114 : vector<128x128xf32>
    %sub3A_116 = arith.subf %add3A_28, %add3A_109 : vector<128x128xf32>
    %abs3A_117 = math.absf %sub3A_116 : vector<128x128xf32>
    %add3A_118 = arith.addf %add3A_115, %abs3A_117 : vector<128x128xf32>
    %sub3A_119 = arith.subf %add3A_55, %add3A_82 : vector<128x128xf32>
    %abs3A_120 = math.absf %sub3A_119 : vector<128x128xf32>
    %add3A_121 = arith.addf %add3A_118, %abs3A_120 : vector<128x128xf32>
    %sub3A_122 = arith.subf %add3A_55, %add3A_109 : vector<128x128xf32>
    %abs3A_123 = math.absf %sub3A_122 : vector<128x128xf32>
    %add3A_124 = arith.addf %add3A_121, %abs3A_123 : vector<128x128xf32>
    %sub3A_125 = arith.subf %add3A_82, %add3A_109 : vector<128x128xf32>
    %abs3A_126 = math.absf %sub3A_125 : vector<128x128xf32>
    %add3A_127 = arith.addf %add3A_124, %abs3A_126 : vector<128x128xf32>
    %roll3A = arith.constant 127 : i32
    %roll3A_128 = tpu.dynamic_rotate %get3A_1 by %roll3A dim 1 : vector<128x128xf32>, i32 -> vector<128x128xf32>
    %roll3A_129 = arith.constant 127 : i32
    %roll3A_130 = tpu.dynamic_rotate %get3A_1 by %roll3A_129 dim 0 : vector<128x128xf32>, i32 -> vector<128x128xf32>
    %eq3A_131 = arith.constant 127 : i32
    %eq3A_132 = vector.broadcast %eq3A_131 : i32 to vector<128x128xi32>
    %eq3A_133 = arith.cmpi eq, %iota3A, %eq3A_132 : vector<128x128xi32>
    %slice3A_134 = vector.extract_strided_slice %roll3A_130 {offsets = [0, 0], sizes = [128, 1], strides = [1, 1]} : vector<128x128xf32> to vector<128x1xf32>
    %broadcast_in_dim3A_135 = vector.shape_cast %slice3A_134 : vector<128x1xf32> to vector<128x1xf32>
    %broadcast_in_dim3A_136 = vector.broadcast %broadcast_in_dim3A_135 : vector<128x1xf32> to vector<128x128xf32>
    %select_n3A = arith.select %eq3A_133, %broadcast_in_dim3A_136, %roll3A_128 : vector<128x128xi1>, vector<128x128xf32>
    %sub3A_137 = arith.subf %select_n3A, %get3A_1 : vector<128x128xf32>
    %mul3A_138 = arith.mulf %sub3A_137, %add3A_127 : vector<128x128xf32>
    %reduce_sum3A_139 = vector.shape_cast %mul3A_138 : vector<128x128xf32> to vector<1x128x128xf32>
    %reduce_sum3A_140 = arith.constant dense<0.000000e+00> : vector<1xf32>
    %reduce_sum3A_141 = vector.multi_reduction <add>, %reduce_sum3A_139, %reduce_sum3A_140 [1, 2] : vector<1x128x128xf32> to vector<1xf32>
    %reduce_sum3A_142 = vector.shape_cast %reduce_sum3A_141 : vector<1xf32> to vector<1x1x1xf32>
    %reduce_sum3A_143 = vector.extract %reduce_sum3A_142[0, 0, 0] : f32 from vector<1x1x1xf32>
    %mul3A_144 = arith.constant 6.000000e+00 : f32
    %mul3A_145 = arith.mulf %mul3A_144, %max3A_93 : f32
    %div3A = arith.divf %reduce_sum3A_143, %mul3A_145 : f32
    %broadcast_in_dim3A_146 = vector.broadcast %div3A : f32 to vector<1x1xf32>
    %swap3A = arith.constant 0 : index
    %swap3A_147 = arith.constant 0 : index
    %swap3A_148 = vector.load %arg2[%swap3A, %swap3A_147] : memref<1x1xf32, #tpu.memory_space<vmem>>, vector<1x1xf32>
    tpu.vector_store %arg2[%swap3A, %swap3A_147], %broadcast_in_dim3A_146 {strides = array<i32>} : memref<1x1xf32, #tpu.memory_space<vmem>>, vector<1x1xf32>,
    return
  }
}

module attributes {stable_mosaic.version = 14 : i64} {
  func.func @_sort_kernel(%arg0: memref<128x128xf32, #tpu.memory_space<vmem>>, %arg1: memref<128x128xi32, #tpu.memory_space<vmem>>, %arg2: memref<128x128xf32, #tpu.memory_space<vmem>>, %arg3: memref<128x128xi32, #tpu.memory_space<vmem>>, %arg4: memref<128x128xf32, #tpu.memory_space<vmem>>) attributes {dimension_semantics = [], scalar_prefetch = 0 : i64, scratch_operands = 0 : i64, tpu.core_type = #tpu.core_type<tc>} {
    %get3A = arith.constant 0 : index
    %get3A_0 = arith.constant 0 : index
    %get3A_1 = vector.load %arg0[%get3A, %get3A_0] : memref<128x128xf32, #tpu.memory_space<vmem>>, vector<128x128xf32>
    %get3A_2 = arith.constant 0 : index
    %get3A_3 = arith.constant 0 : index
    %get3A_4 = vector.load %arg1[%get3A_2, %get3A_3] : memref<128x128xi32, #tpu.memory_space<vmem>>, vector<128x128xi32>
    %convert_element_type3A = arith.sitofp %get3A_4 : vector<128x128xi32> to vector<128x128xf32>
    %iota3A = tpu.iota {dimensions = array<i32: 0>} : vector<128x128xi32>
    %iota3A_5 = tpu.iota {dimensions = array<i32: 1>} : vector<128x128xi32>
    %eq3A = arith.constant 0.000000e+00 : f32
    %eq3A_6 = vector.broadcast %eq3A : f32 to vector<128x128xf32>
    %eq3A_7 = arith.cmpf oeq, %convert_element_type3A, %eq3A_6 : vector<128x128xf32>
    %convert_element_type3A_8 = arith.extui %eq3A_7 : vector<128x128xi1> to vector<128x128xi32>
    %convert_element_type3A_9 = arith.sitofp %convert_element_type3A_8 : vector<128x128xi32> to vector<128x128xf32>
    %eq3A_10 = arith.constant 1.000000e+00 : f32
    %eq3A_11 = vector.broadcast %eq3A_10 : f32 to vector<128x128xf32>
    %eq3A_12 = arith.cmpf oeq, %convert_element_type3A, %eq3A_11 : vector<128x128xf32>
    %convert_element_type3A_13 = arith.extui %eq3A_12 : vector<128x128xi1> to vector<128x128xi32>
    %convert_element_type3A_14 = arith.sitofp %convert_element_type3A_13 : vector<128x128xi32> to vector<128x128xf32>
    %eq3A_15 = arith.constant 2.000000e+00 : f32
    %eq3A_16 = vector.broadcast %eq3A_15 : f32 to vector<128x128xf32>
    %eq3A_17 = arith.cmpf oeq, %convert_element_type3A, %eq3A_16 : vector<128x128xf32>
    %convert_element_type3A_18 = arith.extui %eq3A_17 : vector<128x128xi1> to vector<128x128xi32>
    %convert_element_type3A_19 = arith.sitofp %convert_element_type3A_18 : vector<128x128xi32> to vector<128x128xf32>
    %eq3A_20 = arith.constant 3.000000e+00 : f32
    %eq3A_21 = vector.broadcast %eq3A_20 : f32 to vector<128x128xf32>
    %eq3A_22 = arith.cmpf oeq, %convert_element_type3A, %eq3A_21 : vector<128x128xf32>
    %convert_element_type3A_23 = arith.extui %eq3A_22 : vector<128x128xi1> to vector<128x128xi32>
    %convert_element_type3A_24 = arith.sitofp %convert_element_type3A_23 : vector<128x128xi32> to vector<128x128xf32>
    %iota3A_25 = tpu.iota {dimensions = array<i32: 0>} : vector<128x128xi32>
    %iota3A_26 = tpu.iota {dimensions = array<i32: 1>} : vector<128x128xi32>
    %le3A = arith.cmpi sle, %iota3A_25, %iota3A_26 : vector<128x128xi32>
    %convert_element_type3A_27 = arith.extui %le3A : vector<128x128xi1> to vector<128x128xi32>
    %convert_element_type3A_28 = arith.sitofp %convert_element_type3A_27 : vector<128x128xi32> to vector<128x128xf32>
    %lt3A = arith.cmpi slt, %iota3A_26, %iota3A_25 : vector<128x128xi32>
    %convert_element_type3A_29 = arith.extui %lt3A : vector<128x128xi1> to vector<128x128xi32>
    %convert_element_type3A_30 = arith.sitofp %convert_element_type3A_29 : vector<128x128xi32> to vector<128x128xf32>
    %dot_general3A = arith.constant dense<0.000000e+00> : vector<128x128xf32>
    %dot_general3A_31 = tpu.matmul %convert_element_type3A_9, %convert_element_type3A_28, %dot_general3A {dimension_numbers = #tpu.dot_dimension_numbers<[1], [0], [0], [1], [0, 0, 1, 1], [], []>, transpose_lhs_hint = false} : vector<128x128xf32>, vector<128x128xf32>, vector<128x128xf32> -> vector<128x128xf32>
    %slice3A = vector.extract_strided_slice %dot_general3A_31 {offsets = [0, 127], sizes = [128, 1], strides = [1, 1]} : vector<128x128xf32> to vector<128x1xf32>
    %dot_general3A_32 = arith.constant dense<0.000000e+00> : vector<128x1xf32>
    %dot_general3A_33 = tpu.matmul %convert_element_type3A_30, %slice3A, %dot_general3A_32 {dimension_numbers = #tpu.dot_dimension_numbers<[1], [0], [0], [1], [0, 0, 1, 1], [], []>, transpose_lhs_hint = false} : vector<128x128xf32>, vector<128x1xf32>, vector<128x1xf32> -> vector<128x1xf32>
    %add3A = vector.broadcast %dot_general3A_33 : vector<128x1xf32> to vector<128x128xf32>
    %add3A_34 = arith.addf %dot_general3A_31, %add3A : vector<128x128xf32>
    %iota3A_35 = tpu.iota {dimensions = array<i32: 0>} : vector<128x128xi32>
    %iota3A_36 = tpu.iota {dimensions = array<i32: 1>} : vector<128x128xi32>
    %le3A_37 = arith.cmpi sle, %iota3A_35, %iota3A_36 : vector<128x128xi32>
    %convert_element_type3A_38 = arith.extui %le3A_37 : vector<128x128xi1> to vector<128x128xi32>
    %convert_element_type3A_39 = arith.sitofp %convert_element_type3A_38 : vector<128x128xi32> to vector<128x128xf32>
    %lt3A_40 = arith.cmpi slt, %iota3A_36, %iota3A_35 : vector<128x128xi32>
    %convert_element_type3A_41 = arith.extui %lt3A_40 : vector<128x128xi1> to vector<128x128xi32>
    %convert_element_type3A_42 = arith.sitofp %convert_element_type3A_41 : vector<128x128xi32> to vector<128x128xf32>
    %dot_general3A_43 = arith.constant dense<0.000000e+00> : vector<128x128xf32>
    %dot_general3A_44 = tpu.matmul %convert_element_type3A_14, %convert_element_type3A_39, %dot_general3A_43 {dimension_numbers = #tpu.dot_dimension_numbers<[1], [0], [0], [1], [0, 0, 1, 1], [], []>, transpose_lhs_hint = false} : vector<128x128xf32>, vector<128x128xf32>, vector<128x128xf32> -> vector<128x128xf32>
    %slice3A_45 = vector.extract_strided_slice %dot_general3A_44 {offsets = [0, 127], sizes = [128, 1], strides = [1, 1]} : vector<128x128xf32> to vector<128x1xf32>
    %dot_general3A_46 = arith.constant dense<0.000000e+00> : vector<128x1xf32>
    %dot_general3A_47 = tpu.matmul %convert_element_type3A_42, %slice3A_45, %dot_general3A_46 {dimension_numbers = #tpu.dot_dimension_numbers<[1], [0], [0], [1], [0, 0, 1, 1], [], []>, transpose_lhs_hint = false} : vector<128x128xf32>, vector<128x1xf32>, vector<128x1xf32> -> vector<128x1xf32>
    %add3A_48 = vector.broadcast %dot_general3A_47 : vector<128x1xf32> to vector<128x128xf32>
    %add3A_49 = arith.addf %dot_general3A_44, %add3A_48 : vector<128x128xf32>
    %iota3A_50 = tpu.iota {dimensions = array<i32: 0>} : vector<128x128xi32>
    %iota3A_51 = tpu.iota {dimensions = array<i32: 1>} : vector<128x128xi32>
    %le3A_52 = arith.cmpi sle, %iota3A_50, %iota3A_51 : vector<128x128xi32>
    %convert_element_type3A_53 = arith.extui %le3A_52 : vector<128x128xi1> to vector<128x128xi32>
    %convert_element_type3A_54 = arith.sitofp %convert_element_type3A_53 : vector<128x128xi32> to vector<128x128xf32>
    %lt3A_55 = arith.cmpi slt, %iota3A_51, %iota3A_50 : vector<128x128xi32>
    %convert_element_type3A_56 = arith.extui %lt3A_55 : vector<128x128xi1> to vector<128x128xi32>
    %convert_element_type3A_57 = arith.sitofp %convert_element_type3A_56 : vector<128x128xi32> to vector<128x128xf32>
    %dot_general3A_58 = arith.constant dense<0.000000e+00> : vector<128x128xf32>
    %dot_general3A_59 = tpu.matmul %convert_element_type3A_19, %convert_element_type3A_54, %dot_general3A_58 {dimension_numbers = #tpu.dot_dimension_numbers<[1], [0], [0], [1], [0, 0, 1, 1], [], []>, transpose_lhs_hint = false} : vector<128x128xf32>, vector<128x128xf32>, vector<128x128xf32> -> vector<128x128xf32>
    %slice3A_60 = vector.extract_strided_slice %dot_general3A_59 {offsets = [0, 127], sizes = [128, 1], strides = [1, 1]} : vector<128x128xf32> to vector<128x1xf32>
    %dot_general3A_61 = arith.constant dense<0.000000e+00> : vector<128x1xf32>
    %dot_general3A_62 = tpu.matmul %convert_element_type3A_57, %slice3A_60, %dot_general3A_61 {dimension_numbers = #tpu.dot_dimension_numbers<[1], [0], [0], [1], [0, 0, 1, 1], [], []>, transpose_lhs_hint = false} : vector<128x128xf32>, vector<128x1xf32>, vector<128x1xf32> -> vector<128x1xf32>
    %add3A_63 = vector.broadcast %dot_general3A_62 : vector<128x1xf32> to vector<128x128xf32>
    %add3A_64 = arith.addf %dot_general3A_59, %add3A_63 : vector<128x128xf32>
    %iota3A_65 = tpu.iota {dimensions = array<i32: 0>} : vector<128x128xi32>
    %iota3A_66 = tpu.iota {dimensions = array<i32: 1>} : vector<128x128xi32>
    %le3A_67 = arith.cmpi sle, %iota3A_65, %iota3A_66 : vector<128x128xi32>
    %convert_element_type3A_68 = arith.extui %le3A_67 : vector<128x128xi1> to vector<128x128xi32>
    %convert_element_type3A_69 = arith.sitofp %convert_element_type3A_68 : vector<128x128xi32> to vector<128x128xf32>
    %lt3A_70 = arith.cmpi slt, %iota3A_66, %iota3A_65 : vector<128x128xi32>
    %convert_element_type3A_71 = arith.extui %lt3A_70 : vector<128x128xi1> to vector<128x128xi32>
    %convert_element_type3A_72 = arith.sitofp %convert_element_type3A_71 : vector<128x128xi32> to vector<128x128xf32>
    %dot_general3A_73 = arith.constant dense<0.000000e+00> : vector<128x128xf32>
    %dot_general3A_74 = tpu.matmul %convert_element_type3A_24, %convert_element_type3A_69, %dot_general3A_73 {dimension_numbers = #tpu.dot_dimension_numbers<[1], [0], [0], [1], [0, 0, 1, 1], [], []>, transpose_lhs_hint = false} : vector<128x128xf32>, vector<128x128xf32>, vector<128x128xf32> -> vector<128x128xf32>
    %slice3A_75 = vector.extract_strided_slice %dot_general3A_74 {offsets = [0, 127], sizes = [128, 1], strides = [1, 1]} : vector<128x128xf32> to vector<128x1xf32>
    %dot_general3A_76 = arith.constant dense<0.000000e+00> : vector<128x1xf32>
    %dot_general3A_77 = tpu.matmul %convert_element_type3A_72, %slice3A_75, %dot_general3A_76 {dimension_numbers = #tpu.dot_dimension_numbers<[1], [0], [0], [1], [0, 0, 1, 1], [], []>, transpose_lhs_hint = false} : vector<128x128xf32>, vector<128x1xf32>, vector<128x1xf32> -> vector<128x1xf32>
    %add3A_78 = vector.broadcast %dot_general3A_77 : vector<128x1xf32> to vector<128x128xf32>
    %add3A_79 = arith.addf %dot_general3A_74, %add3A_78 : vector<128x128xf32>
    %reduce_sum3A = vector.shape_cast %convert_element_type3A_9 : vector<128x128xf32> to vector<1x128x128xf32>
    %reduce_sum3A_80 = arith.constant dense<0.000000e+00> : vector<1xf32>
    %reduce_sum3A_81 = vector.multi_reduction <add>, %reduce_sum3A, %reduce_sum3A_80 [1, 2] : vector<1x128x128xf32> to vector<1xf32>
    %reduce_sum3A_82 = vector.shape_cast %reduce_sum3A_81 : vector<1xf32> to vector<1x1x1xf32>
    %reduce_sum3A_83 = vector.extract %reduce_sum3A_82[0, 0, 0] : f32 from vector<1x1x1xf32>
    %reduce_sum3A_84 = vector.shape_cast %convert_element_type3A_14 : vector<128x128xf32> to vector<1x128x128xf32>
    %reduce_sum3A_85 = arith.constant dense<0.000000e+00> : vector<1xf32>
    %reduce_sum3A_86 = vector.multi_reduction <add>, %reduce_sum3A_84, %reduce_sum3A_85 [1, 2] : vector<1x128x128xf32> to vector<1xf32>
    %reduce_sum3A_87 = vector.shape_cast %reduce_sum3A_86 : vector<1xf32> to vector<1x1x1xf32>
    %reduce_sum3A_88 = vector.extract %reduce_sum3A_87[0, 0, 0] : f32 from vector<1x1x1xf32>
    %reduce_sum3A_89 = vector.shape_cast %convert_element_type3A_19 : vector<128x128xf32> to vector<1x128x128xf32>
    %reduce_sum3A_90 = arith.constant dense<0.000000e+00> : vector<1xf32>
    %reduce_sum3A_91 = vector.multi_reduction <add>, %reduce_sum3A_89, %reduce_sum3A_90 [1, 2] : vector<1x128x128xf32> to vector<1xf32>
    %reduce_sum3A_92 = vector.shape_cast %reduce_sum3A_91 : vector<1xf32> to vector<1x1x1xf32>
    %reduce_sum3A_93 = vector.extract %reduce_sum3A_92[0, 0, 0] : f32 from vector<1x1x1xf32>
    %reduce_sum3A_94 = vector.shape_cast %convert_element_type3A_24 : vector<128x128xf32> to vector<1x128x128xf32>
    %reduce_sum3A_95 = arith.constant dense<0.000000e+00> : vector<1xf32>
    %reduce_sum3A_96 = vector.multi_reduction <add>, %reduce_sum3A_94, %reduce_sum3A_95 [1, 2] : vector<1x128x128xf32> to vector<1xf32>
    %reduce_sum3A_97 = vector.shape_cast %reduce_sum3A_96 : vector<1xf32> to vector<1x1x1xf32>
    %reduce_sum3A_98 = vector.extract %reduce_sum3A_97[0, 0, 0] : f32 from vector<1x1x1xf32>
    %max3A = arith.maximumf %reduce_sum3A_83, %reduce_sum3A_88 : f32
    %max3A_99 = arith.maximumf %max3A, %reduce_sum3A_93 : f32
    %max3A_100 = arith.maximumf %max3A_99, %reduce_sum3A_98 : f32
    %broadcast_in_dim3A = arith.constant 0.000000e+00 : f32
    %broadcast_in_dim3A_101 = vector.broadcast %broadcast_in_dim3A : f32 to vector<128x128xf32>
    %max3A_102 = arith.constant 1.000000e+00 : f32
    %max3A_103 = arith.maximumf %reduce_sum3A_83, %max3A_102 : f32
    %div3A = arith.divf %max3A_100, %max3A_103 : f32
    %floor3A = math.floor %div3A : f32
    %mul3A = arith.mulf %floor3A, %max3A_103 : f32
    %gt3A = arith.cmpf ogt, %mul3A, %max3A_100 : f32
    %sub3A = arith.constant 1.000000e+00 : f32
    %sub3A_104 = arith.subf %floor3A, %sub3A : f32
    %select_n3A = arith.select %gt3A, %sub3A_104, %floor3A : f32
    %add3A_105 = arith.constant 1.000000e+00 : f32
    %add3A_106 = arith.addf %select_n3A, %add3A_105 : f32
    %mul3A_107 = arith.mulf %add3A_106, %max3A_103 : f32
    %le3A_108 = arith.cmpf ole, %mul3A_107, %max3A_100 : f32
    %add3A_109 = arith.constant 1.000000e+00 : f32
    %add3A_110 = arith.addf %select_n3A, %add3A_109 : f32
    %select_n3A_111 = arith.select %le3A_108, %add3A_110, %select_n3A : f32
    %mul3A_112 = arith.mulf %select_n3A_111, %max3A_103 : f32
    %sub3A_113 = arith.subf %max3A_100, %mul3A_112 : f32
    %sub3A_114 = arith.constant 1.000000e+00 : f32
    %sub3A_115 = vector.broadcast %sub3A_114 : f32 to vector<128x128xf32>
    %sub3A_116 = arith.subf %add3A_34, %sub3A_115 : vector<128x128xf32>
    %lt3A_117 = vector.broadcast %sub3A_113 : f32 to vector<128x128xf32>
    %lt3A_118 = arith.cmpf olt, %sub3A_116, %lt3A_117 : vector<128x128xf32>
    %convert_element_type3A_119 = arith.extui %lt3A_118 : vector<128x128xi1> to vector<128x128xi32>
    %convert_element_type3A_120 = arith.sitofp %convert_element_type3A_119 : vector<128x128xi32> to vector<128x128xf32>
    %add3A_121 = vector.broadcast %select_n3A_111 : f32 to vector<128x128xf32>
    %add3A_122 = arith.addf %add3A_121, %convert_element_type3A_120 : vector<128x128xf32>
    %mul3A_123 = arith.mulf %convert_element_type3A_9, %add3A_122 : vector<128x128xf32>
    %add3A_124 = arith.addf %broadcast_in_dim3A_101, %mul3A_123 : vector<128x128xf32>
    %max3A_125 = arith.constant 1.000000e+00 : f32
    %max3A_126 = arith.maximumf %reduce_sum3A_88, %max3A_125 : f32
    %div3A_127 = arith.divf %max3A_100, %max3A_126 : f32
    %floor3A_128 = math.floor %div3A_127 : f32
    %mul3A_129 = arith.mulf %floor3A_128, %max3A_126 : f32
    %gt3A_130 = arith.cmpf ogt, %mul3A_129, %max3A_100 : f32
    %sub3A_131 = arith.constant 1.000000e+00 : f32
    %sub3A_132 = arith.subf %floor3A_128, %sub3A_131 : f32
    %select_n3A_133 = arith.select %gt3A_130, %sub3A_132, %floor3A_128 : f32
    %add3A_134 = arith.constant 1.000000e+00 : f32
    %add3A_135 = arith.addf %select_n3A_133, %add3A_134 : f32
    %mul3A_136 = arith.mulf %add3A_135, %max3A_126 : f32
    %le3A_137 = arith.cmpf ole, %mul3A_136, %max3A_100 : f32
    %add3A_138 = arith.constant 1.000000e+00 : f32
    %add3A_139 = arith.addf %select_n3A_133, %add3A_138 : f32
    %select_n3A_140 = arith.select %le3A_137, %add3A_139, %select_n3A_133 : f32
    %mul3A_141 = arith.mulf %select_n3A_140, %max3A_126 : f32
    %sub3A_142 = arith.subf %max3A_100, %mul3A_141 : f32
    %sub3A_143 = arith.constant 1.000000e+00 : f32
    %sub3A_144 = vector.broadcast %sub3A_143 : f32 to vector<128x128xf32>
    %sub3A_145 = arith.subf %add3A_49, %sub3A_144 : vector<128x128xf32>
    %lt3A_146 = vector.broadcast %sub3A_142 : f32 to vector<128x128xf32>
    %lt3A_147 = arith.cmpf olt, %sub3A_145, %lt3A_146 : vector<128x128xf32>
    %convert_element_type3A_148 = arith.extui %lt3A_147 : vector<128x128xi1> to vector<128x128xi32>
    %convert_element_type3A_149 = arith.sitofp %convert_element_type3A_148 : vector<128x128xi32> to vector<128x128xf32>
    %add3A_150 = vector.broadcast %select_n3A_140 : f32 to vector<128x128xf32>
    %add3A_151 = arith.addf %add3A_150, %convert_element_type3A_149 : vector<128x128xf32>
    %mul3A_152 = arith.mulf %convert_element_type3A_14, %add3A_151 : vector<128x128xf32>
    %add3A_153 = arith.addf %add3A_124, %mul3A_152 : vector<128x128xf32>
    %max3A_154 = arith.constant 1.000000e+00 : f32
    %max3A_155 = arith.maximumf %reduce_sum3A_93, %max3A_154 : f32
    %div3A_156 = arith.divf %max3A_100, %max3A_155 : f32
    %floor3A_157 = math.floor %div3A_156 : f32
    %mul3A_158 = arith.mulf %floor3A_157, %max3A_155 : f32
    %gt3A_159 = arith.cmpf ogt, %mul3A_158, %max3A_100 : f32
    %sub3A_160 = arith.constant 1.000000e+00 : f32
    %sub3A_161 = arith.subf %floor3A_157, %sub3A_160 : f32
    %select_n3A_162 = arith.select %gt3A_159, %sub3A_161, %floor3A_157 : f32
    %add3A_163 = arith.constant 1.000000e+00 : f32
    %add3A_164 = arith.addf %select_n3A_162, %add3A_163 : f32
    %mul3A_165 = arith.mulf %add3A_164, %max3A_155 : f32
    %le3A_166 = arith.cmpf ole, %mul3A_165, %max3A_100 : f32
    %add3A_167 = arith.constant 1.000000e+00 : f32
    %add3A_168 = arith.addf %select_n3A_162, %add3A_167 : f32
    %select_n3A_169 = arith.select %le3A_166, %add3A_168, %select_n3A_162 : f32
    %mul3A_170 = arith.mulf %select_n3A_169, %max3A_155 : f32
    %sub3A_171 = arith.subf %max3A_100, %mul3A_170 : f32
    %sub3A_172 = arith.constant 1.000000e+00 : f32
    %sub3A_173 = vector.broadcast %sub3A_172 : f32 to vector<128x128xf32>
    %sub3A_174 = arith.subf %add3A_64, %sub3A_173 : vector<128x128xf32>
    %lt3A_175 = vector.broadcast %sub3A_171 : f32 to vector<128x128xf32>
    %lt3A_176 = arith.cmpf olt, %sub3A_174, %lt3A_175 : vector<128x128xf32>
    %convert_element_type3A_177 = arith.extui %lt3A_176 : vector<128x128xi1> to vector<128x128xi32>
    %convert_element_type3A_178 = arith.sitofp %convert_element_type3A_177 : vector<128x128xi32> to vector<128x128xf32>
    %add3A_179 = vector.broadcast %select_n3A_169 : f32 to vector<128x128xf32>
    %add3A_180 = arith.addf %add3A_179, %convert_element_type3A_178 : vector<128x128xf32>
    %mul3A_181 = arith.mulf %convert_element_type3A_19, %add3A_180 : vector<128x128xf32>
    %add3A_182 = arith.addf %add3A_153, %mul3A_181 : vector<128x128xf32>
    %max3A_183 = arith.constant 1.000000e+00 : f32
    %max3A_184 = arith.maximumf %reduce_sum3A_98, %max3A_183 : f32
    %div3A_185 = arith.divf %max3A_100, %max3A_184 : f32
    %floor3A_186 = math.floor %div3A_185 : f32
    %mul3A_187 = arith.mulf %floor3A_186, %max3A_184 : f32
    %gt3A_188 = arith.cmpf ogt, %mul3A_187, %max3A_100 : f32
    %sub3A_189 = arith.constant 1.000000e+00 : f32
    %sub3A_190 = arith.subf %floor3A_186, %sub3A_189 : f32
    %select_n3A_191 = arith.select %gt3A_188, %sub3A_190, %floor3A_186 : f32
    %add3A_192 = arith.constant 1.000000e+00 : f32
    %add3A_193 = arith.addf %select_n3A_191, %add3A_192 : f32
    %mul3A_194 = arith.mulf %add3A_193, %max3A_184 : f32
    %le3A_195 = arith.cmpf ole, %mul3A_194, %max3A_100 : f32
    %add3A_196 = arith.constant 1.000000e+00 : f32
    %add3A_197 = arith.addf %select_n3A_191, %add3A_196 : f32
    %select_n3A_198 = arith.select %le3A_195, %add3A_197, %select_n3A_191 : f32
    %mul3A_199 = arith.mulf %select_n3A_198, %max3A_184 : f32
    %sub3A_200 = arith.subf %max3A_100, %mul3A_199 : f32
    %sub3A_201 = arith.constant 1.000000e+00 : f32
    %sub3A_202 = vector.broadcast %sub3A_201 : f32 to vector<128x128xf32>
    %sub3A_203 = arith.subf %add3A_79, %sub3A_202 : vector<128x128xf32>
    %lt3A_204 = vector.broadcast %sub3A_200 : f32 to vector<128x128xf32>
    %lt3A_205 = arith.cmpf olt, %sub3A_203, %lt3A_204 : vector<128x128xf32>
    %convert_element_type3A_206 = arith.extui %lt3A_205 : vector<128x128xi1> to vector<128x128xi32>
    %convert_element_type3A_207 = arith.sitofp %convert_element_type3A_206 : vector<128x128xi32> to vector<128x128xf32>
    %add3A_208 = vector.broadcast %select_n3A_198 : f32 to vector<128x128xf32>
    %add3A_209 = arith.addf %add3A_208, %convert_element_type3A_207 : vector<128x128xf32>
    %mul3A_210 = arith.mulf %convert_element_type3A_24, %add3A_209 : vector<128x128xf32>
    %add3A_211 = arith.addf %add3A_182, %mul3A_210 : vector<128x128xf32>
    %mul3A_212 = arith.constant 6.553600e+04 : f32
    %mul3A_213 = vector.broadcast %mul3A_212 : f32 to vector<128x128xf32>
    %mul3A_214 = arith.mulf %convert_element_type3A, %mul3A_213 : vector<128x128xf32>
    %add3A_215 = arith.addf %mul3A_214, %add3A_211 : vector<128x128xf32>
    %swap3A = arith.constant 0 : index
    %swap3A_216 = arith.constant 0 : index
    %swap3A_217 = vector.load %arg4[%swap3A, %swap3A_216] : memref<128x128xf32, #tpu.memory_space<vmem>>, vector<128x128xf32>
    tpu.vector_store %arg4[%swap3A, %swap3A_216], %add3A_215 {strides = array<i32>} : memref<128x128xf32, #tpu.memory_space<vmem>>, vector<128x128xf32>,
    %mul3A_218 = arith.constant 128 : i32
    %mul3A_219 = vector.broadcast %mul3A_218 : i32 to vector<128x128xi32>
    %mul3A_220 = arith.muli %iota3A, %mul3A_219 : vector<128x128xi32>
    %add3A_221 = arith.addi %mul3A_220, %iota3A_5 : vector<128x128xi32>
    %convert_element_type3A_222 = arith.sitofp %add3A_221 : vector<128x128xi32> to vector<128x128xf32>
    %shift_right_arithmetic3A = arith.constant 1 : i32
    %shift_right_arithmetic3A_223 = vector.broadcast %shift_right_arithmetic3A : i32 to vector<128x128xi32>
    %shift_right_arithmetic3A_224 = arith.shrsi %iota3A_5, %shift_right_arithmetic3A_223 : vector<128x128xi32>
    %and3A = arith.constant 1 : i32
    %and3A_225 = vector.broadcast %and3A : i32 to vector<128x128xi32>
    %and3A_226 = arith.andi %shift_right_arithmetic3A_224, %and3A_225 : vector<128x128xi32>
    %shift_right_arithmetic3A_227 = arith.constant 0 : i32
    %shift_right_arithmetic3A_228 = vector.broadcast %shift_right_arithmetic3A_227 : i32 to vector<128x128xi32>
    %shift_right_arithmetic3A_229 = arith.shrsi %iota3A_5, %shift_right_arithmetic3A_228 : vector<128x128xi32>
    %and3A_230 = arith.constant 1 : i32
    %and3A_231 = vector.broadcast %and3A_230 : i32 to vector<128x128xi32>
    %and3A_232 = arith.andi %shift_right_arithmetic3A_229, %and3A_231 : vector<128x128xi32>
    %eq3A_233 = arith.constant 1 : i32
    %eq3A_234 = vector.broadcast %eq3A_233 : i32 to vector<128x128xi32>
    %eq3A_235 = arith.cmpi eq, %and3A_232, %eq3A_234 : vector<128x128xi32>
    %xor3A = arith.xori %and3A_226, %and3A_232 : vector<128x128xi32>
    %eq3A_236 = arith.constant 0 : i32
    %eq3A_237 = vector.broadcast %eq3A_236 : i32 to vector<128x128xi32>
    %eq3A_238 = arith.cmpi eq, %xor3A, %eq3A_237 : vector<128x128xi32>
    %roll3A = arith.constant 127 : i32
    %roll3A_239 = tpu.dynamic_rotate %get3A_1 by %roll3A dim 1 : vector<128x128xf32>, i32 -> vector<128x128xf32>
    %roll3A_240 = arith.constant 1 : i32
    %roll3A_241 = tpu.dynamic_rotate %get3A_1 by %roll3A_240 dim 1 : vector<128x128xf32>, i32 -> vector<128x128xf32>
    %select_n3A_242 = arith.select %eq3A_235, %roll3A_241, %roll3A_239 : vector<128x128xi1>, vector<128x128xf32>
    %roll3A_243 = arith.constant 127 : i32
    %roll3A_244 = tpu.dynamic_rotate %convert_element_type3A_222 by %roll3A_243 dim 1 : vector<128x128xf32>, i32 -> vector<128x128xf32>
    %roll3A_245 = arith.constant 1 : i32
    %roll3A_246 = tpu.dynamic_rotate %convert_element_type3A_222 by %roll3A_245 dim 1 : vector<128x128xf32>, i32 -> vector<128x128xf32>
    %select_n3A_247 = arith.select %eq3A_235, %roll3A_246, %roll3A_244 : vector<128x128xi1>, vector<128x128xf32>
    %select_n3A_248 = arith.select %eq3A_238, %get3A_1, %select_n3A_242 : vector<128x128xi1>, vector<128x128xf32>
    %select_n3A_249 = arith.select %eq3A_238, %select_n3A_242, %get3A_1 : vector<128x128xi1>, vector<128x128xf32>
    %lt3A_250 = arith.cmpf olt, %select_n3A_249, %select_n3A_248 : vector<128x128xf32>
    %select_n3A_251 = arith.select %lt3A_250, %select_n3A_242, %get3A_1 : vector<128x128xi1>, vector<128x128xf32>
    %select_n3A_252 = arith.select %lt3A_250, %select_n3A_247, %convert_element_type3A_222 : vector<128x128xi1>, vector<128x128xf32>
    %shift_right_arithmetic3A_253 = arith.constant 2 : i32
    %shift_right_arithmetic3A_254 = vector.broadcast %shift_right_arithmetic3A_253 : i32 to vector<128x128xi32>
    %shift_right_arithmetic3A_255 = arith.shrsi %iota3A_5, %shift_right_arithmetic3A_254 : vector<128x128xi32>
    %and3A_256 = arith.constant 1 : i32
    %and3A_257 = vector.broadcast %and3A_256 : i32 to vector<128x128xi32>
    %and3A_258 = arith.andi %shift_right_arithmetic3A_255, %and3A_257 : vector<128x128xi32>
    %shift_right_arithmetic3A_259 = arith.constant 1 : i32
    %shift_right_arithmetic3A_260 = vector.broadcast %shift_right_arithmetic3A_259 : i32 to vector<128x128xi32>
    %shift_right_arithmetic3A_261 = arith.shrsi %iota3A_5, %shift_right_arithmetic3A_260 : vector<128x128xi32>
    %and3A_262 = arith.constant 1 : i32
    %and3A_263 = vector.broadcast %and3A_262 : i32 to vector<128x128xi32>
    %and3A_264 = arith.andi %shift_right_arithmetic3A_261, %and3A_263 : vector<128x128xi32>
    %eq3A_265 = arith.constant 1 : i32
    %eq3A_266 = vector.broadcast %eq3A_265 : i32 to vector<128x128xi32>
    %eq3A_267 = arith.cmpi eq, %and3A_264, %eq3A_266 : vector<128x128xi32>
    %xor3A_268 = arith.xori %and3A_258, %and3A_264 : vector<128x128xi32>
    %eq3A_269 = arith.constant 0 : i32
    %eq3A_270 = vector.broadcast %eq3A_269 : i32 to vector<128x128xi32>
    %eq3A_271 = arith.cmpi eq, %xor3A_268, %eq3A_270 : vector<128x128xi32>
    %roll3A_272 = arith.constant 126 : i32
    %roll3A_273 = tpu.dynamic_rotate %select_n3A_251 by %roll3A_272 dim 1 : vector<128x128xf32>, i32 -> vector<128x128xf32>
    %roll3A_274 = arith.constant 2 : i32
    %roll3A_275 = tpu.dynamic_rotate %select_n3A_251 by %roll3A_274 dim 1 : vector<128x128xf32>, i32 -> vector<128x128xf32>
    %select_n3A_276 = arith.select %eq3A_267, %roll3A_275, %roll3A_273 : vector<128x128xi1>, vector<128x128xf32>
    %roll3A_277 = arith.constant 126 : i32
    %roll3A_278 = tpu.dynamic_rotate %select_n3A_252 by %roll3A_277 dim 1 : vector<128x128xf32>, i32 -> vector<128x128xf32>
    %roll3A_279 = arith.constant 2 : i32
    %roll3A_280 = tpu.dynamic_rotate %select_n3A_252 by %roll3A_279 dim 1 : vector<128x128xf32>, i32 -> vector<128x128xf32>
    %select_n3A_281 = arith.select %eq3A_267, %roll3A_280, %roll3A_278 : vector<128x128xi1>, vector<128x128xf32>
    %select_n3A_282 = arith.select %eq3A_271, %select_n3A_251, %select_n3A_276 : vector<128x128xi1>, vector<128x128xf32>
    %select_n3A_283 = arith.select %eq3A_271, %select_n3A_276, %select_n3A_251 : vector<128x128xi1>, vector<128x128xf32>
    %lt3A_284 = arith.cmpf olt, %select_n3A_283, %select_n3A_282 : vector<128x128xf32>
    %select_n3A_285 = arith.select %lt3A_284, %select_n3A_276, %select_n3A_251 : vector<128x128xi1>, vector<128x128xf32>
    %select_n3A_286 = arith.select %lt3A_284, %select_n3A_281, %select_n3A_252 : vector<128x128xi1>, vector<128x128xf32>
    %shift_right_arithmetic3A_287 = arith.constant 0 : i32
    %shift_right_arithmetic3A_288 = vector.broadcast %shift_right_arithmetic3A_287 : i32 to vector<128x128xi32>
    %shift_right_arithmetic3A_289 = arith.shrsi %iota3A_5, %shift_right_arithmetic3A_288 : vector<128x128xi32>
    %and3A_290 = arith.constant 1 : i32
    %and3A_291 = vector.broadcast %and3A_290 : i32 to vector<128x128xi32>
    %and3A_292 = arith.andi %shift_right_arithmetic3A_289, %and3A_291 : vector<128x128xi32>
    %eq3A_293 = arith.constant 1 : i32
    %eq3A_294 = vector.broadcast %eq3A_293 : i32 to vector<128x128xi32>
    %eq3A_295 = arith.cmpi eq, %and3A_292, %eq3A_294 : vector<128x128xi32>
    %xor3A_296 = arith.xori %and3A_258, %and3A_292 : vector<128x128xi32>
    %eq3A_297 = arith.constant 0 : i32
    %eq3A_298 = vector.broadcast %eq3A_297 : i32 to vector<128x128xi32>
    %eq3A_299 = arith.cmpi eq, %xor3A_296, %eq3A_298 : vector<128x128xi32>
    %roll3A_300 = arith.constant 127 : i32
    %roll3A_301 = tpu.dynamic_rotate %select_n3A_285 by %roll3A_300 dim 1 : vector<128x128xf32>, i32 -> vector<128x128xf32>
    %roll3A_302 = arith.constant 1 : i32
    %roll3A_303 = tpu.dynamic_rotate %select_n3A_285 by %roll3A_302 dim 1 : vector<128x128xf32>, i32 -> vector<128x128xf32>
    %select_n3A_304 = arith.select %eq3A_295, %roll3A_303, %roll3A_301 : vector<128x128xi1>, vector<128x128xf32>
    %roll3A_305 = arith.constant 127 : i32
    %roll3A_306 = tpu.dynamic_rotate %select_n3A_286 by %roll3A_305 dim 1 : vector<128x128xf32>, i32 -> vector<128x128xf32>
    %roll3A_307 = arith.constant 1 : i32
    %roll3A_308 = tpu.dynamic_rotate %select_n3A_286 by %roll3A_307 dim 1 : vector<128x128xf32>, i32 -> vector<128x128xf32>
    %select_n3A_309 = arith.select %eq3A_295, %roll3A_308, %roll3A_306 : vector<128x128xi1>, vector<128x128xf32>
    %select_n3A_310 = arith.select %eq3A_299, %select_n3A_285, %select_n3A_304 : vector<128x128xi1>, vector<128x128xf32>
    %select_n3A_311 = arith.select %eq3A_299, %select_n3A_304, %select_n3A_285 : vector<128x128xi1>, vector<128x128xf32>
    %lt3A_312 = arith.cmpf olt, %select_n3A_311, %select_n3A_310 : vector<128x128xf32>
    %select_n3A_313 = arith.select %lt3A_312, %select_n3A_304, %select_n3A_285 : vector<128x128xi1>, vector<128x128xf32>
    %select_n3A_314 = arith.select %lt3A_312, %select_n3A_309, %select_n3A_286 : vector<128x128xi1>, vector<128x128xf32>
    %shift_right_arithmetic3A_315 = arith.constant 3 : i32
    %shift_right_arithmetic3A_316 = vector.broadcast %shift_right_arithmetic3A_315 : i32 to vector<128x128xi32>
    %shift_right_arithmetic3A_317 = arith.shrsi %iota3A_5, %shift_right_arithmetic3A_316 : vector<128x128xi32>
    %and3A_318 = arith.constant 1 : i32
    %and3A_319 = vector.broadcast %and3A_318 : i32 to vector<128x128xi32>
    %and3A_320 = arith.andi %shift_right_arithmetic3A_317, %and3A_319 : vector<128x128xi32>
    %shift_right_arithmetic3A_321 = arith.constant 2 : i32
    %shift_right_arithmetic3A_322 = vector.broadcast %shift_right_arithmetic3A_321 : i32 to vector<128x128xi32>
    %shift_right_arithmetic3A_323 = arith.shrsi %iota3A_5, %shift_right_arithmetic3A_322 : vector<128x128xi32>
    %and3A_324 = arith.constant 1 : i32
    %and3A_325 = vector.broadcast %and3A_324 : i32 to vector<128x128xi32>
    %and3A_326 = arith.andi %shift_right_arithmetic3A_323, %and3A_325 : vector<128x128xi32>
    %eq3A_327 = arith.constant 1 : i32
    %eq3A_328 = vector.broadcast %eq3A_327 : i32 to vector<128x128xi32>
    %eq3A_329 = arith.cmpi eq, %and3A_326, %eq3A_328 : vector<128x128xi32>
    %xor3A_330 = arith.xori %and3A_320, %and3A_326 : vector<128x128xi32>
    %eq3A_331 = arith.constant 0 : i32
    %eq3A_332 = vector.broadcast %eq3A_331 : i32 to vector<128x128xi32>
    %eq3A_333 = arith.cmpi eq, %xor3A_330, %eq3A_332 : vector<128x128xi32>
    %roll3A_334 = arith.constant 124 : i32
    %roll3A_335 = tpu.dynamic_rotate %select_n3A_313 by %roll3A_334 dim 1 : vector<128x128xf32>, i32 -> vector<128x128xf32>
    %roll3A_336 = arith.constant 4 : i32
    %roll3A_337 = tpu.dynamic_rotate %select_n3A_313 by %roll3A_336 dim 1 : vector<128x128xf32>, i32 -> vector<128x128xf32>
    %select_n3A_338 = arith.select %eq3A_329, %roll3A_337, %roll3A_335 : vector<128x128xi1>, vector<128x128xf32>
    %roll3A_339 = arith.constant 124 : i32
    %roll3A_340 = tpu.dynamic_rotate %select_n3A_314 by %roll3A_339 dim 1 : vector<128x128xf32>, i32 -> vector<128x128xf32>
    %roll3A_341 = arith.constant 4 : i32
    %roll3A_342 = tpu.dynamic_rotate %select_n3A_314 by %roll3A_341 dim 1 : vector<128x128xf32>, i32 -> vector<128x128xf32>
    %select_n3A_343 = arith.select %eq3A_329, %roll3A_342, %roll3A_340 : vector<128x128xi1>, vector<128x128xf32>
    %select_n3A_344 = arith.select %eq3A_333, %select_n3A_313, %select_n3A_338 : vector<128x128xi1>, vector<128x128xf32>
    %select_n3A_345 = arith.select %eq3A_333, %select_n3A_338, %select_n3A_313 : vector<128x128xi1>, vector<128x128xf32>
    %lt3A_346 = arith.cmpf olt, %select_n3A_345, %select_n3A_344 : vector<128x128xf32>
    %select_n3A_347 = arith.select %lt3A_346, %select_n3A_338, %select_n3A_313 : vector<128x128xi1>, vector<128x128xf32>
    %select_n3A_348 = arith.select %lt3A_346, %select_n3A_343, %select_n3A_314 : vector<128x128xi1>, vector<128x128xf32>
    %shift_right_arithmetic3A_349 = arith.constant 1 : i32
    %shift_right_arithmetic3A_350 = vector.broadcast %shift_right_arithmetic3A_349 : i32 to vector<128x128xi32>
    %shift_right_arithmetic3A_351 = arith.shrsi %iota3A_5, %shift_right_arithmetic3A_350 : vector<128x128xi32>
    %and3A_352 = arith.constant 1 : i32
    %and3A_353 = vector.broadcast %and3A_352 : i32 to vector<128x128xi32>
    %and3A_354 = arith.andi %shift_right_arithmetic3A_351, %and3A_353 : vector<128x128xi32>
    %eq3A_355 = arith.constant 1 : i32
    %eq3A_356 = vector.broadcast %eq3A_355 : i32 to vector<128x128xi32>
    %eq3A_357 = arith.cmpi eq, %and3A_354, %eq3A_356 : vector<128x128xi32>
    %xor3A_358 = arith.xori %and3A_320, %and3A_354 : vector<128x128xi32>
    %eq3A_359 = arith.constant 0 : i32
    %eq3A_360 = vector.broadcast %eq3A_359 : i32 to vector<128x128xi32>
    %eq3A_361 = arith.cmpi eq, %xor3A_358, %eq3A_360 : vector<128x128xi32>
    %roll3A_362 = arith.constant 126 : i32
    %roll3A_363 = tpu.dynamic_rotate %select_n3A_347 by %roll3A_362 dim 1 : vector<128x128xf32>, i32 -> vector<128x128xf32>
    %roll3A_364 = arith.constant 2 : i32
    %roll3A_365 = tpu.dynamic_rotate %select_n3A_347 by %roll3A_364 dim 1 : vector<128x128xf32>, i32 -> vector<128x128xf32>
    %select_n3A_366 = arith.select %eq3A_357, %roll3A_365, %roll3A_363 : vector<128x128xi1>, vector<128x128xf32>
    %roll3A_367 = arith.constant 126 : i32
    %roll3A_368 = tpu.dynamic_rotate %select_n3A_348 by %roll3A_367 dim 1 : vector<128x128xf32>, i32 -> vector<128x128xf32>
    %roll3A_369 = arith.constant 2 : i32
    %roll3A_370 = tpu.dynamic_rotate %select_n3A_348 by %roll3A_369 dim 1 : vector<128x128xf32>, i32 -> vector<128x128xf32>
    %select_n3A_371 = arith.select %eq3A_357, %roll3A_370, %roll3A_368 : vector<128x128xi1>, vector<128x128xf32>
    %select_n3A_372 = arith.select %eq3A_361, %select_n3A_347, %select_n3A_366 : vector<128x128xi1>, vector<128x128xf32>
    %select_n3A_373 = arith.select %eq3A_361, %select_n3A_366, %select_n3A_347 : vector<128x128xi1>, vector<128x128xf32>
    %lt3A_374 = arith.cmpf olt, %select_n3A_373, %select_n3A_372 : vector<128x128xf32>
    %select_n3A_375 = arith.select %lt3A_374, %select_n3A_366, %select_n3A_347 : vector<128x128xi1>, vector<128x128xf32>
    %select_n3A_376 = arith.select %lt3A_374, %select_n3A_371, %select_n3A_348 : vector<128x128xi1>, vector<128x128xf32>
    %shift_right_arithmetic3A_377 = arith.constant 0 : i32
    %shift_right_arithmetic3A_378 = vector.broadcast %shift_right_arithmetic3A_377 : i32 to vector<128x128xi32>
    %shift_right_arithmetic3A_379 = arith.shrsi %iota3A_5, %shift_right_arithmetic3A_378 : vector<128x128xi32>
    %and3A_380 = arith.constant 1 : i32
    %and3A_381 = vector.broadcast %and3A_380 : i32 to vector<128x128xi32>
    %and3A_382 = arith.andi %shift_right_arithmetic3A_379, %and3A_381 : vector<128x128xi32>
    %eq3A_383 = arith.constant 1 : i32
    %eq3A_384 = vector.broadcast %eq3A_383 : i32 to vector<128x128xi32>
    %eq3A_385 = arith.cmpi eq, %and3A_382, %eq3A_384 : vector<128x128xi32>
    %xor3A_386 = arith.xori %and3A_320, %and3A_382 : vector<128x128xi32>
    %eq3A_387 = arith.constant 0 : i32
    %eq3A_388 = vector.broadcast %eq3A_387 : i32 to vector<128x128xi32>
    %eq3A_389 = arith.cmpi eq, %xor3A_386, %eq3A_388 : vector<128x128xi32>
    %roll3A_390 = arith.constant 127 : i32
    %roll3A_391 = tpu.dynamic_rotate %select_n3A_375 by %roll3A_390 dim 1 : vector<128x128xf32>, i32 -> vector<128x128xf32>
    %roll3A_392 = arith.constant 1 : i32
    %roll3A_393 = tpu.dynamic_rotate %select_n3A_375 by %roll3A_392 dim 1 : vector<128x128xf32>, i32 -> vector<128x128xf32>
    %select_n3A_394 = arith.select %eq3A_385, %roll3A_393, %roll3A_391 : vector<128x128xi1>, vector<128x128xf32>
    %roll3A_395 = arith.constant 127 : i32
    %roll3A_396 = tpu.dynamic_rotate %select_n3A_376 by %roll3A_395 dim 1 : vector<128x128xf32>, i32 -> vector<128x128xf32>
    %roll3A_397 = arith.constant 1 : i32
    %roll3A_398 = tpu.dynamic_rotate %select_n3A_376 by %roll3A_397 dim 1 : vector<128x128xf32>, i32 -> vector<128x128xf32>
    %select_n3A_399 = arith.select %eq3A_385, %roll3A_398, %roll3A_396 : vector<128x128xi1>, vector<128x128xf32>
    %select_n3A_400 = arith.select %eq3A_389, %select_n3A_375, %select_n3A_394 : vector<128x128xi1>, vector<128x128xf32>
    %select_n3A_401 = arith.select %eq3A_389, %select_n3A_394, %select_n3A_375 : vector<128x128xi1>, vector<128x128xf32>
    %lt3A_402 = arith.cmpf olt, %select_n3A_401, %select_n3A_400 : vector<128x128xf32>
    %select_n3A_403 = arith.select %lt3A_402, %select_n3A_394, %select_n3A_375 : vector<128x128xi1>, vector<128x128xf32>
    %select_n3A_404 = arith.select %lt3A_402, %select_n3A_399, %select_n3A_376 : vector<128x128xi1>, vector<128x128xf32>
    %shift_right_arithmetic3A_405 = arith.constant 4 : i32
    %shift_right_arithmetic3A_406 = vector.broadcast %shift_right_arithmetic3A_405 : i32 to vector<128x128xi32>
    %shift_right_arithmetic3A_407 = arith.shrsi %iota3A_5, %shift_right_arithmetic3A_406 : vector<128x128xi32>
    %and3A_408 = arith.constant 1 : i32
    %and3A_409 = vector.broadcast %and3A_408 : i32 to vector<128x128xi32>
    %and3A_410 = arith.andi %shift_right_arithmetic3A_407, %and3A_409 : vector<128x128xi32>
    %shift_right_arithmetic3A_411 = arith.constant 3 : i32
    %shift_right_arithmetic3A_412 = vector.broadcast %shift_right_arithmetic3A_411 : i32 to vector<128x128xi32>
    %shift_right_arithmetic3A_413 = arith.shrsi %iota3A_5, %shift_right_arithmetic3A_412 : vector<128x128xi32>
    %and3A_414 = arith.constant 1 : i32
    %and3A_415 = vector.broadcast %and3A_414 : i32 to vector<128x128xi32>
    %and3A_416 = arith.andi %shift_right_arithmetic3A_413, %and3A_415 : vector<128x128xi32>
    %eq3A_417 = arith.constant 1 : i32
    %eq3A_418 = vector.broadcast %eq3A_417 : i32 to vector<128x128xi32>
    %eq3A_419 = arith.cmpi eq, %and3A_416, %eq3A_418 : vector<128x128xi32>
    %xor3A_420 = arith.xori %and3A_410, %and3A_416 : vector<128x128xi32>
    %eq3A_421 = arith.constant 0 : i32
    %eq3A_422 = vector.broadcast %eq3A_421 : i32 to vector<128x128xi32>
    %eq3A_423 = arith.cmpi eq, %xor3A_420, %eq3A_422 : vector<128x128xi32>
    %roll3A_424 = arith.constant 120 : i32
    %roll3A_425 = tpu.dynamic_rotate %select_n3A_403 by %roll3A_424 dim 1 : vector<128x128xf32>, i32 -> vector<128x128xf32>
    %roll3A_426 = arith.constant 8 : i32
    %roll3A_427 = tpu.dynamic_rotate %select_n3A_403 by %roll3A_426 dim 1 : vector<128x128xf32>, i32 -> vector<128x128xf32>
    %select_n3A_428 = arith.select %eq3A_419, %roll3A_427, %roll3A_425 : vector<128x128xi1>, vector<128x128xf32>
    %roll3A_429 = arith.constant 120 : i32
    %roll3A_430 = tpu.dynamic_rotate %select_n3A_404 by %roll3A_429 dim 1 : vector<128x128xf32>, i32 -> vector<128x128xf32>
    %roll3A_431 = arith.constant 8 : i32
    %roll3A_432 = tpu.dynamic_rotate %select_n3A_404 by %roll3A_431 dim 1 : vector<128x128xf32>, i32 -> vector<128x128xf32>
    %select_n3A_433 = arith.select %eq3A_419, %roll3A_432, %roll3A_430 : vector<128x128xi1>, vector<128x128xf32>
    %select_n3A_434 = arith.select %eq3A_423, %select_n3A_403, %select_n3A_428 : vector<128x128xi1>, vector<128x128xf32>
    %select_n3A_435 = arith.select %eq3A_423, %select_n3A_428, %select_n3A_403 : vector<128x128xi1>, vector<128x128xf32>
    %lt3A_436 = arith.cmpf olt, %select_n3A_435, %select_n3A_434 : vector<128x128xf32>
    %select_n3A_437 = arith.select %lt3A_436, %select_n3A_428, %select_n3A_403 : vector<128x128xi1>, vector<128x128xf32>
    %select_n3A_438 = arith.select %lt3A_436, %select_n3A_433, %select_n3A_404 : vector<128x128xi1>, vector<128x128xf32>
    %shift_right_arithmetic3A_439 = arith.constant 2 : i32
    %shift_right_arithmetic3A_440 = vector.broadcast %shift_right_arithmetic3A_439 : i32 to vector<128x128xi32>
    %shift_right_arithmetic3A_441 = arith.shrsi %iota3A_5, %shift_right_arithmetic3A_440 : vector<128x128xi32>
    %and3A_442 = arith.constant 1 : i32
    %and3A_443 = vector.broadcast %and3A_442 : i32 to vector<128x128xi32>
    %and3A_444 = arith.andi %shift_right_arithmetic3A_441, %and3A_443 : vector<128x128xi32>
    %eq3A_445 = arith.constant 1 : i32
    %eq3A_446 = vector.broadcast %eq3A_445 : i32 to vector<128x128xi32>
    %eq3A_447 = arith.cmpi eq, %and3A_444, %eq3A_446 : vector<128x128xi32>
    %xor3A_448 = arith.xori %and3A_410, %and3A_444 : vector<128x128xi32>
    %eq3A_449 = arith.constant 0 : i32
    %eq3A_450 = vector.broadcast %eq3A_449 : i32 to vector<128x128xi32>
    %eq3A_451 = arith.cmpi eq, %xor3A_448, %eq3A_450 : vector<128x128xi32>
    %roll3A_452 = arith.constant 124 : i32
    %roll3A_453 = tpu.dynamic_rotate %select_n3A_437 by %roll3A_452 dim 1 : vector<128x128xf32>, i32 -> vector<128x128xf32>
    %roll3A_454 = arith.constant 4 : i32
    %roll3A_455 = tpu.dynamic_rotate %select_n3A_437 by %roll3A_454 dim 1 : vector<128x128xf32>, i32 -> vector<128x128xf32>
    %select_n3A_456 = arith.select %eq3A_447, %roll3A_455, %roll3A_453 : vector<128x128xi1>, vector<128x128xf32>
    %roll3A_457 = arith.constant 124 : i32
    %roll3A_458 = tpu.dynamic_rotate %select_n3A_438 by %roll3A_457 dim 1 : vector<128x128xf32>, i32 -> vector<128x128xf32>
    %roll3A_459 = arith.constant 4 : i32
    %roll3A_460 = tpu.dynamic_rotate %select_n3A_438 by %roll3A_459 dim 1 : vector<128x128xf32>, i32 -> vector<128x128xf32>
    %select_n3A_461 = arith.select %eq3A_447, %roll3A_460, %roll3A_458 : vector<128x128xi1>, vector<128x128xf32>
    %select_n3A_462 = arith.select %eq3A_451, %select_n3A_437, %select_n3A_456 : vector<128x128xi1>, vector<128x128xf32>
    %select_n3A_463 = arith.select %eq3A_451, %select_n3A_456, %select_n3A_437 : vector<128x128xi1>, vector<128x128xf32>
    %lt3A_464 = arith.cmpf olt, %select_n3A_463, %select_n3A_462 : vector<128x128xf32>
    %select_n3A_465 = arith.select %lt3A_464, %select_n3A_456, %select_n3A_437 : vector<128x128xi1>, vector<128x128xf32>
    %select_n3A_466 = arith.select %lt3A_464, %select_n3A_461, %select_n3A_438 : vector<128x128xi1>, vector<128x128xf32>
    %shift_right_arithmetic3A_467 = arith.constant 1 : i32
    %shift_right_arithmetic3A_468 = vector.broadcast %shift_right_arithmetic3A_467 : i32 to vector<128x128xi32>
    %shift_right_arithmetic3A_469 = arith.shrsi %iota3A_5, %shift_right_arithmetic3A_468 : vector<128x128xi32>
    %and3A_470 = arith.constant 1 : i32
    %and3A_471 = vector.broadcast %and3A_470 : i32 to vector<128x128xi32>
    %and3A_472 = arith.andi %shift_right_arithmetic3A_469, %and3A_471 : vector<128x128xi32>
    %eq3A_473 = arith.constant 1 : i32
    %eq3A_474 = vector.broadcast %eq3A_473 : i32 to vector<128x128xi32>
    %eq3A_475 = arith.cmpi eq, %and3A_472, %eq3A_474 : vector<128x128xi32>
    %xor3A_476 = arith.xori %and3A_410, %and3A_472 : vector<128x128xi32>
    %eq3A_477 = arith.constant 0 : i32
    %eq3A_478 = vector.broadcast %eq3A_477 : i32 to vector<128x128xi32>
    %eq3A_479 = arith.cmpi eq, %xor3A_476, %eq3A_478 : vector<128x128xi32>
    %roll3A_480 = arith.constant 126 : i32
    %roll3A_481 = tpu.dynamic_rotate %select_n3A_465 by %roll3A_480 dim 1 : vector<128x128xf32>, i32 -> vector<128x128xf32>
    %roll3A_482 = arith.constant 2 : i32
    %roll3A_483 = tpu.dynamic_rotate %select_n3A_465 by %roll3A_482 dim 1 : vector<128x128xf32>, i32 -> vector<128x128xf32>
    %select_n3A_484 = arith.select %eq3A_475, %roll3A_483, %roll3A_481 : vector<128x128xi1>, vector<128x128xf32>
    %roll3A_485 = arith.constant 126 : i32
    %roll3A_486 = tpu.dynamic_rotate %select_n3A_466 by %roll3A_485 dim 1 : vector<128x128xf32>, i32 -> vector<128x128xf32>
    %roll3A_487 = arith.constant 2 : i32
    %roll3A_488 = tpu.dynamic_rotate %select_n3A_466 by %roll3A_487 dim 1 : vector<128x128xf32>, i32 -> vector<128x128xf32>
    %select_n3A_489 = arith.select %eq3A_475, %roll3A_488, %roll3A_486 : vector<128x128xi1>, vector<128x128xf32>
    %select_n3A_490 = arith.select %eq3A_479, %select_n3A_465, %select_n3A_484 : vector<128x128xi1>, vector<128x128xf32>
    %select_n3A_491 = arith.select %eq3A_479, %select_n3A_484, %select_n3A_465 : vector<128x128xi1>, vector<128x128xf32>
    %lt3A_492 = arith.cmpf olt, %select_n3A_491, %select_n3A_490 : vector<128x128xf32>
    %select_n3A_493 = arith.select %lt3A_492, %select_n3A_484, %select_n3A_465 : vector<128x128xi1>, vector<128x128xf32>
    %select_n3A_494 = arith.select %lt3A_492, %select_n3A_489, %select_n3A_466 : vector<128x128xi1>, vector<128x128xf32>
    %shift_right_arithmetic3A_495 = arith.constant 0 : i32
    %shift_right_arithmetic3A_496 = vector.broadcast %shift_right_arithmetic3A_495 : i32 to vector<128x128xi32>
    %shift_right_arithmetic3A_497 = arith.shrsi %iota3A_5, %shift_right_arithmetic3A_496 : vector<128x128xi32>
    %and3A_498 = arith.constant 1 : i32
    %and3A_499 = vector.broadcast %and3A_498 : i32 to vector<128x128xi32>
    %and3A_500 = arith.andi %shift_right_arithmetic3A_497, %and3A_499 : vector<128x128xi32>
    %eq3A_501 = arith.constant 1 : i32
    %eq3A_502 = vector.broadcast %eq3A_501 : i32 to vector<128x128xi32>
    %eq3A_503 = arith.cmpi eq, %and3A_500, %eq3A_502 : vector<128x128xi32>
    %xor3A_504 = arith.xori %and3A_410, %and3A_500 : vector<128x128xi32>
    %eq3A_505 = arith.constant 0 : i32
    %eq3A_506 = vector.broadcast %eq3A_505 : i32 to vector<128x128xi32>
    %eq3A_507 = arith.cmpi eq, %xor3A_504, %eq3A_506 : vector<128x128xi32>
    %roll3A_508 = arith.constant 127 : i32
    %roll3A_509 = tpu.dynamic_rotate %select_n3A_493 by %roll3A_508 dim 1 : vector<128x128xf32>, i32 -> vector<128x128xf32>
    %roll3A_510 = arith.constant 1 : i32
    %roll3A_511 = tpu.dynamic_rotate %select_n3A_493 by %roll3A_510 dim 1 : vector<128x128xf32>, i32 -> vector<128x128xf32>
    %select_n3A_512 = arith.select %eq3A_503, %roll3A_511, %roll3A_509 : vector<128x128xi1>, vector<128x128xf32>
    %roll3A_513 = arith.constant 127 : i32
    %roll3A_514 = tpu.dynamic_rotate %select_n3A_494 by %roll3A_513 dim 1 : vector<128x128xf32>, i32 -> vector<128x128xf32>
    %roll3A_515 = arith.constant 1 : i32
    %roll3A_516 = tpu.dynamic_rotate %select_n3A_494 by %roll3A_515 dim 1 : vector<128x128xf32>, i32 -> vector<128x128xf32>
    %select_n3A_517 = arith.select %eq3A_503, %roll3A_516, %roll3A_514 : vector<128x128xi1>, vector<128x128xf32>
    %select_n3A_518 = arith.select %eq3A_507, %select_n3A_493, %select_n3A_512 : vector<128x128xi1>, vector<128x128xf32>
    %select_n3A_519 = arith.select %eq3A_507, %select_n3A_512, %select_n3A_493 : vector<128x128xi1>, vector<128x128xf32>
    %lt3A_520 = arith.cmpf olt, %select_n3A_519, %select_n3A_518 : vector<128x128xf32>
    %select_n3A_521 = arith.select %lt3A_520, %select_n3A_512, %select_n3A_493 : vector<128x128xi1>, vector<128x128xf32>
    %select_n3A_522 = arith.select %lt3A_520, %select_n3A_517, %select_n3A_494 : vector<128x128xi1>, vector<128x128xf32>
    %shift_right_arithmetic3A_523 = arith.constant 5 : i32
    %shift_right_arithmetic3A_524 = vector.broadcast %shift_right_arithmetic3A_523 : i32 to vector<128x128xi32>
    %shift_right_arithmetic3A_525 = arith.shrsi %iota3A_5, %shift_right_arithmetic3A_524 : vector<128x128xi32>
    %and3A_526 = arith.constant 1 : i32
    %and3A_527 = vector.broadcast %and3A_526 : i32 to vector<128x128xi32>
    %and3A_528 = arith.andi %shift_right_arithmetic3A_525, %and3A_527 : vector<128x128xi32>
    %shift_right_arithmetic3A_529 = arith.constant 4 : i32
    %shift_right_arithmetic3A_530 = vector.broadcast %shift_right_arithmetic3A_529 : i32 to vector<128x128xi32>
    %shift_right_arithmetic3A_531 = arith.shrsi %iota3A_5, %shift_right_arithmetic3A_530 : vector<128x128xi32>
    %and3A_532 = arith.constant 1 : i32
    %and3A_533 = vector.broadcast %and3A_532 : i32 to vector<128x128xi32>
    %and3A_534 = arith.andi %shift_right_arithmetic3A_531, %and3A_533 : vector<128x128xi32>
    %eq3A_535 = arith.constant 1 : i32
    %eq3A_536 = vector.broadcast %eq3A_535 : i32 to vector<128x128xi32>
    %eq3A_537 = arith.cmpi eq, %and3A_534, %eq3A_536 : vector<128x128xi32>
    %xor3A_538 = arith.xori %and3A_528, %and3A_534 : vector<128x128xi32>
    %eq3A_539 = arith.constant 0 : i32
    %eq3A_540 = vector.broadcast %eq3A_539 : i32 to vector<128x128xi32>
    %eq3A_541 = arith.cmpi eq, %xor3A_538, %eq3A_540 : vector<128x128xi32>
    %roll3A_542 = arith.constant 112 : i32
    %roll3A_543 = tpu.dynamic_rotate %select_n3A_521 by %roll3A_542 dim 1 : vector<128x128xf32>, i32 -> vector<128x128xf32>
    %roll3A_544 = arith.constant 16 : i32
    %roll3A_545 = tpu.dynamic_rotate %select_n3A_521 by %roll3A_544 dim 1 : vector<128x128xf32>, i32 -> vector<128x128xf32>
    %select_n3A_546 = arith.select %eq3A_537, %roll3A_545, %roll3A_543 : vector<128x128xi1>, vector<128x128xf32>
    %roll3A_547 = arith.constant 112 : i32
    %roll3A_548 = tpu.dynamic_rotate %select_n3A_522 by %roll3A_547 dim 1 : vector<128x128xf32>, i32 -> vector<128x128xf32>
    %roll3A_549 = arith.constant 16 : i32
    %roll3A_550 = tpu.dynamic_rotate %select_n3A_522 by %roll3A_549 dim 1 : vector<128x128xf32>, i32 -> vector<128x128xf32>
    %select_n3A_551 = arith.select %eq3A_537, %roll3A_550, %roll3A_548 : vector<128x128xi1>, vector<128x128xf32>
    %select_n3A_552 = arith.select %eq3A_541, %select_n3A_521, %select_n3A_546 : vector<128x128xi1>, vector<128x128xf32>
    %select_n3A_553 = arith.select %eq3A_541, %select_n3A_546, %select_n3A_521 : vector<128x128xi1>, vector<128x128xf32>
    %lt3A_554 = arith.cmpf olt, %select_n3A_553, %select_n3A_552 : vector<128x128xf32>
    %select_n3A_555 = arith.select %lt3A_554, %select_n3A_546, %select_n3A_521 : vector<128x128xi1>, vector<128x128xf32>
    %select_n3A_556 = arith.select %lt3A_554, %select_n3A_551, %select_n3A_522 : vector<128x128xi1>, vector<128x128xf32>
    %shift_right_arithmetic3A_557 = arith.constant 3 : i32
    %shift_right_arithmetic3A_558 = vector.broadcast %shift_right_arithmetic3A_557 : i32 to vector<128x128xi32>
    %shift_right_arithmetic3A_559 = arith.shrsi %iota3A_5, %shift_right_arithmetic3A_558 : vector<128x128xi32>
    %and3A_560 = arith.constant 1 : i32
    %and3A_561 = vector.broadcast %and3A_560 : i32 to vector<128x128xi32>
    %and3A_562 = arith.andi %shift_right_arithmetic3A_559, %and3A_561 : vector<128x128xi32>
    %eq3A_563 = arith.constant 1 : i32
    %eq3A_564 = vector.broadcast %eq3A_563 : i32 to vector<128x128xi32>
    %eq3A_565 = arith.cmpi eq, %and3A_562, %eq3A_564 : vector<128x128xi32>
    %xor3A_566 = arith.xori %and3A_528, %and3A_562 : vector<128x128xi32>
    %eq3A_567 = arith.constant 0 : i32
    %eq3A_568 = vector.broadcast %eq3A_567 : i32 to vector<128x128xi32>
    %eq3A_569 = arith.cmpi eq, %xor3A_566, %eq3A_568 : vector<128x128xi32>
    %roll3A_570 = arith.constant 120 : i32
    %roll3A_571 = tpu.dynamic_rotate %select_n3A_555 by %roll3A_570 dim 1 : vector<128x128xf32>, i32 -> vector<128x128xf32>
    %roll3A_572 = arith.constant 8 : i32
    %roll3A_573 = tpu.dynamic_rotate %select_n3A_555 by %roll3A_572 dim 1 : vector<128x128xf32>, i32 -> vector<128x128xf32>
    %select_n3A_574 = arith.select %eq3A_565, %roll3A_573, %roll3A_571 : vector<128x128xi1>, vector<128x128xf32>
    %roll3A_575 = arith.constant 120 : i32
    %roll3A_576 = tpu.dynamic_rotate %select_n3A_556 by %roll3A_575 dim 1 : vector<128x128xf32>, i32 -> vector<128x128xf32>
    %roll3A_577 = arith.constant 8 : i32
    %roll3A_578 = tpu.dynamic_rotate %select_n3A_556 by %roll3A_577 dim 1 : vector<128x128xf32>, i32 -> vector<128x128xf32>
    %select_n3A_579 = arith.select %eq3A_565, %roll3A_578, %roll3A_576 : vector<128x128xi1>, vector<128x128xf32>
    %select_n3A_580 = arith.select %eq3A_569, %select_n3A_555, %select_n3A_574 : vector<128x128xi1>, vector<128x128xf32>
    %select_n3A_581 = arith.select %eq3A_569, %select_n3A_574, %select_n3A_555 : vector<128x128xi1>, vector<128x128xf32>
    %lt3A_582 = arith.cmpf olt, %select_n3A_581, %select_n3A_580 : vector<128x128xf32>
    %select_n3A_583 = arith.select %lt3A_582, %select_n3A_574, %select_n3A_555 : vector<128x128xi1>, vector<128x128xf32>
    %select_n3A_584 = arith.select %lt3A_582, %select_n3A_579, %select_n3A_556 : vector<128x128xi1>, vector<128x128xf32>
    %shift_right_arithmetic3A_585 = arith.constant 2 : i32
    %shift_right_arithmetic3A_586 = vector.broadcast %shift_right_arithmetic3A_585 : i32 to vector<128x128xi32>
    %shift_right_arithmetic3A_587 = arith.shrsi %iota3A_5, %shift_right_arithmetic3A_586 : vector<128x128xi32>
    %and3A_588 = arith.constant 1 : i32
    %and3A_589 = vector.broadcast %and3A_588 : i32 to vector<128x128xi32>
    %and3A_590 = arith.andi %shift_right_arithmetic3A_587, %and3A_589 : vector<128x128xi32>
    %eq3A_591 = arith.constant 1 : i32
    %eq3A_592 = vector.broadcast %eq3A_591 : i32 to vector<128x128xi32>
    %eq3A_593 = arith.cmpi eq, %and3A_590, %eq3A_592 : vector<128x128xi32>
    %xor3A_594 = arith.xori %and3A_528, %and3A_590 : vector<128x128xi32>
    %eq3A_595 = arith.constant 0 : i32
    %eq3A_596 = vector.broadcast %eq3A_595 : i32 to vector<128x128xi32>
    %eq3A_597 = arith.cmpi eq, %xor3A_594, %eq3A_596 : vector<128x128xi32>
    %roll3A_598 = arith.constant 124 : i32
    %roll3A_599 = tpu.dynamic_rotate %select_n3A_583 by %roll3A_598 dim 1 : vector<128x128xf32>, i32 -> vector<128x128xf32>
    %roll3A_600 = arith.constant 4 : i32
    %roll3A_601 = tpu.dynamic_rotate %select_n3A_583 by %roll3A_600 dim 1 : vector<128x128xf32>, i32 -> vector<128x128xf32>
    %select_n3A_602 = arith.select %eq3A_593, %roll3A_601, %roll3A_599 : vector<128x128xi1>, vector<128x128xf32>
    %roll3A_603 = arith.constant 124 : i32
    %roll3A_604 = tpu.dynamic_rotate %select_n3A_584 by %roll3A_603 dim 1 : vector<128x128xf32>, i32 -> vector<128x128xf32>
    %roll3A_605 = arith.constant 4 : i32
    %roll3A_606 = tpu.dynamic_rotate %select_n3A_584 by %roll3A_605 dim 1 : vector<128x128xf32>, i32 -> vector<128x128xf32>
    %select_n3A_607 = arith.select %eq3A_593, %roll3A_606, %roll3A_604 : vector<128x128xi1>, vector<128x128xf32>
    %select_n3A_608 = arith.select %eq3A_597, %select_n3A_583, %select_n3A_602 : vector<128x128xi1>, vector<128x128xf32>
    %select_n3A_609 = arith.select %eq3A_597, %select_n3A_602, %select_n3A_583 : vector<128x128xi1>, vector<128x128xf32>
    %lt3A_610 = arith.cmpf olt, %select_n3A_609, %select_n3A_608 : vector<128x128xf32>
    %select_n3A_611 = arith.select %lt3A_610, %select_n3A_602, %select_n3A_583 : vector<128x128xi1>, vector<128x128xf32>
    %select_n3A_612 = arith.select %lt3A_610, %select_n3A_607, %select_n3A_584 : vector<128x128xi1>, vector<128x128xf32>
    %shift_right_arithmetic3A_613 = arith.constant 1 : i32
    %shift_right_arithmetic3A_614 = vector.broadcast %shift_right_arithmetic3A_613 : i32 to vector<128x128xi32>
    %shift_right_arithmetic3A_615 = arith.shrsi %iota3A_5, %shift_right_arithmetic3A_614 : vector<128x128xi32>
    %and3A_616 = arith.constant 1 : i32
    %and3A_617 = vector.broadcast %and3A_616 : i32 to vector<128x128xi32>
    %and3A_618 = arith.andi %shift_right_arithmetic3A_615, %and3A_617 : vector<128x128xi32>
    %eq3A_619 = arith.constant 1 : i32
    %eq3A_620 = vector.broadcast %eq3A_619 : i32 to vector<128x128xi32>
    %eq3A_621 = arith.cmpi eq, %and3A_618, %eq3A_620 : vector<128x128xi32>
    %xor3A_622 = arith.xori %and3A_528, %and3A_618 : vector<128x128xi32>
    %eq3A_623 = arith.constant 0 : i32
    %eq3A_624 = vector.broadcast %eq3A_623 : i32 to vector<128x128xi32>
    %eq3A_625 = arith.cmpi eq, %xor3A_622, %eq3A_624 : vector<128x128xi32>
    %roll3A_626 = arith.constant 126 : i32
    %roll3A_627 = tpu.dynamic_rotate %select_n3A_611 by %roll3A_626 dim 1 : vector<128x128xf32>, i32 -> vector<128x128xf32>
    %roll3A_628 = arith.constant 2 : i32
    %roll3A_629 = tpu.dynamic_rotate %select_n3A_611 by %roll3A_628 dim 1 : vector<128x128xf32>, i32 -> vector<128x128xf32>
    %select_n3A_630 = arith.select %eq3A_621, %roll3A_629, %roll3A_627 : vector<128x128xi1>, vector<128x128xf32>
    %roll3A_631 = arith.constant 126 : i32
    %roll3A_632 = tpu.dynamic_rotate %select_n3A_612 by %roll3A_631 dim 1 : vector<128x128xf32>, i32 -> vector<128x128xf32>
    %roll3A_633 = arith.constant 2 : i32
    %roll3A_634 = tpu.dynamic_rotate %select_n3A_612 by %roll3A_633 dim 1 : vector<128x128xf32>, i32 -> vector<128x128xf32>
    %select_n3A_635 = arith.select %eq3A_621, %roll3A_634, %roll3A_632 : vector<128x128xi1>, vector<128x128xf32>
    %select_n3A_636 = arith.select %eq3A_625, %select_n3A_611, %select_n3A_630 : vector<128x128xi1>, vector<128x128xf32>
    %select_n3A_637 = arith.select %eq3A_625, %select_n3A_630, %select_n3A_611 : vector<128x128xi1>, vector<128x128xf32>
    %lt3A_638 = arith.cmpf olt, %select_n3A_637, %select_n3A_636 : vector<128x128xf32>
    %select_n3A_639 = arith.select %lt3A_638, %select_n3A_630, %select_n3A_611 : vector<128x128xi1>, vector<128x128xf32>
    %select_n3A_640 = arith.select %lt3A_638, %select_n3A_635, %select_n3A_612 : vector<128x128xi1>, vector<128x128xf32>
    %shift_right_arithmetic3A_641 = arith.constant 0 : i32
    %shift_right_arithmetic3A_642 = vector.broadcast %shift_right_arithmetic3A_641 : i32 to vector<128x128xi32>
    %shift_right_arithmetic3A_643 = arith.shrsi %iota3A_5, %shift_right_arithmetic3A_642 : vector<128x128xi32>
    %and3A_644 = arith.constant 1 : i32
    %and3A_645 = vector.broadcast %and3A_644 : i32 to vector<128x128xi32>
    %and3A_646 = arith.andi %shift_right_arithmetic3A_643, %and3A_645 : vector<128x128xi32>
    %eq3A_647 = arith.constant 1 : i32
    %eq3A_648 = vector.broadcast %eq3A_647 : i32 to vector<128x128xi32>
    %eq3A_649 = arith.cmpi eq, %and3A_646, %eq3A_648 : vector<128x128xi32>
    %xor3A_650 = arith.xori %and3A_528, %and3A_646 : vector<128x128xi32>
    %eq3A_651 = arith.constant 0 : i32
    %eq3A_652 = vector.broadcast %eq3A_651 : i32 to vector<128x128xi32>
    %eq3A_653 = arith.cmpi eq, %xor3A_650, %eq3A_652 : vector<128x128xi32>
    %roll3A_654 = arith.constant 127 : i32
    %roll3A_655 = tpu.dynamic_rotate %select_n3A_639 by %roll3A_654 dim 1 : vector<128x128xf32>, i32 -> vector<128x128xf32>
    %roll3A_656 = arith.constant 1 : i32
    %roll3A_657 = tpu.dynamic_rotate %select_n3A_639 by %roll3A_656 dim 1 : vector<128x128xf32>, i32 -> vector<128x128xf32>
    %select_n3A_658 = arith.select %eq3A_649, %roll3A_657, %roll3A_655 : vector<128x128xi1>, vector<128x128xf32>
    %roll3A_659 = arith.constant 127 : i32
    %roll3A_660 = tpu.dynamic_rotate %select_n3A_640 by %roll3A_659 dim 1 : vector<128x128xf32>, i32 -> vector<128x128xf32>
    %roll3A_661 = arith.constant 1 : i32
    %roll3A_662 = tpu.dynamic_rotate %select_n3A_640 by %roll3A_661 dim 1 : vector<128x128xf32>, i32 -> vector<128x128xf32>
    %select_n3A_663 = arith.select %eq3A_649, %roll3A_662, %roll3A_660 : vector<128x128xi1>, vector<128x128xf32>
    %select_n3A_664 = arith.select %eq3A_653, %select_n3A_639, %select_n3A_658 : vector<128x128xi1>, vector<128x128xf32>
    %select_n3A_665 = arith.select %eq3A_653, %select_n3A_658, %select_n3A_639 : vector<128x128xi1>, vector<128x128xf32>
    %lt3A_666 = arith.cmpf olt, %select_n3A_665, %select_n3A_664 : vector<128x128xf32>
    %select_n3A_667 = arith.select %lt3A_666, %select_n3A_658, %select_n3A_639 : vector<128x128xi1>, vector<128x128xf32>
    %select_n3A_668 = arith.select %lt3A_666, %select_n3A_663, %select_n3A_640 : vector<128x128xi1>, vector<128x128xf32>
    %shift_right_arithmetic3A_669 = arith.constant 6 : i32
    %shift_right_arithmetic3A_670 = vector.broadcast %shift_right_arithmetic3A_669 : i32 to vector<128x128xi32>
    %shift_right_arithmetic3A_671 = arith.shrsi %iota3A_5, %shift_right_arithmetic3A_670 : vector<128x128xi32>
    %and3A_672 = arith.constant 1 : i32
    %and3A_673 = vector.broadcast %and3A_672 : i32 to vector<128x128xi32>
    %and3A_674 = arith.andi %shift_right_arithmetic3A_671, %and3A_673 : vector<128x128xi32>
    %shift_right_arithmetic3A_675 = arith.constant 5 : i32
    %shift_right_arithmetic3A_676 = vector.broadcast %shift_right_arithmetic3A_675 : i32 to vector<128x128xi32>
    %shift_right_arithmetic3A_677 = arith.shrsi %iota3A_5, %shift_right_arithmetic3A_676 : vector<128x128xi32>
    %and3A_678 = arith.constant 1 : i32
    %and3A_679 = vector.broadcast %and3A_678 : i32 to vector<128x128xi32>
    %and3A_680 = arith.andi %shift_right_arithmetic3A_677, %and3A_679 : vector<128x128xi32>
    %eq3A_681 = arith.constant 1 : i32
    %eq3A_682 = vector.broadcast %eq3A_681 : i32 to vector<128x128xi32>
    %eq3A_683 = arith.cmpi eq, %and3A_680, %eq3A_682 : vector<128x128xi32>
    %xor3A_684 = arith.xori %and3A_674, %and3A_680 : vector<128x128xi32>
    %eq3A_685 = arith.constant 0 : i32
    %eq3A_686 = vector.broadcast %eq3A_685 : i32 to vector<128x128xi32>
    %eq3A_687 = arith.cmpi eq, %xor3A_684, %eq3A_686 : vector<128x128xi32>
    %roll3A_688 = arith.constant 96 : i32
    %roll3A_689 = tpu.dynamic_rotate %select_n3A_667 by %roll3A_688 dim 1 : vector<128x128xf32>, i32 -> vector<128x128xf32>
    %roll3A_690 = arith.constant 32 : i32
    %roll3A_691 = tpu.dynamic_rotate %select_n3A_667 by %roll3A_690 dim 1 : vector<128x128xf32>, i32 -> vector<128x128xf32>
    %select_n3A_692 = arith.select %eq3A_683, %roll3A_691, %roll3A_689 : vector<128x128xi1>, vector<128x128xf32>
    %roll3A_693 = arith.constant 96 : i32
    %roll3A_694 = tpu.dynamic_rotate %select_n3A_668 by %roll3A_693 dim 1 : vector<128x128xf32>, i32 -> vector<128x128xf32>
    %roll3A_695 = arith.constant 32 : i32
    %roll3A_696 = tpu.dynamic_rotate %select_n3A_668 by %roll3A_695 dim 1 : vector<128x128xf32>, i32 -> vector<128x128xf32>
    %select_n3A_697 = arith.select %eq3A_683, %roll3A_696, %roll3A_694 : vector<128x128xi1>, vector<128x128xf32>
    %select_n3A_698 = arith.select %eq3A_687, %select_n3A_667, %select_n3A_692 : vector<128x128xi1>, vector<128x128xf32>
    %select_n3A_699 = arith.select %eq3A_687, %select_n3A_692, %select_n3A_667 : vector<128x128xi1>, vector<128x128xf32>
    %lt3A_700 = arith.cmpf olt, %select_n3A_699, %select_n3A_698 : vector<128x128xf32>
    %select_n3A_701 = arith.select %lt3A_700, %select_n3A_692, %select_n3A_667 : vector<128x128xi1>, vector<128x128xf32>
    %select_n3A_702 = arith.select %lt3A_700, %select_n3A_697, %select_n3A_668 : vector<128x128xi1>, vector<128x128xf32>
    %shift_right_arithmetic3A_703 = arith.constant 4 : i32
    %shift_right_arithmetic3A_704 = vector.broadcast %shift_right_arithmetic3A_703 : i32 to vector<128x128xi32>
    %shift_right_arithmetic3A_705 = arith.shrsi %iota3A_5, %shift_right_arithmetic3A_704 : vector<128x128xi32>
    %and3A_706 = arith.constant 1 : i32
    %and3A_707 = vector.broadcast %and3A_706 : i32 to vector<128x128xi32>
    %and3A_708 = arith.andi %shift_right_arithmetic3A_705, %and3A_707 : vector<128x128xi32>
    %eq3A_709 = arith.constant 1 : i32
    %eq3A_710 = vector.broadcast %eq3A_709 : i32 to vector<128x128xi32>
    %eq3A_711 = arith.cmpi eq, %and3A_708, %eq3A_710 : vector<128x128xi32>
    %xor3A_712 = arith.xori %and3A_674, %and3A_708 : vector<128x128xi32>
    %eq3A_713 = arith.constant 0 : i32
    %eq3A_714 = vector.broadcast %eq3A_713 : i32 to vector<128x128xi32>
    %eq3A_715 = arith.cmpi eq, %xor3A_712, %eq3A_714 : vector<128x128xi32>
    %roll3A_716 = arith.constant 112 : i32
    %roll3A_717 = tpu.dynamic_rotate %select_n3A_701 by %roll3A_716 dim 1 : vector<128x128xf32>, i32 -> vector<128x128xf32>
    %roll3A_718 = arith.constant 16 : i32
    %roll3A_719 = tpu.dynamic_rotate %select_n3A_701 by %roll3A_718 dim 1 : vector<128x128xf32>, i32 -> vector<128x128xf32>
    %select_n3A_720 = arith.select %eq3A_711, %roll3A_719, %roll3A_717 : vector<128x128xi1>, vector<128x128xf32>
    %roll3A_721 = arith.constant 112 : i32
    %roll3A_722 = tpu.dynamic_rotate %select_n3A_702 by %roll3A_721 dim 1 : vector<128x128xf32>, i32 -> vector<128x128xf32>
    %roll3A_723 = arith.constant 16 : i32
    %roll3A_724 = tpu.dynamic_rotate %select_n3A_702 by %roll3A_723 dim 1 : vector<128x128xf32>, i32 -> vector<128x128xf32>
    %select_n3A_725 = arith.select %eq3A_711, %roll3A_724, %roll3A_722 : vector<128x128xi1>, vector<128x128xf32>
    %select_n3A_726 = arith.select %eq3A_715, %select_n3A_701, %select_n3A_720 : vector<128x128xi1>, vector<128x128xf32>
    %select_n3A_727 = arith.select %eq3A_715, %select_n3A_720, %select_n3A_701 : vector<128x128xi1>, vector<128x128xf32>
    %lt3A_728 = arith.cmpf olt, %select_n3A_727, %select_n3A_726 : vector<128x128xf32>
    %select_n3A_729 = arith.select %lt3A_728, %select_n3A_720, %select_n3A_701 : vector<128x128xi1>, vector<128x128xf32>
    %select_n3A_730 = arith.select %lt3A_728, %select_n3A_725, %select_n3A_702 : vector<128x128xi1>, vector<128x128xf32>
    %shift_right_arithmetic3A_731 = arith.constant 3 : i32
    %shift_right_arithmetic3A_732 = vector.broadcast %shift_right_arithmetic3A_731 : i32 to vector<128x128xi32>
    %shift_right_arithmetic3A_733 = arith.shrsi %iota3A_5, %shift_right_arithmetic3A_732 : vector<128x128xi32>
    %and3A_734 = arith.constant 1 : i32
    %and3A_735 = vector.broadcast %and3A_734 : i32 to vector<128x128xi32>
    %and3A_736 = arith.andi %shift_right_arithmetic3A_733, %and3A_735 : vector<128x128xi32>
    %eq3A_737 = arith.constant 1 : i32
    %eq3A_738 = vector.broadcast %eq3A_737 : i32 to vector<128x128xi32>
    %eq3A_739 = arith.cmpi eq, %and3A_736, %eq3A_738 : vector<128x128xi32>
    %xor3A_740 = arith.xori %and3A_674, %and3A_736 : vector<128x128xi32>
    %eq3A_741 = arith.constant 0 : i32
    %eq3A_742 = vector.broadcast %eq3A_741 : i32 to vector<128x128xi32>
    %eq3A_743 = arith.cmpi eq, %xor3A_740, %eq3A_742 : vector<128x128xi32>
    %roll3A_744 = arith.constant 120 : i32
    %roll3A_745 = tpu.dynamic_rotate %select_n3A_729 by %roll3A_744 dim 1 : vector<128x128xf32>, i32 -> vector<128x128xf32>
    %roll3A_746 = arith.constant 8 : i32
    %roll3A_747 = tpu.dynamic_rotate %select_n3A_729 by %roll3A_746 dim 1 : vector<128x128xf32>, i32 -> vector<128x128xf32>
    %select_n3A_748 = arith.select %eq3A_739, %roll3A_747, %roll3A_745 : vector<128x128xi1>, vector<128x128xf32>
    %roll3A_749 = arith.constant 120 : i32
    %roll3A_750 = tpu.dynamic_rotate %select_n3A_730 by %roll3A_749 dim 1 : vector<128x128xf32>, i32 -> vector<128x128xf32>
    %roll3A_751 = arith.constant 8 : i32
    %roll3A_752 = tpu.dynamic_rotate %select_n3A_730 by %roll3A_751 dim 1 : vector<128x128xf32>, i32 -> vector<128x128xf32>
    %select_n3A_753 = arith.select %eq3A_739, %roll3A_752, %roll3A_750 : vector<128x128xi1>, vector<128x128xf32>
    %select_n3A_754 = arith.select %eq3A_743, %select_n3A_729, %select_n3A_748 : vector<128x128xi1>, vector<128x128xf32>
    %select_n3A_755 = arith.select %eq3A_743, %select_n3A_748, %select_n3A_729 : vector<128x128xi1>, vector<128x128xf32>
    %lt3A_756 = arith.cmpf olt, %select_n3A_755, %select_n3A_754 : vector<128x128xf32>
    %select_n3A_757 = arith.select %lt3A_756, %select_n3A_748, %select_n3A_729 : vector<128x128xi1>, vector<128x128xf32>
    %select_n3A_758 = arith.select %lt3A_756, %select_n3A_753, %select_n3A_730 : vector<128x128xi1>, vector<128x128xf32>
    %shift_right_arithmetic3A_759 = arith.constant 2 : i32
    %shift_right_arithmetic3A_760 = vector.broadcast %shift_right_arithmetic3A_759 : i32 to vector<128x128xi32>
    %shift_right_arithmetic3A_761 = arith.shrsi %iota3A_5, %shift_right_arithmetic3A_760 : vector<128x128xi32>
    %and3A_762 = arith.constant 1 : i32
    %and3A_763 = vector.broadcast %and3A_762 : i32 to vector<128x128xi32>
    %and3A_764 = arith.andi %shift_right_arithmetic3A_761, %and3A_763 : vector<128x128xi32>
    %eq3A_765 = arith.constant 1 : i32
    %eq3A_766 = vector.broadcast %eq3A_765 : i32 to vector<128x128xi32>
    %eq3A_767 = arith.cmpi eq, %and3A_764, %eq3A_766 : vector<128x128xi32>
    %xor3A_768 = arith.xori %and3A_674, %and3A_764 : vector<128x128xi32>
    %eq3A_769 = arith.constant 0 : i32
    %eq3A_770 = vector.broadcast %eq3A_769 : i32 to vector<128x128xi32>
    %eq3A_771 = arith.cmpi eq, %xor3A_768, %eq3A_770 : vector<128x128xi32>
    %roll3A_772 = arith.constant 124 : i32
    %roll3A_773 = tpu.dynamic_rotate %select_n3A_757 by %roll3A_772 dim 1 : vector<128x128xf32>, i32 -> vector<128x128xf32>
    %roll3A_774 = arith.constant 4 : i32
    %roll3A_775 = tpu.dynamic_rotate %select_n3A_757 by %roll3A_774 dim 1 : vector<128x128xf32>, i32 -> vector<128x128xf32>
    %select_n3A_776 = arith.select %eq3A_767, %roll3A_775, %roll3A_773 : vector<128x128xi1>, vector<128x128xf32>
    %roll3A_777 = arith.constant 124 : i32
    %roll3A_778 = tpu.dynamic_rotate %select_n3A_758 by %roll3A_777 dim 1 : vector<128x128xf32>, i32 -> vector<128x128xf32>
    %roll3A_779 = arith.constant 4 : i32
    %roll3A_780 = tpu.dynamic_rotate %select_n3A_758 by %roll3A_779 dim 1 : vector<128x128xf32>, i32 -> vector<128x128xf32>
    %select_n3A_781 = arith.select %eq3A_767, %roll3A_780, %roll3A_778 : vector<128x128xi1>, vector<128x128xf32>
    %select_n3A_782 = arith.select %eq3A_771, %select_n3A_757, %select_n3A_776 : vector<128x128xi1>, vector<128x128xf32>
    %select_n3A_783 = arith.select %eq3A_771, %select_n3A_776, %select_n3A_757 : vector<128x128xi1>, vector<128x128xf32>
    %lt3A_784 = arith.cmpf olt, %select_n3A_783, %select_n3A_782 : vector<128x128xf32>
    %select_n3A_785 = arith.select %lt3A_784, %select_n3A_776, %select_n3A_757 : vector<128x128xi1>, vector<128x128xf32>
    %select_n3A_786 = arith.select %lt3A_784, %select_n3A_781, %select_n3A_758 : vector<128x128xi1>, vector<128x128xf32>
    %shift_right_arithmetic3A_787 = arith.constant 1 : i32
    %shift_right_arithmetic3A_788 = vector.broadcast %shift_right_arithmetic3A_787 : i32 to vector<128x128xi32>
    %shift_right_arithmetic3A_789 = arith.shrsi %iota3A_5, %shift_right_arithmetic3A_788 : vector<128x128xi32>
    %and3A_790 = arith.constant 1 : i32
    %and3A_791 = vector.broadcast %and3A_790 : i32 to vector<128x128xi32>
    %and3A_792 = arith.andi %shift_right_arithmetic3A_789, %and3A_791 : vector<128x128xi32>
    %eq3A_793 = arith.constant 1 : i32
    %eq3A_794 = vector.broadcast %eq3A_793 : i32 to vector<128x128xi32>
    %eq3A_795 = arith.cmpi eq, %and3A_792, %eq3A_794 : vector<128x128xi32>
    %xor3A_796 = arith.xori %and3A_674, %and3A_792 : vector<128x128xi32>
    %eq3A_797 = arith.constant 0 : i32
    %eq3A_798 = vector.broadcast %eq3A_797 : i32 to vector<128x128xi32>
    %eq3A_799 = arith.cmpi eq, %xor3A_796, %eq3A_798 : vector<128x128xi32>
    %roll3A_800 = arith.constant 126 : i32
    %roll3A_801 = tpu.dynamic_rotate %select_n3A_785 by %roll3A_800 dim 1 : vector<128x128xf32>, i32 -> vector<128x128xf32>
    %roll3A_802 = arith.constant 2 : i32
    %roll3A_803 = tpu.dynamic_rotate %select_n3A_785 by %roll3A_802 dim 1 : vector<128x128xf32>, i32 -> vector<128x128xf32>
    %select_n3A_804 = arith.select %eq3A_795, %roll3A_803, %roll3A_801 : vector<128x128xi1>, vector<128x128xf32>
    %roll3A_805 = arith.constant 126 : i32
    %roll3A_806 = tpu.dynamic_rotate %select_n3A_786 by %roll3A_805 dim 1 : vector<128x128xf32>, i32 -> vector<128x128xf32>
    %roll3A_807 = arith.constant 2 : i32
    %roll3A_808 = tpu.dynamic_rotate %select_n3A_786 by %roll3A_807 dim 1 : vector<128x128xf32>, i32 -> vector<128x128xf32>
    %select_n3A_809 = arith.select %eq3A_795, %roll3A_808, %roll3A_806 : vector<128x128xi1>, vector<128x128xf32>
    %select_n3A_810 = arith.select %eq3A_799, %select_n3A_785, %select_n3A_804 : vector<128x128xi1>, vector<128x128xf32>
    %select_n3A_811 = arith.select %eq3A_799, %select_n3A_804, %select_n3A_785 : vector<128x128xi1>, vector<128x128xf32>
    %lt3A_812 = arith.cmpf olt, %select_n3A_811, %select_n3A_810 : vector<128x128xf32>
    %select_n3A_813 = arith.select %lt3A_812, %select_n3A_804, %select_n3A_785 : vector<128x128xi1>, vector<128x128xf32>
    %select_n3A_814 = arith.select %lt3A_812, %select_n3A_809, %select_n3A_786 : vector<128x128xi1>, vector<128x128xf32>
    %shift_right_arithmetic3A_815 = arith.constant 0 : i32
    %shift_right_arithmetic3A_816 = vector.broadcast %shift_right_arithmetic3A_815 : i32 to vector<128x128xi32>
    %shift_right_arithmetic3A_817 = arith.shrsi %iota3A_5, %shift_right_arithmetic3A_816 : vector<128x128xi32>
    %and3A_818 = arith.constant 1 : i32
    %and3A_819 = vector.broadcast %and3A_818 : i32 to vector<128x128xi32>
    %and3A_820 = arith.andi %shift_right_arithmetic3A_817, %and3A_819 : vector<128x128xi32>
    %eq3A_821 = arith.constant 1 : i32
    %eq3A_822 = vector.broadcast %eq3A_821 : i32 to vector<128x128xi32>
    %eq3A_823 = arith.cmpi eq, %and3A_820, %eq3A_822 : vector<128x128xi32>
    %xor3A_824 = arith.xori %and3A_674, %and3A_820 : vector<128x128xi32>
    %eq3A_825 = arith.constant 0 : i32
    %eq3A_826 = vector.broadcast %eq3A_825 : i32 to vector<128x128xi32>
    %eq3A_827 = arith.cmpi eq, %xor3A_824, %eq3A_826 : vector<128x128xi32>
    %roll3A_828 = arith.constant 127 : i32
    %roll3A_829 = tpu.dynamic_rotate %select_n3A_813 by %roll3A_828 dim 1 : vector<128x128xf32>, i32 -> vector<128x128xf32>
    %roll3A_830 = arith.constant 1 : i32
    %roll3A_831 = tpu.dynamic_rotate %select_n3A_813 by %roll3A_830 dim 1 : vector<128x128xf32>, i32 -> vector<128x128xf32>
    %select_n3A_832 = arith.select %eq3A_823, %roll3A_831, %roll3A_829 : vector<128x128xi1>, vector<128x128xf32>
    %roll3A_833 = arith.constant 127 : i32
    %roll3A_834 = tpu.dynamic_rotate %select_n3A_814 by %roll3A_833 dim 1 : vector<128x128xf32>, i32 -> vector<128x128xf32>
    %roll3A_835 = arith.constant 1 : i32
    %roll3A_836 = tpu.dynamic_rotate %select_n3A_814 by %roll3A_835 dim 1 : vector<128x128xf32>, i32 -> vector<128x128xf32>
    %select_n3A_837 = arith.select %eq3A_823, %roll3A_836, %roll3A_834 : vector<128x128xi1>, vector<128x128xf32>
    %select_n3A_838 = arith.select %eq3A_827, %select_n3A_813, %select_n3A_832 : vector<128x128xi1>, vector<128x128xf32>
    %select_n3A_839 = arith.select %eq3A_827, %select_n3A_832, %select_n3A_813 : vector<128x128xi1>, vector<128x128xf32>
    %lt3A_840 = arith.cmpf olt, %select_n3A_839, %select_n3A_838 : vector<128x128xf32>
    %select_n3A_841 = arith.select %lt3A_840, %select_n3A_832, %select_n3A_813 : vector<128x128xi1>, vector<128x128xf32>
    %select_n3A_842 = arith.select %lt3A_840, %select_n3A_837, %select_n3A_814 : vector<128x128xi1>, vector<128x128xf32>
    %shift_right_arithmetic3A_843 = arith.constant 0 : i32
    %shift_right_arithmetic3A_844 = vector.broadcast %shift_right_arithmetic3A_843 : i32 to vector<128x128xi32>
    %shift_right_arithmetic3A_845 = arith.shrsi %iota3A, %shift_right_arithmetic3A_844 : vector<128x128xi32>
    %and3A_846 = arith.constant 1 : i32
    %and3A_847 = vector.broadcast %and3A_846 : i32 to vector<128x128xi32>
    %and3A_848 = arith.andi %shift_right_arithmetic3A_845, %and3A_847 : vector<128x128xi32>
    %shift_right_arithmetic3A_849 = arith.constant 6 : i32
    %shift_right_arithmetic3A_850 = vector.broadcast %shift_right_arithmetic3A_849 : i32 to vector<128x128xi32>
    %shift_right_arithmetic3A_851 = arith.shrsi %iota3A_5, %shift_right_arithmetic3A_850 : vector<128x128xi32>
    %and3A_852 = arith.constant 1 : i32
    %and3A_853 = vector.broadcast %and3A_852 : i32 to vector<128x128xi32>
    %and3A_854 = arith.andi %shift_right_arithmetic3A_851, %and3A_853 : vector<128x128xi32>
    %eq3A_855 = arith.constant 1 : i32
    %eq3A_856 = vector.broadcast %eq3A_855 : i32 to vector<128x128xi32>
    %eq3A_857 = arith.cmpi eq, %and3A_854, %eq3A_856 : vector<128x128xi32>
    %xor3A_858 = arith.xori %and3A_848, %and3A_854 : vector<128x128xi32>
    %eq3A_859 = arith.constant 0 : i32
    %eq3A_860 = vector.broadcast %eq3A_859 : i32 to vector<128x128xi32>
    %eq3A_861 = arith.cmpi eq, %xor3A_858, %eq3A_860 : vector<128x128xi32>
    %roll3A_862 = arith.constant 64 : i32
    %roll3A_863 = tpu.dynamic_rotate %select_n3A_841 by %roll3A_862 dim 1 : vector<128x128xf32>, i32 -> vector<128x128xf32>
    %roll3A_864 = arith.constant 64 : i32
    %roll3A_865 = tpu.dynamic_rotate %select_n3A_841 by %roll3A_864 dim 1 : vector<128x128xf32>, i32 -> vector<128x128xf32>
    %select_n3A_866 = arith.select %eq3A_857, %roll3A_865, %roll3A_863 : vector<128x128xi1>, vector<128x128xf32>
    %roll3A_867 = arith.constant 64 : i32
    %roll3A_868 = tpu.dynamic_rotate %select_n3A_842 by %roll3A_867 dim 1 : vector<128x128xf32>, i32 -> vector<128x128xf32>
    %roll3A_869 = arith.constant 64 : i32
    %roll3A_870 = tpu.dynamic_rotate %select_n3A_842 by %roll3A_869 dim 1 : vector<128x128xf32>, i32 -> vector<128x128xf32>
    %select_n3A_871 = arith.select %eq3A_857, %roll3A_870, %roll3A_868 : vector<128x128xi1>, vector<128x128xf32>
    %select_n3A_872 = arith.select %eq3A_861, %select_n3A_841, %select_n3A_866 : vector<128x128xi1>, vector<128x128xf32>
    %select_n3A_873 = arith.select %eq3A_861, %select_n3A_866, %select_n3A_841 : vector<128x128xi1>, vector<128x128xf32>
    %lt3A_874 = arith.cmpf olt, %select_n3A_873, %select_n3A_872 : vector<128x128xf32>
    %select_n3A_875 = arith.select %lt3A_874, %select_n3A_866, %select_n3A_841 : vector<128x128xi1>, vector<128x128xf32>
    %select_n3A_876 = arith.select %lt3A_874, %select_n3A_871, %select_n3A_842 : vector<128x128xi1>, vector<128x128xf32>
    %shift_right_arithmetic3A_877 = arith.constant 5 : i32
    %shift_right_arithmetic3A_878 = vector.broadcast %shift_right_arithmetic3A_877 : i32 to vector<128x128xi32>
    %shift_right_arithmetic3A_879 = arith.shrsi %iota3A_5, %shift_right_arithmetic3A_878 : vector<128x128xi32>
    %and3A_880 = arith.constant 1 : i32
    %and3A_881 = vector.broadcast %and3A_880 : i32 to vector<128x128xi32>
    %and3A_882 = arith.andi %shift_right_arithmetic3A_879, %and3A_881 : vector<128x128xi32>
    %eq3A_883 = arith.constant 1 : i32
    %eq3A_884 = vector.broadcast %eq3A_883 : i32 to vector<128x128xi32>
    %eq3A_885 = arith.cmpi eq, %and3A_882, %eq3A_884 : vector<128x128xi32>
    %xor3A_886 = arith.xori %and3A_848, %and3A_882 : vector<128x128xi32>
    %eq3A_887 = arith.constant 0 : i32
    %eq3A_888 = vector.broadcast %eq3A_887 : i32 to vector<128x128xi32>
    %eq3A_889 = arith.cmpi eq, %xor3A_886, %eq3A_888 : vector<128x128xi32>
    %roll3A_890 = arith.constant 96 : i32
    %roll3A_891 = tpu.dynamic_rotate %select_n3A_875 by %roll3A_890 dim 1 : vector<128x128xf32>, i32 -> vector<128x128xf32>
    %roll3A_892 = arith.constant 32 : i32
    %roll3A_893 = tpu.dynamic_rotate %select_n3A_875 by %roll3A_892 dim 1 : vector<128x128xf32>, i32 -> vector<128x128xf32>
    %select_n3A_894 = arith.select %eq3A_885, %roll3A_893, %roll3A_891 : vector<128x128xi1>, vector<128x128xf32>
    %roll3A_895 = arith.constant 96 : i32
    %roll3A_896 = tpu.dynamic_rotate %select_n3A_876 by %roll3A_895 dim 1 : vector<128x128xf32>, i32 -> vector<128x128xf32>
    %roll3A_897 = arith.constant 32 : i32
    %roll3A_898 = tpu.dynamic_rotate %select_n3A_876 by %roll3A_897 dim 1 : vector<128x128xf32>, i32 -> vector<128x128xf32>
    %select_n3A_899 = arith.select %eq3A_885, %roll3A_898, %roll3A_896 : vector<128x128xi1>, vector<128x128xf32>
    %select_n3A_900 = arith.select %eq3A_889, %select_n3A_875, %select_n3A_894 : vector<128x128xi1>, vector<128x128xf32>
    %select_n3A_901 = arith.select %eq3A_889, %select_n3A_894, %select_n3A_875 : vector<128x128xi1>, vector<128x128xf32>
    %lt3A_902 = arith.cmpf olt, %select_n3A_901, %select_n3A_900 : vector<128x128xf32>
    %select_n3A_903 = arith.select %lt3A_902, %select_n3A_894, %select_n3A_875 : vector<128x128xi1>, vector<128x128xf32>
    %select_n3A_904 = arith.select %lt3A_902, %select_n3A_899, %select_n3A_876 : vector<128x128xi1>, vector<128x128xf32>
    %shift_right_arithmetic3A_905 = arith.constant 4 : i32
    %shift_right_arithmetic3A_906 = vector.broadcast %shift_right_arithmetic3A_905 : i32 to vector<128x128xi32>
    %shift_right_arithmetic3A_907 = arith.shrsi %iota3A_5, %shift_right_arithmetic3A_906 : vector<128x128xi32>
    %and3A_908 = arith.constant 1 : i32
    %and3A_909 = vector.broadcast %and3A_908 : i32 to vector<128x128xi32>
    %and3A_910 = arith.andi %shift_right_arithmetic3A_907, %and3A_909 : vector<128x128xi32>
    %eq3A_911 = arith.constant 1 : i32
    %eq3A_912 = vector.broadcast %eq3A_911 : i32 to vector<128x128xi32>
    %eq3A_913 = arith.cmpi eq, %and3A_910, %eq3A_912 : vector<128x128xi32>
    %xor3A_914 = arith.xori %and3A_848, %and3A_910 : vector<128x128xi32>
    %eq3A_915 = arith.constant 0 : i32
    %eq3A_916 = vector.broadcast %eq3A_915 : i32 to vector<128x128xi32>
    %eq3A_917 = arith.cmpi eq, %xor3A_914, %eq3A_916 : vector<128x128xi32>
    %roll3A_918 = arith.constant 112 : i32
    %roll3A_919 = tpu.dynamic_rotate %select_n3A_903 by %roll3A_918 dim 1 : vector<128x128xf32>, i32 -> vector<128x128xf32>
    %roll3A_920 = arith.constant 16 : i32
    %roll3A_921 = tpu.dynamic_rotate %select_n3A_903 by %roll3A_920 dim 1 : vector<128x128xf32>, i32 -> vector<128x128xf32>
    %select_n3A_922 = arith.select %eq3A_913, %roll3A_921, %roll3A_919 : vector<128x128xi1>, vector<128x128xf32>
    %roll3A_923 = arith.constant 112 : i32
    %roll3A_924 = tpu.dynamic_rotate %select_n3A_904 by %roll3A_923 dim 1 : vector<128x128xf32>, i32 -> vector<128x128xf32>
    %roll3A_925 = arith.constant 16 : i32
    %roll3A_926 = tpu.dynamic_rotate %select_n3A_904 by %roll3A_925 dim 1 : vector<128x128xf32>, i32 -> vector<128x128xf32>
    %select_n3A_927 = arith.select %eq3A_913, %roll3A_926, %roll3A_924 : vector<128x128xi1>, vector<128x128xf32>
    %select_n3A_928 = arith.select %eq3A_917, %select_n3A_903, %select_n3A_922 : vector<128x128xi1>, vector<128x128xf32>
    %select_n3A_929 = arith.select %eq3A_917, %select_n3A_922, %select_n3A_903 : vector<128x128xi1>, vector<128x128xf32>
    %lt3A_930 = arith.cmpf olt, %select_n3A_929, %select_n3A_928 : vector<128x128xf32>
    %select_n3A_931 = arith.select %lt3A_930, %select_n3A_922, %select_n3A_903 : vector<128x128xi1>, vector<128x128xf32>
    %select_n3A_932 = arith.select %lt3A_930, %select_n3A_927, %select_n3A_904 : vector<128x128xi1>, vector<128x128xf32>
    %shift_right_arithmetic3A_933 = arith.constant 3 : i32
    %shift_right_arithmetic3A_934 = vector.broadcast %shift_right_arithmetic3A_933 : i32 to vector<128x128xi32>
    %shift_right_arithmetic3A_935 = arith.shrsi %iota3A_5, %shift_right_arithmetic3A_934 : vector<128x128xi32>
    %and3A_936 = arith.constant 1 : i32
    %and3A_937 = vector.broadcast %and3A_936 : i32 to vector<128x128xi32>
    %and3A_938 = arith.andi %shift_right_arithmetic3A_935, %and3A_937 : vector<128x128xi32>
    %eq3A_939 = arith.constant 1 : i32
    %eq3A_940 = vector.broadcast %eq3A_939 : i32 to vector<128x128xi32>
    %eq3A_941 = arith.cmpi eq, %and3A_938, %eq3A_940 : vector<128x128xi32>
    %xor3A_942 = arith.xori %and3A_848, %and3A_938 : vector<128x128xi32>
    %eq3A_943 = arith.constant 0 : i32
    %eq3A_944 = vector.broadcast %eq3A_943 : i32 to vector<128x128xi32>
    %eq3A_945 = arith.cmpi eq, %xor3A_942, %eq3A_944 : vector<128x128xi32>
    %roll3A_946 = arith.constant 120 : i32
    %roll3A_947 = tpu.dynamic_rotate %select_n3A_931 by %roll3A_946 dim 1 : vector<128x128xf32>, i32 -> vector<128x128xf32>
    %roll3A_948 = arith.constant 8 : i32
    %roll3A_949 = tpu.dynamic_rotate %select_n3A_931 by %roll3A_948 dim 1 : vector<128x128xf32>, i32 -> vector<128x128xf32>
    %select_n3A_950 = arith.select %eq3A_941, %roll3A_949, %roll3A_947 : vector<128x128xi1>, vector<128x128xf32>
    %roll3A_951 = arith.constant 120 : i32
    %roll3A_952 = tpu.dynamic_rotate %select_n3A_932 by %roll3A_951 dim 1 : vector<128x128xf32>, i32 -> vector<128x128xf32>
    %roll3A_953 = arith.constant 8 : i32
    %roll3A_954 = tpu.dynamic_rotate %select_n3A_932 by %roll3A_953 dim 1 : vector<128x128xf32>, i32 -> vector<128x128xf32>
    %select_n3A_955 = arith.select %eq3A_941, %roll3A_954, %roll3A_952 : vector<128x128xi1>, vector<128x128xf32>
    %select_n3A_956 = arith.select %eq3A_945, %select_n3A_931, %select_n3A_950 : vector<128x128xi1>, vector<128x128xf32>
    %select_n3A_957 = arith.select %eq3A_945, %select_n3A_950, %select_n3A_931 : vector<128x128xi1>, vector<128x128xf32>
    %lt3A_958 = arith.cmpf olt, %select_n3A_957, %select_n3A_956 : vector<128x128xf32>
    %select_n3A_959 = arith.select %lt3A_958, %select_n3A_950, %select_n3A_931 : vector<128x128xi1>, vector<128x128xf32>
    %select_n3A_960 = arith.select %lt3A_958, %select_n3A_955, %select_n3A_932 : vector<128x128xi1>, vector<128x128xf32>
    %shift_right_arithmetic3A_961 = arith.constant 2 : i32
    %shift_right_arithmetic3A_962 = vector.broadcast %shift_right_arithmetic3A_961 : i32 to vector<128x128xi32>
    %shift_right_arithmetic3A_963 = arith.shrsi %iota3A_5, %shift_right_arithmetic3A_962 : vector<128x128xi32>
    %and3A_964 = arith.constant 1 : i32
    %and3A_965 = vector.broadcast %and3A_964 : i32 to vector<128x128xi32>
    %and3A_966 = arith.andi %shift_right_arithmetic3A_963, %and3A_965 : vector<128x128xi32>
    %eq3A_967 = arith.constant 1 : i32
    %eq3A_968 = vector.broadcast %eq3A_967 : i32 to vector<128x128xi32>
    %eq3A_969 = arith.cmpi eq, %and3A_966, %eq3A_968 : vector<128x128xi32>
    %xor3A_970 = arith.xori %and3A_848, %and3A_966 : vector<128x128xi32>
    %eq3A_971 = arith.constant 0 : i32
    %eq3A_972 = vector.broadcast %eq3A_971 : i32 to vector<128x128xi32>
    %eq3A_973 = arith.cmpi eq, %xor3A_970, %eq3A_972 : vector<128x128xi32>
    %roll3A_974 = arith.constant 124 : i32
    %roll3A_975 = tpu.dynamic_rotate %select_n3A_959 by %roll3A_974 dim 1 : vector<128x128xf32>, i32 -> vector<128x128xf32>
    %roll3A_976 = arith.constant 4 : i32
    %roll3A_977 = tpu.dynamic_rotate %select_n3A_959 by %roll3A_976 dim 1 : vector<128x128xf32>, i32 -> vector<128x128xf32>
    %select_n3A_978 = arith.select %eq3A_969, %roll3A_977, %roll3A_975 : vector<128x128xi1>, vector<128x128xf32>
    %roll3A_979 = arith.constant 124 : i32
    %roll3A_980 = tpu.dynamic_rotate %select_n3A_960 by %roll3A_979 dim 1 : vector<128x128xf32>, i32 -> vector<128x128xf32>
    %roll3A_981 = arith.constant 4 : i32
    %roll3A_982 = tpu.dynamic_rotate %select_n3A_960 by %roll3A_981 dim 1 : vector<128x128xf32>, i32 -> vector<128x128xf32>
    %select_n3A_983 = arith.select %eq3A_969, %roll3A_982, %roll3A_980 : vector<128x128xi1>, vector<128x128xf32>
    %select_n3A_984 = arith.select %eq3A_973, %select_n3A_959, %select_n3A_978 : vector<128x128xi1>, vector<128x128xf32>
    %select_n3A_985 = arith.select %eq3A_973, %select_n3A_978, %select_n3A_959 : vector<128x128xi1>, vector<128x128xf32>
    %lt3A_986 = arith.cmpf olt, %select_n3A_985, %select_n3A_984 : vector<128x128xf32>
    %select_n3A_987 = arith.select %lt3A_986, %select_n3A_978, %select_n3A_959 : vector<128x128xi1>, vector<128x128xf32>
    %select_n3A_988 = arith.select %lt3A_986, %select_n3A_983, %select_n3A_960 : vector<128x128xi1>, vector<128x128xf32>
    %shift_right_arithmetic3A_989 = arith.constant 1 : i32
    %shift_right_arithmetic3A_990 = vector.broadcast %shift_right_arithmetic3A_989 : i32 to vector<128x128xi32>
    %shift_right_arithmetic3A_991 = arith.shrsi %iota3A_5, %shift_right_arithmetic3A_990 : vector<128x128xi32>
    %and3A_992 = arith.constant 1 : i32
    %and3A_993 = vector.broadcast %and3A_992 : i32 to vector<128x128xi32>
    %and3A_994 = arith.andi %shift_right_arithmetic3A_991, %and3A_993 : vector<128x128xi32>
    %eq3A_995 = arith.constant 1 : i32
    %eq3A_996 = vector.broadcast %eq3A_995 : i32 to vector<128x128xi32>
    %eq3A_997 = arith.cmpi eq, %and3A_994, %eq3A_996 : vector<128x128xi32>
    %xor3A_998 = arith.xori %and3A_848, %and3A_994 : vector<128x128xi32>
    %eq3A_999 = arith.constant 0 : i32
    %eq3A_1000 = vector.broadcast %eq3A_999 : i32 to vector<128x128xi32>
    %eq3A_1001 = arith.cmpi eq, %xor3A_998, %eq3A_1000 : vector<128x128xi32>
    %roll3A_1002 = arith.constant 126 : i32
    %roll3A_1003 = tpu.dynamic_rotate %select_n3A_987 by %roll3A_1002 dim 1 : vector<128x128xf32>, i32 -> vector<128x128xf32>
    %roll3A_1004 = arith.constant 2 : i32
    %roll3A_1005 = tpu.dynamic_rotate %select_n3A_987 by %roll3A_1004 dim 1 : vector<128x128xf32>, i32 -> vector<128x128xf32>
    %select_n3A_1006 = arith.select %eq3A_997, %roll3A_1005, %roll3A_1003 : vector<128x128xi1>, vector<128x128xf32>
    %roll3A_1007 = arith.constant 126 : i32
    %roll3A_1008 = tpu.dynamic_rotate %select_n3A_988 by %roll3A_1007 dim 1 : vector<128x128xf32>, i32 -> vector<128x128xf32>
    %roll3A_1009 = arith.constant 2 : i32
    %roll3A_1010 = tpu.dynamic_rotate %select_n3A_988 by %roll3A_1009 dim 1 : vector<128x128xf32>, i32 -> vector<128x128xf32>
    %select_n3A_1011 = arith.select %eq3A_997, %roll3A_1010, %roll3A_1008 : vector<128x128xi1>, vector<128x128xf32>
    %select_n3A_1012 = arith.select %eq3A_1001, %select_n3A_987, %select_n3A_1006 : vector<128x128xi1>, vector<128x128xf32>
    %select_n3A_1013 = arith.select %eq3A_1001, %select_n3A_1006, %select_n3A_987 : vector<128x128xi1>, vector<128x128xf32>
    %lt3A_1014 = arith.cmpf olt, %select_n3A_1013, %select_n3A_1012 : vector<128x128xf32>
    %select_n3A_1015 = arith.select %lt3A_1014, %select_n3A_1006, %select_n3A_987 : vector<128x128xi1>, vector<128x128xf32>
    %select_n3A_1016 = arith.select %lt3A_1014, %select_n3A_1011, %select_n3A_988 : vector<128x128xi1>, vector<128x128xf32>
    %shift_right_arithmetic3A_1017 = arith.constant 0 : i32
    %shift_right_arithmetic3A_1018 = vector.broadcast %shift_right_arithmetic3A_1017 : i32 to vector<128x128xi32>
    %shift_right_arithmetic3A_1019 = arith.shrsi %iota3A_5, %shift_right_arithmetic3A_1018 : vector<128x128xi32>
    %and3A_1020 = arith.constant 1 : i32
    %and3A_1021 = vector.broadcast %and3A_1020 : i32 to vector<128x128xi32>
    %and3A_1022 = arith.andi %shift_right_arithmetic3A_1019, %and3A_1021 : vector<128x128xi32>
    %eq3A_1023 = arith.constant 1 : i32
    %eq3A_1024 = vector.broadcast %eq3A_1023 : i32 to vector<128x128xi32>
    %eq3A_1025 = arith.cmpi eq, %and3A_1022, %eq3A_1024 : vector<128x128xi32>
    %xor3A_1026 = arith.xori %and3A_848, %and3A_1022 : vector<128x128xi32>
    %eq3A_1027 = arith.constant 0 : i32
    %eq3A_1028 = vector.broadcast %eq3A_1027 : i32 to vector<128x128xi32>
    %eq3A_1029 = arith.cmpi eq, %xor3A_1026, %eq3A_1028 : vector<128x128xi32>
    %roll3A_1030 = arith.constant 127 : i32
    %roll3A_1031 = tpu.dynamic_rotate %select_n3A_1015 by %roll3A_1030 dim 1 : vector<128x128xf32>, i32 -> vector<128x128xf32>
    %roll3A_1032 = arith.constant 1 : i32
    %roll3A_1033 = tpu.dynamic_rotate %select_n3A_1015 by %roll3A_1032 dim 1 : vector<128x128xf32>, i32 -> vector<128x128xf32>
    %select_n3A_1034 = arith.select %eq3A_1025, %roll3A_1033, %roll3A_1031 : vector<128x128xi1>, vector<128x128xf32>
    %roll3A_1035 = arith.constant 127 : i32
    %roll3A_1036 = tpu.dynamic_rotate %select_n3A_1016 by %roll3A_1035 dim 1 : vector<128x128xf32>, i32 -> vector<128x128xf32>
    %roll3A_1037 = arith.constant 1 : i32
    %roll3A_1038 = tpu.dynamic_rotate %select_n3A_1016 by %roll3A_1037 dim 1 : vector<128x128xf32>, i32 -> vector<128x128xf32>
    %select_n3A_1039 = arith.select %eq3A_1025, %roll3A_1038, %roll3A_1036 : vector<128x128xi1>, vector<128x128xf32>
    %select_n3A_1040 = arith.select %eq3A_1029, %select_n3A_1015, %select_n3A_1034 : vector<128x128xi1>, vector<128x128xf32>
    %select_n3A_1041 = arith.select %eq3A_1029, %select_n3A_1034, %select_n3A_1015 : vector<128x128xi1>, vector<128x128xf32>
    %lt3A_1042 = arith.cmpf olt, %select_n3A_1041, %select_n3A_1040 : vector<128x128xf32>
    %select_n3A_1043 = arith.select %lt3A_1042, %select_n3A_1034, %select_n3A_1015 : vector<128x128xi1>, vector<128x128xf32>
    %select_n3A_1044 = arith.select %lt3A_1042, %select_n3A_1039, %select_n3A_1016 : vector<128x128xi1>, vector<128x128xf32>
    %shift_right_arithmetic3A_1045 = arith.constant 1 : i32
    %shift_right_arithmetic3A_1046 = vector.broadcast %shift_right_arithmetic3A_1045 : i32 to vector<128x128xi32>
    %shift_right_arithmetic3A_1047 = arith.shrsi %iota3A, %shift_right_arithmetic3A_1046 : vector<128x128xi32>
    %and3A_1048 = arith.constant 1 : i32
    %and3A_1049 = vector.broadcast %and3A_1048 : i32 to vector<128x128xi32>
    %and3A_1050 = arith.andi %shift_right_arithmetic3A_1047, %and3A_1049 : vector<128x128xi32>
    %shift_right_arithmetic3A_1051 = arith.constant 0 : i32
    %shift_right_arithmetic3A_1052 = vector.broadcast %shift_right_arithmetic3A_1051 : i32 to vector<128x128xi32>
    %shift_right_arithmetic3A_1053 = arith.shrsi %iota3A, %shift_right_arithmetic3A_1052 : vector<128x128xi32>
    %and3A_1054 = arith.constant 1 : i32
    %and3A_1055 = vector.broadcast %and3A_1054 : i32 to vector<128x128xi32>
    %and3A_1056 = arith.andi %shift_right_arithmetic3A_1053, %and3A_1055 : vector<128x128xi32>
    %eq3A_1057 = arith.constant 1 : i32
    %eq3A_1058 = vector.broadcast %eq3A_1057 : i32 to vector<128x128xi32>
    %eq3A_1059 = arith.cmpi eq, %and3A_1056, %eq3A_1058 : vector<128x128xi32>
    %xor3A_1060 = arith.xori %and3A_1050, %and3A_1056 : vector<128x128xi32>
    %eq3A_1061 = arith.constant 0 : i32
    %eq3A_1062 = vector.broadcast %eq3A_1061 : i32 to vector<128x128xi32>
    %eq3A_1063 = arith.cmpi eq, %xor3A_1060, %eq3A_1062 : vector<128x128xi32>
    %roll3A_1064 = arith.constant 127 : i32
    %roll3A_1065 = tpu.dynamic_rotate %select_n3A_1043 by %roll3A_1064 dim 0 : vector<128x128xf32>, i32 -> vector<128x128xf32>
    %roll3A_1066 = arith.constant 1 : i32
    %roll3A_1067 = tpu.dynamic_rotate %select_n3A_1043 by %roll3A_1066 dim 0 : vector<128x128xf32>, i32 -> vector<128x128xf32>
    %select_n3A_1068 = arith.select %eq3A_1059, %roll3A_1067, %roll3A_1065 : vector<128x128xi1>, vector<128x128xf32>
    %roll3A_1069 = arith.constant 127 : i32
    %roll3A_1070 = tpu.dynamic_rotate %select_n3A_1044 by %roll3A_1069 dim 0 : vector<128x128xf32>, i32 -> vector<128x128xf32>
    %roll3A_1071 = arith.constant 1 : i32
    %roll3A_1072 = tpu.dynamic_rotate %select_n3A_1044 by %roll3A_1071 dim 0 : vector<128x128xf32>, i32 -> vector<128x128xf32>
    %select_n3A_1073 = arith.select %eq3A_1059, %roll3A_1072, %roll3A_1070 : vector<128x128xi1>, vector<128x128xf32>
    %select_n3A_1074 = arith.select %eq3A_1063, %select_n3A_1043, %select_n3A_1068 : vector<128x128xi1>, vector<128x128xf32>
    %select_n3A_1075 = arith.select %eq3A_1063, %select_n3A_1068, %select_n3A_1043 : vector<128x128xi1>, vector<128x128xf32>
    %lt3A_1076 = arith.cmpf olt, %select_n3A_1075, %select_n3A_1074 : vector<128x128xf32>
    %select_n3A_1077 = arith.select %lt3A_1076, %select_n3A_1068, %select_n3A_1043 : vector<128x128xi1>, vector<128x128xf32>
    %select_n3A_1078 = arith.select %lt3A_1076, %select_n3A_1073, %select_n3A_1044 : vector<128x128xi1>, vector<128x128xf32>
    %shift_right_arithmetic3A_1079 = arith.constant 6 : i32
    %shift_right_arithmetic3A_1080 = vector.broadcast %shift_right_arithmetic3A_1079 : i32 to vector<128x128xi32>
    %shift_right_arithmetic3A_1081 = arith.shrsi %iota3A_5, %shift_right_arithmetic3A_1080 : vector<128x128xi32>
    %and3A_1082 = arith.constant 1 : i32
    %and3A_1083 = vector.broadcast %and3A_1082 : i32 to vector<128x128xi32>
    %and3A_1084 = arith.andi %shift_right_arithmetic3A_1081, %and3A_1083 : vector<128x128xi32>
    %eq3A_1085 = arith.constant 1 : i32
    %eq3A_1086 = vector.broadcast %eq3A_1085 : i32 to vector<128x128xi32>
    %eq3A_1087 = arith.cmpi eq, %and3A_1084, %eq3A_1086 : vector<128x128xi32>
    %xor3A_1088 = arith.xori %and3A_1050, %and3A_1084 : vector<128x128xi32>
    %eq3A_1089 = arith.constant 0 : i32
    %eq3A_1090 = vector.broadcast %eq3A_1089 : i32 to vector<128x128xi32>
    %eq3A_1091 = arith.cmpi eq, %xor3A_1088, %eq3A_1090 : vector<128x128xi32>
    %roll3A_1092 = arith.constant 64 : i32
    %roll3A_1093 = tpu.dynamic_rotate %select_n3A_1077 by %roll3A_1092 dim 1 : vector<128x128xf32>, i32 -> vector<128x128xf32>
    %roll3A_1094 = arith.constant 64 : i32
    %roll3A_1095 = tpu.dynamic_rotate %select_n3A_1077 by %roll3A_1094 dim 1 : vector<128x128xf32>, i32 -> vector<128x128xf32>
    %select_n3A_1096 = arith.select %eq3A_1087, %roll3A_1095, %roll3A_1093 : vector<128x128xi1>, vector<128x128xf32>
    %roll3A_1097 = arith.constant 64 : i32
    %roll3A_1098 = tpu.dynamic_rotate %select_n3A_1078 by %roll3A_1097 dim 1 : vector<128x128xf32>, i32 -> vector<128x128xf32>
    %roll3A_1099 = arith.constant 64 : i32
    %roll3A_1100 = tpu.dynamic_rotate %select_n3A_1078 by %roll3A_1099 dim 1 : vector<128x128xf32>, i32 -> vector<128x128xf32>
    %select_n3A_1101 = arith.select %eq3A_1087, %roll3A_1100, %roll3A_1098 : vector<128x128xi1>, vector<128x128xf32>
    %select_n3A_1102 = arith.select %eq3A_1091, %select_n3A_1077, %select_n3A_1096 : vector<128x128xi1>, vector<128x128xf32>
    %select_n3A_1103 = arith.select %eq3A_1091, %select_n3A_1096, %select_n3A_1077 : vector<128x128xi1>, vector<128x128xf32>
    %lt3A_1104 = arith.cmpf olt, %select_n3A_1103, %select_n3A_1102 : vector<128x128xf32>
    %select_n3A_1105 = arith.select %lt3A_1104, %select_n3A_1096, %select_n3A_1077 : vector<128x128xi1>, vector<128x128xf32>
    %select_n3A_1106 = arith.select %lt3A_1104, %select_n3A_1101, %select_n3A_1078 : vector<128x128xi1>, vector<128x128xf32>
    %shift_right_arithmetic3A_1107 = arith.constant 5 : i32
    %shift_right_arithmetic3A_1108 = vector.broadcast %shift_right_arithmetic3A_1107 : i32 to vector<128x128xi32>
    %shift_right_arithmetic3A_1109 = arith.shrsi %iota3A_5, %shift_right_arithmetic3A_1108 : vector<128x128xi32>
    %and3A_1110 = arith.constant 1 : i32
    %and3A_1111 = vector.broadcast %and3A_1110 : i32 to vector<128x128xi32>
    %and3A_1112 = arith.andi %shift_right_arithmetic3A_1109, %and3A_1111 : vector<128x128xi32>
    %eq3A_1113 = arith.constant 1 : i32
    %eq3A_1114 = vector.broadcast %eq3A_1113 : i32 to vector<128x128xi32>
    %eq3A_1115 = arith.cmpi eq, %and3A_1112, %eq3A_1114 : vector<128x128xi32>
    %xor3A_1116 = arith.xori %and3A_1050, %and3A_1112 : vector<128x128xi32>
    %eq3A_1117 = arith.constant 0 : i32
    %eq3A_1118 = vector.broadcast %eq3A_1117 : i32 to vector<128x128xi32>
    %eq3A_1119 = arith.cmpi eq, %xor3A_1116, %eq3A_1118 : vector<128x128xi32>
    %roll3A_1120 = arith.constant 96 : i32
    %roll3A_1121 = tpu.dynamic_rotate %select_n3A_1105 by %roll3A_1120 dim 1 : vector<128x128xf32>, i32 -> vector<128x128xf32>
    %roll3A_1122 = arith.constant 32 : i32
    %roll3A_1123 = tpu.dynamic_rotate %select_n3A_1105 by %roll3A_1122 dim 1 : vector<128x128xf32>, i32 -> vector<128x128xf32>
    %select_n3A_1124 = arith.select %eq3A_1115, %roll3A_1123, %roll3A_1121 : vector<128x128xi1>, vector<128x128xf32>
    %roll3A_1125 = arith.constant 96 : i32
    %roll3A_1126 = tpu.dynamic_rotate %select_n3A_1106 by %roll3A_1125 dim 1 : vector<128x128xf32>, i32 -> vector<128x128xf32>
    %roll3A_1127 = arith.constant 32 : i32
    %roll3A_1128 = tpu.dynamic_rotate %select_n3A_1106 by %roll3A_1127 dim 1 : vector<128x128xf32>, i32 -> vector<128x128xf32>
    %select_n3A_1129 = arith.select %eq3A_1115, %roll3A_1128, %roll3A_1126 : vector<128x128xi1>, vector<128x128xf32>
    %select_n3A_1130 = arith.select %eq3A_1119, %select_n3A_1105, %select_n3A_1124 : vector<128x128xi1>, vector<128x128xf32>
    %select_n3A_1131 = arith.select %eq3A_1119, %select_n3A_1124, %select_n3A_1105 : vector<128x128xi1>, vector<128x128xf32>
    %lt3A_1132 = arith.cmpf olt, %select_n3A_1131, %select_n3A_1130 : vector<128x128xf32>
    %select_n3A_1133 = arith.select %lt3A_1132, %select_n3A_1124, %select_n3A_1105 : vector<128x128xi1>, vector<128x128xf32>
    %select_n3A_1134 = arith.select %lt3A_1132, %select_n3A_1129, %select_n3A_1106 : vector<128x128xi1>, vector<128x128xf32>
    %shift_right_arithmetic3A_1135 = arith.constant 4 : i32
    %shift_right_arithmetic3A_1136 = vector.broadcast %shift_right_arithmetic3A_1135 : i32 to vector<128x128xi32>
    %shift_right_arithmetic3A_1137 = arith.shrsi %iota3A_5, %shift_right_arithmetic3A_1136 : vector<128x128xi32>
    %and3A_1138 = arith.constant 1 : i32
    %and3A_1139 = vector.broadcast %and3A_1138 : i32 to vector<128x128xi32>
    %and3A_1140 = arith.andi %shift_right_arithmetic3A_1137, %and3A_1139 : vector<128x128xi32>
    %eq3A_1141 = arith.constant 1 : i32
    %eq3A_1142 = vector.broadcast %eq3A_1141 : i32 to vector<128x128xi32>
    %eq3A_1143 = arith.cmpi eq, %and3A_1140, %eq3A_1142 : vector<128x128xi32>
    %xor3A_1144 = arith.xori %and3A_1050, %and3A_1140 : vector<128x128xi32>
    %eq3A_1145 = arith.constant 0 : i32
    %eq3A_1146 = vector.broadcast %eq3A_1145 : i32 to vector<128x128xi32>
    %eq3A_1147 = arith.cmpi eq, %xor3A_1144, %eq3A_1146 : vector<128x128xi32>
    %roll3A_1148 = arith.constant 112 : i32
    %roll3A_1149 = tpu.dynamic_rotate %select_n3A_1133 by %roll3A_1148 dim 1 : vector<128x128xf32>, i32 -> vector<128x128xf32>
    %roll3A_1150 = arith.constant 16 : i32
    %roll3A_1151 = tpu.dynamic_rotate %select_n3A_1133 by %roll3A_1150 dim 1 : vector<128x128xf32>, i32 -> vector<128x128xf32>
    %select_n3A_1152 = arith.select %eq3A_1143, %roll3A_1151, %roll3A_1149 : vector<128x128xi1>, vector<128x128xf32>
    %roll3A_1153 = arith.constant 112 : i32
    %roll3A_1154 = tpu.dynamic_rotate %select_n3A_1134 by %roll3A_1153 dim 1 : vector<128x128xf32>, i32 -> vector<128x128xf32>
    %roll3A_1155 = arith.constant 16 : i32
    %roll3A_1156 = tpu.dynamic_rotate %select_n3A_1134 by %roll3A_1155 dim 1 : vector<128x128xf32>, i32 -> vector<128x128xf32>
    %select_n3A_1157 = arith.select %eq3A_1143, %roll3A_1156, %roll3A_1154 : vector<128x128xi1>, vector<128x128xf32>
    %select_n3A_1158 = arith.select %eq3A_1147, %select_n3A_1133, %select_n3A_1152 : vector<128x128xi1>, vector<128x128xf32>
    %select_n3A_1159 = arith.select %eq3A_1147, %select_n3A_1152, %select_n3A_1133 : vector<128x128xi1>, vector<128x128xf32>
    %lt3A_1160 = arith.cmpf olt, %select_n3A_1159, %select_n3A_1158 : vector<128x128xf32>
    %select_n3A_1161 = arith.select %lt3A_1160, %select_n3A_1152, %select_n3A_1133 : vector<128x128xi1>, vector<128x128xf32>
    %select_n3A_1162 = arith.select %lt3A_1160, %select_n3A_1157, %select_n3A_1134 : vector<128x128xi1>, vector<128x128xf32>
    %shift_right_arithmetic3A_1163 = arith.constant 3 : i32
    %shift_right_arithmetic3A_1164 = vector.broadcast %shift_right_arithmetic3A_1163 : i32 to vector<128x128xi32>
    %shift_right_arithmetic3A_1165 = arith.shrsi %iota3A_5, %shift_right_arithmetic3A_1164 : vector<128x128xi32>
    %and3A_1166 = arith.constant 1 : i32
    %and3A_1167 = vector.broadcast %and3A_1166 : i32 to vector<128x128xi32>
    %and3A_1168 = arith.andi %shift_right_arithmetic3A_1165, %and3A_1167 : vector<128x128xi32>
    %eq3A_1169 = arith.constant 1 : i32
    %eq3A_1170 = vector.broadcast %eq3A_1169 : i32 to vector<128x128xi32>
    %eq3A_1171 = arith.cmpi eq, %and3A_1168, %eq3A_1170 : vector<128x128xi32>
    %xor3A_1172 = arith.xori %and3A_1050, %and3A_1168 : vector<128x128xi32>
    %eq3A_1173 = arith.constant 0 : i32
    %eq3A_1174 = vector.broadcast %eq3A_1173 : i32 to vector<128x128xi32>
    %eq3A_1175 = arith.cmpi eq, %xor3A_1172, %eq3A_1174 : vector<128x128xi32>
    %roll3A_1176 = arith.constant 120 : i32
    %roll3A_1177 = tpu.dynamic_rotate %select_n3A_1161 by %roll3A_1176 dim 1 : vector<128x128xf32>, i32 -> vector<128x128xf32>
    %roll3A_1178 = arith.constant 8 : i32
    %roll3A_1179 = tpu.dynamic_rotate %select_n3A_1161 by %roll3A_1178 dim 1 : vector<128x128xf32>, i32 -> vector<128x128xf32>
    %select_n3A_1180 = arith.select %eq3A_1171, %roll3A_1179, %roll3A_1177 : vector<128x128xi1>, vector<128x128xf32>
    %roll3A_1181 = arith.constant 120 : i32
    %roll3A_1182 = tpu.dynamic_rotate %select_n3A_1162 by %roll3A_1181 dim 1 : vector<128x128xf32>, i32 -> vector<128x128xf32>
    %roll3A_1183 = arith.constant 8 : i32
    %roll3A_1184 = tpu.dynamic_rotate %select_n3A_1162 by %roll3A_1183 dim 1 : vector<128x128xf32>, i32 -> vector<128x128xf32>
    %select_n3A_1185 = arith.select %eq3A_1171, %roll3A_1184, %roll3A_1182 : vector<128x128xi1>, vector<128x128xf32>
    %select_n3A_1186 = arith.select %eq3A_1175, %select_n3A_1161, %select_n3A_1180 : vector<128x128xi1>, vector<128x128xf32>
    %select_n3A_1187 = arith.select %eq3A_1175, %select_n3A_1180, %select_n3A_1161 : vector<128x128xi1>, vector<128x128xf32>
    %lt3A_1188 = arith.cmpf olt, %select_n3A_1187, %select_n3A_1186 : vector<128x128xf32>
    %select_n3A_1189 = arith.select %lt3A_1188, %select_n3A_1180, %select_n3A_1161 : vector<128x128xi1>, vector<128x128xf32>
    %select_n3A_1190 = arith.select %lt3A_1188, %select_n3A_1185, %select_n3A_1162 : vector<128x128xi1>, vector<128x128xf32>
    %shift_right_arithmetic3A_1191 = arith.constant 2 : i32
    %shift_right_arithmetic3A_1192 = vector.broadcast %shift_right_arithmetic3A_1191 : i32 to vector<128x128xi32>
    %shift_right_arithmetic3A_1193 = arith.shrsi %iota3A_5, %shift_right_arithmetic3A_1192 : vector<128x128xi32>
    %and3A_1194 = arith.constant 1 : i32
    %and3A_1195 = vector.broadcast %and3A_1194 : i32 to vector<128x128xi32>
    %and3A_1196 = arith.andi %shift_right_arithmetic3A_1193, %and3A_1195 : vector<128x128xi32>
    %eq3A_1197 = arith.constant 1 : i32
    %eq3A_1198 = vector.broadcast %eq3A_1197 : i32 to vector<128x128xi32>
    %eq3A_1199 = arith.cmpi eq, %and3A_1196, %eq3A_1198 : vector<128x128xi32>
    %xor3A_1200 = arith.xori %and3A_1050, %and3A_1196 : vector<128x128xi32>
    %eq3A_1201 = arith.constant 0 : i32
    %eq3A_1202 = vector.broadcast %eq3A_1201 : i32 to vector<128x128xi32>
    %eq3A_1203 = arith.cmpi eq, %xor3A_1200, %eq3A_1202 : vector<128x128xi32>
    %roll3A_1204 = arith.constant 124 : i32
    %roll3A_1205 = tpu.dynamic_rotate %select_n3A_1189 by %roll3A_1204 dim 1 : vector<128x128xf32>, i32 -> vector<128x128xf32>
    %roll3A_1206 = arith.constant 4 : i32
    %roll3A_1207 = tpu.dynamic_rotate %select_n3A_1189 by %roll3A_1206 dim 1 : vector<128x128xf32>, i32 -> vector<128x128xf32>
    %select_n3A_1208 = arith.select %eq3A_1199, %roll3A_1207, %roll3A_1205 : vector<128x128xi1>, vector<128x128xf32>
    %roll3A_1209 = arith.constant 124 : i32
    %roll3A_1210 = tpu.dynamic_rotate %select_n3A_1190 by %roll3A_1209 dim 1 : vector<128x128xf32>, i32 -> vector<128x128xf32>
    %roll3A_1211 = arith.constant 4 : i32
    %roll3A_1212 = tpu.dynamic_rotate %select_n3A_1190 by %roll3A_1211 dim 1 : vector<128x128xf32>, i32 -> vector<128x128xf32>
    %select_n3A_1213 = arith.select %eq3A_1199, %roll3A_1212, %roll3A_1210 : vector<128x128xi1>, vector<128x128xf32>
    %select_n3A_1214 = arith.select %eq3A_1203, %select_n3A_1189, %select_n3A_1208 : vector<128x128xi1>, vector<128x128xf32>
    %select_n3A_1215 = arith.select %eq3A_1203, %select_n3A_1208, %select_n3A_1189 : vector<128x128xi1>, vector<128x128xf32>
    %lt3A_1216 = arith.cmpf olt, %select_n3A_1215, %select_n3A_1214 : vector<128x128xf32>
    %select_n3A_1217 = arith.select %lt3A_1216, %select_n3A_1208, %select_n3A_1189 : vector<128x128xi1>, vector<128x128xf32>
    %select_n3A_1218 = arith.select %lt3A_1216, %select_n3A_1213, %select_n3A_1190 : vector<128x128xi1>, vector<128x128xf32>
    %shift_right_arithmetic3A_1219 = arith.constant 1 : i32
    %shift_right_arithmetic3A_1220 = vector.broadcast %shift_right_arithmetic3A_1219 : i32 to vector<128x128xi32>
    %shift_right_arithmetic3A_1221 = arith.shrsi %iota3A_5, %shift_right_arithmetic3A_1220 : vector<128x128xi32>
    %and3A_1222 = arith.constant 1 : i32
    %and3A_1223 = vector.broadcast %and3A_1222 : i32 to vector<128x128xi32>
    %and3A_1224 = arith.andi %shift_right_arithmetic3A_1221, %and3A_1223 : vector<128x128xi32>
    %eq3A_1225 = arith.constant 1 : i32
    %eq3A_1226 = vector.broadcast %eq3A_1225 : i32 to vector<128x128xi32>
    %eq3A_1227 = arith.cmpi eq, %and3A_1224, %eq3A_1226 : vector<128x128xi32>
    %xor3A_1228 = arith.xori %and3A_1050, %and3A_1224 : vector<128x128xi32>
    %eq3A_1229 = arith.constant 0 : i32
    %eq3A_1230 = vector.broadcast %eq3A_1229 : i32 to vector<128x128xi32>
    %eq3A_1231 = arith.cmpi eq, %xor3A_1228, %eq3A_1230 : vector<128x128xi32>
    %roll3A_1232 = arith.constant 126 : i32
    %roll3A_1233 = tpu.dynamic_rotate %select_n3A_1217 by %roll3A_1232 dim 1 : vector<128x128xf32>, i32 -> vector<128x128xf32>
    %roll3A_1234 = arith.constant 2 : i32
    %roll3A_1235 = tpu.dynamic_rotate %select_n3A_1217 by %roll3A_1234 dim 1 : vector<128x128xf32>, i32 -> vector<128x128xf32>
    %select_n3A_1236 = arith.select %eq3A_1227, %roll3A_1235, %roll3A_1233 : vector<128x128xi1>, vector<128x128xf32>
    %roll3A_1237 = arith.constant 126 : i32
    %roll3A_1238 = tpu.dynamic_rotate %select_n3A_1218 by %roll3A_1237 dim 1 : vector<128x128xf32>, i32 -> vector<128x128xf32>
    %roll3A_1239 = arith.constant 2 : i32
    %roll3A_1240 = tpu.dynamic_rotate %select_n3A_1218 by %roll3A_1239 dim 1 : vector<128x128xf32>, i32 -> vector<128x128xf32>
    %select_n3A_1241 = arith.select %eq3A_1227, %roll3A_1240, %roll3A_1238 : vector<128x128xi1>, vector<128x128xf32>
    %select_n3A_1242 = arith.select %eq3A_1231, %select_n3A_1217, %select_n3A_1236 : vector<128x128xi1>, vector<128x128xf32>
    %select_n3A_1243 = arith.select %eq3A_1231, %select_n3A_1236, %select_n3A_1217 : vector<128x128xi1>, vector<128x128xf32>
    %lt3A_1244 = arith.cmpf olt, %select_n3A_1243, %select_n3A_1242 : vector<128x128xf32>
    %select_n3A_1245 = arith.select %lt3A_1244, %select_n3A_1236, %select_n3A_1217 : vector<128x128xi1>, vector<128x128xf32>
    %select_n3A_1246 = arith.select %lt3A_1244, %select_n3A_1241, %select_n3A_1218 : vector<128x128xi1>, vector<128x128xf32>
    %shift_right_arithmetic3A_1247 = arith.constant 0 : i32
    %shift_right_arithmetic3A_1248 = vector.broadcast %shift_right_arithmetic3A_1247 : i32 to vector<128x128xi32>
    %shift_right_arithmetic3A_1249 = arith.shrsi %iota3A_5, %shift_right_arithmetic3A_1248 : vector<128x128xi32>
    %and3A_1250 = arith.constant 1 : i32
    %and3A_1251 = vector.broadcast %and3A_1250 : i32 to vector<128x128xi32>
    %and3A_1252 = arith.andi %shift_right_arithmetic3A_1249, %and3A_1251 : vector<128x128xi32>
    %eq3A_1253 = arith.constant 1 : i32
    %eq3A_1254 = vector.broadcast %eq3A_1253 : i32 to vector<128x128xi32>
    %eq3A_1255 = arith.cmpi eq, %and3A_1252, %eq3A_1254 : vector<128x128xi32>
    %xor3A_1256 = arith.xori %and3A_1050, %and3A_1252 : vector<128x128xi32>
    %eq3A_1257 = arith.constant 0 : i32
    %eq3A_1258 = vector.broadcast %eq3A_1257 : i32 to vector<128x128xi32>
    %eq3A_1259 = arith.cmpi eq, %xor3A_1256, %eq3A_1258 : vector<128x128xi32>
    %roll3A_1260 = arith.constant 127 : i32
    %roll3A_1261 = tpu.dynamic_rotate %select_n3A_1245 by %roll3A_1260 dim 1 : vector<128x128xf32>, i32 -> vector<128x128xf32>
    %roll3A_1262 = arith.constant 1 : i32
    %roll3A_1263 = tpu.dynamic_rotate %select_n3A_1245 by %roll3A_1262 dim 1 : vector<128x128xf32>, i32 -> vector<128x128xf32>
    %select_n3A_1264 = arith.select %eq3A_1255, %roll3A_1263, %roll3A_1261 : vector<128x128xi1>, vector<128x128xf32>
    %roll3A_1265 = arith.constant 127 : i32
    %roll3A_1266 = tpu.dynamic_rotate %select_n3A_1246 by %roll3A_1265 dim 1 : vector<128x128xf32>, i32 -> vector<128x128xf32>
    %roll3A_1267 = arith.constant 1 : i32
    %roll3A_1268 = tpu.dynamic_rotate %select_n3A_1246 by %roll3A_1267 dim 1 : vector<128x128xf32>, i32 -> vector<128x128xf32>
    %select_n3A_1269 = arith.select %eq3A_1255, %roll3A_1268, %roll3A_1266 : vector<128x128xi1>, vector<128x128xf32>
    %select_n3A_1270 = arith.select %eq3A_1259, %select_n3A_1245, %select_n3A_1264 : vector<128x128xi1>, vector<128x128xf32>
    %select_n3A_1271 = arith.select %eq3A_1259, %select_n3A_1264, %select_n3A_1245 : vector<128x128xi1>, vector<128x128xf32>
    %lt3A_1272 = arith.cmpf olt, %select_n3A_1271, %select_n3A_1270 : vector<128x128xf32>
    %select_n3A_1273 = arith.select %lt3A_1272, %select_n3A_1264, %select_n3A_1245 : vector<128x128xi1>, vector<128x128xf32>
    %select_n3A_1274 = arith.select %lt3A_1272, %select_n3A_1269, %select_n3A_1246 : vector<128x128xi1>, vector<128x128xf32>
    %shift_right_arithmetic3A_1275 = arith.constant 2 : i32
    %shift_right_arithmetic3A_1276 = vector.broadcast %shift_right_arithmetic3A_1275 : i32 to vector<128x128xi32>
    %shift_right_arithmetic3A_1277 = arith.shrsi %iota3A, %shift_right_arithmetic3A_1276 : vector<128x128xi32>
    %and3A_1278 = arith.constant 1 : i32
    %and3A_1279 = vector.broadcast %and3A_1278 : i32 to vector<128x128xi32>
    %and3A_1280 = arith.andi %shift_right_arithmetic3A_1277, %and3A_1279 : vector<128x128xi32>
    %shift_right_arithmetic3A_1281 = arith.constant 1 : i32
    %shift_right_arithmetic3A_1282 = vector.broadcast %shift_right_arithmetic3A_1281 : i32 to vector<128x128xi32>
    %shift_right_arithmetic3A_1283 = arith.shrsi %iota3A, %shift_right_arithmetic3A_1282 : vector<128x128xi32>
    %and3A_1284 = arith.constant 1 : i32
    %and3A_1285 = vector.broadcast %and3A_1284 : i32 to vector<128x128xi32>
    %and3A_1286 = arith.andi %shift_right_arithmetic3A_1283, %and3A_1285 : vector<128x128xi32>
    %eq3A_1287 = arith.constant 1 : i32
    %eq3A_1288 = vector.broadcast %eq3A_1287 : i32 to vector<128x128xi32>
    %eq3A_1289 = arith.cmpi eq, %and3A_1286, %eq3A_1288 : vector<128x128xi32>
    %xor3A_1290 = arith.xori %and3A_1280, %and3A_1286 : vector<128x128xi32>
    %eq3A_1291 = arith.constant 0 : i32
    %eq3A_1292 = vector.broadcast %eq3A_1291 : i32 to vector<128x128xi32>
    %eq3A_1293 = arith.cmpi eq, %xor3A_1290, %eq3A_1292 : vector<128x128xi32>
    %roll3A_1294 = arith.constant 126 : i32
    %roll3A_1295 = tpu.dynamic_rotate %select_n3A_1273 by %roll3A_1294 dim 0 : vector<128x128xf32>, i32 -> vector<128x128xf32>
    %roll3A_1296 = arith.constant 2 : i32
    %roll3A_1297 = tpu.dynamic_rotate %select_n3A_1273 by %roll3A_1296 dim 0 : vector<128x128xf32>, i32 -> vector<128x128xf32>
    %select_n3A_1298 = arith.select %eq3A_1289, %roll3A_1297, %roll3A_1295 : vector<128x128xi1>, vector<128x128xf32>
    %roll3A_1299 = arith.constant 126 : i32
    %roll3A_1300 = tpu.dynamic_rotate %select_n3A_1274 by %roll3A_1299 dim 0 : vector<128x128xf32>, i32 -> vector<128x128xf32>
    %roll3A_1301 = arith.constant 2 : i32
    %roll3A_1302 = tpu.dynamic_rotate %select_n3A_1274 by %roll3A_1301 dim 0 : vector<128x128xf32>, i32 -> vector<128x128xf32>
    %select_n3A_1303 = arith.select %eq3A_1289, %roll3A_1302, %roll3A_1300 : vector<128x128xi1>, vector<128x128xf32>
    %select_n3A_1304 = arith.select %eq3A_1293, %select_n3A_1273, %select_n3A_1298 : vector<128x128xi1>, vector<128x128xf32>
    %select_n3A_1305 = arith.select %eq3A_1293, %select_n3A_1298, %select_n3A_1273 : vector<128x128xi1>, vector<128x128xf32>
    %lt3A_1306 = arith.cmpf olt, %select_n3A_1305, %select_n3A_1304 : vector<128x128xf32>
    %select_n3A_1307 = arith.select %lt3A_1306, %select_n3A_1298, %select_n3A_1273 : vector<128x128xi1>, vector<128x128xf32>
    %select_n3A_1308 = arith.select %lt3A_1306, %select_n3A_1303, %select_n3A_1274 : vector<128x128xi1>, vector<128x128xf32>
    %shift_right_arithmetic3A_1309 = arith.constant 0 : i32
    %shift_right_arithmetic3A_1310 = vector.broadcast %shift_right_arithmetic3A_1309 : i32 to vector<128x128xi32>
    %shift_right_arithmetic3A_1311 = arith.shrsi %iota3A, %shift_right_arithmetic3A_1310 : vector<128x128xi32>
    %and3A_1312 = arith.constant 1 : i32
    %and3A_1313 = vector.broadcast %and3A_1312 : i32 to vector<128x128xi32>
    %and3A_1314 = arith.andi %shift_right_arithmetic3A_1311, %and3A_1313 : vector<128x128xi32>
    %eq3A_1315 = arith.constant 1 : i32
    %eq3A_1316 = vector.broadcast %eq3A_1315 : i32 to vector<128x128xi32>
    %eq3A_1317 = arith.cmpi eq, %and3A_1314, %eq3A_1316 : vector<128x128xi32>
    %xor3A_1318 = arith.xori %and3A_1280, %and3A_1314 : vector<128x128xi32>
    %eq3A_1319 = arith.constant 0 : i32
    %eq3A_1320 = vector.broadcast %eq3A_1319 : i32 to vector<128x128xi32>
    %eq3A_1321 = arith.cmpi eq, %xor3A_1318, %eq3A_1320 : vector<128x128xi32>
    %roll3A_1322 = arith.constant 127 : i32
    %roll3A_1323 = tpu.dynamic_rotate %select_n3A_1307 by %roll3A_1322 dim 0 : vector<128x128xf32>, i32 -> vector<128x128xf32>
    %roll3A_1324 = arith.constant 1 : i32
    %roll3A_1325 = tpu.dynamic_rotate %select_n3A_1307 by %roll3A_1324 dim 0 : vector<128x128xf32>, i32 -> vector<128x128xf32>
    %select_n3A_1326 = arith.select %eq3A_1317, %roll3A_1325, %roll3A_1323 : vector<128x128xi1>, vector<128x128xf32>
    %roll3A_1327 = arith.constant 127 : i32
    %roll3A_1328 = tpu.dynamic_rotate %select_n3A_1308 by %roll3A_1327 dim 0 : vector<128x128xf32>, i32 -> vector<128x128xf32>
    %roll3A_1329 = arith.constant 1 : i32
    %roll3A_1330 = tpu.dynamic_rotate %select_n3A_1308 by %roll3A_1329 dim 0 : vector<128x128xf32>, i32 -> vector<128x128xf32>
    %select_n3A_1331 = arith.select %eq3A_1317, %roll3A_1330, %roll3A_1328 : vector<128x128xi1>, vector<128x128xf32>
    %select_n3A_1332 = arith.select %eq3A_1321, %select_n3A_1307, %select_n3A_1326 : vector<128x128xi1>, vector<128x128xf32>
    %select_n3A_1333 = arith.select %eq3A_1321, %select_n3A_1326, %select_n3A_1307 : vector<128x128xi1>, vector<128x128xf32>
    %lt3A_1334 = arith.cmpf olt, %select_n3A_1333, %select_n3A_1332 : vector<128x128xf32>
    %select_n3A_1335 = arith.select %lt3A_1334, %select_n3A_1326, %select_n3A_1307 : vector<128x128xi1>, vector<128x128xf32>
    %select_n3A_1336 = arith.select %lt3A_1334, %select_n3A_1331, %select_n3A_1308 : vector<128x128xi1>, vector<128x128xf32>
    %shift_right_arithmetic3A_1337 = arith.constant 6 : i32
    %shift_right_arithmetic3A_1338 = vector.broadcast %shift_right_arithmetic3A_1337 : i32 to vector<128x128xi32>
    %shift_right_arithmetic3A_1339 = arith.shrsi %iota3A_5, %shift_right_arithmetic3A_1338 : vector<128x128xi32>
    %and3A_1340 = arith.constant 1 : i32
    %and3A_1341 = vector.broadcast %and3A_1340 : i32 to vector<128x128xi32>
    %and3A_1342 = arith.andi %shift_right_arithmetic3A_1339, %and3A_1341 : vector<128x128xi32>
    %eq3A_1343 = arith.constant 1 : i32
    %eq3A_1344 = vector.broadcast %eq3A_1343 : i32 to vector<128x128xi32>
    %eq3A_1345 = arith.cmpi eq, %and3A_1342, %eq3A_1344 : vector<128x128xi32>
    %xor3A_1346 = arith.xori %and3A_1280, %and3A_1342 : vector<128x128xi32>
    %eq3A_1347 = arith.constant 0 : i32
    %eq3A_1348 = vector.broadcast %eq3A_1347 : i32 to vector<128x128xi32>
    %eq3A_1349 = arith.cmpi eq, %xor3A_1346, %eq3A_1348 : vector<128x128xi32>
    %roll3A_1350 = arith.constant 64 : i32
    %roll3A_1351 = tpu.dynamic_rotate %select_n3A_1335 by %roll3A_1350 dim 1 : vector<128x128xf32>, i32 -> vector<128x128xf32>
    %roll3A_1352 = arith.constant 64 : i32
    %roll3A_1353 = tpu.dynamic_rotate %select_n3A_1335 by %roll3A_1352 dim 1 : vector<128x128xf32>, i32 -> vector<128x128xf32>
    %select_n3A_1354 = arith.select %eq3A_1345, %roll3A_1353, %roll3A_1351 : vector<128x128xi1>, vector<128x128xf32>
    %roll3A_1355 = arith.constant 64 : i32
    %roll3A_1356 = tpu.dynamic_rotate %select_n3A_1336 by %roll3A_1355 dim 1 : vector<128x128xf32>, i32 -> vector<128x128xf32>
    %roll3A_1357 = arith.constant 64 : i32
    %roll3A_1358 = tpu.dynamic_rotate %select_n3A_1336 by %roll3A_1357 dim 1 : vector<128x128xf32>, i32 -> vector<128x128xf32>
    %select_n3A_1359 = arith.select %eq3A_1345, %roll3A_1358, %roll3A_1356 : vector<128x128xi1>, vector<128x128xf32>
    %select_n3A_1360 = arith.select %eq3A_1349, %select_n3A_1335, %select_n3A_1354 : vector<128x128xi1>, vector<128x128xf32>
    %select_n3A_1361 = arith.select %eq3A_1349, %select_n3A_1354, %select_n3A_1335 : vector<128x128xi1>, vector<128x128xf32>
    %lt3A_1362 = arith.cmpf olt, %select_n3A_1361, %select_n3A_1360 : vector<128x128xf32>
    %select_n3A_1363 = arith.select %lt3A_1362, %select_n3A_1354, %select_n3A_1335 : vector<128x128xi1>, vector<128x128xf32>
    %select_n3A_1364 = arith.select %lt3A_1362, %select_n3A_1359, %select_n3A_1336 : vector<128x128xi1>, vector<128x128xf32>
    %shift_right_arithmetic3A_1365 = arith.constant 5 : i32
    %shift_right_arithmetic3A_1366 = vector.broadcast %shift_right_arithmetic3A_1365 : i32 to vector<128x128xi32>
    %shift_right_arithmetic3A_1367 = arith.shrsi %iota3A_5, %shift_right_arithmetic3A_1366 : vector<128x128xi32>
    %and3A_1368 = arith.constant 1 : i32
    %and3A_1369 = vector.broadcast %and3A_1368 : i32 to vector<128x128xi32>
    %and3A_1370 = arith.andi %shift_right_arithmetic3A_1367, %and3A_1369 : vector<128x128xi32>
    %eq3A_1371 = arith.constant 1 : i32
    %eq3A_1372 = vector.broadcast %eq3A_1371 : i32 to vector<128x128xi32>
    %eq3A_1373 = arith.cmpi eq, %and3A_1370, %eq3A_1372 : vector<128x128xi32>
    %xor3A_1374 = arith.xori %and3A_1280, %and3A_1370 : vector<128x128xi32>
    %eq3A_1375 = arith.constant 0 : i32
    %eq3A_1376 = vector.broadcast %eq3A_1375 : i32 to vector<128x128xi32>
    %eq3A_1377 = arith.cmpi eq, %xor3A_1374, %eq3A_1376 : vector<128x128xi32>
    %roll3A_1378 = arith.constant 96 : i32
    %roll3A_1379 = tpu.dynamic_rotate %select_n3A_1363 by %roll3A_1378 dim 1 : vector<128x128xf32>, i32 -> vector<128x128xf32>
    %roll3A_1380 = arith.constant 32 : i32
    %roll3A_1381 = tpu.dynamic_rotate %select_n3A_1363 by %roll3A_1380 dim 1 : vector<128x128xf32>, i32 -> vector<128x128xf32>
    %select_n3A_1382 = arith.select %eq3A_1373, %roll3A_1381, %roll3A_1379 : vector<128x128xi1>, vector<128x128xf32>
    %roll3A_1383 = arith.constant 96 : i32
    %roll3A_1384 = tpu.dynamic_rotate %select_n3A_1364 by %roll3A_1383 dim 1 : vector<128x128xf32>, i32 -> vector<128x128xf32>
    %roll3A_1385 = arith.constant 32 : i32
    %roll3A_1386 = tpu.dynamic_rotate %select_n3A_1364 by %roll3A_1385 dim 1 : vector<128x128xf32>, i32 -> vector<128x128xf32>
    %select_n3A_1387 = arith.select %eq3A_1373, %roll3A_1386, %roll3A_1384 : vector<128x128xi1>, vector<128x128xf32>
    %select_n3A_1388 = arith.select %eq3A_1377, %select_n3A_1363, %select_n3A_1382 : vector<128x128xi1>, vector<128x128xf32>
    %select_n3A_1389 = arith.select %eq3A_1377, %select_n3A_1382, %select_n3A_1363 : vector<128x128xi1>, vector<128x128xf32>
    %lt3A_1390 = arith.cmpf olt, %select_n3A_1389, %select_n3A_1388 : vector<128x128xf32>
    %select_n3A_1391 = arith.select %lt3A_1390, %select_n3A_1382, %select_n3A_1363 : vector<128x128xi1>, vector<128x128xf32>
    %select_n3A_1392 = arith.select %lt3A_1390, %select_n3A_1387, %select_n3A_1364 : vector<128x128xi1>, vector<128x128xf32>
    %shift_right_arithmetic3A_1393 = arith.constant 4 : i32
    %shift_right_arithmetic3A_1394 = vector.broadcast %shift_right_arithmetic3A_1393 : i32 to vector<128x128xi32>
    %shift_right_arithmetic3A_1395 = arith.shrsi %iota3A_5, %shift_right_arithmetic3A_1394 : vector<128x128xi32>
    %and3A_1396 = arith.constant 1 : i32
    %and3A_1397 = vector.broadcast %and3A_1396 : i32 to vector<128x128xi32>
    %and3A_1398 = arith.andi %shift_right_arithmetic3A_1395, %and3A_1397 : vector<128x128xi32>
    %eq3A_1399 = arith.constant 1 : i32
    %eq3A_1400 = vector.broadcast %eq3A_1399 : i32 to vector<128x128xi32>
    %eq3A_1401 = arith.cmpi eq, %and3A_1398, %eq3A_1400 : vector<128x128xi32>
    %xor3A_1402 = arith.xori %and3A_1280, %and3A_1398 : vector<128x128xi32>
    %eq3A_1403 = arith.constant 0 : i32
    %eq3A_1404 = vector.broadcast %eq3A_1403 : i32 to vector<128x128xi32>
    %eq3A_1405 = arith.cmpi eq, %xor3A_1402, %eq3A_1404 : vector<128x128xi32>
    %roll3A_1406 = arith.constant 112 : i32
    %roll3A_1407 = tpu.dynamic_rotate %select_n3A_1391 by %roll3A_1406 dim 1 : vector<128x128xf32>, i32 -> vector<128x128xf32>
    %roll3A_1408 = arith.constant 16 : i32
    %roll3A_1409 = tpu.dynamic_rotate %select_n3A_1391 by %roll3A_1408 dim 1 : vector<128x128xf32>, i32 -> vector<128x128xf32>
    %select_n3A_1410 = arith.select %eq3A_1401, %roll3A_1409, %roll3A_1407 : vector<128x128xi1>, vector<128x128xf32>
    %roll3A_1411 = arith.constant 112 : i32
    %roll3A_1412 = tpu.dynamic_rotate %select_n3A_1392 by %roll3A_1411 dim 1 : vector<128x128xf32>, i32 -> vector<128x128xf32>
    %roll3A_1413 = arith.constant 16 : i32
    %roll3A_1414 = tpu.dynamic_rotate %select_n3A_1392 by %roll3A_1413 dim 1 : vector<128x128xf32>, i32 -> vector<128x128xf32>
    %select_n3A_1415 = arith.select %eq3A_1401, %roll3A_1414, %roll3A_1412 : vector<128x128xi1>, vector<128x128xf32>
    %select_n3A_1416 = arith.select %eq3A_1405, %select_n3A_1391, %select_n3A_1410 : vector<128x128xi1>, vector<128x128xf32>
    %select_n3A_1417 = arith.select %eq3A_1405, %select_n3A_1410, %select_n3A_1391 : vector<128x128xi1>, vector<128x128xf32>
    %lt3A_1418 = arith.cmpf olt, %select_n3A_1417, %select_n3A_1416 : vector<128x128xf32>
    %select_n3A_1419 = arith.select %lt3A_1418, %select_n3A_1410, %select_n3A_1391 : vector<128x128xi1>, vector<128x128xf32>
    %select_n3A_1420 = arith.select %lt3A_1418, %select_n3A_1415, %select_n3A_1392 : vector<128x128xi1>, vector<128x128xf32>
    %shift_right_arithmetic3A_1421 = arith.constant 3 : i32
    %shift_right_arithmetic3A_1422 = vector.broadcast %shift_right_arithmetic3A_1421 : i32 to vector<128x128xi32>
    %shift_right_arithmetic3A_1423 = arith.shrsi %iota3A_5, %shift_right_arithmetic3A_1422 : vector<128x128xi32>
    %and3A_1424 = arith.constant 1 : i32
    %and3A_1425 = vector.broadcast %and3A_1424 : i32 to vector<128x128xi32>
    %and3A_1426 = arith.andi %shift_right_arithmetic3A_1423, %and3A_1425 : vector<128x128xi32>
    %eq3A_1427 = arith.constant 1 : i32
    %eq3A_1428 = vector.broadcast %eq3A_1427 : i32 to vector<128x128xi32>
    %eq3A_1429 = arith.cmpi eq, %and3A_1426, %eq3A_1428 : vector<128x128xi32>
    %xor3A_1430 = arith.xori %and3A_1280, %and3A_1426 : vector<128x128xi32>
    %eq3A_1431 = arith.constant 0 : i32
    %eq3A_1432 = vector.broadcast %eq3A_1431 : i32 to vector<128x128xi32>
    %eq3A_1433 = arith.cmpi eq, %xor3A_1430, %eq3A_1432 : vector<128x128xi32>
    %roll3A_1434 = arith.constant 120 : i32
    %roll3A_1435 = tpu.dynamic_rotate %select_n3A_1419 by %roll3A_1434 dim 1 : vector<128x128xf32>, i32 -> vector<128x128xf32>
    %roll3A_1436 = arith.constant 8 : i32
    %roll3A_1437 = tpu.dynamic_rotate %select_n3A_1419 by %roll3A_1436 dim 1 : vector<128x128xf32>, i32 -> vector<128x128xf32>
    %select_n3A_1438 = arith.select %eq3A_1429, %roll3A_1437, %roll3A_1435 : vector<128x128xi1>, vector<128x128xf32>
    %roll3A_1439 = arith.constant 120 : i32
    %roll3A_1440 = tpu.dynamic_rotate %select_n3A_1420 by %roll3A_1439 dim 1 : vector<128x128xf32>, i32 -> vector<128x128xf32>
    %roll3A_1441 = arith.constant 8 : i32
    %roll3A_1442 = tpu.dynamic_rotate %select_n3A_1420 by %roll3A_1441 dim 1 : vector<128x128xf32>, i32 -> vector<128x128xf32>
    %select_n3A_1443 = arith.select %eq3A_1429, %roll3A_1442, %roll3A_1440 : vector<128x128xi1>, vector<128x128xf32>
    %select_n3A_1444 = arith.select %eq3A_1433, %select_n3A_1419, %select_n3A_1438 : vector<128x128xi1>, vector<128x128xf32>
    %select_n3A_1445 = arith.select %eq3A_1433, %select_n3A_1438, %select_n3A_1419 : vector<128x128xi1>, vector<128x128xf32>
    %lt3A_1446 = arith.cmpf olt, %select_n3A_1445, %select_n3A_1444 : vector<128x128xf32>
    %select_n3A_1447 = arith.select %lt3A_1446, %select_n3A_1438, %select_n3A_1419 : vector<128x128xi1>, vector<128x128xf32>
    %select_n3A_1448 = arith.select %lt3A_1446, %select_n3A_1443, %select_n3A_1420 : vector<128x128xi1>, vector<128x128xf32>
    %shift_right_arithmetic3A_1449 = arith.constant 2 : i32
    %shift_right_arithmetic3A_1450 = vector.broadcast %shift_right_arithmetic3A_1449 : i32 to vector<128x128xi32>
    %shift_right_arithmetic3A_1451 = arith.shrsi %iota3A_5, %shift_right_arithmetic3A_1450 : vector<128x128xi32>
    %and3A_1452 = arith.constant 1 : i32
    %and3A_1453 = vector.broadcast %and3A_1452 : i32 to vector<128x128xi32>
    %and3A_1454 = arith.andi %shift_right_arithmetic3A_1451, %and3A_1453 : vector<128x128xi32>
    %eq3A_1455 = arith.constant 1 : i32
    %eq3A_1456 = vector.broadcast %eq3A_1455 : i32 to vector<128x128xi32>
    %eq3A_1457 = arith.cmpi eq, %and3A_1454, %eq3A_1456 : vector<128x128xi32>
    %xor3A_1458 = arith.xori %and3A_1280, %and3A_1454 : vector<128x128xi32>
    %eq3A_1459 = arith.constant 0 : i32
    %eq3A_1460 = vector.broadcast %eq3A_1459 : i32 to vector<128x128xi32>
    %eq3A_1461 = arith.cmpi eq, %xor3A_1458, %eq3A_1460 : vector<128x128xi32>
    %roll3A_1462 = arith.constant 124 : i32
    %roll3A_1463 = tpu.dynamic_rotate %select_n3A_1447 by %roll3A_1462 dim 1 : vector<128x128xf32>, i32 -> vector<128x128xf32>
    %roll3A_1464 = arith.constant 4 : i32
    %roll3A_1465 = tpu.dynamic_rotate %select_n3A_1447 by %roll3A_1464 dim 1 : vector<128x128xf32>, i32 -> vector<128x128xf32>
    %select_n3A_1466 = arith.select %eq3A_1457, %roll3A_1465, %roll3A_1463 : vector<128x128xi1>, vector<128x128xf32>
    %roll3A_1467 = arith.constant 124 : i32
    %roll3A_1468 = tpu.dynamic_rotate %select_n3A_1448 by %roll3A_1467 dim 1 : vector<128x128xf32>, i32 -> vector<128x128xf32>
    %roll3A_1469 = arith.constant 4 : i32
    %roll3A_1470 = tpu.dynamic_rotate %select_n3A_1448 by %roll3A_1469 dim 1 : vector<128x128xf32>, i32 -> vector<128x128xf32>
    %select_n3A_1471 = arith.select %eq3A_1457, %roll3A_1470, %roll3A_1468 : vector<128x128xi1>, vector<128x128xf32>
    %select_n3A_1472 = arith.select %eq3A_1461, %select_n3A_1447, %select_n3A_1466 : vector<128x128xi1>, vector<128x128xf32>
    %select_n3A_1473 = arith.select %eq3A_1461, %select_n3A_1466, %select_n3A_1447 : vector<128x128xi1>, vector<128x128xf32>
    %lt3A_1474 = arith.cmpf olt, %select_n3A_1473, %select_n3A_1472 : vector<128x128xf32>
    %select_n3A_1475 = arith.select %lt3A_1474, %select_n3A_1466, %select_n3A_1447 : vector<128x128xi1>, vector<128x128xf32>
    %select_n3A_1476 = arith.select %lt3A_1474, %select_n3A_1471, %select_n3A_1448 : vector<128x128xi1>, vector<128x128xf32>
    %shift_right_arithmetic3A_1477 = arith.constant 1 : i32
    %shift_right_arithmetic3A_1478 = vector.broadcast %shift_right_arithmetic3A_1477 : i32 to vector<128x128xi32>
    %shift_right_arithmetic3A_1479 = arith.shrsi %iota3A_5, %shift_right_arithmetic3A_1478 : vector<128x128xi32>
    %and3A_1480 = arith.constant 1 : i32
    %and3A_1481 = vector.broadcast %and3A_1480 : i32 to vector<128x128xi32>
    %and3A_1482 = arith.andi %shift_right_arithmetic3A_1479, %and3A_1481 : vector<128x128xi32>
    %eq3A_1483 = arith.constant 1 : i32
    %eq3A_1484 = vector.broadcast %eq3A_1483 : i32 to vector<128x128xi32>
    %eq3A_1485 = arith.cmpi eq, %and3A_1482, %eq3A_1484 : vector<128x128xi32>
    %xor3A_1486 = arith.xori %and3A_1280, %and3A_1482 : vector<128x128xi32>
    %eq3A_1487 = arith.constant 0 : i32
    %eq3A_1488 = vector.broadcast %eq3A_1487 : i32 to vector<128x128xi32>
    %eq3A_1489 = arith.cmpi eq, %xor3A_1486, %eq3A_1488 : vector<128x128xi32>
    %roll3A_1490 = arith.constant 126 : i32
    %roll3A_1491 = tpu.dynamic_rotate %select_n3A_1475 by %roll3A_1490 dim 1 : vector<128x128xf32>, i32 -> vector<128x128xf32>
    %roll3A_1492 = arith.constant 2 : i32
    %roll3A_1493 = tpu.dynamic_rotate %select_n3A_1475 by %roll3A_1492 dim 1 : vector<128x128xf32>, i32 -> vector<128x128xf32>
    %select_n3A_1494 = arith.select %eq3A_1485, %roll3A_1493, %roll3A_1491 : vector<128x128xi1>, vector<128x128xf32>
    %roll3A_1495 = arith.constant 126 : i32
    %roll3A_1496 = tpu.dynamic_rotate %select_n3A_1476 by %roll3A_1495 dim 1 : vector<128x128xf32>, i32 -> vector<128x128xf32>
    %roll3A_1497 = arith.constant 2 : i32
    %roll3A_1498 = tpu.dynamic_rotate %select_n3A_1476 by %roll3A_1497 dim 1 : vector<128x128xf32>, i32 -> vector<128x128xf32>
    %select_n3A_1499 = arith.select %eq3A_1485, %roll3A_1498, %roll3A_1496 : vector<128x128xi1>, vector<128x128xf32>
    %select_n3A_1500 = arith.select %eq3A_1489, %select_n3A_1475, %select_n3A_1494 : vector<128x128xi1>, vector<128x128xf32>
    %select_n3A_1501 = arith.select %eq3A_1489, %select_n3A_1494, %select_n3A_1475 : vector<128x128xi1>, vector<128x128xf32>
    %lt3A_1502 = arith.cmpf olt, %select_n3A_1501, %select_n3A_1500 : vector<128x128xf32>
    %select_n3A_1503 = arith.select %lt3A_1502, %select_n3A_1494, %select_n3A_1475 : vector<128x128xi1>, vector<128x128xf32>
    %select_n3A_1504 = arith.select %lt3A_1502, %select_n3A_1499, %select_n3A_1476 : vector<128x128xi1>, vector<128x128xf32>
    %shift_right_arithmetic3A_1505 = arith.constant 0 : i32
    %shift_right_arithmetic3A_1506 = vector.broadcast %shift_right_arithmetic3A_1505 : i32 to vector<128x128xi32>
    %shift_right_arithmetic3A_1507 = arith.shrsi %iota3A_5, %shift_right_arithmetic3A_1506 : vector<128x128xi32>
    %and3A_1508 = arith.constant 1 : i32
    %and3A_1509 = vector.broadcast %and3A_1508 : i32 to vector<128x128xi32>
    %and3A_1510 = arith.andi %shift_right_arithmetic3A_1507, %and3A_1509 : vector<128x128xi32>
    %eq3A_1511 = arith.constant 1 : i32
    %eq3A_1512 = vector.broadcast %eq3A_1511 : i32 to vector<128x128xi32>
    %eq3A_1513 = arith.cmpi eq, %and3A_1510, %eq3A_1512 : vector<128x128xi32>
    %xor3A_1514 = arith.xori %and3A_1280, %and3A_1510 : vector<128x128xi32>
    %eq3A_1515 = arith.constant 0 : i32
    %eq3A_1516 = vector.broadcast %eq3A_1515 : i32 to vector<128x128xi32>
    %eq3A_1517 = arith.cmpi eq, %xor3A_1514, %eq3A_1516 : vector<128x128xi32>
    %roll3A_1518 = arith.constant 127 : i32
    %roll3A_1519 = tpu.dynamic_rotate %select_n3A_1503 by %roll3A_1518 dim 1 : vector<128x128xf32>, i32 -> vector<128x128xf32>
    %roll3A_1520 = arith.constant 1 : i32
    %roll3A_1521 = tpu.dynamic_rotate %select_n3A_1503 by %roll3A_1520 dim 1 : vector<128x128xf32>, i32 -> vector<128x128xf32>
    %select_n3A_1522 = arith.select %eq3A_1513, %roll3A_1521, %roll3A_1519 : vector<128x128xi1>, vector<128x128xf32>
    %roll3A_1523 = arith.constant 127 : i32
    %roll3A_1524 = tpu.dynamic_rotate %select_n3A_1504 by %roll3A_1523 dim 1 : vector<128x128xf32>, i32 -> vector<128x128xf32>
    %roll3A_1525 = arith.constant 1 : i32
    %roll3A_1526 = tpu.dynamic_rotate %select_n3A_1504 by %roll3A_1525 dim 1 : vector<128x128xf32>, i32 -> vector<128x128xf32>
    %select_n3A_1527 = arith.select %eq3A_1513, %roll3A_1526, %roll3A_1524 : vector<128x128xi1>, vector<128x128xf32>
    %select_n3A_1528 = arith.select %eq3A_1517, %select_n3A_1503, %select_n3A_1522 : vector<128x128xi1>, vector<128x128xf32>
    %select_n3A_1529 = arith.select %eq3A_1517, %select_n3A_1522, %select_n3A_1503 : vector<128x128xi1>, vector<128x128xf32>
    %lt3A_1530 = arith.cmpf olt, %select_n3A_1529, %select_n3A_1528 : vector<128x128xf32>
    %select_n3A_1531 = arith.select %lt3A_1530, %select_n3A_1522, %select_n3A_1503 : vector<128x128xi1>, vector<128x128xf32>
    %select_n3A_1532 = arith.select %lt3A_1530, %select_n3A_1527, %select_n3A_1504 : vector<128x128xi1>, vector<128x128xf32>
    %shift_right_arithmetic3A_1533 = arith.constant 3 : i32
    %shift_right_arithmetic3A_1534 = vector.broadcast %shift_right_arithmetic3A_1533 : i32 to vector<128x128xi32>
    %shift_right_arithmetic3A_1535 = arith.shrsi %iota3A, %shift_right_arithmetic3A_1534 : vector<128x128xi32>
    %and3A_1536 = arith.constant 1 : i32
    %and3A_1537 = vector.broadcast %and3A_1536 : i32 to vector<128x128xi32>
    %and3A_1538 = arith.andi %shift_right_arithmetic3A_1535, %and3A_1537 : vector<128x128xi32>
    %shift_right_arithmetic3A_1539 = arith.constant 2 : i32
    %shift_right_arithmetic3A_1540 = vector.broadcast %shift_right_arithmetic3A_1539 : i32 to vector<128x128xi32>
    %shift_right_arithmetic3A_1541 = arith.shrsi %iota3A, %shift_right_arithmetic3A_1540 : vector<128x128xi32>
    %and3A_1542 = arith.constant 1 : i32
    %and3A_1543 = vector.broadcast %and3A_1542 : i32 to vector<128x128xi32>
    %and3A_1544 = arith.andi %shift_right_arithmetic3A_1541, %and3A_1543 : vector<128x128xi32>
    %eq3A_1545 = arith.constant 1 : i32
    %eq3A_1546 = vector.broadcast %eq3A_1545 : i32 to vector<128x128xi32>
    %eq3A_1547 = arith.cmpi eq, %and3A_1544, %eq3A_1546 : vector<128x128xi32>
    %xor3A_1548 = arith.xori %and3A_1538, %and3A_1544 : vector<128x128xi32>
    %eq3A_1549 = arith.constant 0 : i32
    %eq3A_1550 = vector.broadcast %eq3A_1549 : i32 to vector<128x128xi32>
    %eq3A_1551 = arith.cmpi eq, %xor3A_1548, %eq3A_1550 : vector<128x128xi32>
    %roll3A_1552 = arith.constant 124 : i32
    %roll3A_1553 = tpu.dynamic_rotate %select_n3A_1531 by %roll3A_1552 dim 0 : vector<128x128xf32>, i32 -> vector<128x128xf32>
    %roll3A_1554 = arith.constant 4 : i32
    %roll3A_1555 = tpu.dynamic_rotate %select_n3A_1531 by %roll3A_1554 dim 0 : vector<128x128xf32>, i32 -> vector<128x128xf32>
    %select_n3A_1556 = arith.select %eq3A_1547, %roll3A_1555, %roll3A_1553 : vector<128x128xi1>, vector<128x128xf32>
    %roll3A_1557 = arith.constant 124 : i32
    %roll3A_1558 = tpu.dynamic_rotate %select_n3A_1532 by %roll3A_1557 dim 0 : vector<128x128xf32>, i32 -> vector<128x128xf32>
    %roll3A_1559 = arith.constant 4 : i32
    %roll3A_1560 = tpu.dynamic_rotate %select_n3A_1532 by %roll3A_1559 dim 0 : vector<128x128xf32>, i32 -> vector<128x128xf32>
    %select_n3A_1561 = arith.select %eq3A_1547, %roll3A_1560, %roll3A_1558 : vector<128x128xi1>, vector<128x128xf32>
    %select_n3A_1562 = arith.select %eq3A_1551, %select_n3A_1531, %select_n3A_1556 : vector<128x128xi1>, vector<128x128xf32>
    %select_n3A_1563 = arith.select %eq3A_1551, %select_n3A_1556, %select_n3A_1531 : vector<128x128xi1>, vector<128x128xf32>
    %lt3A_1564 = arith.cmpf olt, %select_n3A_1563, %select_n3A_1562 : vector<128x128xf32>
    %select_n3A_1565 = arith.select %lt3A_1564, %select_n3A_1556, %select_n3A_1531 : vector<128x128xi1>, vector<128x128xf32>
    %select_n3A_1566 = arith.select %lt3A_1564, %select_n3A_1561, %select_n3A_1532 : vector<128x128xi1>, vector<128x128xf32>
    %shift_right_arithmetic3A_1567 = arith.constant 1 : i32
    %shift_right_arithmetic3A_1568 = vector.broadcast %shift_right_arithmetic3A_1567 : i32 to vector<128x128xi32>
    %shift_right_arithmetic3A_1569 = arith.shrsi %iota3A, %shift_right_arithmetic3A_1568 : vector<128x128xi32>
    %and3A_1570 = arith.constant 1 : i32
    %and3A_1571 = vector.broadcast %and3A_1570 : i32 to vector<128x128xi32>
    %and3A_1572 = arith.andi %shift_right_arithmetic3A_1569, %and3A_1571 : vector<128x128xi32>
    %eq3A_1573 = arith.constant 1 : i32
    %eq3A_1574 = vector.broadcast %eq3A_1573 : i32 to vector<128x128xi32>
    %eq3A_1575 = arith.cmpi eq, %and3A_1572, %eq3A_1574 : vector<128x128xi32>
    %xor3A_1576 = arith.xori %and3A_1538, %and3A_1572 : vector<128x128xi32>
    %eq3A_1577 = arith.constant 0 : i32
    %eq3A_1578 = vector.broadcast %eq3A_1577 : i32 to vector<128x128xi32>
    %eq3A_1579 = arith.cmpi eq, %xor3A_1576, %eq3A_1578 : vector<128x128xi32>
    %roll3A_1580 = arith.constant 126 : i32
    %roll3A_1581 = tpu.dynamic_rotate %select_n3A_1565 by %roll3A_1580 dim 0 : vector<128x128xf32>, i32 -> vector<128x128xf32>
    %roll3A_1582 = arith.constant 2 : i32
    %roll3A_1583 = tpu.dynamic_rotate %select_n3A_1565 by %roll3A_1582 dim 0 : vector<128x128xf32>, i32 -> vector<128x128xf32>
    %select_n3A_1584 = arith.select %eq3A_1575, %roll3A_1583, %roll3A_1581 : vector<128x128xi1>, vector<128x128xf32>
    %roll3A_1585 = arith.constant 126 : i32
    %roll3A_1586 = tpu.dynamic_rotate %select_n3A_1566 by %roll3A_1585 dim 0 : vector<128x128xf32>, i32 -> vector<128x128xf32>
    %roll3A_1587 = arith.constant 2 : i32
    %roll3A_1588 = tpu.dynamic_rotate %select_n3A_1566 by %roll3A_1587 dim 0 : vector<128x128xf32>, i32 -> vector<128x128xf32>
    %select_n3A_1589 = arith.select %eq3A_1575, %roll3A_1588, %roll3A_1586 : vector<128x128xi1>, vector<128x128xf32>
    %select_n3A_1590 = arith.select %eq3A_1579, %select_n3A_1565, %select_n3A_1584 : vector<128x128xi1>, vector<128x128xf32>
    %select_n3A_1591 = arith.select %eq3A_1579, %select_n3A_1584, %select_n3A_1565 : vector<128x128xi1>, vector<128x128xf32>
    %lt3A_1592 = arith.cmpf olt, %select_n3A_1591, %select_n3A_1590 : vector<128x128xf32>
    %select_n3A_1593 = arith.select %lt3A_1592, %select_n3A_1584, %select_n3A_1565 : vector<128x128xi1>, vector<128x128xf32>
    %select_n3A_1594 = arith.select %lt3A_1592, %select_n3A_1589, %select_n3A_1566 : vector<128x128xi1>, vector<128x128xf32>
    %shift_right_arithmetic3A_1595 = arith.constant 0 : i32
    %shift_right_arithmetic3A_1596 = vector.broadcast %shift_right_arithmetic3A_1595 : i32 to vector<128x128xi32>
    %shift_right_arithmetic3A_1597 = arith.shrsi %iota3A, %shift_right_arithmetic3A_1596 : vector<128x128xi32>
    %and3A_1598 = arith.constant 1 : i32
    %and3A_1599 = vector.broadcast %and3A_1598 : i32 to vector<128x128xi32>
    %and3A_1600 = arith.andi %shift_right_arithmetic3A_1597, %and3A_1599 : vector<128x128xi32>
    %eq3A_1601 = arith.constant 1 : i32
    %eq3A_1602 = vector.broadcast %eq3A_1601 : i32 to vector<128x128xi32>
    %eq3A_1603 = arith.cmpi eq, %and3A_1600, %eq3A_1602 : vector<128x128xi32>
    %xor3A_1604 = arith.xori %and3A_1538, %and3A_1600 : vector<128x128xi32>
    %eq3A_1605 = arith.constant 0 : i32
    %eq3A_1606 = vector.broadcast %eq3A_1605 : i32 to vector<128x128xi32>
    %eq3A_1607 = arith.cmpi eq, %xor3A_1604, %eq3A_1606 : vector<128x128xi32>
    %roll3A_1608 = arith.constant 127 : i32
    %roll3A_1609 = tpu.dynamic_rotate %select_n3A_1593 by %roll3A_1608 dim 0 : vector<128x128xf32>, i32 -> vector<128x128xf32>
    %roll3A_1610 = arith.constant 1 : i32
    %roll3A_1611 = tpu.dynamic_rotate %select_n3A_1593 by %roll3A_1610 dim 0 : vector<128x128xf32>, i32 -> vector<128x128xf32>
    %select_n3A_1612 = arith.select %eq3A_1603, %roll3A_1611, %roll3A_1609 : vector<128x128xi1>, vector<128x128xf32>
    %roll3A_1613 = arith.constant 127 : i32
    %roll3A_1614 = tpu.dynamic_rotate %select_n3A_1594 by %roll3A_1613 dim 0 : vector<128x128xf32>, i32 -> vector<128x128xf32>
    %roll3A_1615 = arith.constant 1 : i32
    %roll3A_1616 = tpu.dynamic_rotate %select_n3A_1594 by %roll3A_1615 dim 0 : vector<128x128xf32>, i32 -> vector<128x128xf32>
    %select_n3A_1617 = arith.select %eq3A_1603, %roll3A_1616, %roll3A_1614 : vector<128x128xi1>, vector<128x128xf32>
    %select_n3A_1618 = arith.select %eq3A_1607, %select_n3A_1593, %select_n3A_1612 : vector<128x128xi1>, vector<128x128xf32>
    %select_n3A_1619 = arith.select %eq3A_1607, %select_n3A_1612, %select_n3A_1593 : vector<128x128xi1>, vector<128x128xf32>
    %lt3A_1620 = arith.cmpf olt, %select_n3A_1619, %select_n3A_1618 : vector<128x128xf32>
    %select_n3A_1621 = arith.select %lt3A_1620, %select_n3A_1612, %select_n3A_1593 : vector<128x128xi1>, vector<128x128xf32>
    %select_n3A_1622 = arith.select %lt3A_1620, %select_n3A_1617, %select_n3A_1594 : vector<128x128xi1>, vector<128x128xf32>
    %shift_right_arithmetic3A_1623 = arith.constant 6 : i32
    %shift_right_arithmetic3A_1624 = vector.broadcast %shift_right_arithmetic3A_1623 : i32 to vector<128x128xi32>
    %shift_right_arithmetic3A_1625 = arith.shrsi %iota3A_5, %shift_right_arithmetic3A_1624 : vector<128x128xi32>
    %and3A_1626 = arith.constant 1 : i32
    %and3A_1627 = vector.broadcast %and3A_1626 : i32 to vector<128x128xi32>
    %and3A_1628 = arith.andi %shift_right_arithmetic3A_1625, %and3A_1627 : vector<128x128xi32>
    %eq3A_1629 = arith.constant 1 : i32
    %eq3A_1630 = vector.broadcast %eq3A_1629 : i32 to vector<128x128xi32>
    %eq3A_1631 = arith.cmpi eq, %and3A_1628, %eq3A_1630 : vector<128x128xi32>
    %xor3A_1632 = arith.xori %and3A_1538, %and3A_1628 : vector<128x128xi32>
    %eq3A_1633 = arith.constant 0 : i32
    %eq3A_1634 = vector.broadcast %eq3A_1633 : i32 to vector<128x128xi32>
    %eq3A_1635 = arith.cmpi eq, %xor3A_1632, %eq3A_1634 : vector<128x128xi32>
    %roll3A_1636 = arith.constant 64 : i32
    %roll3A_1637 = tpu.dynamic_rotate %select_n3A_1621 by %roll3A_1636 dim 1 : vector<128x128xf32>, i32 -> vector<128x128xf32>
    %roll3A_1638 = arith.constant 64 : i32
    %roll3A_1639 = tpu.dynamic_rotate %select_n3A_1621 by %roll3A_1638 dim 1 : vector<128x128xf32>, i32 -> vector<128x128xf32>
    %select_n3A_1640 = arith.select %eq3A_1631, %roll3A_1639, %roll3A_1637 : vector<128x128xi1>, vector<128x128xf32>
    %roll3A_1641 = arith.constant 64 : i32
    %roll3A_1642 = tpu.dynamic_rotate %select_n3A_1622 by %roll3A_1641 dim 1 : vector<128x128xf32>, i32 -> vector<128x128xf32>
    %roll3A_1643 = arith.constant 64 : i32
    %roll3A_1644 = tpu.dynamic_rotate %select_n3A_1622 by %roll3A_1643 dim 1 : vector<128x128xf32>, i32 -> vector<128x128xf32>
    %select_n3A_1645 = arith.select %eq3A_1631, %roll3A_1644, %roll3A_1642 : vector<128x128xi1>, vector<128x128xf32>
    %select_n3A_1646 = arith.select %eq3A_1635, %select_n3A_1621, %select_n3A_1640 : vector<128x128xi1>, vector<128x128xf32>
    %select_n3A_1647 = arith.select %eq3A_1635, %select_n3A_1640, %select_n3A_1621 : vector<128x128xi1>, vector<128x128xf32>
    %lt3A_1648 = arith.cmpf olt, %select_n3A_1647, %select_n3A_1646 : vector<128x128xf32>
    %select_n3A_1649 = arith.select %lt3A_1648, %select_n3A_1640, %select_n3A_1621 : vector<128x128xi1>, vector<128x128xf32>
    %select_n3A_1650 = arith.select %lt3A_1648, %select_n3A_1645, %select_n3A_1622 : vector<128x128xi1>, vector<128x128xf32>
    %shift_right_arithmetic3A_1651 = arith.constant 5 : i32
    %shift_right_arithmetic3A_1652 = vector.broadcast %shift_right_arithmetic3A_1651 : i32 to vector<128x128xi32>
    %shift_right_arithmetic3A_1653 = arith.shrsi %iota3A_5, %shift_right_arithmetic3A_1652 : vector<128x128xi32>
    %and3A_1654 = arith.constant 1 : i32
    %and3A_1655 = vector.broadcast %and3A_1654 : i32 to vector<128x128xi32>
    %and3A_1656 = arith.andi %shift_right_arithmetic3A_1653, %and3A_1655 : vector<128x128xi32>
    %eq3A_1657 = arith.constant 1 : i32
    %eq3A_1658 = vector.broadcast %eq3A_1657 : i32 to vector<128x128xi32>
    %eq3A_1659 = arith.cmpi eq, %and3A_1656, %eq3A_1658 : vector<128x128xi32>
    %xor3A_1660 = arith.xori %and3A_1538, %and3A_1656 : vector<128x128xi32>
    %eq3A_1661 = arith.constant 0 : i32
    %eq3A_1662 = vector.broadcast %eq3A_1661 : i32 to vector<128x128xi32>
    %eq3A_1663 = arith.cmpi eq, %xor3A_1660, %eq3A_1662 : vector<128x128xi32>
    %roll3A_1664 = arith.constant 96 : i32
    %roll3A_1665 = tpu.dynamic_rotate %select_n3A_1649 by %roll3A_1664 dim 1 : vector<128x128xf32>, i32 -> vector<128x128xf32>
    %roll3A_1666 = arith.constant 32 : i32
    %roll3A_1667 = tpu.dynamic_rotate %select_n3A_1649 by %roll3A_1666 dim 1 : vector<128x128xf32>, i32 -> vector<128x128xf32>
    %select_n3A_1668 = arith.select %eq3A_1659, %roll3A_1667, %roll3A_1665 : vector<128x128xi1>, vector<128x128xf32>
    %roll3A_1669 = arith.constant 96 : i32
    %roll3A_1670 = tpu.dynamic_rotate %select_n3A_1650 by %roll3A_1669 dim 1 : vector<128x128xf32>, i32 -> vector<128x128xf32>
    %roll3A_1671 = arith.constant 32 : i32
    %roll3A_1672 = tpu.dynamic_rotate %select_n3A_1650 by %roll3A_1671 dim 1 : vector<128x128xf32>, i32 -> vector<128x128xf32>
    %select_n3A_1673 = arith.select %eq3A_1659, %roll3A_1672, %roll3A_1670 : vector<128x128xi1>, vector<128x128xf32>
    %select_n3A_1674 = arith.select %eq3A_1663, %select_n3A_1649, %select_n3A_1668 : vector<128x128xi1>, vector<128x128xf32>
    %select_n3A_1675 = arith.select %eq3A_1663, %select_n3A_1668, %select_n3A_1649 : vector<128x128xi1>, vector<128x128xf32>
    %lt3A_1676 = arith.cmpf olt, %select_n3A_1675, %select_n3A_1674 : vector<128x128xf32>
    %select_n3A_1677 = arith.select %lt3A_1676, %select_n3A_1668, %select_n3A_1649 : vector<128x128xi1>, vector<128x128xf32>
    %select_n3A_1678 = arith.select %lt3A_1676, %select_n3A_1673, %select_n3A_1650 : vector<128x128xi1>, vector<128x128xf32>
    %shift_right_arithmetic3A_1679 = arith.constant 4 : i32
    %shift_right_arithmetic3A_1680 = vector.broadcast %shift_right_arithmetic3A_1679 : i32 to vector<128x128xi32>
    %shift_right_arithmetic3A_1681 = arith.shrsi %iota3A_5, %shift_right_arithmetic3A_1680 : vector<128x128xi32>
    %and3A_1682 = arith.constant 1 : i32
    %and3A_1683 = vector.broadcast %and3A_1682 : i32 to vector<128x128xi32>
    %and3A_1684 = arith.andi %shift_right_arithmetic3A_1681, %and3A_1683 : vector<128x128xi32>
    %eq3A_1685 = arith.constant 1 : i32
    %eq3A_1686 = vector.broadcast %eq3A_1685 : i32 to vector<128x128xi32>
    %eq3A_1687 = arith.cmpi eq, %and3A_1684, %eq3A_1686 : vector<128x128xi32>
    %xor3A_1688 = arith.xori %and3A_1538, %and3A_1684 : vector<128x128xi32>
    %eq3A_1689 = arith.constant 0 : i32
    %eq3A_1690 = vector.broadcast %eq3A_1689 : i32 to vector<128x128xi32>
    %eq3A_1691 = arith.cmpi eq, %xor3A_1688, %eq3A_1690 : vector<128x128xi32>
    %roll3A_1692 = arith.constant 112 : i32
    %roll3A_1693 = tpu.dynamic_rotate %select_n3A_1677 by %roll3A_1692 dim 1 : vector<128x128xf32>, i32 -> vector<128x128xf32>
    %roll3A_1694 = arith.constant 16 : i32
    %roll3A_1695 = tpu.dynamic_rotate %select_n3A_1677 by %roll3A_1694 dim 1 : vector<128x128xf32>, i32 -> vector<128x128xf32>
    %select_n3A_1696 = arith.select %eq3A_1687, %roll3A_1695, %roll3A_1693 : vector<128x128xi1>, vector<128x128xf32>
    %roll3A_1697 = arith.constant 112 : i32
    %roll3A_1698 = tpu.dynamic_rotate %select_n3A_1678 by %roll3A_1697 dim 1 : vector<128x128xf32>, i32 -> vector<128x128xf32>
    %roll3A_1699 = arith.constant 16 : i32
    %roll3A_1700 = tpu.dynamic_rotate %select_n3A_1678 by %roll3A_1699 dim 1 : vector<128x128xf32>, i32 -> vector<128x128xf32>
    %select_n3A_1701 = arith.select %eq3A_1687, %roll3A_1700, %roll3A_1698 : vector<128x128xi1>, vector<128x128xf32>
    %select_n3A_1702 = arith.select %eq3A_1691, %select_n3A_1677, %select_n3A_1696 : vector<128x128xi1>, vector<128x128xf32>
    %select_n3A_1703 = arith.select %eq3A_1691, %select_n3A_1696, %select_n3A_1677 : vector<128x128xi1>, vector<128x128xf32>
    %lt3A_1704 = arith.cmpf olt, %select_n3A_1703, %select_n3A_1702 : vector<128x128xf32>
    %select_n3A_1705 = arith.select %lt3A_1704, %select_n3A_1696, %select_n3A_1677 : vector<128x128xi1>, vector<128x128xf32>
    %select_n3A_1706 = arith.select %lt3A_1704, %select_n3A_1701, %select_n3A_1678 : vector<128x128xi1>, vector<128x128xf32>
    %shift_right_arithmetic3A_1707 = arith.constant 3 : i32
    %shift_right_arithmetic3A_1708 = vector.broadcast %shift_right_arithmetic3A_1707 : i32 to vector<128x128xi32>
    %shift_right_arithmetic3A_1709 = arith.shrsi %iota3A_5, %shift_right_arithmetic3A_1708 : vector<128x128xi32>
    %and3A_1710 = arith.constant 1 : i32
    %and3A_1711 = vector.broadcast %and3A_1710 : i32 to vector<128x128xi32>
    %and3A_1712 = arith.andi %shift_right_arithmetic3A_1709, %and3A_1711 : vector<128x128xi32>
    %eq3A_1713 = arith.constant 1 : i32
    %eq3A_1714 = vector.broadcast %eq3A_1713 : i32 to vector<128x128xi32>
    %eq3A_1715 = arith.cmpi eq, %and3A_1712, %eq3A_1714 : vector<128x128xi32>
    %xor3A_1716 = arith.xori %and3A_1538, %and3A_1712 : vector<128x128xi32>
    %eq3A_1717 = arith.constant 0 : i32
    %eq3A_1718 = vector.broadcast %eq3A_1717 : i32 to vector<128x128xi32>
    %eq3A_1719 = arith.cmpi eq, %xor3A_1716, %eq3A_1718 : vector<128x128xi32>
    %roll3A_1720 = arith.constant 120 : i32
    %roll3A_1721 = tpu.dynamic_rotate %select_n3A_1705 by %roll3A_1720 dim 1 : vector<128x128xf32>, i32 -> vector<128x128xf32>
    %roll3A_1722 = arith.constant 8 : i32
    %roll3A_1723 = tpu.dynamic_rotate %select_n3A_1705 by %roll3A_1722 dim 1 : vector<128x128xf32>, i32 -> vector<128x128xf32>
    %select_n3A_1724 = arith.select %eq3A_1715, %roll3A_1723, %roll3A_1721 : vector<128x128xi1>, vector<128x128xf32>
    %roll3A_1725 = arith.constant 120 : i32
    %roll3A_1726 = tpu.dynamic_rotate %select_n3A_1706 by %roll3A_1725 dim 1 : vector<128x128xf32>, i32 -> vector<128x128xf32>
    %roll3A_1727 = arith.constant 8 : i32
    %roll3A_1728 = tpu.dynamic_rotate %select_n3A_1706 by %roll3A_1727 dim 1 : vector<128x128xf32>, i32 -> vector<128x128xf32>
    %select_n3A_1729 = arith.select %eq3A_1715, %roll3A_1728, %roll3A_1726 : vector<128x128xi1>, vector<128x128xf32>
    %select_n3A_1730 = arith.select %eq3A_1719, %select_n3A_1705, %select_n3A_1724 : vector<128x128xi1>, vector<128x128xf32>
    %select_n3A_1731 = arith.select %eq3A_1719, %select_n3A_1724, %select_n3A_1705 : vector<128x128xi1>, vector<128x128xf32>
    %lt3A_1732 = arith.cmpf olt, %select_n3A_1731, %select_n3A_1730 : vector<128x128xf32>
    %select_n3A_1733 = arith.select %lt3A_1732, %select_n3A_1724, %select_n3A_1705 : vector<128x128xi1>, vector<128x128xf32>
    %select_n3A_1734 = arith.select %lt3A_1732, %select_n3A_1729, %select_n3A_1706 : vector<128x128xi1>, vector<128x128xf32>
    %shift_right_arithmetic3A_1735 = arith.constant 2 : i32
    %shift_right_arithmetic3A_1736 = vector.broadcast %shift_right_arithmetic3A_1735 : i32 to vector<128x128xi32>
    %shift_right_arithmetic3A_1737 = arith.shrsi %iota3A_5, %shift_right_arithmetic3A_1736 : vector<128x128xi32>
    %and3A_1738 = arith.constant 1 : i32
    %and3A_1739 = vector.broadcast %and3A_1738 : i32 to vector<128x128xi32>
    %and3A_1740 = arith.andi %shift_right_arithmetic3A_1737, %and3A_1739 : vector<128x128xi32>
    %eq3A_1741 = arith.constant 1 : i32
    %eq3A_1742 = vector.broadcast %eq3A_1741 : i32 to vector<128x128xi32>
    %eq3A_1743 = arith.cmpi eq, %and3A_1740, %eq3A_1742 : vector<128x128xi32>
    %xor3A_1744 = arith.xori %and3A_1538, %and3A_1740 : vector<128x128xi32>
    %eq3A_1745 = arith.constant 0 : i32
    %eq3A_1746 = vector.broadcast %eq3A_1745 : i32 to vector<128x128xi32>
    %eq3A_1747 = arith.cmpi eq, %xor3A_1744, %eq3A_1746 : vector<128x128xi32>
    %roll3A_1748 = arith.constant 124 : i32
    %roll3A_1749 = tpu.dynamic_rotate %select_n3A_1733 by %roll3A_1748 dim 1 : vector<128x128xf32>, i32 -> vector<128x128xf32>
    %roll3A_1750 = arith.constant 4 : i32
    %roll3A_1751 = tpu.dynamic_rotate %select_n3A_1733 by %roll3A_1750 dim 1 : vector<128x128xf32>, i32 -> vector<128x128xf32>
    %select_n3A_1752 = arith.select %eq3A_1743, %roll3A_1751, %roll3A_1749 : vector<128x128xi1>, vector<128x128xf32>
    %roll3A_1753 = arith.constant 124 : i32
    %roll3A_1754 = tpu.dynamic_rotate %select_n3A_1734 by %roll3A_1753 dim 1 : vector<128x128xf32>, i32 -> vector<128x128xf32>
    %roll3A_1755 = arith.constant 4 : i32
    %roll3A_1756 = tpu.dynamic_rotate %select_n3A_1734 by %roll3A_1755 dim 1 : vector<128x128xf32>, i32 -> vector<128x128xf32>
    %select_n3A_1757 = arith.select %eq3A_1743, %roll3A_1756, %roll3A_1754 : vector<128x128xi1>, vector<128x128xf32>
    %select_n3A_1758 = arith.select %eq3A_1747, %select_n3A_1733, %select_n3A_1752 : vector<128x128xi1>, vector<128x128xf32>
    %select_n3A_1759 = arith.select %eq3A_1747, %select_n3A_1752, %select_n3A_1733 : vector<128x128xi1>, vector<128x128xf32>
    %lt3A_1760 = arith.cmpf olt, %select_n3A_1759, %select_n3A_1758 : vector<128x128xf32>
    %select_n3A_1761 = arith.select %lt3A_1760, %select_n3A_1752, %select_n3A_1733 : vector<128x128xi1>, vector<128x128xf32>
    %select_n3A_1762 = arith.select %lt3A_1760, %select_n3A_1757, %select_n3A_1734 : vector<128x128xi1>, vector<128x128xf32>
    %shift_right_arithmetic3A_1763 = arith.constant 1 : i32
    %shift_right_arithmetic3A_1764 = vector.broadcast %shift_right_arithmetic3A_1763 : i32 to vector<128x128xi32>
    %shift_right_arithmetic3A_1765 = arith.shrsi %iota3A_5, %shift_right_arithmetic3A_1764 : vector<128x128xi32>
    %and3A_1766 = arith.constant 1 : i32
    %and3A_1767 = vector.broadcast %and3A_1766 : i32 to vector<128x128xi32>
    %and3A_1768 = arith.andi %shift_right_arithmetic3A_1765, %and3A_1767 : vector<128x128xi32>
    %eq3A_1769 = arith.constant 1 : i32
    %eq3A_1770 = vector.broadcast %eq3A_1769 : i32 to vector<128x128xi32>
    %eq3A_1771 = arith.cmpi eq, %and3A_1768, %eq3A_1770 : vector<128x128xi32>
    %xor3A_1772 = arith.xori %and3A_1538, %and3A_1768 : vector<128x128xi32>
    %eq3A_1773 = arith.constant 0 : i32
    %eq3A_1774 = vector.broadcast %eq3A_1773 : i32 to vector<128x128xi32>
    %eq3A_1775 = arith.cmpi eq, %xor3A_1772, %eq3A_1774 : vector<128x128xi32>
    %roll3A_1776 = arith.constant 126 : i32
    %roll3A_1777 = tpu.dynamic_rotate %select_n3A_1761 by %roll3A_1776 dim 1 : vector<128x128xf32>, i32 -> vector<128x128xf32>
    %roll3A_1778 = arith.constant 2 : i32
    %roll3A_1779 = tpu.dynamic_rotate %select_n3A_1761 by %roll3A_1778 dim 1 : vector<128x128xf32>, i32 -> vector<128x128xf32>
    %select_n3A_1780 = arith.select %eq3A_1771, %roll3A_1779, %roll3A_1777 : vector<128x128xi1>, vector<128x128xf32>
    %roll3A_1781 = arith.constant 126 : i32
    %roll3A_1782 = tpu.dynamic_rotate %select_n3A_1762 by %roll3A_1781 dim 1 : vector<128x128xf32>, i32 -> vector<128x128xf32>
    %roll3A_1783 = arith.constant 2 : i32
    %roll3A_1784 = tpu.dynamic_rotate %select_n3A_1762 by %roll3A_1783 dim 1 : vector<128x128xf32>, i32 -> vector<128x128xf32>
    %select_n3A_1785 = arith.select %eq3A_1771, %roll3A_1784, %roll3A_1782 : vector<128x128xi1>, vector<128x128xf32>
    %select_n3A_1786 = arith.select %eq3A_1775, %select_n3A_1761, %select_n3A_1780 : vector<128x128xi1>, vector<128x128xf32>
    %select_n3A_1787 = arith.select %eq3A_1775, %select_n3A_1780, %select_n3A_1761 : vector<128x128xi1>, vector<128x128xf32>
    %lt3A_1788 = arith.cmpf olt, %select_n3A_1787, %select_n3A_1786 : vector<128x128xf32>
    %select_n3A_1789 = arith.select %lt3A_1788, %select_n3A_1780, %select_n3A_1761 : vector<128x128xi1>, vector<128x128xf32>
    %select_n3A_1790 = arith.select %lt3A_1788, %select_n3A_1785, %select_n3A_1762 : vector<128x128xi1>, vector<128x128xf32>
    %shift_right_arithmetic3A_1791 = arith.constant 0 : i32
    %shift_right_arithmetic3A_1792 = vector.broadcast %shift_right_arithmetic3A_1791 : i32 to vector<128x128xi32>
    %shift_right_arithmetic3A_1793 = arith.shrsi %iota3A_5, %shift_right_arithmetic3A_1792 : vector<128x128xi32>
    %and3A_1794 = arith.constant 1 : i32
    %and3A_1795 = vector.broadcast %and3A_1794 : i32 to vector<128x128xi32>
    %and3A_1796 = arith.andi %shift_right_arithmetic3A_1793, %and3A_1795 : vector<128x128xi32>
    %eq3A_1797 = arith.constant 1 : i32
    %eq3A_1798 = vector.broadcast %eq3A_1797 : i32 to vector<128x128xi32>
    %eq3A_1799 = arith.cmpi eq, %and3A_1796, %eq3A_1798 : vector<128x128xi32>
    %xor3A_1800 = arith.xori %and3A_1538, %and3A_1796 : vector<128x128xi32>
    %eq3A_1801 = arith.constant 0 : i32
    %eq3A_1802 = vector.broadcast %eq3A_1801 : i32 to vector<128x128xi32>
    %eq3A_1803 = arith.cmpi eq, %xor3A_1800, %eq3A_1802 : vector<128x128xi32>
    %roll3A_1804 = arith.constant 127 : i32
    %roll3A_1805 = tpu.dynamic_rotate %select_n3A_1789 by %roll3A_1804 dim 1 : vector<128x128xf32>, i32 -> vector<128x128xf32>
    %roll3A_1806 = arith.constant 1 : i32
    %roll3A_1807 = tpu.dynamic_rotate %select_n3A_1789 by %roll3A_1806 dim 1 : vector<128x128xf32>, i32 -> vector<128x128xf32>
    %select_n3A_1808 = arith.select %eq3A_1799, %roll3A_1807, %roll3A_1805 : vector<128x128xi1>, vector<128x128xf32>
    %roll3A_1809 = arith.constant 127 : i32
    %roll3A_1810 = tpu.dynamic_rotate %select_n3A_1790 by %roll3A_1809 dim 1 : vector<128x128xf32>, i32 -> vector<128x128xf32>
    %roll3A_1811 = arith.constant 1 : i32
    %roll3A_1812 = tpu.dynamic_rotate %select_n3A_1790 by %roll3A_1811 dim 1 : vector<128x128xf32>, i32 -> vector<128x128xf32>
    %select_n3A_1813 = arith.select %eq3A_1799, %roll3A_1812, %roll3A_1810 : vector<128x128xi1>, vector<128x128xf32>
    %select_n3A_1814 = arith.select %eq3A_1803, %select_n3A_1789, %select_n3A_1808 : vector<128x128xi1>, vector<128x128xf32>
    %select_n3A_1815 = arith.select %eq3A_1803, %select_n3A_1808, %select_n3A_1789 : vector<128x128xi1>, vector<128x128xf32>
    %lt3A_1816 = arith.cmpf olt, %select_n3A_1815, %select_n3A_1814 : vector<128x128xf32>
    %select_n3A_1817 = arith.select %lt3A_1816, %select_n3A_1808, %select_n3A_1789 : vector<128x128xi1>, vector<128x128xf32>
    %select_n3A_1818 = arith.select %lt3A_1816, %select_n3A_1813, %select_n3A_1790 : vector<128x128xi1>, vector<128x128xf32>
    %shift_right_arithmetic3A_1819 = arith.constant 4 : i32
    %shift_right_arithmetic3A_1820 = vector.broadcast %shift_right_arithmetic3A_1819 : i32 to vector<128x128xi32>
    %shift_right_arithmetic3A_1821 = arith.shrsi %iota3A, %shift_right_arithmetic3A_1820 : vector<128x128xi32>
    %and3A_1822 = arith.constant 1 : i32
    %and3A_1823 = vector.broadcast %and3A_1822 : i32 to vector<128x128xi32>
    %and3A_1824 = arith.andi %shift_right_arithmetic3A_1821, %and3A_1823 : vector<128x128xi32>
    %shift_right_arithmetic3A_1825 = arith.constant 3 : i32
    %shift_right_arithmetic3A_1826 = vector.broadcast %shift_right_arithmetic3A_1825 : i32 to vector<128x128xi32>
    %shift_right_arithmetic3A_1827 = arith.shrsi %iota3A, %shift_right_arithmetic3A_1826 : vector<128x128xi32>
    %and3A_1828 = arith.constant 1 : i32
    %and3A_1829 = vector.broadcast %and3A_1828 : i32 to vector<128x128xi32>
    %and3A_1830 = arith.andi %shift_right_arithmetic3A_1827, %and3A_1829 : vector<128x128xi32>
    %eq3A_1831 = arith.constant 1 : i32
    %eq3A_1832 = vector.broadcast %eq3A_1831 : i32 to vector<128x128xi32>
    %eq3A_1833 = arith.cmpi eq, %and3A_1830, %eq3A_1832 : vector<128x128xi32>
    %xor3A_1834 = arith.xori %and3A_1824, %and3A_1830 : vector<128x128xi32>
    %eq3A_1835 = arith.constant 0 : i32
    %eq3A_1836 = vector.broadcast %eq3A_1835 : i32 to vector<128x128xi32>
    %eq3A_1837 = arith.cmpi eq, %xor3A_1834, %eq3A_1836 : vector<128x128xi32>
    %roll3A_1838 = arith.constant 120 : i32
    %roll3A_1839 = tpu.dynamic_rotate %select_n3A_1817 by %roll3A_1838 dim 0 : vector<128x128xf32>, i32 -> vector<128x128xf32>
    %roll3A_1840 = arith.constant 8 : i32
    %roll3A_1841 = tpu.dynamic_rotate %select_n3A_1817 by %roll3A_1840 dim 0 : vector<128x128xf32>, i32 -> vector<128x128xf32>
    %select_n3A_1842 = arith.select %eq3A_1833, %roll3A_1841, %roll3A_1839 : vector<128x128xi1>, vector<128x128xf32>
    %roll3A_1843 = arith.constant 120 : i32
    %roll3A_1844 = tpu.dynamic_rotate %select_n3A_1818 by %roll3A_1843 dim 0 : vector<128x128xf32>, i32 -> vector<128x128xf32>
    %roll3A_1845 = arith.constant 8 : i32
    %roll3A_1846 = tpu.dynamic_rotate %select_n3A_1818 by %roll3A_1845 dim 0 : vector<128x128xf32>, i32 -> vector<128x128xf32>
    %select_n3A_1847 = arith.select %eq3A_1833, %roll3A_1846, %roll3A_1844 : vector<128x128xi1>, vector<128x128xf32>
    %select_n3A_1848 = arith.select %eq3A_1837, %select_n3A_1817, %select_n3A_1842 : vector<128x128xi1>, vector<128x128xf32>
    %select_n3A_1849 = arith.select %eq3A_1837, %select_n3A_1842, %select_n3A_1817 : vector<128x128xi1>, vector<128x128xf32>
    %lt3A_1850 = arith.cmpf olt, %select_n3A_1849, %select_n3A_1848 : vector<128x128xf32>
    %select_n3A_1851 = arith.select %lt3A_1850, %select_n3A_1842, %select_n3A_1817 : vector<128x128xi1>, vector<128x128xf32>
    %select_n3A_1852 = arith.select %lt3A_1850, %select_n3A_1847, %select_n3A_1818 : vector<128x128xi1>, vector<128x128xf32>
    %shift_right_arithmetic3A_1853 = arith.constant 2 : i32
    %shift_right_arithmetic3A_1854 = vector.broadcast %shift_right_arithmetic3A_1853 : i32 to vector<128x128xi32>
    %shift_right_arithmetic3A_1855 = arith.shrsi %iota3A, %shift_right_arithmetic3A_1854 : vector<128x128xi32>
    %and3A_1856 = arith.constant 1 : i32
    %and3A_1857 = vector.broadcast %and3A_1856 : i32 to vector<128x128xi32>
    %and3A_1858 = arith.andi %shift_right_arithmetic3A_1855, %and3A_1857 : vector<128x128xi32>
    %eq3A_1859 = arith.constant 1 : i32
    %eq3A_1860 = vector.broadcast %eq3A_1859 : i32 to vector<128x128xi32>
    %eq3A_1861 = arith.cmpi eq, %and3A_1858, %eq3A_1860 : vector<128x128xi32>
    %xor3A_1862 = arith.xori %and3A_1824, %and3A_1858 : vector<128x128xi32>
    %eq3A_1863 = arith.constant 0 : i32
    %eq3A_1864 = vector.broadcast %eq3A_1863 : i32 to vector<128x128xi32>
    %eq3A_1865 = arith.cmpi eq, %xor3A_1862, %eq3A_1864 : vector<128x128xi32>
    %roll3A_1866 = arith.constant 124 : i32
    %roll3A_1867 = tpu.dynamic_rotate %select_n3A_1851 by %roll3A_1866 dim 0 : vector<128x128xf32>, i32 -> vector<128x128xf32>
    %roll3A_1868 = arith.constant 4 : i32
    %roll3A_1869 = tpu.dynamic_rotate %select_n3A_1851 by %roll3A_1868 dim 0 : vector<128x128xf32>, i32 -> vector<128x128xf32>
    %select_n3A_1870 = arith.select %eq3A_1861, %roll3A_1869, %roll3A_1867 : vector<128x128xi1>, vector<128x128xf32>
    %roll3A_1871 = arith.constant 124 : i32
    %roll3A_1872 = tpu.dynamic_rotate %select_n3A_1852 by %roll3A_1871 dim 0 : vector<128x128xf32>, i32 -> vector<128x128xf32>
    %roll3A_1873 = arith.constant 4 : i32
    %roll3A_1874 = tpu.dynamic_rotate %select_n3A_1852 by %roll3A_1873 dim 0 : vector<128x128xf32>, i32 -> vector<128x128xf32>
    %select_n3A_1875 = arith.select %eq3A_1861, %roll3A_1874, %roll3A_1872 : vector<128x128xi1>, vector<128x128xf32>
    %select_n3A_1876 = arith.select %eq3A_1865, %select_n3A_1851, %select_n3A_1870 : vector<128x128xi1>, vector<128x128xf32>
    %select_n3A_1877 = arith.select %eq3A_1865, %select_n3A_1870, %select_n3A_1851 : vector<128x128xi1>, vector<128x128xf32>
    %lt3A_1878 = arith.cmpf olt, %select_n3A_1877, %select_n3A_1876 : vector<128x128xf32>
    %select_n3A_1879 = arith.select %lt3A_1878, %select_n3A_1870, %select_n3A_1851 : vector<128x128xi1>, vector<128x128xf32>
    %select_n3A_1880 = arith.select %lt3A_1878, %select_n3A_1875, %select_n3A_1852 : vector<128x128xi1>, vector<128x128xf32>
    %shift_right_arithmetic3A_1881 = arith.constant 1 : i32
    %shift_right_arithmetic3A_1882 = vector.broadcast %shift_right_arithmetic3A_1881 : i32 to vector<128x128xi32>
    %shift_right_arithmetic3A_1883 = arith.shrsi %iota3A, %shift_right_arithmetic3A_1882 : vector<128x128xi32>
    %and3A_1884 = arith.constant 1 : i32
    %and3A_1885 = vector.broadcast %and3A_1884 : i32 to vector<128x128xi32>
    %and3A_1886 = arith.andi %shift_right_arithmetic3A_1883, %and3A_1885 : vector<128x128xi32>
    %eq3A_1887 = arith.constant 1 : i32
    %eq3A_1888 = vector.broadcast %eq3A_1887 : i32 to vector<128x128xi32>
    %eq3A_1889 = arith.cmpi eq, %and3A_1886, %eq3A_1888 : vector<128x128xi32>
    %xor3A_1890 = arith.xori %and3A_1824, %and3A_1886 : vector<128x128xi32>
    %eq3A_1891 = arith.constant 0 : i32
    %eq3A_1892 = vector.broadcast %eq3A_1891 : i32 to vector<128x128xi32>
    %eq3A_1893 = arith.cmpi eq, %xor3A_1890, %eq3A_1892 : vector<128x128xi32>
    %roll3A_1894 = arith.constant 126 : i32
    %roll3A_1895 = tpu.dynamic_rotate %select_n3A_1879 by %roll3A_1894 dim 0 : vector<128x128xf32>, i32 -> vector<128x128xf32>
    %roll3A_1896 = arith.constant 2 : i32
    %roll3A_1897 = tpu.dynamic_rotate %select_n3A_1879 by %roll3A_1896 dim 0 : vector<128x128xf32>, i32 -> vector<128x128xf32>
    %select_n3A_1898 = arith.select %eq3A_1889, %roll3A_1897, %roll3A_1895 : vector<128x128xi1>, vector<128x128xf32>
    %roll3A_1899 = arith.constant 126 : i32
    %roll3A_1900 = tpu.dynamic_rotate %select_n3A_1880 by %roll3A_1899 dim 0 : vector<128x128xf32>, i32 -> vector<128x128xf32>
    %roll3A_1901 = arith.constant 2 : i32
    %roll3A_1902 = tpu.dynamic_rotate %select_n3A_1880 by %roll3A_1901 dim 0 : vector<128x128xf32>, i32 -> vector<128x128xf32>
    %select_n3A_1903 = arith.select %eq3A_1889, %roll3A_1902, %roll3A_1900 : vector<128x128xi1>, vector<128x128xf32>
    %select_n3A_1904 = arith.select %eq3A_1893, %select_n3A_1879, %select_n3A_1898 : vector<128x128xi1>, vector<128x128xf32>
    %select_n3A_1905 = arith.select %eq3A_1893, %select_n3A_1898, %select_n3A_1879 : vector<128x128xi1>, vector<128x128xf32>
    %lt3A_1906 = arith.cmpf olt, %select_n3A_1905, %select_n3A_1904 : vector<128x128xf32>
    %select_n3A_1907 = arith.select %lt3A_1906, %select_n3A_1898, %select_n3A_1879 : vector<128x128xi1>, vector<128x128xf32>
    %select_n3A_1908 = arith.select %lt3A_1906, %select_n3A_1903, %select_n3A_1880 : vector<128x128xi1>, vector<128x128xf32>
    %shift_right_arithmetic3A_1909 = arith.constant 0 : i32
    %shift_right_arithmetic3A_1910 = vector.broadcast %shift_right_arithmetic3A_1909 : i32 to vector<128x128xi32>
    %shift_right_arithmetic3A_1911 = arith.shrsi %iota3A, %shift_right_arithmetic3A_1910 : vector<128x128xi32>
    %and3A_1912 = arith.constant 1 : i32
    %and3A_1913 = vector.broadcast %and3A_1912 : i32 to vector<128x128xi32>
    %and3A_1914 = arith.andi %shift_right_arithmetic3A_1911, %and3A_1913 : vector<128x128xi32>
    %eq3A_1915 = arith.constant 1 : i32
    %eq3A_1916 = vector.broadcast %eq3A_1915 : i32 to vector<128x128xi32>
    %eq3A_1917 = arith.cmpi eq, %and3A_1914, %eq3A_1916 : vector<128x128xi32>
    %xor3A_1918 = arith.xori %and3A_1824, %and3A_1914 : vector<128x128xi32>
    %eq3A_1919 = arith.constant 0 : i32
    %eq3A_1920 = vector.broadcast %eq3A_1919 : i32 to vector<128x128xi32>
    %eq3A_1921 = arith.cmpi eq, %xor3A_1918, %eq3A_1920 : vector<128x128xi32>
    %roll3A_1922 = arith.constant 127 : i32
    %roll3A_1923 = tpu.dynamic_rotate %select_n3A_1907 by %roll3A_1922 dim 0 : vector<128x128xf32>, i32 -> vector<128x128xf32>
    %roll3A_1924 = arith.constant 1 : i32
    %roll3A_1925 = tpu.dynamic_rotate %select_n3A_1907 by %roll3A_1924 dim 0 : vector<128x128xf32>, i32 -> vector<128x128xf32>
    %select_n3A_1926 = arith.select %eq3A_1917, %roll3A_1925, %roll3A_1923 : vector<128x128xi1>, vector<128x128xf32>
    %roll3A_1927 = arith.constant 127 : i32
    %roll3A_1928 = tpu.dynamic_rotate %select_n3A_1908 by %roll3A_1927 dim 0 : vector<128x128xf32>, i32 -> vector<128x128xf32>
    %roll3A_1929 = arith.constant 1 : i32
    %roll3A_1930 = tpu.dynamic_rotate %select_n3A_1908 by %roll3A_1929 dim 0 : vector<128x128xf32>, i32 -> vector<128x128xf32>
    %select_n3A_1931 = arith.select %eq3A_1917, %roll3A_1930, %roll3A_1928 : vector<128x128xi1>, vector<128x128xf32>
    %select_n3A_1932 = arith.select %eq3A_1921, %select_n3A_1907, %select_n3A_1926 : vector<128x128xi1>, vector<128x128xf32>
    %select_n3A_1933 = arith.select %eq3A_1921, %select_n3A_1926, %select_n3A_1907 : vector<128x128xi1>, vector<128x128xf32>
    %lt3A_1934 = arith.cmpf olt, %select_n3A_1933, %select_n3A_1932 : vector<128x128xf32>
    %select_n3A_1935 = arith.select %lt3A_1934, %select_n3A_1926, %select_n3A_1907 : vector<128x128xi1>, vector<128x128xf32>
    %select_n3A_1936 = arith.select %lt3A_1934, %select_n3A_1931, %select_n3A_1908 : vector<128x128xi1>, vector<128x128xf32>
    %shift_right_arithmetic3A_1937 = arith.constant 6 : i32
    %shift_right_arithmetic3A_1938 = vector.broadcast %shift_right_arithmetic3A_1937 : i32 to vector<128x128xi32>
    %shift_right_arithmetic3A_1939 = arith.shrsi %iota3A_5, %shift_right_arithmetic3A_1938 : vector<128x128xi32>
    %and3A_1940 = arith.constant 1 : i32
    %and3A_1941 = vector.broadcast %and3A_1940 : i32 to vector<128x128xi32>
    %and3A_1942 = arith.andi %shift_right_arithmetic3A_1939, %and3A_1941 : vector<128x128xi32>
    %eq3A_1943 = arith.constant 1 : i32
    %eq3A_1944 = vector.broadcast %eq3A_1943 : i32 to vector<128x128xi32>
    %eq3A_1945 = arith.cmpi eq, %and3A_1942, %eq3A_1944 : vector<128x128xi32>
    %xor3A_1946 = arith.xori %and3A_1824, %and3A_1942 : vector<128x128xi32>
    %eq3A_1947 = arith.constant 0 : i32
    %eq3A_1948 = vector.broadcast %eq3A_1947 : i32 to vector<128x128xi32>
    %eq3A_1949 = arith.cmpi eq, %xor3A_1946, %eq3A_1948 : vector<128x128xi32>
    %roll3A_1950 = arith.constant 64 : i32
    %roll3A_1951 = tpu.dynamic_rotate %select_n3A_1935 by %roll3A_1950 dim 1 : vector<128x128xf32>, i32 -> vector<128x128xf32>
    %roll3A_1952 = arith.constant 64 : i32
    %roll3A_1953 = tpu.dynamic_rotate %select_n3A_1935 by %roll3A_1952 dim 1 : vector<128x128xf32>, i32 -> vector<128x128xf32>
    %select_n3A_1954 = arith.select %eq3A_1945, %roll3A_1953, %roll3A_1951 : vector<128x128xi1>, vector<128x128xf32>
    %roll3A_1955 = arith.constant 64 : i32
    %roll3A_1956 = tpu.dynamic_rotate %select_n3A_1936 by %roll3A_1955 dim 1 : vector<128x128xf32>, i32 -> vector<128x128xf32>
    %roll3A_1957 = arith.constant 64 : i32
    %roll3A_1958 = tpu.dynamic_rotate %select_n3A_1936 by %roll3A_1957 dim 1 : vector<128x128xf32>, i32 -> vector<128x128xf32>
    %select_n3A_1959 = arith.select %eq3A_1945, %roll3A_1958, %roll3A_1956 : vector<128x128xi1>, vector<128x128xf32>
    %select_n3A_1960 = arith.select %eq3A_1949, %select_n3A_1935, %select_n3A_1954 : vector<128x128xi1>, vector<128x128xf32>
    %select_n3A_1961 = arith.select %eq3A_1949, %select_n3A_1954, %select_n3A_1935 : vector<128x128xi1>, vector<128x128xf32>
    %lt3A_1962 = arith.cmpf olt, %select_n3A_1961, %select_n3A_1960 : vector<128x128xf32>
    %select_n3A_1963 = arith.select %lt3A_1962, %select_n3A_1954, %select_n3A_1935 : vector<128x128xi1>, vector<128x128xf32>
    %select_n3A_1964 = arith.select %lt3A_1962, %select_n3A_1959, %select_n3A_1936 : vector<128x128xi1>, vector<128x128xf32>
    %shift_right_arithmetic3A_1965 = arith.constant 5 : i32
    %shift_right_arithmetic3A_1966 = vector.broadcast %shift_right_arithmetic3A_1965 : i32 to vector<128x128xi32>
    %shift_right_arithmetic3A_1967 = arith.shrsi %iota3A_5, %shift_right_arithmetic3A_1966 : vector<128x128xi32>
    %and3A_1968 = arith.constant 1 : i32
    %and3A_1969 = vector.broadcast %and3A_1968 : i32 to vector<128x128xi32>
    %and3A_1970 = arith.andi %shift_right_arithmetic3A_1967, %and3A_1969 : vector<128x128xi32>
    %eq3A_1971 = arith.constant 1 : i32
    %eq3A_1972 = vector.broadcast %eq3A_1971 : i32 to vector<128x128xi32>
    %eq3A_1973 = arith.cmpi eq, %and3A_1970, %eq3A_1972 : vector<128x128xi32>
    %xor3A_1974 = arith.xori %and3A_1824, %and3A_1970 : vector<128x128xi32>
    %eq3A_1975 = arith.constant 0 : i32
    %eq3A_1976 = vector.broadcast %eq3A_1975 : i32 to vector<128x128xi32>
    %eq3A_1977 = arith.cmpi eq, %xor3A_1974, %eq3A_1976 : vector<128x128xi32>
    %roll3A_1978 = arith.constant 96 : i32
    %roll3A_1979 = tpu.dynamic_rotate %select_n3A_1963 by %roll3A_1978 dim 1 : vector<128x128xf32>, i32 -> vector<128x128xf32>
    %roll3A_1980 = arith.constant 32 : i32
    %roll3A_1981 = tpu.dynamic_rotate %select_n3A_1963 by %roll3A_1980 dim 1 : vector<128x128xf32>, i32 -> vector<128x128xf32>
    %select_n3A_1982 = arith.select %eq3A_1973, %roll3A_1981, %roll3A_1979 : vector<128x128xi1>, vector<128x128xf32>
    %roll3A_1983 = arith.constant 96 : i32
    %roll3A_1984 = tpu.dynamic_rotate %select_n3A_1964 by %roll3A_1983 dim 1 : vector<128x128xf32>, i32 -> vector<128x128xf32>
    %roll3A_1985 = arith.constant 32 : i32
    %roll3A_1986 = tpu.dynamic_rotate %select_n3A_1964 by %roll3A_1985 dim 1 : vector<128x128xf32>, i32 -> vector<128x128xf32>
    %select_n3A_1987 = arith.select %eq3A_1973, %roll3A_1986, %roll3A_1984 : vector<128x128xi1>, vector<128x128xf32>
    %select_n3A_1988 = arith.select %eq3A_1977, %select_n3A_1963, %select_n3A_1982 : vector<128x128xi1>, vector<128x128xf32>
    %select_n3A_1989 = arith.select %eq3A_1977, %select_n3A_1982, %select_n3A_1963 : vector<128x128xi1>, vector<128x128xf32>
    %lt3A_1990 = arith.cmpf olt, %select_n3A_1989, %select_n3A_1988 : vector<128x128xf32>
    %select_n3A_1991 = arith.select %lt3A_1990, %select_n3A_1982, %select_n3A_1963 : vector<128x128xi1>, vector<128x128xf32>
    %select_n3A_1992 = arith.select %lt3A_1990, %select_n3A_1987, %select_n3A_1964 : vector<128x128xi1>, vector<128x128xf32>
    %shift_right_arithmetic3A_1993 = arith.constant 4 : i32
    %shift_right_arithmetic3A_1994 = vector.broadcast %shift_right_arithmetic3A_1993 : i32 to vector<128x128xi32>
    %shift_right_arithmetic3A_1995 = arith.shrsi %iota3A_5, %shift_right_arithmetic3A_1994 : vector<128x128xi32>
    %and3A_1996 = arith.constant 1 : i32
    %and3A_1997 = vector.broadcast %and3A_1996 : i32 to vector<128x128xi32>
    %and3A_1998 = arith.andi %shift_right_arithmetic3A_1995, %and3A_1997 : vector<128x128xi32>
    %eq3A_1999 = arith.constant 1 : i32
    %eq3A_2000 = vector.broadcast %eq3A_1999 : i32 to vector<128x128xi32>
    %eq3A_2001 = arith.cmpi eq, %and3A_1998, %eq3A_2000 : vector<128x128xi32>
    %xor3A_2002 = arith.xori %and3A_1824, %and3A_1998 : vector<128x128xi32>
    %eq3A_2003 = arith.constant 0 : i32
    %eq3A_2004 = vector.broadcast %eq3A_2003 : i32 to vector<128x128xi32>
    %eq3A_2005 = arith.cmpi eq, %xor3A_2002, %eq3A_2004 : vector<128x128xi32>
    %roll3A_2006 = arith.constant 112 : i32
    %roll3A_2007 = tpu.dynamic_rotate %select_n3A_1991 by %roll3A_2006 dim 1 : vector<128x128xf32>, i32 -> vector<128x128xf32>
    %roll3A_2008 = arith.constant 16 : i32
    %roll3A_2009 = tpu.dynamic_rotate %select_n3A_1991 by %roll3A_2008 dim 1 : vector<128x128xf32>, i32 -> vector<128x128xf32>
    %select_n3A_2010 = arith.select %eq3A_2001, %roll3A_2009, %roll3A_2007 : vector<128x128xi1>, vector<128x128xf32>
    %roll3A_2011 = arith.constant 112 : i32
    %roll3A_2012 = tpu.dynamic_rotate %select_n3A_1992 by %roll3A_2011 dim 1 : vector<128x128xf32>, i32 -> vector<128x128xf32>
    %roll3A_2013 = arith.constant 16 : i32
    %roll3A_2014 = tpu.dynamic_rotate %select_n3A_1992 by %roll3A_2013 dim 1 : vector<128x128xf32>, i32 -> vector<128x128xf32>
    %select_n3A_2015 = arith.select %eq3A_2001, %roll3A_2014, %roll3A_2012 : vector<128x128xi1>, vector<128x128xf32>
    %select_n3A_2016 = arith.select %eq3A_2005, %select_n3A_1991, %select_n3A_2010 : vector<128x128xi1>, vector<128x128xf32>
    %select_n3A_2017 = arith.select %eq3A_2005, %select_n3A_2010, %select_n3A_1991 : vector<128x128xi1>, vector<128x128xf32>
    %lt3A_2018 = arith.cmpf olt, %select_n3A_2017, %select_n3A_2016 : vector<128x128xf32>
    %select_n3A_2019 = arith.select %lt3A_2018, %select_n3A_2010, %select_n3A_1991 : vector<128x128xi1>, vector<128x128xf32>
    %select_n3A_2020 = arith.select %lt3A_2018, %select_n3A_2015, %select_n3A_1992 : vector<128x128xi1>, vector<128x128xf32>
    %shift_right_arithmetic3A_2021 = arith.constant 3 : i32
    %shift_right_arithmetic3A_2022 = vector.broadcast %shift_right_arithmetic3A_2021 : i32 to vector<128x128xi32>
    %shift_right_arithmetic3A_2023 = arith.shrsi %iota3A_5, %shift_right_arithmetic3A_2022 : vector<128x128xi32>
    %and3A_2024 = arith.constant 1 : i32
    %and3A_2025 = vector.broadcast %and3A_2024 : i32 to vector<128x128xi32>
    %and3A_2026 = arith.andi %shift_right_arithmetic3A_2023, %and3A_2025 : vector<128x128xi32>
    %eq3A_2027 = arith.constant 1 : i32
    %eq3A_2028 = vector.broadcast %eq3A_2027 : i32 to vector<128x128xi32>
    %eq3A_2029 = arith.cmpi eq, %and3A_2026, %eq3A_2028 : vector<128x128xi32>
    %xor3A_2030 = arith.xori %and3A_1824, %and3A_2026 : vector<128x128xi32>
    %eq3A_2031 = arith.constant 0 : i32
    %eq3A_2032 = vector.broadcast %eq3A_2031 : i32 to vector<128x128xi32>
    %eq3A_2033 = arith.cmpi eq, %xor3A_2030, %eq3A_2032 : vector<128x128xi32>
    %roll3A_2034 = arith.constant 120 : i32
    %roll3A_2035 = tpu.dynamic_rotate %select_n3A_2019 by %roll3A_2034 dim 1 : vector<128x128xf32>, i32 -> vector<128x128xf32>
    %roll3A_2036 = arith.constant 8 : i32
    %roll3A_2037 = tpu.dynamic_rotate %select_n3A_2019 by %roll3A_2036 dim 1 : vector<128x128xf32>, i32 -> vector<128x128xf32>
    %select_n3A_2038 = arith.select %eq3A_2029, %roll3A_2037, %roll3A_2035 : vector<128x128xi1>, vector<128x128xf32>
    %roll3A_2039 = arith.constant 120 : i32
    %roll3A_2040 = tpu.dynamic_rotate %select_n3A_2020 by %roll3A_2039 dim 1 : vector<128x128xf32>, i32 -> vector<128x128xf32>
    %roll3A_2041 = arith.constant 8 : i32
    %roll3A_2042 = tpu.dynamic_rotate %select_n3A_2020 by %roll3A_2041 dim 1 : vector<128x128xf32>, i32 -> vector<128x128xf32>
    %select_n3A_2043 = arith.select %eq3A_2029, %roll3A_2042, %roll3A_2040 : vector<128x128xi1>, vector<128x128xf32>
    %select_n3A_2044 = arith.select %eq3A_2033, %select_n3A_2019, %select_n3A_2038 : vector<128x128xi1>, vector<128x128xf32>
    %select_n3A_2045 = arith.select %eq3A_2033, %select_n3A_2038, %select_n3A_2019 : vector<128x128xi1>, vector<128x128xf32>
    %lt3A_2046 = arith.cmpf olt, %select_n3A_2045, %select_n3A_2044 : vector<128x128xf32>
    %select_n3A_2047 = arith.select %lt3A_2046, %select_n3A_2038, %select_n3A_2019 : vector<128x128xi1>, vector<128x128xf32>
    %select_n3A_2048 = arith.select %lt3A_2046, %select_n3A_2043, %select_n3A_2020 : vector<128x128xi1>, vector<128x128xf32>
    %shift_right_arithmetic3A_2049 = arith.constant 2 : i32
    %shift_right_arithmetic3A_2050 = vector.broadcast %shift_right_arithmetic3A_2049 : i32 to vector<128x128xi32>
    %shift_right_arithmetic3A_2051 = arith.shrsi %iota3A_5, %shift_right_arithmetic3A_2050 : vector<128x128xi32>
    %and3A_2052 = arith.constant 1 : i32
    %and3A_2053 = vector.broadcast %and3A_2052 : i32 to vector<128x128xi32>
    %and3A_2054 = arith.andi %shift_right_arithmetic3A_2051, %and3A_2053 : vector<128x128xi32>
    %eq3A_2055 = arith.constant 1 : i32
    %eq3A_2056 = vector.broadcast %eq3A_2055 : i32 to vector<128x128xi32>
    %eq3A_2057 = arith.cmpi eq, %and3A_2054, %eq3A_2056 : vector<128x128xi32>
    %xor3A_2058 = arith.xori %and3A_1824, %and3A_2054 : vector<128x128xi32>
    %eq3A_2059 = arith.constant 0 : i32
    %eq3A_2060 = vector.broadcast %eq3A_2059 : i32 to vector<128x128xi32>
    %eq3A_2061 = arith.cmpi eq, %xor3A_2058, %eq3A_2060 : vector<128x128xi32>
    %roll3A_2062 = arith.constant 124 : i32
    %roll3A_2063 = tpu.dynamic_rotate %select_n3A_2047 by %roll3A_2062 dim 1 : vector<128x128xf32>, i32 -> vector<128x128xf32>
    %roll3A_2064 = arith.constant 4 : i32
    %roll3A_2065 = tpu.dynamic_rotate %select_n3A_2047 by %roll3A_2064 dim 1 : vector<128x128xf32>, i32 -> vector<128x128xf32>
    %select_n3A_2066 = arith.select %eq3A_2057, %roll3A_2065, %roll3A_2063 : vector<128x128xi1>, vector<128x128xf32>
    %roll3A_2067 = arith.constant 124 : i32
    %roll3A_2068 = tpu.dynamic_rotate %select_n3A_2048 by %roll3A_2067 dim 1 : vector<128x128xf32>, i32 -> vector<128x128xf32>
    %roll3A_2069 = arith.constant 4 : i32
    %roll3A_2070 = tpu.dynamic_rotate %select_n3A_2048 by %roll3A_2069 dim 1 : vector<128x128xf32>, i32 -> vector<128x128xf32>
    %select_n3A_2071 = arith.select %eq3A_2057, %roll3A_2070, %roll3A_2068 : vector<128x128xi1>, vector<128x128xf32>
    %select_n3A_2072 = arith.select %eq3A_2061, %select_n3A_2047, %select_n3A_2066 : vector<128x128xi1>, vector<128x128xf32>
    %select_n3A_2073 = arith.select %eq3A_2061, %select_n3A_2066, %select_n3A_2047 : vector<128x128xi1>, vector<128x128xf32>
    %lt3A_2074 = arith.cmpf olt, %select_n3A_2073, %select_n3A_2072 : vector<128x128xf32>
    %select_n3A_2075 = arith.select %lt3A_2074, %select_n3A_2066, %select_n3A_2047 : vector<128x128xi1>, vector<128x128xf32>
    %select_n3A_2076 = arith.select %lt3A_2074, %select_n3A_2071, %select_n3A_2048 : vector<128x128xi1>, vector<128x128xf32>
    %shift_right_arithmetic3A_2077 = arith.constant 1 : i32
    %shift_right_arithmetic3A_2078 = vector.broadcast %shift_right_arithmetic3A_2077 : i32 to vector<128x128xi32>
    %shift_right_arithmetic3A_2079 = arith.shrsi %iota3A_5, %shift_right_arithmetic3A_2078 : vector<128x128xi32>
    %and3A_2080 = arith.constant 1 : i32
    %and3A_2081 = vector.broadcast %and3A_2080 : i32 to vector<128x128xi32>
    %and3A_2082 = arith.andi %shift_right_arithmetic3A_2079, %and3A_2081 : vector<128x128xi32>
    %eq3A_2083 = arith.constant 1 : i32
    %eq3A_2084 = vector.broadcast %eq3A_2083 : i32 to vector<128x128xi32>
    %eq3A_2085 = arith.cmpi eq, %and3A_2082, %eq3A_2084 : vector<128x128xi32>
    %xor3A_2086 = arith.xori %and3A_1824, %and3A_2082 : vector<128x128xi32>
    %eq3A_2087 = arith.constant 0 : i32
    %eq3A_2088 = vector.broadcast %eq3A_2087 : i32 to vector<128x128xi32>
    %eq3A_2089 = arith.cmpi eq, %xor3A_2086, %eq3A_2088 : vector<128x128xi32>
    %roll3A_2090 = arith.constant 126 : i32
    %roll3A_2091 = tpu.dynamic_rotate %select_n3A_2075 by %roll3A_2090 dim 1 : vector<128x128xf32>, i32 -> vector<128x128xf32>
    %roll3A_2092 = arith.constant 2 : i32
    %roll3A_2093 = tpu.dynamic_rotate %select_n3A_2075 by %roll3A_2092 dim 1 : vector<128x128xf32>, i32 -> vector<128x128xf32>
    %select_n3A_2094 = arith.select %eq3A_2085, %roll3A_2093, %roll3A_2091 : vector<128x128xi1>, vector<128x128xf32>
    %roll3A_2095 = arith.constant 126 : i32
    %roll3A_2096 = tpu.dynamic_rotate %select_n3A_2076 by %roll3A_2095 dim 1 : vector<128x128xf32>, i32 -> vector<128x128xf32>
    %roll3A_2097 = arith.constant 2 : i32
    %roll3A_2098 = tpu.dynamic_rotate %select_n3A_2076 by %roll3A_2097 dim 1 : vector<128x128xf32>, i32 -> vector<128x128xf32>
    %select_n3A_2099 = arith.select %eq3A_2085, %roll3A_2098, %roll3A_2096 : vector<128x128xi1>, vector<128x128xf32>
    %select_n3A_2100 = arith.select %eq3A_2089, %select_n3A_2075, %select_n3A_2094 : vector<128x128xi1>, vector<128x128xf32>
    %select_n3A_2101 = arith.select %eq3A_2089, %select_n3A_2094, %select_n3A_2075 : vector<128x128xi1>, vector<128x128xf32>
    %lt3A_2102 = arith.cmpf olt, %select_n3A_2101, %select_n3A_2100 : vector<128x128xf32>
    %select_n3A_2103 = arith.select %lt3A_2102, %select_n3A_2094, %select_n3A_2075 : vector<128x128xi1>, vector<128x128xf32>
    %select_n3A_2104 = arith.select %lt3A_2102, %select_n3A_2099, %select_n3A_2076 : vector<128x128xi1>, vector<128x128xf32>
    %shift_right_arithmetic3A_2105 = arith.constant 0 : i32
    %shift_right_arithmetic3A_2106 = vector.broadcast %shift_right_arithmetic3A_2105 : i32 to vector<128x128xi32>
    %shift_right_arithmetic3A_2107 = arith.shrsi %iota3A_5, %shift_right_arithmetic3A_2106 : vector<128x128xi32>
    %and3A_2108 = arith.constant 1 : i32
    %and3A_2109 = vector.broadcast %and3A_2108 : i32 to vector<128x128xi32>
    %and3A_2110 = arith.andi %shift_right_arithmetic3A_2107, %and3A_2109 : vector<128x128xi32>
    %eq3A_2111 = arith.constant 1 : i32
    %eq3A_2112 = vector.broadcast %eq3A_2111 : i32 to vector<128x128xi32>
    %eq3A_2113 = arith.cmpi eq, %and3A_2110, %eq3A_2112 : vector<128x128xi32>
    %xor3A_2114 = arith.xori %and3A_1824, %and3A_2110 : vector<128x128xi32>
    %eq3A_2115 = arith.constant 0 : i32
    %eq3A_2116 = vector.broadcast %eq3A_2115 : i32 to vector<128x128xi32>
    %eq3A_2117 = arith.cmpi eq, %xor3A_2114, %eq3A_2116 : vector<128x128xi32>
    %roll3A_2118 = arith.constant 127 : i32
    %roll3A_2119 = tpu.dynamic_rotate %select_n3A_2103 by %roll3A_2118 dim 1 : vector<128x128xf32>, i32 -> vector<128x128xf32>
    %roll3A_2120 = arith.constant 1 : i32
    %roll3A_2121 = tpu.dynamic_rotate %select_n3A_2103 by %roll3A_2120 dim 1 : vector<128x128xf32>, i32 -> vector<128x128xf32>
    %select_n3A_2122 = arith.select %eq3A_2113, %roll3A_2121, %roll3A_2119 : vector<128x128xi1>, vector<128x128xf32>
    %roll3A_2123 = arith.constant 127 : i32
    %roll3A_2124 = tpu.dynamic_rotate %select_n3A_2104 by %roll3A_2123 dim 1 : vector<128x128xf32>, i32 -> vector<128x128xf32>
    %roll3A_2125 = arith.constant 1 : i32
    %roll3A_2126 = tpu.dynamic_rotate %select_n3A_2104 by %roll3A_2125 dim 1 : vector<128x128xf32>, i32 -> vector<128x128xf32>
    %select_n3A_2127 = arith.select %eq3A_2113, %roll3A_2126, %roll3A_2124 : vector<128x128xi1>, vector<128x128xf32>
    %select_n3A_2128 = arith.select %eq3A_2117, %select_n3A_2103, %select_n3A_2122 : vector<128x128xi1>, vector<128x128xf32>
    %select_n3A_2129 = arith.select %eq3A_2117, %select_n3A_2122, %select_n3A_2103 : vector<128x128xi1>, vector<128x128xf32>
    %lt3A_2130 = arith.cmpf olt, %select_n3A_2129, %select_n3A_2128 : vector<128x128xf32>
    %select_n3A_2131 = arith.select %lt3A_2130, %select_n3A_2122, %select_n3A_2103 : vector<128x128xi1>, vector<128x128xf32>
    %select_n3A_2132 = arith.select %lt3A_2130, %select_n3A_2127, %select_n3A_2104 : vector<128x128xi1>, vector<128x128xf32>
    %shift_right_arithmetic3A_2133 = arith.constant 5 : i32
    %shift_right_arithmetic3A_2134 = vector.broadcast %shift_right_arithmetic3A_2133 : i32 to vector<128x128xi32>
    %shift_right_arithmetic3A_2135 = arith.shrsi %iota3A, %shift_right_arithmetic3A_2134 : vector<128x128xi32>
    %and3A_2136 = arith.constant 1 : i32
    %and3A_2137 = vector.broadcast %and3A_2136 : i32 to vector<128x128xi32>
    %and3A_2138 = arith.andi %shift_right_arithmetic3A_2135, %and3A_2137 : vector<128x128xi32>
    %shift_right_arithmetic3A_2139 = arith.constant 4 : i32
    %shift_right_arithmetic3A_2140 = vector.broadcast %shift_right_arithmetic3A_2139 : i32 to vector<128x128xi32>
    %shift_right_arithmetic3A_2141 = arith.shrsi %iota3A, %shift_right_arithmetic3A_2140 : vector<128x128xi32>
    %and3A_2142 = arith.constant 1 : i32
    %and3A_2143 = vector.broadcast %and3A_2142 : i32 to vector<128x128xi32>
    %and3A_2144 = arith.andi %shift_right_arithmetic3A_2141, %and3A_2143 : vector<128x128xi32>
    %eq3A_2145 = arith.constant 1 : i32
    %eq3A_2146 = vector.broadcast %eq3A_2145 : i32 to vector<128x128xi32>
    %eq3A_2147 = arith.cmpi eq, %and3A_2144, %eq3A_2146 : vector<128x128xi32>
    %xor3A_2148 = arith.xori %and3A_2138, %and3A_2144 : vector<128x128xi32>
    %eq3A_2149 = arith.constant 0 : i32
    %eq3A_2150 = vector.broadcast %eq3A_2149 : i32 to vector<128x128xi32>
    %eq3A_2151 = arith.cmpi eq, %xor3A_2148, %eq3A_2150 : vector<128x128xi32>
    %roll3A_2152 = arith.constant 112 : i32
    %roll3A_2153 = tpu.dynamic_rotate %select_n3A_2131 by %roll3A_2152 dim 0 : vector<128x128xf32>, i32 -> vector<128x128xf32>
    %roll3A_2154 = arith.constant 16 : i32
    %roll3A_2155 = tpu.dynamic_rotate %select_n3A_2131 by %roll3A_2154 dim 0 : vector<128x128xf32>, i32 -> vector<128x128xf32>
    %select_n3A_2156 = arith.select %eq3A_2147, %roll3A_2155, %roll3A_2153 : vector<128x128xi1>, vector<128x128xf32>
    %roll3A_2157 = arith.constant 112 : i32
    %roll3A_2158 = tpu.dynamic_rotate %select_n3A_2132 by %roll3A_2157 dim 0 : vector<128x128xf32>, i32 -> vector<128x128xf32>
    %roll3A_2159 = arith.constant 16 : i32
    %roll3A_2160 = tpu.dynamic_rotate %select_n3A_2132 by %roll3A_2159 dim 0 : vector<128x128xf32>, i32 -> vector<128x128xf32>
    %select_n3A_2161 = arith.select %eq3A_2147, %roll3A_2160, %roll3A_2158 : vector<128x128xi1>, vector<128x128xf32>
    %select_n3A_2162 = arith.select %eq3A_2151, %select_n3A_2131, %select_n3A_2156 : vector<128x128xi1>, vector<128x128xf32>
    %select_n3A_2163 = arith.select %eq3A_2151, %select_n3A_2156, %select_n3A_2131 : vector<128x128xi1>, vector<128x128xf32>
    %lt3A_2164 = arith.cmpf olt, %select_n3A_2163, %select_n3A_2162 : vector<128x128xf32>
    %select_n3A_2165 = arith.select %lt3A_2164, %select_n3A_2156, %select_n3A_2131 : vector<128x128xi1>, vector<128x128xf32>
    %select_n3A_2166 = arith.select %lt3A_2164, %select_n3A_2161, %select_n3A_2132 : vector<128x128xi1>, vector<128x128xf32>
    %shift_right_arithmetic3A_2167 = arith.constant 3 : i32
    %shift_right_arithmetic3A_2168 = vector.broadcast %shift_right_arithmetic3A_2167 : i32 to vector<128x128xi32>
    %shift_right_arithmetic3A_2169 = arith.shrsi %iota3A, %shift_right_arithmetic3A_2168 : vector<128x128xi32>
    %and3A_2170 = arith.constant 1 : i32
    %and3A_2171 = vector.broadcast %and3A_2170 : i32 to vector<128x128xi32>
    %and3A_2172 = arith.andi %shift_right_arithmetic3A_2169, %and3A_2171 : vector<128x128xi32>
    %eq3A_2173 = arith.constant 1 : i32
    %eq3A_2174 = vector.broadcast %eq3A_2173 : i32 to vector<128x128xi32>
    %eq3A_2175 = arith.cmpi eq, %and3A_2172, %eq3A_2174 : vector<128x128xi32>
    %xor3A_2176 = arith.xori %and3A_2138, %and3A_2172 : vector<128x128xi32>
    %eq3A_2177 = arith.constant 0 : i32
    %eq3A_2178 = vector.broadcast %eq3A_2177 : i32 to vector<128x128xi32>
    %eq3A_2179 = arith.cmpi eq, %xor3A_2176, %eq3A_2178 : vector<128x128xi32>
    %roll3A_2180 = arith.constant 120 : i32
    %roll3A_2181 = tpu.dynamic_rotate %select_n3A_2165 by %roll3A_2180 dim 0 : vector<128x128xf32>, i32 -> vector<128x128xf32>
    %roll3A_2182 = arith.constant 8 : i32
    %roll3A_2183 = tpu.dynamic_rotate %select_n3A_2165 by %roll3A_2182 dim 0 : vector<128x128xf32>, i32 -> vector<128x128xf32>
    %select_n3A_2184 = arith.select %eq3A_2175, %roll3A_2183, %roll3A_2181 : vector<128x128xi1>, vector<128x128xf32>
    %roll3A_2185 = arith.constant 120 : i32
    %roll3A_2186 = tpu.dynamic_rotate %select_n3A_2166 by %roll3A_2185 dim 0 : vector<128x128xf32>, i32 -> vector<128x128xf32>
    %roll3A_2187 = arith.constant 8 : i32
    %roll3A_2188 = tpu.dynamic_rotate %select_n3A_2166 by %roll3A_2187 dim 0 : vector<128x128xf32>, i32 -> vector<128x128xf32>
    %select_n3A_2189 = arith.select %eq3A_2175, %roll3A_2188, %roll3A_2186 : vector<128x128xi1>, vector<128x128xf32>
    %select_n3A_2190 = arith.select %eq3A_2179, %select_n3A_2165, %select_n3A_2184 : vector<128x128xi1>, vector<128x128xf32>
    %select_n3A_2191 = arith.select %eq3A_2179, %select_n3A_2184, %select_n3A_2165 : vector<128x128xi1>, vector<128x128xf32>
    %lt3A_2192 = arith.cmpf olt, %select_n3A_2191, %select_n3A_2190 : vector<128x128xf32>
    %select_n3A_2193 = arith.select %lt3A_2192, %select_n3A_2184, %select_n3A_2165 : vector<128x128xi1>, vector<128x128xf32>
    %select_n3A_2194 = arith.select %lt3A_2192, %select_n3A_2189, %select_n3A_2166 : vector<128x128xi1>, vector<128x128xf32>
    %shift_right_arithmetic3A_2195 = arith.constant 2 : i32
    %shift_right_arithmetic3A_2196 = vector.broadcast %shift_right_arithmetic3A_2195 : i32 to vector<128x128xi32>
    %shift_right_arithmetic3A_2197 = arith.shrsi %iota3A, %shift_right_arithmetic3A_2196 : vector<128x128xi32>
    %and3A_2198 = arith.constant 1 : i32
    %and3A_2199 = vector.broadcast %and3A_2198 : i32 to vector<128x128xi32>
    %and3A_2200 = arith.andi %shift_right_arithmetic3A_2197, %and3A_2199 : vector<128x128xi32>
    %eq3A_2201 = arith.constant 1 : i32
    %eq3A_2202 = vector.broadcast %eq3A_2201 : i32 to vector<128x128xi32>
    %eq3A_2203 = arith.cmpi eq, %and3A_2200, %eq3A_2202 : vector<128x128xi32>
    %xor3A_2204 = arith.xori %and3A_2138, %and3A_2200 : vector<128x128xi32>
    %eq3A_2205 = arith.constant 0 : i32
    %eq3A_2206 = vector.broadcast %eq3A_2205 : i32 to vector<128x128xi32>
    %eq3A_2207 = arith.cmpi eq, %xor3A_2204, %eq3A_2206 : vector<128x128xi32>
    %roll3A_2208 = arith.constant 124 : i32
    %roll3A_2209 = tpu.dynamic_rotate %select_n3A_2193 by %roll3A_2208 dim 0 : vector<128x128xf32>, i32 -> vector<128x128xf32>
    %roll3A_2210 = arith.constant 4 : i32
    %roll3A_2211 = tpu.dynamic_rotate %select_n3A_2193 by %roll3A_2210 dim 0 : vector<128x128xf32>, i32 -> vector<128x128xf32>
    %select_n3A_2212 = arith.select %eq3A_2203, %roll3A_2211, %roll3A_2209 : vector<128x128xi1>, vector<128x128xf32>
    %roll3A_2213 = arith.constant 124 : i32
    %roll3A_2214 = tpu.dynamic_rotate %select_n3A_2194 by %roll3A_2213 dim 0 : vector<128x128xf32>, i32 -> vector<128x128xf32>
    %roll3A_2215 = arith.constant 4 : i32
    %roll3A_2216 = tpu.dynamic_rotate %select_n3A_2194 by %roll3A_2215 dim 0 : vector<128x128xf32>, i32 -> vector<128x128xf32>
    %select_n3A_2217 = arith.select %eq3A_2203, %roll3A_2216, %roll3A_2214 : vector<128x128xi1>, vector<128x128xf32>
    %select_n3A_2218 = arith.select %eq3A_2207, %select_n3A_2193, %select_n3A_2212 : vector<128x128xi1>, vector<128x128xf32>
    %select_n3A_2219 = arith.select %eq3A_2207, %select_n3A_2212, %select_n3A_2193 : vector<128x128xi1>, vector<128x128xf32>
    %lt3A_2220 = arith.cmpf olt, %select_n3A_2219, %select_n3A_2218 : vector<128x128xf32>
    %select_n3A_2221 = arith.select %lt3A_2220, %select_n3A_2212, %select_n3A_2193 : vector<128x128xi1>, vector<128x128xf32>
    %select_n3A_2222 = arith.select %lt3A_2220, %select_n3A_2217, %select_n3A_2194 : vector<128x128xi1>, vector<128x128xf32>
    %shift_right_arithmetic3A_2223 = arith.constant 1 : i32
    %shift_right_arithmetic3A_2224 = vector.broadcast %shift_right_arithmetic3A_2223 : i32 to vector<128x128xi32>
    %shift_right_arithmetic3A_2225 = arith.shrsi %iota3A, %shift_right_arithmetic3A_2224 : vector<128x128xi32>
    %and3A_2226 = arith.constant 1 : i32
    %and3A_2227 = vector.broadcast %and3A_2226 : i32 to vector<128x128xi32>
    %and3A_2228 = arith.andi %shift_right_arithmetic3A_2225, %and3A_2227 : vector<128x128xi32>
    %eq3A_2229 = arith.constant 1 : i32
    %eq3A_2230 = vector.broadcast %eq3A_2229 : i32 to vector<128x128xi32>
    %eq3A_2231 = arith.cmpi eq, %and3A_2228, %eq3A_2230 : vector<128x128xi32>
    %xor3A_2232 = arith.xori %and3A_2138, %and3A_2228 : vector<128x128xi32>
    %eq3A_2233 = arith.constant 0 : i32
    %eq3A_2234 = vector.broadcast %eq3A_2233 : i32 to vector<128x128xi32>
    %eq3A_2235 = arith.cmpi eq, %xor3A_2232, %eq3A_2234 : vector<128x128xi32>
    %roll3A_2236 = arith.constant 126 : i32
    %roll3A_2237 = tpu.dynamic_rotate %select_n3A_2221 by %roll3A_2236 dim 0 : vector<128x128xf32>, i32 -> vector<128x128xf32>
    %roll3A_2238 = arith.constant 2 : i32
    %roll3A_2239 = tpu.dynamic_rotate %select_n3A_2221 by %roll3A_2238 dim 0 : vector<128x128xf32>, i32 -> vector<128x128xf32>
    %select_n3A_2240 = arith.select %eq3A_2231, %roll3A_2239, %roll3A_2237 : vector<128x128xi1>, vector<128x128xf32>
    %roll3A_2241 = arith.constant 126 : i32
    %roll3A_2242 = tpu.dynamic_rotate %select_n3A_2222 by %roll3A_2241 dim 0 : vector<128x128xf32>, i32 -> vector<128x128xf32>
    %roll3A_2243 = arith.constant 2 : i32
    %roll3A_2244 = tpu.dynamic_rotate %select_n3A_2222 by %roll3A_2243 dim 0 : vector<128x128xf32>, i32 -> vector<128x128xf32>
    %select_n3A_2245 = arith.select %eq3A_2231, %roll3A_2244, %roll3A_2242 : vector<128x128xi1>, vector<128x128xf32>
    %select_n3A_2246 = arith.select %eq3A_2235, %select_n3A_2221, %select_n3A_2240 : vector<128x128xi1>, vector<128x128xf32>
    %select_n3A_2247 = arith.select %eq3A_2235, %select_n3A_2240, %select_n3A_2221 : vector<128x128xi1>, vector<128x128xf32>
    %lt3A_2248 = arith.cmpf olt, %select_n3A_2247, %select_n3A_2246 : vector<128x128xf32>
    %select_n3A_2249 = arith.select %lt3A_2248, %select_n3A_2240, %select_n3A_2221 : vector<128x128xi1>, vector<128x128xf32>
    %select_n3A_2250 = arith.select %lt3A_2248, %select_n3A_2245, %select_n3A_2222 : vector<128x128xi1>, vector<128x128xf32>
    %shift_right_arithmetic3A_2251 = arith.constant 0 : i32
    %shift_right_arithmetic3A_2252 = vector.broadcast %shift_right_arithmetic3A_2251 : i32 to vector<128x128xi32>
    %shift_right_arithmetic3A_2253 = arith.shrsi %iota3A, %shift_right_arithmetic3A_2252 : vector<128x128xi32>
    %and3A_2254 = arith.constant 1 : i32
    %and3A_2255 = vector.broadcast %and3A_2254 : i32 to vector<128x128xi32>
    %and3A_2256 = arith.andi %shift_right_arithmetic3A_2253, %and3A_2255 : vector<128x128xi32>
    %eq3A_2257 = arith.constant 1 : i32
    %eq3A_2258 = vector.broadcast %eq3A_2257 : i32 to vector<128x128xi32>
    %eq3A_2259 = arith.cmpi eq, %and3A_2256, %eq3A_2258 : vector<128x128xi32>
    %xor3A_2260 = arith.xori %and3A_2138, %and3A_2256 : vector<128x128xi32>
    %eq3A_2261 = arith.constant 0 : i32
    %eq3A_2262 = vector.broadcast %eq3A_2261 : i32 to vector<128x128xi32>
    %eq3A_2263 = arith.cmpi eq, %xor3A_2260, %eq3A_2262 : vector<128x128xi32>
    %roll3A_2264 = arith.constant 127 : i32
    %roll3A_2265 = tpu.dynamic_rotate %select_n3A_2249 by %roll3A_2264 dim 0 : vector<128x128xf32>, i32 -> vector<128x128xf32>
    %roll3A_2266 = arith.constant 1 : i32
    %roll3A_2267 = tpu.dynamic_rotate %select_n3A_2249 by %roll3A_2266 dim 0 : vector<128x128xf32>, i32 -> vector<128x128xf32>
    %select_n3A_2268 = arith.select %eq3A_2259, %roll3A_2267, %roll3A_2265 : vector<128x128xi1>, vector<128x128xf32>
    %roll3A_2269 = arith.constant 127 : i32
    %roll3A_2270 = tpu.dynamic_rotate %select_n3A_2250 by %roll3A_2269 dim 0 : vector<128x128xf32>, i32 -> vector<128x128xf32>
    %roll3A_2271 = arith.constant 1 : i32
    %roll3A_2272 = tpu.dynamic_rotate %select_n3A_2250 by %roll3A_2271 dim 0 : vector<128x128xf32>, i32 -> vector<128x128xf32>
    %select_n3A_2273 = arith.select %eq3A_2259, %roll3A_2272, %roll3A_2270 : vector<128x128xi1>, vector<128x128xf32>
    %select_n3A_2274 = arith.select %eq3A_2263, %select_n3A_2249, %select_n3A_2268 : vector<128x128xi1>, vector<128x128xf32>
    %select_n3A_2275 = arith.select %eq3A_2263, %select_n3A_2268, %select_n3A_2249 : vector<128x128xi1>, vector<128x128xf32>
    %lt3A_2276 = arith.cmpf olt, %select_n3A_2275, %select_n3A_2274 : vector<128x128xf32>
    %select_n3A_2277 = arith.select %lt3A_2276, %select_n3A_2268, %select_n3A_2249 : vector<128x128xi1>, vector<128x128xf32>
    %select_n3A_2278 = arith.select %lt3A_2276, %select_n3A_2273, %select_n3A_2250 : vector<128x128xi1>, vector<128x128xf32>
    %shift_right_arithmetic3A_2279 = arith.constant 6 : i32
    %shift_right_arithmetic3A_2280 = vector.broadcast %shift_right_arithmetic3A_2279 : i32 to vector<128x128xi32>
    %shift_right_arithmetic3A_2281 = arith.shrsi %iota3A_5, %shift_right_arithmetic3A_2280 : vector<128x128xi32>
    %and3A_2282 = arith.constant 1 : i32
    %and3A_2283 = vector.broadcast %and3A_2282 : i32 to vector<128x128xi32>
    %and3A_2284 = arith.andi %shift_right_arithmetic3A_2281, %and3A_2283 : vector<128x128xi32>
    %eq3A_2285 = arith.constant 1 : i32
    %eq3A_2286 = vector.broadcast %eq3A_2285 : i32 to vector<128x128xi32>
    %eq3A_2287 = arith.cmpi eq, %and3A_2284, %eq3A_2286 : vector<128x128xi32>
    %xor3A_2288 = arith.xori %and3A_2138, %and3A_2284 : vector<128x128xi32>
    %eq3A_2289 = arith.constant 0 : i32
    %eq3A_2290 = vector.broadcast %eq3A_2289 : i32 to vector<128x128xi32>
    %eq3A_2291 = arith.cmpi eq, %xor3A_2288, %eq3A_2290 : vector<128x128xi32>
    %roll3A_2292 = arith.constant 64 : i32
    %roll3A_2293 = tpu.dynamic_rotate %select_n3A_2277 by %roll3A_2292 dim 1 : vector<128x128xf32>, i32 -> vector<128x128xf32>
    %roll3A_2294 = arith.constant 64 : i32
    %roll3A_2295 = tpu.dynamic_rotate %select_n3A_2277 by %roll3A_2294 dim 1 : vector<128x128xf32>, i32 -> vector<128x128xf32>
    %select_n3A_2296 = arith.select %eq3A_2287, %roll3A_2295, %roll3A_2293 : vector<128x128xi1>, vector<128x128xf32>
    %roll3A_2297 = arith.constant 64 : i32
    %roll3A_2298 = tpu.dynamic_rotate %select_n3A_2278 by %roll3A_2297 dim 1 : vector<128x128xf32>, i32 -> vector<128x128xf32>
    %roll3A_2299 = arith.constant 64 : i32
    %roll3A_2300 = tpu.dynamic_rotate %select_n3A_2278 by %roll3A_2299 dim 1 : vector<128x128xf32>, i32 -> vector<128x128xf32>
    %select_n3A_2301 = arith.select %eq3A_2287, %roll3A_2300, %roll3A_2298 : vector<128x128xi1>, vector<128x128xf32>
    %select_n3A_2302 = arith.select %eq3A_2291, %select_n3A_2277, %select_n3A_2296 : vector<128x128xi1>, vector<128x128xf32>
    %select_n3A_2303 = arith.select %eq3A_2291, %select_n3A_2296, %select_n3A_2277 : vector<128x128xi1>, vector<128x128xf32>
    %lt3A_2304 = arith.cmpf olt, %select_n3A_2303, %select_n3A_2302 : vector<128x128xf32>
    %select_n3A_2305 = arith.select %lt3A_2304, %select_n3A_2296, %select_n3A_2277 : vector<128x128xi1>, vector<128x128xf32>
    %select_n3A_2306 = arith.select %lt3A_2304, %select_n3A_2301, %select_n3A_2278 : vector<128x128xi1>, vector<128x128xf32>
    %shift_right_arithmetic3A_2307 = arith.constant 5 : i32
    %shift_right_arithmetic3A_2308 = vector.broadcast %shift_right_arithmetic3A_2307 : i32 to vector<128x128xi32>
    %shift_right_arithmetic3A_2309 = arith.shrsi %iota3A_5, %shift_right_arithmetic3A_2308 : vector<128x128xi32>
    %and3A_2310 = arith.constant 1 : i32
    %and3A_2311 = vector.broadcast %and3A_2310 : i32 to vector<128x128xi32>
    %and3A_2312 = arith.andi %shift_right_arithmetic3A_2309, %and3A_2311 : vector<128x128xi32>
    %eq3A_2313 = arith.constant 1 : i32
    %eq3A_2314 = vector.broadcast %eq3A_2313 : i32 to vector<128x128xi32>
    %eq3A_2315 = arith.cmpi eq, %and3A_2312, %eq3A_2314 : vector<128x128xi32>
    %xor3A_2316 = arith.xori %and3A_2138, %and3A_2312 : vector<128x128xi32>
    %eq3A_2317 = arith.constant 0 : i32
    %eq3A_2318 = vector.broadcast %eq3A_2317 : i32 to vector<128x128xi32>
    %eq3A_2319 = arith.cmpi eq, %xor3A_2316, %eq3A_2318 : vector<128x128xi32>
    %roll3A_2320 = arith.constant 96 : i32
    %roll3A_2321 = tpu.dynamic_rotate %select_n3A_2305 by %roll3A_2320 dim 1 : vector<128x128xf32>, i32 -> vector<128x128xf32>
    %roll3A_2322 = arith.constant 32 : i32
    %roll3A_2323 = tpu.dynamic_rotate %select_n3A_2305 by %roll3A_2322 dim 1 : vector<128x128xf32>, i32 -> vector<128x128xf32>
    %select_n3A_2324 = arith.select %eq3A_2315, %roll3A_2323, %roll3A_2321 : vector<128x128xi1>, vector<128x128xf32>
    %roll3A_2325 = arith.constant 96 : i32
    %roll3A_2326 = tpu.dynamic_rotate %select_n3A_2306 by %roll3A_2325 dim 1 : vector<128x128xf32>, i32 -> vector<128x128xf32>
    %roll3A_2327 = arith.constant 32 : i32
    %roll3A_2328 = tpu.dynamic_rotate %select_n3A_2306 by %roll3A_2327 dim 1 : vector<128x128xf32>, i32 -> vector<128x128xf32>
    %select_n3A_2329 = arith.select %eq3A_2315, %roll3A_2328, %roll3A_2326 : vector<128x128xi1>, vector<128x128xf32>
    %select_n3A_2330 = arith.select %eq3A_2319, %select_n3A_2305, %select_n3A_2324 : vector<128x128xi1>, vector<128x128xf32>
    %select_n3A_2331 = arith.select %eq3A_2319, %select_n3A_2324, %select_n3A_2305 : vector<128x128xi1>, vector<128x128xf32>
    %lt3A_2332 = arith.cmpf olt, %select_n3A_2331, %select_n3A_2330 : vector<128x128xf32>
    %select_n3A_2333 = arith.select %lt3A_2332, %select_n3A_2324, %select_n3A_2305 : vector<128x128xi1>, vector<128x128xf32>
    %select_n3A_2334 = arith.select %lt3A_2332, %select_n3A_2329, %select_n3A_2306 : vector<128x128xi1>, vector<128x128xf32>
    %shift_right_arithmetic3A_2335 = arith.constant 4 : i32
    %shift_right_arithmetic3A_2336 = vector.broadcast %shift_right_arithmetic3A_2335 : i32 to vector<128x128xi32>
    %shift_right_arithmetic3A_2337 = arith.shrsi %iota3A_5, %shift_right_arithmetic3A_2336 : vector<128x128xi32>
    %and3A_2338 = arith.constant 1 : i32
    %and3A_2339 = vector.broadcast %and3A_2338 : i32 to vector<128x128xi32>
    %and3A_2340 = arith.andi %shift_right_arithmetic3A_2337, %and3A_2339 : vector<128x128xi32>
    %eq3A_2341 = arith.constant 1 : i32
    %eq3A_2342 = vector.broadcast %eq3A_2341 : i32 to vector<128x128xi32>
    %eq3A_2343 = arith.cmpi eq, %and3A_2340, %eq3A_2342 : vector<128x128xi32>
    %xor3A_2344 = arith.xori %and3A_2138, %and3A_2340 : vector<128x128xi32>
    %eq3A_2345 = arith.constant 0 : i32
    %eq3A_2346 = vector.broadcast %eq3A_2345 : i32 to vector<128x128xi32>
    %eq3A_2347 = arith.cmpi eq, %xor3A_2344, %eq3A_2346 : vector<128x128xi32>
    %roll3A_2348 = arith.constant 112 : i32
    %roll3A_2349 = tpu.dynamic_rotate %select_n3A_2333 by %roll3A_2348 dim 1 : vector<128x128xf32>, i32 -> vector<128x128xf32>
    %roll3A_2350 = arith.constant 16 : i32
    %roll3A_2351 = tpu.dynamic_rotate %select_n3A_2333 by %roll3A_2350 dim 1 : vector<128x128xf32>, i32 -> vector<128x128xf32>
    %select_n3A_2352 = arith.select %eq3A_2343, %roll3A_2351, %roll3A_2349 : vector<128x128xi1>, vector<128x128xf32>
    %roll3A_2353 = arith.constant 112 : i32
    %roll3A_2354 = tpu.dynamic_rotate %select_n3A_2334 by %roll3A_2353 dim 1 : vector<128x128xf32>, i32 -> vector<128x128xf32>
    %roll3A_2355 = arith.constant 16 : i32
    %roll3A_2356 = tpu.dynamic_rotate %select_n3A_2334 by %roll3A_2355 dim 1 : vector<128x128xf32>, i32 -> vector<128x128xf32>
    %select_n3A_2357 = arith.select %eq3A_2343, %roll3A_2356, %roll3A_2354 : vector<128x128xi1>, vector<128x128xf32>
    %select_n3A_2358 = arith.select %eq3A_2347, %select_n3A_2333, %select_n3A_2352 : vector<128x128xi1>, vector<128x128xf32>
    %select_n3A_2359 = arith.select %eq3A_2347, %select_n3A_2352, %select_n3A_2333 : vector<128x128xi1>, vector<128x128xf32>
    %lt3A_2360 = arith.cmpf olt, %select_n3A_2359, %select_n3A_2358 : vector<128x128xf32>
    %select_n3A_2361 = arith.select %lt3A_2360, %select_n3A_2352, %select_n3A_2333 : vector<128x128xi1>, vector<128x128xf32>
    %select_n3A_2362 = arith.select %lt3A_2360, %select_n3A_2357, %select_n3A_2334 : vector<128x128xi1>, vector<128x128xf32>
    %shift_right_arithmetic3A_2363 = arith.constant 3 : i32
    %shift_right_arithmetic3A_2364 = vector.broadcast %shift_right_arithmetic3A_2363 : i32 to vector<128x128xi32>
    %shift_right_arithmetic3A_2365 = arith.shrsi %iota3A_5, %shift_right_arithmetic3A_2364 : vector<128x128xi32>
    %and3A_2366 = arith.constant 1 : i32
    %and3A_2367 = vector.broadcast %and3A_2366 : i32 to vector<128x128xi32>
    %and3A_2368 = arith.andi %shift_right_arithmetic3A_2365, %and3A_2367 : vector<128x128xi32>
    %eq3A_2369 = arith.constant 1 : i32
    %eq3A_2370 = vector.broadcast %eq3A_2369 : i32 to vector<128x128xi32>
    %eq3A_2371 = arith.cmpi eq, %and3A_2368, %eq3A_2370 : vector<128x128xi32>
    %xor3A_2372 = arith.xori %and3A_2138, %and3A_2368 : vector<128x128xi32>
    %eq3A_2373 = arith.constant 0 : i32
    %eq3A_2374 = vector.broadcast %eq3A_2373 : i32 to vector<128x128xi32>
    %eq3A_2375 = arith.cmpi eq, %xor3A_2372, %eq3A_2374 : vector<128x128xi32>
    %roll3A_2376 = arith.constant 120 : i32
    %roll3A_2377 = tpu.dynamic_rotate %select_n3A_2361 by %roll3A_2376 dim 1 : vector<128x128xf32>, i32 -> vector<128x128xf32>
    %roll3A_2378 = arith.constant 8 : i32
    %roll3A_2379 = tpu.dynamic_rotate %select_n3A_2361 by %roll3A_2378 dim 1 : vector<128x128xf32>, i32 -> vector<128x128xf32>
    %select_n3A_2380 = arith.select %eq3A_2371, %roll3A_2379, %roll3A_2377 : vector<128x128xi1>, vector<128x128xf32>
    %roll3A_2381 = arith.constant 120 : i32
    %roll3A_2382 = tpu.dynamic_rotate %select_n3A_2362 by %roll3A_2381 dim 1 : vector<128x128xf32>, i32 -> vector<128x128xf32>
    %roll3A_2383 = arith.constant 8 : i32
    %roll3A_2384 = tpu.dynamic_rotate %select_n3A_2362 by %roll3A_2383 dim 1 : vector<128x128xf32>, i32 -> vector<128x128xf32>
    %select_n3A_2385 = arith.select %eq3A_2371, %roll3A_2384, %roll3A_2382 : vector<128x128xi1>, vector<128x128xf32>
    %select_n3A_2386 = arith.select %eq3A_2375, %select_n3A_2361, %select_n3A_2380 : vector<128x128xi1>, vector<128x128xf32>
    %select_n3A_2387 = arith.select %eq3A_2375, %select_n3A_2380, %select_n3A_2361 : vector<128x128xi1>, vector<128x128xf32>
    %lt3A_2388 = arith.cmpf olt, %select_n3A_2387, %select_n3A_2386 : vector<128x128xf32>
    %select_n3A_2389 = arith.select %lt3A_2388, %select_n3A_2380, %select_n3A_2361 : vector<128x128xi1>, vector<128x128xf32>
    %select_n3A_2390 = arith.select %lt3A_2388, %select_n3A_2385, %select_n3A_2362 : vector<128x128xi1>, vector<128x128xf32>
    %shift_right_arithmetic3A_2391 = arith.constant 2 : i32
    %shift_right_arithmetic3A_2392 = vector.broadcast %shift_right_arithmetic3A_2391 : i32 to vector<128x128xi32>
    %shift_right_arithmetic3A_2393 = arith.shrsi %iota3A_5, %shift_right_arithmetic3A_2392 : vector<128x128xi32>
    %and3A_2394 = arith.constant 1 : i32
    %and3A_2395 = vector.broadcast %and3A_2394 : i32 to vector<128x128xi32>
    %and3A_2396 = arith.andi %shift_right_arithmetic3A_2393, %and3A_2395 : vector<128x128xi32>
    %eq3A_2397 = arith.constant 1 : i32
    %eq3A_2398 = vector.broadcast %eq3A_2397 : i32 to vector<128x128xi32>
    %eq3A_2399 = arith.cmpi eq, %and3A_2396, %eq3A_2398 : vector<128x128xi32>
    %xor3A_2400 = arith.xori %and3A_2138, %and3A_2396 : vector<128x128xi32>
    %eq3A_2401 = arith.constant 0 : i32
    %eq3A_2402 = vector.broadcast %eq3A_2401 : i32 to vector<128x128xi32>
    %eq3A_2403 = arith.cmpi eq, %xor3A_2400, %eq3A_2402 : vector<128x128xi32>
    %roll3A_2404 = arith.constant 124 : i32
    %roll3A_2405 = tpu.dynamic_rotate %select_n3A_2389 by %roll3A_2404 dim 1 : vector<128x128xf32>, i32 -> vector<128x128xf32>
    %roll3A_2406 = arith.constant 4 : i32
    %roll3A_2407 = tpu.dynamic_rotate %select_n3A_2389 by %roll3A_2406 dim 1 : vector<128x128xf32>, i32 -> vector<128x128xf32>
    %select_n3A_2408 = arith.select %eq3A_2399, %roll3A_2407, %roll3A_2405 : vector<128x128xi1>, vector<128x128xf32>
    %roll3A_2409 = arith.constant 124 : i32
    %roll3A_2410 = tpu.dynamic_rotate %select_n3A_2390 by %roll3A_2409 dim 1 : vector<128x128xf32>, i32 -> vector<128x128xf32>
    %roll3A_2411 = arith.constant 4 : i32
    %roll3A_2412 = tpu.dynamic_rotate %select_n3A_2390 by %roll3A_2411 dim 1 : vector<128x128xf32>, i32 -> vector<128x128xf32>
    %select_n3A_2413 = arith.select %eq3A_2399, %roll3A_2412, %roll3A_2410 : vector<128x128xi1>, vector<128x128xf32>
    %select_n3A_2414 = arith.select %eq3A_2403, %select_n3A_2389, %select_n3A_2408 : vector<128x128xi1>, vector<128x128xf32>
    %select_n3A_2415 = arith.select %eq3A_2403, %select_n3A_2408, %select_n3A_2389 : vector<128x128xi1>, vector<128x128xf32>
    %lt3A_2416 = arith.cmpf olt, %select_n3A_2415, %select_n3A_2414 : vector<128x128xf32>
    %select_n3A_2417 = arith.select %lt3A_2416, %select_n3A_2408, %select_n3A_2389 : vector<128x128xi1>, vector<128x128xf32>
    %select_n3A_2418 = arith.select %lt3A_2416, %select_n3A_2413, %select_n3A_2390 : vector<128x128xi1>, vector<128x128xf32>
    %shift_right_arithmetic3A_2419 = arith.constant 1 : i32
    %shift_right_arithmetic3A_2420 = vector.broadcast %shift_right_arithmetic3A_2419 : i32 to vector<128x128xi32>
    %shift_right_arithmetic3A_2421 = arith.shrsi %iota3A_5, %shift_right_arithmetic3A_2420 : vector<128x128xi32>
    %and3A_2422 = arith.constant 1 : i32
    %and3A_2423 = vector.broadcast %and3A_2422 : i32 to vector<128x128xi32>
    %and3A_2424 = arith.andi %shift_right_arithmetic3A_2421, %and3A_2423 : vector<128x128xi32>
    %eq3A_2425 = arith.constant 1 : i32
    %eq3A_2426 = vector.broadcast %eq3A_2425 : i32 to vector<128x128xi32>
    %eq3A_2427 = arith.cmpi eq, %and3A_2424, %eq3A_2426 : vector<128x128xi32>
    %xor3A_2428 = arith.xori %and3A_2138, %and3A_2424 : vector<128x128xi32>
    %eq3A_2429 = arith.constant 0 : i32
    %eq3A_2430 = vector.broadcast %eq3A_2429 : i32 to vector<128x128xi32>
    %eq3A_2431 = arith.cmpi eq, %xor3A_2428, %eq3A_2430 : vector<128x128xi32>
    %roll3A_2432 = arith.constant 126 : i32
    %roll3A_2433 = tpu.dynamic_rotate %select_n3A_2417 by %roll3A_2432 dim 1 : vector<128x128xf32>, i32 -> vector<128x128xf32>
    %roll3A_2434 = arith.constant 2 : i32
    %roll3A_2435 = tpu.dynamic_rotate %select_n3A_2417 by %roll3A_2434 dim 1 : vector<128x128xf32>, i32 -> vector<128x128xf32>
    %select_n3A_2436 = arith.select %eq3A_2427, %roll3A_2435, %roll3A_2433 : vector<128x128xi1>, vector<128x128xf32>
    %roll3A_2437 = arith.constant 126 : i32
    %roll3A_2438 = tpu.dynamic_rotate %select_n3A_2418 by %roll3A_2437 dim 1 : vector<128x128xf32>, i32 -> vector<128x128xf32>
    %roll3A_2439 = arith.constant 2 : i32
    %roll3A_2440 = tpu.dynamic_rotate %select_n3A_2418 by %roll3A_2439 dim 1 : vector<128x128xf32>, i32 -> vector<128x128xf32>
    %select_n3A_2441 = arith.select %eq3A_2427, %roll3A_2440, %roll3A_2438 : vector<128x128xi1>, vector<128x128xf32>
    %select_n3A_2442 = arith.select %eq3A_2431, %select_n3A_2417, %select_n3A_2436 : vector<128x128xi1>, vector<128x128xf32>
    %select_n3A_2443 = arith.select %eq3A_2431, %select_n3A_2436, %select_n3A_2417 : vector<128x128xi1>, vector<128x128xf32>
    %lt3A_2444 = arith.cmpf olt, %select_n3A_2443, %select_n3A_2442 : vector<128x128xf32>
    %select_n3A_2445 = arith.select %lt3A_2444, %select_n3A_2436, %select_n3A_2417 : vector<128x128xi1>, vector<128x128xf32>
    %select_n3A_2446 = arith.select %lt3A_2444, %select_n3A_2441, %select_n3A_2418 : vector<128x128xi1>, vector<128x128xf32>
    %shift_right_arithmetic3A_2447 = arith.constant 0 : i32
    %shift_right_arithmetic3A_2448 = vector.broadcast %shift_right_arithmetic3A_2447 : i32 to vector<128x128xi32>
    %shift_right_arithmetic3A_2449 = arith.shrsi %iota3A_5, %shift_right_arithmetic3A_2448 : vector<128x128xi32>
    %and3A_2450 = arith.constant 1 : i32
    %and3A_2451 = vector.broadcast %and3A_2450 : i32 to vector<128x128xi32>
    %and3A_2452 = arith.andi %shift_right_arithmetic3A_2449, %and3A_2451 : vector<128x128xi32>
    %eq3A_2453 = arith.constant 1 : i32
    %eq3A_2454 = vector.broadcast %eq3A_2453 : i32 to vector<128x128xi32>
    %eq3A_2455 = arith.cmpi eq, %and3A_2452, %eq3A_2454 : vector<128x128xi32>
    %xor3A_2456 = arith.xori %and3A_2138, %and3A_2452 : vector<128x128xi32>
    %eq3A_2457 = arith.constant 0 : i32
    %eq3A_2458 = vector.broadcast %eq3A_2457 : i32 to vector<128x128xi32>
    %eq3A_2459 = arith.cmpi eq, %xor3A_2456, %eq3A_2458 : vector<128x128xi32>
    %roll3A_2460 = arith.constant 127 : i32
    %roll3A_2461 = tpu.dynamic_rotate %select_n3A_2445 by %roll3A_2460 dim 1 : vector<128x128xf32>, i32 -> vector<128x128xf32>
    %roll3A_2462 = arith.constant 1 : i32
    %roll3A_2463 = tpu.dynamic_rotate %select_n3A_2445 by %roll3A_2462 dim 1 : vector<128x128xf32>, i32 -> vector<128x128xf32>
    %select_n3A_2464 = arith.select %eq3A_2455, %roll3A_2463, %roll3A_2461 : vector<128x128xi1>, vector<128x128xf32>
    %roll3A_2465 = arith.constant 127 : i32
    %roll3A_2466 = tpu.dynamic_rotate %select_n3A_2446 by %roll3A_2465 dim 1 : vector<128x128xf32>, i32 -> vector<128x128xf32>
    %roll3A_2467 = arith.constant 1 : i32
    %roll3A_2468 = tpu.dynamic_rotate %select_n3A_2446 by %roll3A_2467 dim 1 : vector<128x128xf32>, i32 -> vector<128x128xf32>
    %select_n3A_2469 = arith.select %eq3A_2455, %roll3A_2468, %roll3A_2466 : vector<128x128xi1>, vector<128x128xf32>
    %select_n3A_2470 = arith.select %eq3A_2459, %select_n3A_2445, %select_n3A_2464 : vector<128x128xi1>, vector<128x128xf32>
    %select_n3A_2471 = arith.select %eq3A_2459, %select_n3A_2464, %select_n3A_2445 : vector<128x128xi1>, vector<128x128xf32>
    %lt3A_2472 = arith.cmpf olt, %select_n3A_2471, %select_n3A_2470 : vector<128x128xf32>
    %select_n3A_2473 = arith.select %lt3A_2472, %select_n3A_2464, %select_n3A_2445 : vector<128x128xi1>, vector<128x128xf32>
    %select_n3A_2474 = arith.select %lt3A_2472, %select_n3A_2469, %select_n3A_2446 : vector<128x128xi1>, vector<128x128xf32>
    %shift_right_arithmetic3A_2475 = arith.constant 6 : i32
    %shift_right_arithmetic3A_2476 = vector.broadcast %shift_right_arithmetic3A_2475 : i32 to vector<128x128xi32>
    %shift_right_arithmetic3A_2477 = arith.shrsi %iota3A, %shift_right_arithmetic3A_2476 : vector<128x128xi32>
    %and3A_2478 = arith.constant 1 : i32
    %and3A_2479 = vector.broadcast %and3A_2478 : i32 to vector<128x128xi32>
    %and3A_2480 = arith.andi %shift_right_arithmetic3A_2477, %and3A_2479 : vector<128x128xi32>
    %shift_right_arithmetic3A_2481 = arith.constant 5 : i32
    %shift_right_arithmetic3A_2482 = vector.broadcast %shift_right_arithmetic3A_2481 : i32 to vector<128x128xi32>
    %shift_right_arithmetic3A_2483 = arith.shrsi %iota3A, %shift_right_arithmetic3A_2482 : vector<128x128xi32>
    %and3A_2484 = arith.constant 1 : i32
    %and3A_2485 = vector.broadcast %and3A_2484 : i32 to vector<128x128xi32>
    %and3A_2486 = arith.andi %shift_right_arithmetic3A_2483, %and3A_2485 : vector<128x128xi32>
    %eq3A_2487 = arith.constant 1 : i32
    %eq3A_2488 = vector.broadcast %eq3A_2487 : i32 to vector<128x128xi32>
    %eq3A_2489 = arith.cmpi eq, %and3A_2486, %eq3A_2488 : vector<128x128xi32>
    %xor3A_2490 = arith.xori %and3A_2480, %and3A_2486 : vector<128x128xi32>
    %eq3A_2491 = arith.constant 0 : i32
    %eq3A_2492 = vector.broadcast %eq3A_2491 : i32 to vector<128x128xi32>
    %eq3A_2493 = arith.cmpi eq, %xor3A_2490, %eq3A_2492 : vector<128x128xi32>
    %roll3A_2494 = arith.constant 96 : i32
    %roll3A_2495 = tpu.dynamic_rotate %select_n3A_2473 by %roll3A_2494 dim 0 : vector<128x128xf32>, i32 -> vector<128x128xf32>
    %roll3A_2496 = arith.constant 32 : i32
    %roll3A_2497 = tpu.dynamic_rotate %select_n3A_2473 by %roll3A_2496 dim 0 : vector<128x128xf32>, i32 -> vector<128x128xf32>
    %select_n3A_2498 = arith.select %eq3A_2489, %roll3A_2497, %roll3A_2495 : vector<128x128xi1>, vector<128x128xf32>
    %roll3A_2499 = arith.constant 96 : i32
    %roll3A_2500 = tpu.dynamic_rotate %select_n3A_2474 by %roll3A_2499 dim 0 : vector<128x128xf32>, i32 -> vector<128x128xf32>
    %roll3A_2501 = arith.constant 32 : i32
    %roll3A_2502 = tpu.dynamic_rotate %select_n3A_2474 by %roll3A_2501 dim 0 : vector<128x128xf32>, i32 -> vector<128x128xf32>
    %select_n3A_2503 = arith.select %eq3A_2489, %roll3A_2502, %roll3A_2500 : vector<128x128xi1>, vector<128x128xf32>
    %select_n3A_2504 = arith.select %eq3A_2493, %select_n3A_2473, %select_n3A_2498 : vector<128x128xi1>, vector<128x128xf32>
    %select_n3A_2505 = arith.select %eq3A_2493, %select_n3A_2498, %select_n3A_2473 : vector<128x128xi1>, vector<128x128xf32>
    %lt3A_2506 = arith.cmpf olt, %select_n3A_2505, %select_n3A_2504 : vector<128x128xf32>
    %select_n3A_2507 = arith.select %lt3A_2506, %select_n3A_2498, %select_n3A_2473 : vector<128x128xi1>, vector<128x128xf32>
    %select_n3A_2508 = arith.select %lt3A_2506, %select_n3A_2503, %select_n3A_2474 : vector<128x128xi1>, vector<128x128xf32>
    %shift_right_arithmetic3A_2509 = arith.constant 4 : i32
    %shift_right_arithmetic3A_2510 = vector.broadcast %shift_right_arithmetic3A_2509 : i32 to vector<128x128xi32>
    %shift_right_arithmetic3A_2511 = arith.shrsi %iota3A, %shift_right_arithmetic3A_2510 : vector<128x128xi32>
    %and3A_2512 = arith.constant 1 : i32
    %and3A_2513 = vector.broadcast %and3A_2512 : i32 to vector<128x128xi32>
    %and3A_2514 = arith.andi %shift_right_arithmetic3A_2511, %and3A_2513 : vector<128x128xi32>
    %eq3A_2515 = arith.constant 1 : i32
    %eq3A_2516 = vector.broadcast %eq3A_2515 : i32 to vector<128x128xi32>
    %eq3A_2517 = arith.cmpi eq, %and3A_2514, %eq3A_2516 : vector<128x128xi32>
    %xor3A_2518 = arith.xori %and3A_2480, %and3A_2514 : vector<128x128xi32>
    %eq3A_2519 = arith.constant 0 : i32
    %eq3A_2520 = vector.broadcast %eq3A_2519 : i32 to vector<128x128xi32>
    %eq3A_2521 = arith.cmpi eq, %xor3A_2518, %eq3A_2520 : vector<128x128xi32>
    %roll3A_2522 = arith.constant 112 : i32
    %roll3A_2523 = tpu.dynamic_rotate %select_n3A_2507 by %roll3A_2522 dim 0 : vector<128x128xf32>, i32 -> vector<128x128xf32>
    %roll3A_2524 = arith.constant 16 : i32
    %roll3A_2525 = tpu.dynamic_rotate %select_n3A_2507 by %roll3A_2524 dim 0 : vector<128x128xf32>, i32 -> vector<128x128xf32>
    %select_n3A_2526 = arith.select %eq3A_2517, %roll3A_2525, %roll3A_2523 : vector<128x128xi1>, vector<128x128xf32>
    %roll3A_2527 = arith.constant 112 : i32
    %roll3A_2528 = tpu.dynamic_rotate %select_n3A_2508 by %roll3A_2527 dim 0 : vector<128x128xf32>, i32 -> vector<128x128xf32>
    %roll3A_2529 = arith.constant 16 : i32
    %roll3A_2530 = tpu.dynamic_rotate %select_n3A_2508 by %roll3A_2529 dim 0 : vector<128x128xf32>, i32 -> vector<128x128xf32>
    %select_n3A_2531 = arith.select %eq3A_2517, %roll3A_2530, %roll3A_2528 : vector<128x128xi1>, vector<128x128xf32>
    %select_n3A_2532 = arith.select %eq3A_2521, %select_n3A_2507, %select_n3A_2526 : vector<128x128xi1>, vector<128x128xf32>
    %select_n3A_2533 = arith.select %eq3A_2521, %select_n3A_2526, %select_n3A_2507 : vector<128x128xi1>, vector<128x128xf32>
    %lt3A_2534 = arith.cmpf olt, %select_n3A_2533, %select_n3A_2532 : vector<128x128xf32>
    %select_n3A_2535 = arith.select %lt3A_2534, %select_n3A_2526, %select_n3A_2507 : vector<128x128xi1>, vector<128x128xf32>
    %select_n3A_2536 = arith.select %lt3A_2534, %select_n3A_2531, %select_n3A_2508 : vector<128x128xi1>, vector<128x128xf32>
    %shift_right_arithmetic3A_2537 = arith.constant 3 : i32
    %shift_right_arithmetic3A_2538 = vector.broadcast %shift_right_arithmetic3A_2537 : i32 to vector<128x128xi32>
    %shift_right_arithmetic3A_2539 = arith.shrsi %iota3A, %shift_right_arithmetic3A_2538 : vector<128x128xi32>
    %and3A_2540 = arith.constant 1 : i32
    %and3A_2541 = vector.broadcast %and3A_2540 : i32 to vector<128x128xi32>
    %and3A_2542 = arith.andi %shift_right_arithmetic3A_2539, %and3A_2541 : vector<128x128xi32>
    %eq3A_2543 = arith.constant 1 : i32
    %eq3A_2544 = vector.broadcast %eq3A_2543 : i32 to vector<128x128xi32>
    %eq3A_2545 = arith.cmpi eq, %and3A_2542, %eq3A_2544 : vector<128x128xi32>
    %xor3A_2546 = arith.xori %and3A_2480, %and3A_2542 : vector<128x128xi32>
    %eq3A_2547 = arith.constant 0 : i32
    %eq3A_2548 = vector.broadcast %eq3A_2547 : i32 to vector<128x128xi32>
    %eq3A_2549 = arith.cmpi eq, %xor3A_2546, %eq3A_2548 : vector<128x128xi32>
    %roll3A_2550 = arith.constant 120 : i32
    %roll3A_2551 = tpu.dynamic_rotate %select_n3A_2535 by %roll3A_2550 dim 0 : vector<128x128xf32>, i32 -> vector<128x128xf32>
    %roll3A_2552 = arith.constant 8 : i32
    %roll3A_2553 = tpu.dynamic_rotate %select_n3A_2535 by %roll3A_2552 dim 0 : vector<128x128xf32>, i32 -> vector<128x128xf32>
    %select_n3A_2554 = arith.select %eq3A_2545, %roll3A_2553, %roll3A_2551 : vector<128x128xi1>, vector<128x128xf32>
    %roll3A_2555 = arith.constant 120 : i32
    %roll3A_2556 = tpu.dynamic_rotate %select_n3A_2536 by %roll3A_2555 dim 0 : vector<128x128xf32>, i32 -> vector<128x128xf32>
    %roll3A_2557 = arith.constant 8 : i32
    %roll3A_2558 = tpu.dynamic_rotate %select_n3A_2536 by %roll3A_2557 dim 0 : vector<128x128xf32>, i32 -> vector<128x128xf32>
    %select_n3A_2559 = arith.select %eq3A_2545, %roll3A_2558, %roll3A_2556 : vector<128x128xi1>, vector<128x128xf32>
    %select_n3A_2560 = arith.select %eq3A_2549, %select_n3A_2535, %select_n3A_2554 : vector<128x128xi1>, vector<128x128xf32>
    %select_n3A_2561 = arith.select %eq3A_2549, %select_n3A_2554, %select_n3A_2535 : vector<128x128xi1>, vector<128x128xf32>
    %lt3A_2562 = arith.cmpf olt, %select_n3A_2561, %select_n3A_2560 : vector<128x128xf32>
    %select_n3A_2563 = arith.select %lt3A_2562, %select_n3A_2554, %select_n3A_2535 : vector<128x128xi1>, vector<128x128xf32>
    %select_n3A_2564 = arith.select %lt3A_2562, %select_n3A_2559, %select_n3A_2536 : vector<128x128xi1>, vector<128x128xf32>
    %shift_right_arithmetic3A_2565 = arith.constant 2 : i32
    %shift_right_arithmetic3A_2566 = vector.broadcast %shift_right_arithmetic3A_2565 : i32 to vector<128x128xi32>
    %shift_right_arithmetic3A_2567 = arith.shrsi %iota3A, %shift_right_arithmetic3A_2566 : vector<128x128xi32>
    %and3A_2568 = arith.constant 1 : i32
    %and3A_2569 = vector.broadcast %and3A_2568 : i32 to vector<128x128xi32>
    %and3A_2570 = arith.andi %shift_right_arithmetic3A_2567, %and3A_2569 : vector<128x128xi32>
    %eq3A_2571 = arith.constant 1 : i32
    %eq3A_2572 = vector.broadcast %eq3A_2571 : i32 to vector<128x128xi32>
    %eq3A_2573 = arith.cmpi eq, %and3A_2570, %eq3A_2572 : vector<128x128xi32>
    %xor3A_2574 = arith.xori %and3A_2480, %and3A_2570 : vector<128x128xi32>
    %eq3A_2575 = arith.constant 0 : i32
    %eq3A_2576 = vector.broadcast %eq3A_2575 : i32 to vector<128x128xi32>
    %eq3A_2577 = arith.cmpi eq, %xor3A_2574, %eq3A_2576 : vector<128x128xi32>
    %roll3A_2578 = arith.constant 124 : i32
    %roll3A_2579 = tpu.dynamic_rotate %select_n3A_2563 by %roll3A_2578 dim 0 : vector<128x128xf32>, i32 -> vector<128x128xf32>
    %roll3A_2580 = arith.constant 4 : i32
    %roll3A_2581 = tpu.dynamic_rotate %select_n3A_2563 by %roll3A_2580 dim 0 : vector<128x128xf32>, i32 -> vector<128x128xf32>
    %select_n3A_2582 = arith.select %eq3A_2573, %roll3A_2581, %roll3A_2579 : vector<128x128xi1>, vector<128x128xf32>
    %roll3A_2583 = arith.constant 124 : i32
    %roll3A_2584 = tpu.dynamic_rotate %select_n3A_2564 by %roll3A_2583 dim 0 : vector<128x128xf32>, i32 -> vector<128x128xf32>
    %roll3A_2585 = arith.constant 4 : i32
    %roll3A_2586 = tpu.dynamic_rotate %select_n3A_2564 by %roll3A_2585 dim 0 : vector<128x128xf32>, i32 -> vector<128x128xf32>
    %select_n3A_2587 = arith.select %eq3A_2573, %roll3A_2586, %roll3A_2584 : vector<128x128xi1>, vector<128x128xf32>
    %select_n3A_2588 = arith.select %eq3A_2577, %select_n3A_2563, %select_n3A_2582 : vector<128x128xi1>, vector<128x128xf32>
    %select_n3A_2589 = arith.select %eq3A_2577, %select_n3A_2582, %select_n3A_2563 : vector<128x128xi1>, vector<128x128xf32>
    %lt3A_2590 = arith.cmpf olt, %select_n3A_2589, %select_n3A_2588 : vector<128x128xf32>
    %select_n3A_2591 = arith.select %lt3A_2590, %select_n3A_2582, %select_n3A_2563 : vector<128x128xi1>, vector<128x128xf32>
    %select_n3A_2592 = arith.select %lt3A_2590, %select_n3A_2587, %select_n3A_2564 : vector<128x128xi1>, vector<128x128xf32>
    %shift_right_arithmetic3A_2593 = arith.constant 1 : i32
    %shift_right_arithmetic3A_2594 = vector.broadcast %shift_right_arithmetic3A_2593 : i32 to vector<128x128xi32>
    %shift_right_arithmetic3A_2595 = arith.shrsi %iota3A, %shift_right_arithmetic3A_2594 : vector<128x128xi32>
    %and3A_2596 = arith.constant 1 : i32
    %and3A_2597 = vector.broadcast %and3A_2596 : i32 to vector<128x128xi32>
    %and3A_2598 = arith.andi %shift_right_arithmetic3A_2595, %and3A_2597 : vector<128x128xi32>
    %eq3A_2599 = arith.constant 1 : i32
    %eq3A_2600 = vector.broadcast %eq3A_2599 : i32 to vector<128x128xi32>
    %eq3A_2601 = arith.cmpi eq, %and3A_2598, %eq3A_2600 : vector<128x128xi32>
    %xor3A_2602 = arith.xori %and3A_2480, %and3A_2598 : vector<128x128xi32>
    %eq3A_2603 = arith.constant 0 : i32
    %eq3A_2604 = vector.broadcast %eq3A_2603 : i32 to vector<128x128xi32>
    %eq3A_2605 = arith.cmpi eq, %xor3A_2602, %eq3A_2604 : vector<128x128xi32>
    %roll3A_2606 = arith.constant 126 : i32
    %roll3A_2607 = tpu.dynamic_rotate %select_n3A_2591 by %roll3A_2606 dim 0 : vector<128x128xf32>, i32 -> vector<128x128xf32>
    %roll3A_2608 = arith.constant 2 : i32
    %roll3A_2609 = tpu.dynamic_rotate %select_n3A_2591 by %roll3A_2608 dim 0 : vector<128x128xf32>, i32 -> vector<128x128xf32>
    %select_n3A_2610 = arith.select %eq3A_2601, %roll3A_2609, %roll3A_2607 : vector<128x128xi1>, vector<128x128xf32>
    %roll3A_2611 = arith.constant 126 : i32
    %roll3A_2612 = tpu.dynamic_rotate %select_n3A_2592 by %roll3A_2611 dim 0 : vector<128x128xf32>, i32 -> vector<128x128xf32>
    %roll3A_2613 = arith.constant 2 : i32
    %roll3A_2614 = tpu.dynamic_rotate %select_n3A_2592 by %roll3A_2613 dim 0 : vector<128x128xf32>, i32 -> vector<128x128xf32>
    %select_n3A_2615 = arith.select %eq3A_2601, %roll3A_2614, %roll3A_2612 : vector<128x128xi1>, vector<128x128xf32>
    %select_n3A_2616 = arith.select %eq3A_2605, %select_n3A_2591, %select_n3A_2610 : vector<128x128xi1>, vector<128x128xf32>
    %select_n3A_2617 = arith.select %eq3A_2605, %select_n3A_2610, %select_n3A_2591 : vector<128x128xi1>, vector<128x128xf32>
    %lt3A_2618 = arith.cmpf olt, %select_n3A_2617, %select_n3A_2616 : vector<128x128xf32>
    %select_n3A_2619 = arith.select %lt3A_2618, %select_n3A_2610, %select_n3A_2591 : vector<128x128xi1>, vector<128x128xf32>
    %select_n3A_2620 = arith.select %lt3A_2618, %select_n3A_2615, %select_n3A_2592 : vector<128x128xi1>, vector<128x128xf32>
    %shift_right_arithmetic3A_2621 = arith.constant 0 : i32
    %shift_right_arithmetic3A_2622 = vector.broadcast %shift_right_arithmetic3A_2621 : i32 to vector<128x128xi32>
    %shift_right_arithmetic3A_2623 = arith.shrsi %iota3A, %shift_right_arithmetic3A_2622 : vector<128x128xi32>
    %and3A_2624 = arith.constant 1 : i32
    %and3A_2625 = vector.broadcast %and3A_2624 : i32 to vector<128x128xi32>
    %and3A_2626 = arith.andi %shift_right_arithmetic3A_2623, %and3A_2625 : vector<128x128xi32>
    %eq3A_2627 = arith.constant 1 : i32
    %eq3A_2628 = vector.broadcast %eq3A_2627 : i32 to vector<128x128xi32>
    %eq3A_2629 = arith.cmpi eq, %and3A_2626, %eq3A_2628 : vector<128x128xi32>
    %xor3A_2630 = arith.xori %and3A_2480, %and3A_2626 : vector<128x128xi32>
    %eq3A_2631 = arith.constant 0 : i32
    %eq3A_2632 = vector.broadcast %eq3A_2631 : i32 to vector<128x128xi32>
    %eq3A_2633 = arith.cmpi eq, %xor3A_2630, %eq3A_2632 : vector<128x128xi32>
    %roll3A_2634 = arith.constant 127 : i32
    %roll3A_2635 = tpu.dynamic_rotate %select_n3A_2619 by %roll3A_2634 dim 0 : vector<128x128xf32>, i32 -> vector<128x128xf32>
    %roll3A_2636 = arith.constant 1 : i32
    %roll3A_2637 = tpu.dynamic_rotate %select_n3A_2619 by %roll3A_2636 dim 0 : vector<128x128xf32>, i32 -> vector<128x128xf32>
    %select_n3A_2638 = arith.select %eq3A_2629, %roll3A_2637, %roll3A_2635 : vector<128x128xi1>, vector<128x128xf32>
    %roll3A_2639 = arith.constant 127 : i32
    %roll3A_2640 = tpu.dynamic_rotate %select_n3A_2620 by %roll3A_2639 dim 0 : vector<128x128xf32>, i32 -> vector<128x128xf32>
    %roll3A_2641 = arith.constant 1 : i32
    %roll3A_2642 = tpu.dynamic_rotate %select_n3A_2620 by %roll3A_2641 dim 0 : vector<128x128xf32>, i32 -> vector<128x128xf32>
    %select_n3A_2643 = arith.select %eq3A_2629, %roll3A_2642, %roll3A_2640 : vector<128x128xi1>, vector<128x128xf32>
    %select_n3A_2644 = arith.select %eq3A_2633, %select_n3A_2619, %select_n3A_2638 : vector<128x128xi1>, vector<128x128xf32>
    %select_n3A_2645 = arith.select %eq3A_2633, %select_n3A_2638, %select_n3A_2619 : vector<128x128xi1>, vector<128x128xf32>
    %lt3A_2646 = arith.cmpf olt, %select_n3A_2645, %select_n3A_2644 : vector<128x128xf32>
    %select_n3A_2647 = arith.select %lt3A_2646, %select_n3A_2638, %select_n3A_2619 : vector<128x128xi1>, vector<128x128xf32>
    %select_n3A_2648 = arith.select %lt3A_2646, %select_n3A_2643, %select_n3A_2620 : vector<128x128xi1>, vector<128x128xf32>
    %shift_right_arithmetic3A_2649 = arith.constant 6 : i32
    %shift_right_arithmetic3A_2650 = vector.broadcast %shift_right_arithmetic3A_2649 : i32 to vector<128x128xi32>
    %shift_right_arithmetic3A_2651 = arith.shrsi %iota3A_5, %shift_right_arithmetic3A_2650 : vector<128x128xi32>
    %and3A_2652 = arith.constant 1 : i32
    %and3A_2653 = vector.broadcast %and3A_2652 : i32 to vector<128x128xi32>
    %and3A_2654 = arith.andi %shift_right_arithmetic3A_2651, %and3A_2653 : vector<128x128xi32>
    %eq3A_2655 = arith.constant 1 : i32
    %eq3A_2656 = vector.broadcast %eq3A_2655 : i32 to vector<128x128xi32>
    %eq3A_2657 = arith.cmpi eq, %and3A_2654, %eq3A_2656 : vector<128x128xi32>
    %xor3A_2658 = arith.xori %and3A_2480, %and3A_2654 : vector<128x128xi32>
    %eq3A_2659 = arith.constant 0 : i32
    %eq3A_2660 = vector.broadcast %eq3A_2659 : i32 to vector<128x128xi32>
    %eq3A_2661 = arith.cmpi eq, %xor3A_2658, %eq3A_2660 : vector<128x128xi32>
    %roll3A_2662 = arith.constant 64 : i32
    %roll3A_2663 = tpu.dynamic_rotate %select_n3A_2647 by %roll3A_2662 dim 1 : vector<128x128xf32>, i32 -> vector<128x128xf32>
    %roll3A_2664 = arith.constant 64 : i32
    %roll3A_2665 = tpu.dynamic_rotate %select_n3A_2647 by %roll3A_2664 dim 1 : vector<128x128xf32>, i32 -> vector<128x128xf32>
    %select_n3A_2666 = arith.select %eq3A_2657, %roll3A_2665, %roll3A_2663 : vector<128x128xi1>, vector<128x128xf32>
    %roll3A_2667 = arith.constant 64 : i32
    %roll3A_2668 = tpu.dynamic_rotate %select_n3A_2648 by %roll3A_2667 dim 1 : vector<128x128xf32>, i32 -> vector<128x128xf32>
    %roll3A_2669 = arith.constant 64 : i32
    %roll3A_2670 = tpu.dynamic_rotate %select_n3A_2648 by %roll3A_2669 dim 1 : vector<128x128xf32>, i32 -> vector<128x128xf32>
    %select_n3A_2671 = arith.select %eq3A_2657, %roll3A_2670, %roll3A_2668 : vector<128x128xi1>, vector<128x128xf32>
    %select_n3A_2672 = arith.select %eq3A_2661, %select_n3A_2647, %select_n3A_2666 : vector<128x128xi1>, vector<128x128xf32>
    %select_n3A_2673 = arith.select %eq3A_2661, %select_n3A_2666, %select_n3A_2647 : vector<128x128xi1>, vector<128x128xf32>
    %lt3A_2674 = arith.cmpf olt, %select_n3A_2673, %select_n3A_2672 : vector<128x128xf32>
    %select_n3A_2675 = arith.select %lt3A_2674, %select_n3A_2666, %select_n3A_2647 : vector<128x128xi1>, vector<128x128xf32>
    %select_n3A_2676 = arith.select %lt3A_2674, %select_n3A_2671, %select_n3A_2648 : vector<128x128xi1>, vector<128x128xf32>
    %shift_right_arithmetic3A_2677 = arith.constant 5 : i32
    %shift_right_arithmetic3A_2678 = vector.broadcast %shift_right_arithmetic3A_2677 : i32 to vector<128x128xi32>
    %shift_right_arithmetic3A_2679 = arith.shrsi %iota3A_5, %shift_right_arithmetic3A_2678 : vector<128x128xi32>
    %and3A_2680 = arith.constant 1 : i32
    %and3A_2681 = vector.broadcast %and3A_2680 : i32 to vector<128x128xi32>
    %and3A_2682 = arith.andi %shift_right_arithmetic3A_2679, %and3A_2681 : vector<128x128xi32>
    %eq3A_2683 = arith.constant 1 : i32
    %eq3A_2684 = vector.broadcast %eq3A_2683 : i32 to vector<128x128xi32>
    %eq3A_2685 = arith.cmpi eq, %and3A_2682, %eq3A_2684 : vector<128x128xi32>
    %xor3A_2686 = arith.xori %and3A_2480, %and3A_2682 : vector<128x128xi32>
    %eq3A_2687 = arith.constant 0 : i32
    %eq3A_2688 = vector.broadcast %eq3A_2687 : i32 to vector<128x128xi32>
    %eq3A_2689 = arith.cmpi eq, %xor3A_2686, %eq3A_2688 : vector<128x128xi32>
    %roll3A_2690 = arith.constant 96 : i32
    %roll3A_2691 = tpu.dynamic_rotate %select_n3A_2675 by %roll3A_2690 dim 1 : vector<128x128xf32>, i32 -> vector<128x128xf32>
    %roll3A_2692 = arith.constant 32 : i32
    %roll3A_2693 = tpu.dynamic_rotate %select_n3A_2675 by %roll3A_2692 dim 1 : vector<128x128xf32>, i32 -> vector<128x128xf32>
    %select_n3A_2694 = arith.select %eq3A_2685, %roll3A_2693, %roll3A_2691 : vector<128x128xi1>, vector<128x128xf32>
    %roll3A_2695 = arith.constant 96 : i32
    %roll3A_2696 = tpu.dynamic_rotate %select_n3A_2676 by %roll3A_2695 dim 1 : vector<128x128xf32>, i32 -> vector<128x128xf32>
    %roll3A_2697 = arith.constant 32 : i32
    %roll3A_2698 = tpu.dynamic_rotate %select_n3A_2676 by %roll3A_2697 dim 1 : vector<128x128xf32>, i32 -> vector<128x128xf32>
    %select_n3A_2699 = arith.select %eq3A_2685, %roll3A_2698, %roll3A_2696 : vector<128x128xi1>, vector<128x128xf32>
    %select_n3A_2700 = arith.select %eq3A_2689, %select_n3A_2675, %select_n3A_2694 : vector<128x128xi1>, vector<128x128xf32>
    %select_n3A_2701 = arith.select %eq3A_2689, %select_n3A_2694, %select_n3A_2675 : vector<128x128xi1>, vector<128x128xf32>
    %lt3A_2702 = arith.cmpf olt, %select_n3A_2701, %select_n3A_2700 : vector<128x128xf32>
    %select_n3A_2703 = arith.select %lt3A_2702, %select_n3A_2694, %select_n3A_2675 : vector<128x128xi1>, vector<128x128xf32>
    %select_n3A_2704 = arith.select %lt3A_2702, %select_n3A_2699, %select_n3A_2676 : vector<128x128xi1>, vector<128x128xf32>
    %shift_right_arithmetic3A_2705 = arith.constant 4 : i32
    %shift_right_arithmetic3A_2706 = vector.broadcast %shift_right_arithmetic3A_2705 : i32 to vector<128x128xi32>
    %shift_right_arithmetic3A_2707 = arith.shrsi %iota3A_5, %shift_right_arithmetic3A_2706 : vector<128x128xi32>
    %and3A_2708 = arith.constant 1 : i32
    %and3A_2709 = vector.broadcast %and3A_2708 : i32 to vector<128x128xi32>
    %and3A_2710 = arith.andi %shift_right_arithmetic3A_2707, %and3A_2709 : vector<128x128xi32>
    %eq3A_2711 = arith.constant 1 : i32
    %eq3A_2712 = vector.broadcast %eq3A_2711 : i32 to vector<128x128xi32>
    %eq3A_2713 = arith.cmpi eq, %and3A_2710, %eq3A_2712 : vector<128x128xi32>
    %xor3A_2714 = arith.xori %and3A_2480, %and3A_2710 : vector<128x128xi32>
    %eq3A_2715 = arith.constant 0 : i32
    %eq3A_2716 = vector.broadcast %eq3A_2715 : i32 to vector<128x128xi32>
    %eq3A_2717 = arith.cmpi eq, %xor3A_2714, %eq3A_2716 : vector<128x128xi32>
    %roll3A_2718 = arith.constant 112 : i32
    %roll3A_2719 = tpu.dynamic_rotate %select_n3A_2703 by %roll3A_2718 dim 1 : vector<128x128xf32>, i32 -> vector<128x128xf32>
    %roll3A_2720 = arith.constant 16 : i32
    %roll3A_2721 = tpu.dynamic_rotate %select_n3A_2703 by %roll3A_2720 dim 1 : vector<128x128xf32>, i32 -> vector<128x128xf32>
    %select_n3A_2722 = arith.select %eq3A_2713, %roll3A_2721, %roll3A_2719 : vector<128x128xi1>, vector<128x128xf32>
    %roll3A_2723 = arith.constant 112 : i32
    %roll3A_2724 = tpu.dynamic_rotate %select_n3A_2704 by %roll3A_2723 dim 1 : vector<128x128xf32>, i32 -> vector<128x128xf32>
    %roll3A_2725 = arith.constant 16 : i32
    %roll3A_2726 = tpu.dynamic_rotate %select_n3A_2704 by %roll3A_2725 dim 1 : vector<128x128xf32>, i32 -> vector<128x128xf32>
    %select_n3A_2727 = arith.select %eq3A_2713, %roll3A_2726, %roll3A_2724 : vector<128x128xi1>, vector<128x128xf32>
    %select_n3A_2728 = arith.select %eq3A_2717, %select_n3A_2703, %select_n3A_2722 : vector<128x128xi1>, vector<128x128xf32>
    %select_n3A_2729 = arith.select %eq3A_2717, %select_n3A_2722, %select_n3A_2703 : vector<128x128xi1>, vector<128x128xf32>
    %lt3A_2730 = arith.cmpf olt, %select_n3A_2729, %select_n3A_2728 : vector<128x128xf32>
    %select_n3A_2731 = arith.select %lt3A_2730, %select_n3A_2722, %select_n3A_2703 : vector<128x128xi1>, vector<128x128xf32>
    %select_n3A_2732 = arith.select %lt3A_2730, %select_n3A_2727, %select_n3A_2704 : vector<128x128xi1>, vector<128x128xf32>
    %shift_right_arithmetic3A_2733 = arith.constant 3 : i32
    %shift_right_arithmetic3A_2734 = vector.broadcast %shift_right_arithmetic3A_2733 : i32 to vector<128x128xi32>
    %shift_right_arithmetic3A_2735 = arith.shrsi %iota3A_5, %shift_right_arithmetic3A_2734 : vector<128x128xi32>
    %and3A_2736 = arith.constant 1 : i32
    %and3A_2737 = vector.broadcast %and3A_2736 : i32 to vector<128x128xi32>
    %and3A_2738 = arith.andi %shift_right_arithmetic3A_2735, %and3A_2737 : vector<128x128xi32>
    %eq3A_2739 = arith.constant 1 : i32
    %eq3A_2740 = vector.broadcast %eq3A_2739 : i32 to vector<128x128xi32>
    %eq3A_2741 = arith.cmpi eq, %and3A_2738, %eq3A_2740 : vector<128x128xi32>
    %xor3A_2742 = arith.xori %and3A_2480, %and3A_2738 : vector<128x128xi32>
    %eq3A_2743 = arith.constant 0 : i32
    %eq3A_2744 = vector.broadcast %eq3A_2743 : i32 to vector<128x128xi32>
    %eq3A_2745 = arith.cmpi eq, %xor3A_2742, %eq3A_2744 : vector<128x128xi32>
    %roll3A_2746 = arith.constant 120 : i32
    %roll3A_2747 = tpu.dynamic_rotate %select_n3A_2731 by %roll3A_2746 dim 1 : vector<128x128xf32>, i32 -> vector<128x128xf32>
    %roll3A_2748 = arith.constant 8 : i32
    %roll3A_2749 = tpu.dynamic_rotate %select_n3A_2731 by %roll3A_2748 dim 1 : vector<128x128xf32>, i32 -> vector<128x128xf32>
    %select_n3A_2750 = arith.select %eq3A_2741, %roll3A_2749, %roll3A_2747 : vector<128x128xi1>, vector<128x128xf32>
    %roll3A_2751 = arith.constant 120 : i32
    %roll3A_2752 = tpu.dynamic_rotate %select_n3A_2732 by %roll3A_2751 dim 1 : vector<128x128xf32>, i32 -> vector<128x128xf32>
    %roll3A_2753 = arith.constant 8 : i32
    %roll3A_2754 = tpu.dynamic_rotate %select_n3A_2732 by %roll3A_2753 dim 1 : vector<128x128xf32>, i32 -> vector<128x128xf32>
    %select_n3A_2755 = arith.select %eq3A_2741, %roll3A_2754, %roll3A_2752 : vector<128x128xi1>, vector<128x128xf32>
    %select_n3A_2756 = arith.select %eq3A_2745, %select_n3A_2731, %select_n3A_2750 : vector<128x128xi1>, vector<128x128xf32>
    %select_n3A_2757 = arith.select %eq3A_2745, %select_n3A_2750, %select_n3A_2731 : vector<128x128xi1>, vector<128x128xf32>
    %lt3A_2758 = arith.cmpf olt, %select_n3A_2757, %select_n3A_2756 : vector<128x128xf32>
    %select_n3A_2759 = arith.select %lt3A_2758, %select_n3A_2750, %select_n3A_2731 : vector<128x128xi1>, vector<128x128xf32>
    %select_n3A_2760 = arith.select %lt3A_2758, %select_n3A_2755, %select_n3A_2732 : vector<128x128xi1>, vector<128x128xf32>
    %shift_right_arithmetic3A_2761 = arith.constant 2 : i32
    %shift_right_arithmetic3A_2762 = vector.broadcast %shift_right_arithmetic3A_2761 : i32 to vector<128x128xi32>
    %shift_right_arithmetic3A_2763 = arith.shrsi %iota3A_5, %shift_right_arithmetic3A_2762 : vector<128x128xi32>
    %and3A_2764 = arith.constant 1 : i32
    %and3A_2765 = vector.broadcast %and3A_2764 : i32 to vector<128x128xi32>
    %and3A_2766 = arith.andi %shift_right_arithmetic3A_2763, %and3A_2765 : vector<128x128xi32>
    %eq3A_2767 = arith.constant 1 : i32
    %eq3A_2768 = vector.broadcast %eq3A_2767 : i32 to vector<128x128xi32>
    %eq3A_2769 = arith.cmpi eq, %and3A_2766, %eq3A_2768 : vector<128x128xi32>
    %xor3A_2770 = arith.xori %and3A_2480, %and3A_2766 : vector<128x128xi32>
    %eq3A_2771 = arith.constant 0 : i32
    %eq3A_2772 = vector.broadcast %eq3A_2771 : i32 to vector<128x128xi32>
    %eq3A_2773 = arith.cmpi eq, %xor3A_2770, %eq3A_2772 : vector<128x128xi32>
    %roll3A_2774 = arith.constant 124 : i32
    %roll3A_2775 = tpu.dynamic_rotate %select_n3A_2759 by %roll3A_2774 dim 1 : vector<128x128xf32>, i32 -> vector<128x128xf32>
    %roll3A_2776 = arith.constant 4 : i32
    %roll3A_2777 = tpu.dynamic_rotate %select_n3A_2759 by %roll3A_2776 dim 1 : vector<128x128xf32>, i32 -> vector<128x128xf32>
    %select_n3A_2778 = arith.select %eq3A_2769, %roll3A_2777, %roll3A_2775 : vector<128x128xi1>, vector<128x128xf32>
    %roll3A_2779 = arith.constant 124 : i32
    %roll3A_2780 = tpu.dynamic_rotate %select_n3A_2760 by %roll3A_2779 dim 1 : vector<128x128xf32>, i32 -> vector<128x128xf32>
    %roll3A_2781 = arith.constant 4 : i32
    %roll3A_2782 = tpu.dynamic_rotate %select_n3A_2760 by %roll3A_2781 dim 1 : vector<128x128xf32>, i32 -> vector<128x128xf32>
    %select_n3A_2783 = arith.select %eq3A_2769, %roll3A_2782, %roll3A_2780 : vector<128x128xi1>, vector<128x128xf32>
    %select_n3A_2784 = arith.select %eq3A_2773, %select_n3A_2759, %select_n3A_2778 : vector<128x128xi1>, vector<128x128xf32>
    %select_n3A_2785 = arith.select %eq3A_2773, %select_n3A_2778, %select_n3A_2759 : vector<128x128xi1>, vector<128x128xf32>
    %lt3A_2786 = arith.cmpf olt, %select_n3A_2785, %select_n3A_2784 : vector<128x128xf32>
    %select_n3A_2787 = arith.select %lt3A_2786, %select_n3A_2778, %select_n3A_2759 : vector<128x128xi1>, vector<128x128xf32>
    %select_n3A_2788 = arith.select %lt3A_2786, %select_n3A_2783, %select_n3A_2760 : vector<128x128xi1>, vector<128x128xf32>
    %shift_right_arithmetic3A_2789 = arith.constant 1 : i32
    %shift_right_arithmetic3A_2790 = vector.broadcast %shift_right_arithmetic3A_2789 : i32 to vector<128x128xi32>
    %shift_right_arithmetic3A_2791 = arith.shrsi %iota3A_5, %shift_right_arithmetic3A_2790 : vector<128x128xi32>
    %and3A_2792 = arith.constant 1 : i32
    %and3A_2793 = vector.broadcast %and3A_2792 : i32 to vector<128x128xi32>
    %and3A_2794 = arith.andi %shift_right_arithmetic3A_2791, %and3A_2793 : vector<128x128xi32>
    %eq3A_2795 = arith.constant 1 : i32
    %eq3A_2796 = vector.broadcast %eq3A_2795 : i32 to vector<128x128xi32>
    %eq3A_2797 = arith.cmpi eq, %and3A_2794, %eq3A_2796 : vector<128x128xi32>
    %xor3A_2798 = arith.xori %and3A_2480, %and3A_2794 : vector<128x128xi32>
    %eq3A_2799 = arith.constant 0 : i32
    %eq3A_2800 = vector.broadcast %eq3A_2799 : i32 to vector<128x128xi32>
    %eq3A_2801 = arith.cmpi eq, %xor3A_2798, %eq3A_2800 : vector<128x128xi32>
    %roll3A_2802 = arith.constant 126 : i32
    %roll3A_2803 = tpu.dynamic_rotate %select_n3A_2787 by %roll3A_2802 dim 1 : vector<128x128xf32>, i32 -> vector<128x128xf32>
    %roll3A_2804 = arith.constant 2 : i32
    %roll3A_2805 = tpu.dynamic_rotate %select_n3A_2787 by %roll3A_2804 dim 1 : vector<128x128xf32>, i32 -> vector<128x128xf32>
    %select_n3A_2806 = arith.select %eq3A_2797, %roll3A_2805, %roll3A_2803 : vector<128x128xi1>, vector<128x128xf32>
    %roll3A_2807 = arith.constant 126 : i32
    %roll3A_2808 = tpu.dynamic_rotate %select_n3A_2788 by %roll3A_2807 dim 1 : vector<128x128xf32>, i32 -> vector<128x128xf32>
    %roll3A_2809 = arith.constant 2 : i32
    %roll3A_2810 = tpu.dynamic_rotate %select_n3A_2788 by %roll3A_2809 dim 1 : vector<128x128xf32>, i32 -> vector<128x128xf32>
    %select_n3A_2811 = arith.select %eq3A_2797, %roll3A_2810, %roll3A_2808 : vector<128x128xi1>, vector<128x128xf32>
    %select_n3A_2812 = arith.select %eq3A_2801, %select_n3A_2787, %select_n3A_2806 : vector<128x128xi1>, vector<128x128xf32>
    %select_n3A_2813 = arith.select %eq3A_2801, %select_n3A_2806, %select_n3A_2787 : vector<128x128xi1>, vector<128x128xf32>
    %lt3A_2814 = arith.cmpf olt, %select_n3A_2813, %select_n3A_2812 : vector<128x128xf32>
    %select_n3A_2815 = arith.select %lt3A_2814, %select_n3A_2806, %select_n3A_2787 : vector<128x128xi1>, vector<128x128xf32>
    %select_n3A_2816 = arith.select %lt3A_2814, %select_n3A_2811, %select_n3A_2788 : vector<128x128xi1>, vector<128x128xf32>
    %shift_right_arithmetic3A_2817 = arith.constant 0 : i32
    %shift_right_arithmetic3A_2818 = vector.broadcast %shift_right_arithmetic3A_2817 : i32 to vector<128x128xi32>
    %shift_right_arithmetic3A_2819 = arith.shrsi %iota3A_5, %shift_right_arithmetic3A_2818 : vector<128x128xi32>
    %and3A_2820 = arith.constant 1 : i32
    %and3A_2821 = vector.broadcast %and3A_2820 : i32 to vector<128x128xi32>
    %and3A_2822 = arith.andi %shift_right_arithmetic3A_2819, %and3A_2821 : vector<128x128xi32>
    %eq3A_2823 = arith.constant 1 : i32
    %eq3A_2824 = vector.broadcast %eq3A_2823 : i32 to vector<128x128xi32>
    %eq3A_2825 = arith.cmpi eq, %and3A_2822, %eq3A_2824 : vector<128x128xi32>
    %xor3A_2826 = arith.xori %and3A_2480, %and3A_2822 : vector<128x128xi32>
    %eq3A_2827 = arith.constant 0 : i32
    %eq3A_2828 = vector.broadcast %eq3A_2827 : i32 to vector<128x128xi32>
    %eq3A_2829 = arith.cmpi eq, %xor3A_2826, %eq3A_2828 : vector<128x128xi32>
    %roll3A_2830 = arith.constant 127 : i32
    %roll3A_2831 = tpu.dynamic_rotate %select_n3A_2815 by %roll3A_2830 dim 1 : vector<128x128xf32>, i32 -> vector<128x128xf32>
    %roll3A_2832 = arith.constant 1 : i32
    %roll3A_2833 = tpu.dynamic_rotate %select_n3A_2815 by %roll3A_2832 dim 1 : vector<128x128xf32>, i32 -> vector<128x128xf32>
    %select_n3A_2834 = arith.select %eq3A_2825, %roll3A_2833, %roll3A_2831 : vector<128x128xi1>, vector<128x128xf32>
    %roll3A_2835 = arith.constant 127 : i32
    %roll3A_2836 = tpu.dynamic_rotate %select_n3A_2816 by %roll3A_2835 dim 1 : vector<128x128xf32>, i32 -> vector<128x128xf32>
    %roll3A_2837 = arith.constant 1 : i32
    %roll3A_2838 = tpu.dynamic_rotate %select_n3A_2816 by %roll3A_2837 dim 1 : vector<128x128xf32>, i32 -> vector<128x128xf32>
    %select_n3A_2839 = arith.select %eq3A_2825, %roll3A_2838, %roll3A_2836 : vector<128x128xi1>, vector<128x128xf32>
    %select_n3A_2840 = arith.select %eq3A_2829, %select_n3A_2815, %select_n3A_2834 : vector<128x128xi1>, vector<128x128xf32>
    %select_n3A_2841 = arith.select %eq3A_2829, %select_n3A_2834, %select_n3A_2815 : vector<128x128xi1>, vector<128x128xf32>
    %lt3A_2842 = arith.cmpf olt, %select_n3A_2841, %select_n3A_2840 : vector<128x128xf32>
    %select_n3A_2843 = arith.select %lt3A_2842, %select_n3A_2834, %select_n3A_2815 : vector<128x128xi1>, vector<128x128xf32>
    %select_n3A_2844 = arith.select %lt3A_2842, %select_n3A_2839, %select_n3A_2816 : vector<128x128xi1>, vector<128x128xf32>
    %broadcast_in_dim3A_2845 = arith.constant 0 : i32
    %broadcast_in_dim3A_2846 = vector.broadcast %broadcast_in_dim3A_2845 : i32 to vector<128x128xi32>
    %shift_right_arithmetic3A_2847 = arith.constant 6 : i32
    %shift_right_arithmetic3A_2848 = vector.broadcast %shift_right_arithmetic3A_2847 : i32 to vector<128x128xi32>
    %shift_right_arithmetic3A_2849 = arith.shrsi %iota3A, %shift_right_arithmetic3A_2848 : vector<128x128xi32>
    %and3A_2850 = arith.constant 1 : i32
    %and3A_2851 = vector.broadcast %and3A_2850 : i32 to vector<128x128xi32>
    %and3A_2852 = arith.andi %shift_right_arithmetic3A_2849, %and3A_2851 : vector<128x128xi32>
    %eq3A_2853 = arith.constant 1 : i32
    %eq3A_2854 = vector.broadcast %eq3A_2853 : i32 to vector<128x128xi32>
    %eq3A_2855 = arith.cmpi eq, %and3A_2852, %eq3A_2854 : vector<128x128xi32>
    %xor3A_2856 = arith.xori %broadcast_in_dim3A_2846, %and3A_2852 : vector<128x128xi32>
    %eq3A_2857 = arith.constant 0 : i32
    %eq3A_2858 = vector.broadcast %eq3A_2857 : i32 to vector<128x128xi32>
    %eq3A_2859 = arith.cmpi eq, %xor3A_2856, %eq3A_2858 : vector<128x128xi32>
    %roll3A_2860 = arith.constant 64 : i32
    %roll3A_2861 = tpu.dynamic_rotate %select_n3A_2843 by %roll3A_2860 dim 0 : vector<128x128xf32>, i32 -> vector<128x128xf32>
    %roll3A_2862 = arith.constant 64 : i32
    %roll3A_2863 = tpu.dynamic_rotate %select_n3A_2843 by %roll3A_2862 dim 0 : vector<128x128xf32>, i32 -> vector<128x128xf32>
    %select_n3A_2864 = arith.select %eq3A_2855, %roll3A_2863, %roll3A_2861 : vector<128x128xi1>, vector<128x128xf32>
    %roll3A_2865 = arith.constant 64 : i32
    %roll3A_2866 = tpu.dynamic_rotate %select_n3A_2844 by %roll3A_2865 dim 0 : vector<128x128xf32>, i32 -> vector<128x128xf32>
    %roll3A_2867 = arith.constant 64 : i32
    %roll3A_2868 = tpu.dynamic_rotate %select_n3A_2844 by %roll3A_2867 dim 0 : vector<128x128xf32>, i32 -> vector<128x128xf32>
    %select_n3A_2869 = arith.select %eq3A_2855, %roll3A_2868, %roll3A_2866 : vector<128x128xi1>, vector<128x128xf32>
    %select_n3A_2870 = arith.select %eq3A_2859, %select_n3A_2843, %select_n3A_2864 : vector<128x128xi1>, vector<128x128xf32>
    %select_n3A_2871 = arith.select %eq3A_2859, %select_n3A_2864, %select_n3A_2843 : vector<128x128xi1>, vector<128x128xf32>
    %lt3A_2872 = arith.cmpf olt, %select_n3A_2871, %select_n3A_2870 : vector<128x128xf32>
    %select_n3A_2873 = arith.select %lt3A_2872, %select_n3A_2864, %select_n3A_2843 : vector<128x128xi1>, vector<128x128xf32>
    %select_n3A_2874 = arith.select %lt3A_2872, %select_n3A_2869, %select_n3A_2844 : vector<128x128xi1>, vector<128x128xf32>
    %shift_right_arithmetic3A_2875 = arith.constant 5 : i32
    %shift_right_arithmetic3A_2876 = vector.broadcast %shift_right_arithmetic3A_2875 : i32 to vector<128x128xi32>
    %shift_right_arithmetic3A_2877 = arith.shrsi %iota3A, %shift_right_arithmetic3A_2876 : vector<128x128xi32>
    %and3A_2878 = arith.constant 1 : i32
    %and3A_2879 = vector.broadcast %and3A_2878 : i32 to vector<128x128xi32>
    %and3A_2880 = arith.andi %shift_right_arithmetic3A_2877, %and3A_2879 : vector<128x128xi32>
    %eq3A_2881 = arith.constant 1 : i32
    %eq3A_2882 = vector.broadcast %eq3A_2881 : i32 to vector<128x128xi32>
    %eq3A_2883 = arith.cmpi eq, %and3A_2880, %eq3A_2882 : vector<128x128xi32>
    %xor3A_2884 = arith.xori %broadcast_in_dim3A_2846, %and3A_2880 : vector<128x128xi32>
    %eq3A_2885 = arith.constant 0 : i32
    %eq3A_2886 = vector.broadcast %eq3A_2885 : i32 to vector<128x128xi32>
    %eq3A_2887 = arith.cmpi eq, %xor3A_2884, %eq3A_2886 : vector<128x128xi32>
    %roll3A_2888 = arith.constant 96 : i32
    %roll3A_2889 = tpu.dynamic_rotate %select_n3A_2873 by %roll3A_2888 dim 0 : vector<128x128xf32>, i32 -> vector<128x128xf32>
    %roll3A_2890 = arith.constant 32 : i32
    %roll3A_2891 = tpu.dynamic_rotate %select_n3A_2873 by %roll3A_2890 dim 0 : vector<128x128xf32>, i32 -> vector<128x128xf32>
    %select_n3A_2892 = arith.select %eq3A_2883, %roll3A_2891, %roll3A_2889 : vector<128x128xi1>, vector<128x128xf32>
    %roll3A_2893 = arith.constant 96 : i32
    %roll3A_2894 = tpu.dynamic_rotate %select_n3A_2874 by %roll3A_2893 dim 0 : vector<128x128xf32>, i32 -> vector<128x128xf32>
    %roll3A_2895 = arith.constant 32 : i32
    %roll3A_2896 = tpu.dynamic_rotate %select_n3A_2874 by %roll3A_2895 dim 0 : vector<128x128xf32>, i32 -> vector<128x128xf32>
    %select_n3A_2897 = arith.select %eq3A_2883, %roll3A_2896, %roll3A_2894 : vector<128x128xi1>, vector<128x128xf32>
    %select_n3A_2898 = arith.select %eq3A_2887, %select_n3A_2873, %select_n3A_2892 : vector<128x128xi1>, vector<128x128xf32>
    %select_n3A_2899 = arith.select %eq3A_2887, %select_n3A_2892, %select_n3A_2873 : vector<128x128xi1>, vector<128x128xf32>
    %lt3A_2900 = arith.cmpf olt, %select_n3A_2899, %select_n3A_2898 : vector<128x128xf32>
    %select_n3A_2901 = arith.select %lt3A_2900, %select_n3A_2892, %select_n3A_2873 : vector<128x128xi1>, vector<128x128xf32>
    %select_n3A_2902 = arith.select %lt3A_2900, %select_n3A_2897, %select_n3A_2874 : vector<128x128xi1>, vector<128x128xf32>
    %shift_right_arithmetic3A_2903 = arith.constant 4 : i32
    %shift_right_arithmetic3A_2904 = vector.broadcast %shift_right_arithmetic3A_2903 : i32 to vector<128x128xi32>
    %shift_right_arithmetic3A_2905 = arith.shrsi %iota3A, %shift_right_arithmetic3A_2904 : vector<128x128xi32>
    %and3A_2906 = arith.constant 1 : i32
    %and3A_2907 = vector.broadcast %and3A_2906 : i32 to vector<128x128xi32>
    %and3A_2908 = arith.andi %shift_right_arithmetic3A_2905, %and3A_2907 : vector<128x128xi32>
    %eq3A_2909 = arith.constant 1 : i32
    %eq3A_2910 = vector.broadcast %eq3A_2909 : i32 to vector<128x128xi32>
    %eq3A_2911 = arith.cmpi eq, %and3A_2908, %eq3A_2910 : vector<128x128xi32>
    %xor3A_2912 = arith.xori %broadcast_in_dim3A_2846, %and3A_2908 : vector<128x128xi32>
    %eq3A_2913 = arith.constant 0 : i32
    %eq3A_2914 = vector.broadcast %eq3A_2913 : i32 to vector<128x128xi32>
    %eq3A_2915 = arith.cmpi eq, %xor3A_2912, %eq3A_2914 : vector<128x128xi32>
    %roll3A_2916 = arith.constant 112 : i32
    %roll3A_2917 = tpu.dynamic_rotate %select_n3A_2901 by %roll3A_2916 dim 0 : vector<128x128xf32>, i32 -> vector<128x128xf32>
    %roll3A_2918 = arith.constant 16 : i32
    %roll3A_2919 = tpu.dynamic_rotate %select_n3A_2901 by %roll3A_2918 dim 0 : vector<128x128xf32>, i32 -> vector<128x128xf32>
    %select_n3A_2920 = arith.select %eq3A_2911, %roll3A_2919, %roll3A_2917 : vector<128x128xi1>, vector<128x128xf32>
    %roll3A_2921 = arith.constant 112 : i32
    %roll3A_2922 = tpu.dynamic_rotate %select_n3A_2902 by %roll3A_2921 dim 0 : vector<128x128xf32>, i32 -> vector<128x128xf32>
    %roll3A_2923 = arith.constant 16 : i32
    %roll3A_2924 = tpu.dynamic_rotate %select_n3A_2902 by %roll3A_2923 dim 0 : vector<128x128xf32>, i32 -> vector<128x128xf32>
    %select_n3A_2925 = arith.select %eq3A_2911, %roll3A_2924, %roll3A_2922 : vector<128x128xi1>, vector<128x128xf32>
    %select_n3A_2926 = arith.select %eq3A_2915, %select_n3A_2901, %select_n3A_2920 : vector<128x128xi1>, vector<128x128xf32>
    %select_n3A_2927 = arith.select %eq3A_2915, %select_n3A_2920, %select_n3A_2901 : vector<128x128xi1>, vector<128x128xf32>
    %lt3A_2928 = arith.cmpf olt, %select_n3A_2927, %select_n3A_2926 : vector<128x128xf32>
    %select_n3A_2929 = arith.select %lt3A_2928, %select_n3A_2920, %select_n3A_2901 : vector<128x128xi1>, vector<128x128xf32>
    %select_n3A_2930 = arith.select %lt3A_2928, %select_n3A_2925, %select_n3A_2902 : vector<128x128xi1>, vector<128x128xf32>
    %shift_right_arithmetic3A_2931 = arith.constant 3 : i32
    %shift_right_arithmetic3A_2932 = vector.broadcast %shift_right_arithmetic3A_2931 : i32 to vector<128x128xi32>
    %shift_right_arithmetic3A_2933 = arith.shrsi %iota3A, %shift_right_arithmetic3A_2932 : vector<128x128xi32>
    %and3A_2934 = arith.constant 1 : i32
    %and3A_2935 = vector.broadcast %and3A_2934 : i32 to vector<128x128xi32>
    %and3A_2936 = arith.andi %shift_right_arithmetic3A_2933, %and3A_2935 : vector<128x128xi32>
    %eq3A_2937 = arith.constant 1 : i32
    %eq3A_2938 = vector.broadcast %eq3A_2937 : i32 to vector<128x128xi32>
    %eq3A_2939 = arith.cmpi eq, %and3A_2936, %eq3A_2938 : vector<128x128xi32>
    %xor3A_2940 = arith.xori %broadcast_in_dim3A_2846, %and3A_2936 : vector<128x128xi32>
    %eq3A_2941 = arith.constant 0 : i32
    %eq3A_2942 = vector.broadcast %eq3A_2941 : i32 to vector<128x128xi32>
    %eq3A_2943 = arith.cmpi eq, %xor3A_2940, %eq3A_2942 : vector<128x128xi32>
    %roll3A_2944 = arith.constant 120 : i32
    %roll3A_2945 = tpu.dynamic_rotate %select_n3A_2929 by %roll3A_2944 dim 0 : vector<128x128xf32>, i32 -> vector<128x128xf32>
    %roll3A_2946 = arith.constant 8 : i32
    %roll3A_2947 = tpu.dynamic_rotate %select_n3A_2929 by %roll3A_2946 dim 0 : vector<128x128xf32>, i32 -> vector<128x128xf32>
    %select_n3A_2948 = arith.select %eq3A_2939, %roll3A_2947, %roll3A_2945 : vector<128x128xi1>, vector<128x128xf32>
    %roll3A_2949 = arith.constant 120 : i32
    %roll3A_2950 = tpu.dynamic_rotate %select_n3A_2930 by %roll3A_2949 dim 0 : vector<128x128xf32>, i32 -> vector<128x128xf32>
    %roll3A_2951 = arith.constant 8 : i32
    %roll3A_2952 = tpu.dynamic_rotate %select_n3A_2930 by %roll3A_2951 dim 0 : vector<128x128xf32>, i32 -> vector<128x128xf32>
    %select_n3A_2953 = arith.select %eq3A_2939, %roll3A_2952, %roll3A_2950 : vector<128x128xi1>, vector<128x128xf32>
    %select_n3A_2954 = arith.select %eq3A_2943, %select_n3A_2929, %select_n3A_2948 : vector<128x128xi1>, vector<128x128xf32>
    %select_n3A_2955 = arith.select %eq3A_2943, %select_n3A_2948, %select_n3A_2929 : vector<128x128xi1>, vector<128x128xf32>
    %lt3A_2956 = arith.cmpf olt, %select_n3A_2955, %select_n3A_2954 : vector<128x128xf32>
    %select_n3A_2957 = arith.select %lt3A_2956, %select_n3A_2948, %select_n3A_2929 : vector<128x128xi1>, vector<128x128xf32>
    %select_n3A_2958 = arith.select %lt3A_2956, %select_n3A_2953, %select_n3A_2930 : vector<128x128xi1>, vector<128x128xf32>
    %shift_right_arithmetic3A_2959 = arith.constant 2 : i32
    %shift_right_arithmetic3A_2960 = vector.broadcast %shift_right_arithmetic3A_2959 : i32 to vector<128x128xi32>
    %shift_right_arithmetic3A_2961 = arith.shrsi %iota3A, %shift_right_arithmetic3A_2960 : vector<128x128xi32>
    %and3A_2962 = arith.constant 1 : i32
    %and3A_2963 = vector.broadcast %and3A_2962 : i32 to vector<128x128xi32>
    %and3A_2964 = arith.andi %shift_right_arithmetic3A_2961, %and3A_2963 : vector<128x128xi32>
    %eq3A_2965 = arith.constant 1 : i32
    %eq3A_2966 = vector.broadcast %eq3A_2965 : i32 to vector<128x128xi32>
    %eq3A_2967 = arith.cmpi eq, %and3A_2964, %eq3A_2966 : vector<128x128xi32>
    %xor3A_2968 = arith.xori %broadcast_in_dim3A_2846, %and3A_2964 : vector<128x128xi32>
    %eq3A_2969 = arith.constant 0 : i32
    %eq3A_2970 = vector.broadcast %eq3A_2969 : i32 to vector<128x128xi32>
    %eq3A_2971 = arith.cmpi eq, %xor3A_2968, %eq3A_2970 : vector<128x128xi32>
    %roll3A_2972 = arith.constant 124 : i32
    %roll3A_2973 = tpu.dynamic_rotate %select_n3A_2957 by %roll3A_2972 dim 0 : vector<128x128xf32>, i32 -> vector<128x128xf32>
    %roll3A_2974 = arith.constant 4 : i32
    %roll3A_2975 = tpu.dynamic_rotate %select_n3A_2957 by %roll3A_2974 dim 0 : vector<128x128xf32>, i32 -> vector<128x128xf32>
    %select_n3A_2976 = arith.select %eq3A_2967, %roll3A_2975, %roll3A_2973 : vector<128x128xi1>, vector<128x128xf32>
    %roll3A_2977 = arith.constant 124 : i32
    %roll3A_2978 = tpu.dynamic_rotate %select_n3A_2958 by %roll3A_2977 dim 0 : vector<128x128xf32>, i32 -> vector<128x128xf32>
    %roll3A_2979 = arith.constant 4 : i32
    %roll3A_2980 = tpu.dynamic_rotate %select_n3A_2958 by %roll3A_2979 dim 0 : vector<128x128xf32>, i32 -> vector<128x128xf32>
    %select_n3A_2981 = arith.select %eq3A_2967, %roll3A_2980, %roll3A_2978 : vector<128x128xi1>, vector<128x128xf32>
    %select_n3A_2982 = arith.select %eq3A_2971, %select_n3A_2957, %select_n3A_2976 : vector<128x128xi1>, vector<128x128xf32>
    %select_n3A_2983 = arith.select %eq3A_2971, %select_n3A_2976, %select_n3A_2957 : vector<128x128xi1>, vector<128x128xf32>
    %lt3A_2984 = arith.cmpf olt, %select_n3A_2983, %select_n3A_2982 : vector<128x128xf32>
    %select_n3A_2985 = arith.select %lt3A_2984, %select_n3A_2976, %select_n3A_2957 : vector<128x128xi1>, vector<128x128xf32>
    %select_n3A_2986 = arith.select %lt3A_2984, %select_n3A_2981, %select_n3A_2958 : vector<128x128xi1>, vector<128x128xf32>
    %shift_right_arithmetic3A_2987 = arith.constant 1 : i32
    %shift_right_arithmetic3A_2988 = vector.broadcast %shift_right_arithmetic3A_2987 : i32 to vector<128x128xi32>
    %shift_right_arithmetic3A_2989 = arith.shrsi %iota3A, %shift_right_arithmetic3A_2988 : vector<128x128xi32>
    %and3A_2990 = arith.constant 1 : i32
    %and3A_2991 = vector.broadcast %and3A_2990 : i32 to vector<128x128xi32>
    %and3A_2992 = arith.andi %shift_right_arithmetic3A_2989, %and3A_2991 : vector<128x128xi32>
    %eq3A_2993 = arith.constant 1 : i32
    %eq3A_2994 = vector.broadcast %eq3A_2993 : i32 to vector<128x128xi32>
    %eq3A_2995 = arith.cmpi eq, %and3A_2992, %eq3A_2994 : vector<128x128xi32>
    %xor3A_2996 = arith.xori %broadcast_in_dim3A_2846, %and3A_2992 : vector<128x128xi32>
    %eq3A_2997 = arith.constant 0 : i32
    %eq3A_2998 = vector.broadcast %eq3A_2997 : i32 to vector<128x128xi32>
    %eq3A_2999 = arith.cmpi eq, %xor3A_2996, %eq3A_2998 : vector<128x128xi32>
    %roll3A_3000 = arith.constant 126 : i32
    %roll3A_3001 = tpu.dynamic_rotate %select_n3A_2985 by %roll3A_3000 dim 0 : vector<128x128xf32>, i32 -> vector<128x128xf32>
    %roll3A_3002 = arith.constant 2 : i32
    %roll3A_3003 = tpu.dynamic_rotate %select_n3A_2985 by %roll3A_3002 dim 0 : vector<128x128xf32>, i32 -> vector<128x128xf32>
    %select_n3A_3004 = arith.select %eq3A_2995, %roll3A_3003, %roll3A_3001 : vector<128x128xi1>, vector<128x128xf32>
    %roll3A_3005 = arith.constant 126 : i32
    %roll3A_3006 = tpu.dynamic_rotate %select_n3A_2986 by %roll3A_3005 dim 0 : vector<128x128xf32>, i32 -> vector<128x128xf32>
    %roll3A_3007 = arith.constant 2 : i32
    %roll3A_3008 = tpu.dynamic_rotate %select_n3A_2986 by %roll3A_3007 dim 0 : vector<128x128xf32>, i32 -> vector<128x128xf32>
    %select_n3A_3009 = arith.select %eq3A_2995, %roll3A_3008, %roll3A_3006 : vector<128x128xi1>, vector<128x128xf32>
    %select_n3A_3010 = arith.select %eq3A_2999, %select_n3A_2985, %select_n3A_3004 : vector<128x128xi1>, vector<128x128xf32>
    %select_n3A_3011 = arith.select %eq3A_2999, %select_n3A_3004, %select_n3A_2985 : vector<128x128xi1>, vector<128x128xf32>
    %lt3A_3012 = arith.cmpf olt, %select_n3A_3011, %select_n3A_3010 : vector<128x128xf32>
    %select_n3A_3013 = arith.select %lt3A_3012, %select_n3A_3004, %select_n3A_2985 : vector<128x128xi1>, vector<128x128xf32>
    %select_n3A_3014 = arith.select %lt3A_3012, %select_n3A_3009, %select_n3A_2986 : vector<128x128xi1>, vector<128x128xf32>
    %shift_right_arithmetic3A_3015 = arith.constant 0 : i32
    %shift_right_arithmetic3A_3016 = vector.broadcast %shift_right_arithmetic3A_3015 : i32 to vector<128x128xi32>
    %shift_right_arithmetic3A_3017 = arith.shrsi %iota3A, %shift_right_arithmetic3A_3016 : vector<128x128xi32>
    %and3A_3018 = arith.constant 1 : i32
    %and3A_3019 = vector.broadcast %and3A_3018 : i32 to vector<128x128xi32>
    %and3A_3020 = arith.andi %shift_right_arithmetic3A_3017, %and3A_3019 : vector<128x128xi32>
    %eq3A_3021 = arith.constant 1 : i32
    %eq3A_3022 = vector.broadcast %eq3A_3021 : i32 to vector<128x128xi32>
    %eq3A_3023 = arith.cmpi eq, %and3A_3020, %eq3A_3022 : vector<128x128xi32>
    %xor3A_3024 = arith.xori %broadcast_in_dim3A_2846, %and3A_3020 : vector<128x128xi32>
    %eq3A_3025 = arith.constant 0 : i32
    %eq3A_3026 = vector.broadcast %eq3A_3025 : i32 to vector<128x128xi32>
    %eq3A_3027 = arith.cmpi eq, %xor3A_3024, %eq3A_3026 : vector<128x128xi32>
    %roll3A_3028 = arith.constant 127 : i32
    %roll3A_3029 = tpu.dynamic_rotate %select_n3A_3013 by %roll3A_3028 dim 0 : vector<128x128xf32>, i32 -> vector<128x128xf32>
    %roll3A_3030 = arith.constant 1 : i32
    %roll3A_3031 = tpu.dynamic_rotate %select_n3A_3013 by %roll3A_3030 dim 0 : vector<128x128xf32>, i32 -> vector<128x128xf32>
    %select_n3A_3032 = arith.select %eq3A_3023, %roll3A_3031, %roll3A_3029 : vector<128x128xi1>, vector<128x128xf32>
    %roll3A_3033 = arith.constant 127 : i32
    %roll3A_3034 = tpu.dynamic_rotate %select_n3A_3014 by %roll3A_3033 dim 0 : vector<128x128xf32>, i32 -> vector<128x128xf32>
    %roll3A_3035 = arith.constant 1 : i32
    %roll3A_3036 = tpu.dynamic_rotate %select_n3A_3014 by %roll3A_3035 dim 0 : vector<128x128xf32>, i32 -> vector<128x128xf32>
    %select_n3A_3037 = arith.select %eq3A_3023, %roll3A_3036, %roll3A_3034 : vector<128x128xi1>, vector<128x128xf32>
    %select_n3A_3038 = arith.select %eq3A_3027, %select_n3A_3013, %select_n3A_3032 : vector<128x128xi1>, vector<128x128xf32>
    %select_n3A_3039 = arith.select %eq3A_3027, %select_n3A_3032, %select_n3A_3013 : vector<128x128xi1>, vector<128x128xf32>
    %lt3A_3040 = arith.cmpf olt, %select_n3A_3039, %select_n3A_3038 : vector<128x128xf32>
    %select_n3A_3041 = arith.select %lt3A_3040, %select_n3A_3032, %select_n3A_3013 : vector<128x128xi1>, vector<128x128xf32>
    %select_n3A_3042 = arith.select %lt3A_3040, %select_n3A_3037, %select_n3A_3014 : vector<128x128xi1>, vector<128x128xf32>
    %shift_right_arithmetic3A_3043 = arith.constant 6 : i32
    %shift_right_arithmetic3A_3044 = vector.broadcast %shift_right_arithmetic3A_3043 : i32 to vector<128x128xi32>
    %shift_right_arithmetic3A_3045 = arith.shrsi %iota3A_5, %shift_right_arithmetic3A_3044 : vector<128x128xi32>
    %and3A_3046 = arith.constant 1 : i32
    %and3A_3047 = vector.broadcast %and3A_3046 : i32 to vector<128x128xi32>
    %and3A_3048 = arith.andi %shift_right_arithmetic3A_3045, %and3A_3047 : vector<128x128xi32>
    %eq3A_3049 = arith.constant 1 : i32
    %eq3A_3050 = vector.broadcast %eq3A_3049 : i32 to vector<128x128xi32>
    %eq3A_3051 = arith.cmpi eq, %and3A_3048, %eq3A_3050 : vector<128x128xi32>
    %xor3A_3052 = arith.xori %broadcast_in_dim3A_2846, %and3A_3048 : vector<128x128xi32>
    %eq3A_3053 = arith.constant 0 : i32
    %eq3A_3054 = vector.broadcast %eq3A_3053 : i32 to vector<128x128xi32>
    %eq3A_3055 = arith.cmpi eq, %xor3A_3052, %eq3A_3054 : vector<128x128xi32>
    %roll3A_3056 = arith.constant 64 : i32
    %roll3A_3057 = tpu.dynamic_rotate %select_n3A_3041 by %roll3A_3056 dim 1 : vector<128x128xf32>, i32 -> vector<128x128xf32>
    %roll3A_3058 = arith.constant 64 : i32
    %roll3A_3059 = tpu.dynamic_rotate %select_n3A_3041 by %roll3A_3058 dim 1 : vector<128x128xf32>, i32 -> vector<128x128xf32>
    %select_n3A_3060 = arith.select %eq3A_3051, %roll3A_3059, %roll3A_3057 : vector<128x128xi1>, vector<128x128xf32>
    %roll3A_3061 = arith.constant 64 : i32
    %roll3A_3062 = tpu.dynamic_rotate %select_n3A_3042 by %roll3A_3061 dim 1 : vector<128x128xf32>, i32 -> vector<128x128xf32>
    %roll3A_3063 = arith.constant 64 : i32
    %roll3A_3064 = tpu.dynamic_rotate %select_n3A_3042 by %roll3A_3063 dim 1 : vector<128x128xf32>, i32 -> vector<128x128xf32>
    %select_n3A_3065 = arith.select %eq3A_3051, %roll3A_3064, %roll3A_3062 : vector<128x128xi1>, vector<128x128xf32>
    %select_n3A_3066 = arith.select %eq3A_3055, %select_n3A_3041, %select_n3A_3060 : vector<128x128xi1>, vector<128x128xf32>
    %select_n3A_3067 = arith.select %eq3A_3055, %select_n3A_3060, %select_n3A_3041 : vector<128x128xi1>, vector<128x128xf32>
    %lt3A_3068 = arith.cmpf olt, %select_n3A_3067, %select_n3A_3066 : vector<128x128xf32>
    %select_n3A_3069 = arith.select %lt3A_3068, %select_n3A_3060, %select_n3A_3041 : vector<128x128xi1>, vector<128x128xf32>
    %select_n3A_3070 = arith.select %lt3A_3068, %select_n3A_3065, %select_n3A_3042 : vector<128x128xi1>, vector<128x128xf32>
    %shift_right_arithmetic3A_3071 = arith.constant 5 : i32
    %shift_right_arithmetic3A_3072 = vector.broadcast %shift_right_arithmetic3A_3071 : i32 to vector<128x128xi32>
    %shift_right_arithmetic3A_3073 = arith.shrsi %iota3A_5, %shift_right_arithmetic3A_3072 : vector<128x128xi32>
    %and3A_3074 = arith.constant 1 : i32
    %and3A_3075 = vector.broadcast %and3A_3074 : i32 to vector<128x128xi32>
    %and3A_3076 = arith.andi %shift_right_arithmetic3A_3073, %and3A_3075 : vector<128x128xi32>
    %eq3A_3077 = arith.constant 1 : i32
    %eq3A_3078 = vector.broadcast %eq3A_3077 : i32 to vector<128x128xi32>
    %eq3A_3079 = arith.cmpi eq, %and3A_3076, %eq3A_3078 : vector<128x128xi32>
    %xor3A_3080 = arith.xori %broadcast_in_dim3A_2846, %and3A_3076 : vector<128x128xi32>
    %eq3A_3081 = arith.constant 0 : i32
    %eq3A_3082 = vector.broadcast %eq3A_3081 : i32 to vector<128x128xi32>
    %eq3A_3083 = arith.cmpi eq, %xor3A_3080, %eq3A_3082 : vector<128x128xi32>
    %roll3A_3084 = arith.constant 96 : i32
    %roll3A_3085 = tpu.dynamic_rotate %select_n3A_3069 by %roll3A_3084 dim 1 : vector<128x128xf32>, i32 -> vector<128x128xf32>
    %roll3A_3086 = arith.constant 32 : i32
    %roll3A_3087 = tpu.dynamic_rotate %select_n3A_3069 by %roll3A_3086 dim 1 : vector<128x128xf32>, i32 -> vector<128x128xf32>
    %select_n3A_3088 = arith.select %eq3A_3079, %roll3A_3087, %roll3A_3085 : vector<128x128xi1>, vector<128x128xf32>
    %roll3A_3089 = arith.constant 96 : i32
    %roll3A_3090 = tpu.dynamic_rotate %select_n3A_3070 by %roll3A_3089 dim 1 : vector<128x128xf32>, i32 -> vector<128x128xf32>
    %roll3A_3091 = arith.constant 32 : i32
    %roll3A_3092 = tpu.dynamic_rotate %select_n3A_3070 by %roll3A_3091 dim 1 : vector<128x128xf32>, i32 -> vector<128x128xf32>
    %select_n3A_3093 = arith.select %eq3A_3079, %roll3A_3092, %roll3A_3090 : vector<128x128xi1>, vector<128x128xf32>
    %select_n3A_3094 = arith.select %eq3A_3083, %select_n3A_3069, %select_n3A_3088 : vector<128x128xi1>, vector<128x128xf32>
    %select_n3A_3095 = arith.select %eq3A_3083, %select_n3A_3088, %select_n3A_3069 : vector<128x128xi1>, vector<128x128xf32>
    %lt3A_3096 = arith.cmpf olt, %select_n3A_3095, %select_n3A_3094 : vector<128x128xf32>
    %select_n3A_3097 = arith.select %lt3A_3096, %select_n3A_3088, %select_n3A_3069 : vector<128x128xi1>, vector<128x128xf32>
    %select_n3A_3098 = arith.select %lt3A_3096, %select_n3A_3093, %select_n3A_3070 : vector<128x128xi1>, vector<128x128xf32>
    %shift_right_arithmetic3A_3099 = arith.constant 4 : i32
    %shift_right_arithmetic3A_3100 = vector.broadcast %shift_right_arithmetic3A_3099 : i32 to vector<128x128xi32>
    %shift_right_arithmetic3A_3101 = arith.shrsi %iota3A_5, %shift_right_arithmetic3A_3100 : vector<128x128xi32>
    %and3A_3102 = arith.constant 1 : i32
    %and3A_3103 = vector.broadcast %and3A_3102 : i32 to vector<128x128xi32>
    %and3A_3104 = arith.andi %shift_right_arithmetic3A_3101, %and3A_3103 : vector<128x128xi32>
    %eq3A_3105 = arith.constant 1 : i32
    %eq3A_3106 = vector.broadcast %eq3A_3105 : i32 to vector<128x128xi32>
    %eq3A_3107 = arith.cmpi eq, %and3A_3104, %eq3A_3106 : vector<128x128xi32>
    %xor3A_3108 = arith.xori %broadcast_in_dim3A_2846, %and3A_3104 : vector<128x128xi32>
    %eq3A_3109 = arith.constant 0 : i32
    %eq3A_3110 = vector.broadcast %eq3A_3109 : i32 to vector<128x128xi32>
    %eq3A_3111 = arith.cmpi eq, %xor3A_3108, %eq3A_3110 : vector<128x128xi32>
    %roll3A_3112 = arith.constant 112 : i32
    %roll3A_3113 = tpu.dynamic_rotate %select_n3A_3097 by %roll3A_3112 dim 1 : vector<128x128xf32>, i32 -> vector<128x128xf32>
    %roll3A_3114 = arith.constant 16 : i32
    %roll3A_3115 = tpu.dynamic_rotate %select_n3A_3097 by %roll3A_3114 dim 1 : vector<128x128xf32>, i32 -> vector<128x128xf32>
    %select_n3A_3116 = arith.select %eq3A_3107, %roll3A_3115, %roll3A_3113 : vector<128x128xi1>, vector<128x128xf32>
    %roll3A_3117 = arith.constant 112 : i32
    %roll3A_3118 = tpu.dynamic_rotate %select_n3A_3098 by %roll3A_3117 dim 1 : vector<128x128xf32>, i32 -> vector<128x128xf32>
    %roll3A_3119 = arith.constant 16 : i32
    %roll3A_3120 = tpu.dynamic_rotate %select_n3A_3098 by %roll3A_3119 dim 1 : vector<128x128xf32>, i32 -> vector<128x128xf32>
    %select_n3A_3121 = arith.select %eq3A_3107, %roll3A_3120, %roll3A_3118 : vector<128x128xi1>, vector<128x128xf32>
    %select_n3A_3122 = arith.select %eq3A_3111, %select_n3A_3097, %select_n3A_3116 : vector<128x128xi1>, vector<128x128xf32>
    %select_n3A_3123 = arith.select %eq3A_3111, %select_n3A_3116, %select_n3A_3097 : vector<128x128xi1>, vector<128x128xf32>
    %lt3A_3124 = arith.cmpf olt, %select_n3A_3123, %select_n3A_3122 : vector<128x128xf32>
    %select_n3A_3125 = arith.select %lt3A_3124, %select_n3A_3116, %select_n3A_3097 : vector<128x128xi1>, vector<128x128xf32>
    %select_n3A_3126 = arith.select %lt3A_3124, %select_n3A_3121, %select_n3A_3098 : vector<128x128xi1>, vector<128x128xf32>
    %shift_right_arithmetic3A_3127 = arith.constant 3 : i32
    %shift_right_arithmetic3A_3128 = vector.broadcast %shift_right_arithmetic3A_3127 : i32 to vector<128x128xi32>
    %shift_right_arithmetic3A_3129 = arith.shrsi %iota3A_5, %shift_right_arithmetic3A_3128 : vector<128x128xi32>
    %and3A_3130 = arith.constant 1 : i32
    %and3A_3131 = vector.broadcast %and3A_3130 : i32 to vector<128x128xi32>
    %and3A_3132 = arith.andi %shift_right_arithmetic3A_3129, %and3A_3131 : vector<128x128xi32>
    %eq3A_3133 = arith.constant 1 : i32
    %eq3A_3134 = vector.broadcast %eq3A_3133 : i32 to vector<128x128xi32>
    %eq3A_3135 = arith.cmpi eq, %and3A_3132, %eq3A_3134 : vector<128x128xi32>
    %xor3A_3136 = arith.xori %broadcast_in_dim3A_2846, %and3A_3132 : vector<128x128xi32>
    %eq3A_3137 = arith.constant 0 : i32
    %eq3A_3138 = vector.broadcast %eq3A_3137 : i32 to vector<128x128xi32>
    %eq3A_3139 = arith.cmpi eq, %xor3A_3136, %eq3A_3138 : vector<128x128xi32>
    %roll3A_3140 = arith.constant 120 : i32
    %roll3A_3141 = tpu.dynamic_rotate %select_n3A_3125 by %roll3A_3140 dim 1 : vector<128x128xf32>, i32 -> vector<128x128xf32>
    %roll3A_3142 = arith.constant 8 : i32
    %roll3A_3143 = tpu.dynamic_rotate %select_n3A_3125 by %roll3A_3142 dim 1 : vector<128x128xf32>, i32 -> vector<128x128xf32>
    %select_n3A_3144 = arith.select %eq3A_3135, %roll3A_3143, %roll3A_3141 : vector<128x128xi1>, vector<128x128xf32>
    %roll3A_3145 = arith.constant 120 : i32
    %roll3A_3146 = tpu.dynamic_rotate %select_n3A_3126 by %roll3A_3145 dim 1 : vector<128x128xf32>, i32 -> vector<128x128xf32>
    %roll3A_3147 = arith.constant 8 : i32
    %roll3A_3148 = tpu.dynamic_rotate %select_n3A_3126 by %roll3A_3147 dim 1 : vector<128x128xf32>, i32 -> vector<128x128xf32>
    %select_n3A_3149 = arith.select %eq3A_3135, %roll3A_3148, %roll3A_3146 : vector<128x128xi1>, vector<128x128xf32>
    %select_n3A_3150 = arith.select %eq3A_3139, %select_n3A_3125, %select_n3A_3144 : vector<128x128xi1>, vector<128x128xf32>
    %select_n3A_3151 = arith.select %eq3A_3139, %select_n3A_3144, %select_n3A_3125 : vector<128x128xi1>, vector<128x128xf32>
    %lt3A_3152 = arith.cmpf olt, %select_n3A_3151, %select_n3A_3150 : vector<128x128xf32>
    %select_n3A_3153 = arith.select %lt3A_3152, %select_n3A_3144, %select_n3A_3125 : vector<128x128xi1>, vector<128x128xf32>
    %select_n3A_3154 = arith.select %lt3A_3152, %select_n3A_3149, %select_n3A_3126 : vector<128x128xi1>, vector<128x128xf32>
    %shift_right_arithmetic3A_3155 = arith.constant 2 : i32
    %shift_right_arithmetic3A_3156 = vector.broadcast %shift_right_arithmetic3A_3155 : i32 to vector<128x128xi32>
    %shift_right_arithmetic3A_3157 = arith.shrsi %iota3A_5, %shift_right_arithmetic3A_3156 : vector<128x128xi32>
    %and3A_3158 = arith.constant 1 : i32
    %and3A_3159 = vector.broadcast %and3A_3158 : i32 to vector<128x128xi32>
    %and3A_3160 = arith.andi %shift_right_arithmetic3A_3157, %and3A_3159 : vector<128x128xi32>
    %eq3A_3161 = arith.constant 1 : i32
    %eq3A_3162 = vector.broadcast %eq3A_3161 : i32 to vector<128x128xi32>
    %eq3A_3163 = arith.cmpi eq, %and3A_3160, %eq3A_3162 : vector<128x128xi32>
    %xor3A_3164 = arith.xori %broadcast_in_dim3A_2846, %and3A_3160 : vector<128x128xi32>
    %eq3A_3165 = arith.constant 0 : i32
    %eq3A_3166 = vector.broadcast %eq3A_3165 : i32 to vector<128x128xi32>
    %eq3A_3167 = arith.cmpi eq, %xor3A_3164, %eq3A_3166 : vector<128x128xi32>
    %roll3A_3168 = arith.constant 124 : i32
    %roll3A_3169 = tpu.dynamic_rotate %select_n3A_3153 by %roll3A_3168 dim 1 : vector<128x128xf32>, i32 -> vector<128x128xf32>
    %roll3A_3170 = arith.constant 4 : i32
    %roll3A_3171 = tpu.dynamic_rotate %select_n3A_3153 by %roll3A_3170 dim 1 : vector<128x128xf32>, i32 -> vector<128x128xf32>
    %select_n3A_3172 = arith.select %eq3A_3163, %roll3A_3171, %roll3A_3169 : vector<128x128xi1>, vector<128x128xf32>
    %roll3A_3173 = arith.constant 124 : i32
    %roll3A_3174 = tpu.dynamic_rotate %select_n3A_3154 by %roll3A_3173 dim 1 : vector<128x128xf32>, i32 -> vector<128x128xf32>
    %roll3A_3175 = arith.constant 4 : i32
    %roll3A_3176 = tpu.dynamic_rotate %select_n3A_3154 by %roll3A_3175 dim 1 : vector<128x128xf32>, i32 -> vector<128x128xf32>
    %select_n3A_3177 = arith.select %eq3A_3163, %roll3A_3176, %roll3A_3174 : vector<128x128xi1>, vector<128x128xf32>
    %select_n3A_3178 = arith.select %eq3A_3167, %select_n3A_3153, %select_n3A_3172 : vector<128x128xi1>, vector<128x128xf32>
    %select_n3A_3179 = arith.select %eq3A_3167, %select_n3A_3172, %select_n3A_3153 : vector<128x128xi1>, vector<128x128xf32>
    %lt3A_3180 = arith.cmpf olt, %select_n3A_3179, %select_n3A_3178 : vector<128x128xf32>
    %select_n3A_3181 = arith.select %lt3A_3180, %select_n3A_3172, %select_n3A_3153 : vector<128x128xi1>, vector<128x128xf32>
    %select_n3A_3182 = arith.select %lt3A_3180, %select_n3A_3177, %select_n3A_3154 : vector<128x128xi1>, vector<128x128xf32>
    %shift_right_arithmetic3A_3183 = arith.constant 1 : i32
    %shift_right_arithmetic3A_3184 = vector.broadcast %shift_right_arithmetic3A_3183 : i32 to vector<128x128xi32>
    %shift_right_arithmetic3A_3185 = arith.shrsi %iota3A_5, %shift_right_arithmetic3A_3184 : vector<128x128xi32>
    %and3A_3186 = arith.constant 1 : i32
    %and3A_3187 = vector.broadcast %and3A_3186 : i32 to vector<128x128xi32>
    %and3A_3188 = arith.andi %shift_right_arithmetic3A_3185, %and3A_3187 : vector<128x128xi32>
    %eq3A_3189 = arith.constant 1 : i32
    %eq3A_3190 = vector.broadcast %eq3A_3189 : i32 to vector<128x128xi32>
    %eq3A_3191 = arith.cmpi eq, %and3A_3188, %eq3A_3190 : vector<128x128xi32>
    %xor3A_3192 = arith.xori %broadcast_in_dim3A_2846, %and3A_3188 : vector<128x128xi32>
    %eq3A_3193 = arith.constant 0 : i32
    %eq3A_3194 = vector.broadcast %eq3A_3193 : i32 to vector<128x128xi32>
    %eq3A_3195 = arith.cmpi eq, %xor3A_3192, %eq3A_3194 : vector<128x128xi32>
    %roll3A_3196 = arith.constant 126 : i32
    %roll3A_3197 = tpu.dynamic_rotate %select_n3A_3181 by %roll3A_3196 dim 1 : vector<128x128xf32>, i32 -> vector<128x128xf32>
    %roll3A_3198 = arith.constant 2 : i32
    %roll3A_3199 = tpu.dynamic_rotate %select_n3A_3181 by %roll3A_3198 dim 1 : vector<128x128xf32>, i32 -> vector<128x128xf32>
    %select_n3A_3200 = arith.select %eq3A_3191, %roll3A_3199, %roll3A_3197 : vector<128x128xi1>, vector<128x128xf32>
    %roll3A_3201 = arith.constant 126 : i32
    %roll3A_3202 = tpu.dynamic_rotate %select_n3A_3182 by %roll3A_3201 dim 1 : vector<128x128xf32>, i32 -> vector<128x128xf32>
    %roll3A_3203 = arith.constant 2 : i32
    %roll3A_3204 = tpu.dynamic_rotate %select_n3A_3182 by %roll3A_3203 dim 1 : vector<128x128xf32>, i32 -> vector<128x128xf32>
    %select_n3A_3205 = arith.select %eq3A_3191, %roll3A_3204, %roll3A_3202 : vector<128x128xi1>, vector<128x128xf32>
    %select_n3A_3206 = arith.select %eq3A_3195, %select_n3A_3181, %select_n3A_3200 : vector<128x128xi1>, vector<128x128xf32>
    %select_n3A_3207 = arith.select %eq3A_3195, %select_n3A_3200, %select_n3A_3181 : vector<128x128xi1>, vector<128x128xf32>
    %lt3A_3208 = arith.cmpf olt, %select_n3A_3207, %select_n3A_3206 : vector<128x128xf32>
    %select_n3A_3209 = arith.select %lt3A_3208, %select_n3A_3200, %select_n3A_3181 : vector<128x128xi1>, vector<128x128xf32>
    %select_n3A_3210 = arith.select %lt3A_3208, %select_n3A_3205, %select_n3A_3182 : vector<128x128xi1>, vector<128x128xf32>
    %shift_right_arithmetic3A_3211 = arith.constant 0 : i32
    %shift_right_arithmetic3A_3212 = vector.broadcast %shift_right_arithmetic3A_3211 : i32 to vector<128x128xi32>
    %shift_right_arithmetic3A_3213 = arith.shrsi %iota3A_5, %shift_right_arithmetic3A_3212 : vector<128x128xi32>
    %and3A_3214 = arith.constant 1 : i32
    %and3A_3215 = vector.broadcast %and3A_3214 : i32 to vector<128x128xi32>
    %and3A_3216 = arith.andi %shift_right_arithmetic3A_3213, %and3A_3215 : vector<128x128xi32>
    %eq3A_3217 = arith.constant 1 : i32
    %eq3A_3218 = vector.broadcast %eq3A_3217 : i32 to vector<128x128xi32>
    %eq3A_3219 = arith.cmpi eq, %and3A_3216, %eq3A_3218 : vector<128x128xi32>
    %xor3A_3220 = arith.xori %broadcast_in_dim3A_2846, %and3A_3216 : vector<128x128xi32>
    %eq3A_3221 = arith.constant 0 : i32
    %eq3A_3222 = vector.broadcast %eq3A_3221 : i32 to vector<128x128xi32>
    %eq3A_3223 = arith.cmpi eq, %xor3A_3220, %eq3A_3222 : vector<128x128xi32>
    %roll3A_3224 = arith.constant 127 : i32
    %roll3A_3225 = tpu.dynamic_rotate %select_n3A_3209 by %roll3A_3224 dim 1 : vector<128x128xf32>, i32 -> vector<128x128xf32>
    %roll3A_3226 = arith.constant 1 : i32
    %roll3A_3227 = tpu.dynamic_rotate %select_n3A_3209 by %roll3A_3226 dim 1 : vector<128x128xf32>, i32 -> vector<128x128xf32>
    %select_n3A_3228 = arith.select %eq3A_3219, %roll3A_3227, %roll3A_3225 : vector<128x128xi1>, vector<128x128xf32>
    %roll3A_3229 = arith.constant 127 : i32
    %roll3A_3230 = tpu.dynamic_rotate %select_n3A_3210 by %roll3A_3229 dim 1 : vector<128x128xf32>, i32 -> vector<128x128xf32>
    %roll3A_3231 = arith.constant 1 : i32
    %roll3A_3232 = tpu.dynamic_rotate %select_n3A_3210 by %roll3A_3231 dim 1 : vector<128x128xf32>, i32 -> vector<128x128xf32>
    %select_n3A_3233 = arith.select %eq3A_3219, %roll3A_3232, %roll3A_3230 : vector<128x128xi1>, vector<128x128xf32>
    %select_n3A_3234 = arith.select %eq3A_3223, %select_n3A_3209, %select_n3A_3228 : vector<128x128xi1>, vector<128x128xf32>
    %select_n3A_3235 = arith.select %eq3A_3223, %select_n3A_3228, %select_n3A_3209 : vector<128x128xi1>, vector<128x128xf32>
    %lt3A_3236 = arith.cmpf olt, %select_n3A_3235, %select_n3A_3234 : vector<128x128xf32>
    %select_n3A_3237 = arith.select %lt3A_3236, %select_n3A_3228, %select_n3A_3209 : vector<128x128xi1>, vector<128x128xf32>
    %select_n3A_3238 = arith.select %lt3A_3236, %select_n3A_3233, %select_n3A_3210 : vector<128x128xi1>, vector<128x128xf32>
    %swap3A_3239 = arith.constant 0 : index
    %swap3A_3240 = arith.constant 0 : index
    %swap3A_3241 = vector.load %arg2[%swap3A_3239, %swap3A_3240] : memref<128x128xf32, #tpu.memory_space<vmem>>, vector<128x128xf32>
    tpu.vector_store %arg2[%swap3A_3239, %swap3A_3240], %select_n3A_3237 {strides = array<i32>} : memref<128x128xf32, #tpu.memory_space<vmem>>, vector<128x128xf32>,
    %convert_element_type3A_3242 = arith.fptosi %select_n3A_3238 : vector<128x128xf32> to vector<128x128xi32>
    %swap3A_3243 = arith.constant 0 : index
    %swap3A_3244 = arith.constant 0 : index
    %swap3A_3245 = vector.load %arg3[%swap3A_3243, %swap3A_3244] : memref<128x128xi32, #tpu.memory_space<vmem>>, vector<128x128xi32>
    tpu.vector_store %arg3[%swap3A_3243, %swap3A_3244], %convert_element_type3A_3242 {strides = array<i32>} : memref<128x128xi32, #tpu.memory_space<vmem>>, vector<128x128xi32>,
    return
  }
}

</mosaic_0001>

<sc_bundles>
// kernel: kernel.5.cloned.1.call-start
scs
__scs_entry_jumppad:
0x0: {  	(pc) =	sbr.rel $0x88, $3  }
0x1: {  	(tag) =	ssettag $0x0;
	lr =	simm.s32 $0x1  }
0x2: {  	[smem:$0x3F9F] =	sst lr;
	_ =	strace $0xD0000000  }
0x3: {  	_ = 	snop  }
0x4: {  	_ = 	snop  }
0x5: {  	_ = 	snop  }
0x6: {  	_ = 	snop  }
0x7: {  	_ = 	snop  }
__scs_overlays_trampoline_lowered:
0x8: {  	[smem:$0x3FAE] =	sst s0  }
0x9: {  	[smem:$0x3FAF] =	sst s1  }
0xa: {  	[smem:$0x3FB0] =	sst s2  }
0xb: {  	[smem:$0x3FB1] =	sst s3  }
0xc: {  	[smem:$0x3FB2] =	sst s4  }
0xd: {  	[smem:$0x3FB3] =	sst s5  }
0xe: {  	[smem:$0x3FB4] =	sst s6  }
0xf: {  	[smem:$0x3FB5] =	sst s7  }
0x10: {  	[smem:$0x3FB6] =	sst s8  }
0x11: {  	[smem:$0x3FB7] =	sst s9;
	s0 =	simm.s32 @!p0 $0x0  }
0x12: {  	s1 =	sld [smem:$0x3F9D];
	s0 =	simm.s32 @p0 $0x1  }
0x13: {  	[smem:$0x3FB8] =	sst s0;
	s0 =	simm.s32 @!p1 $0x0  }
0x14: {  	s2 =	sld [smem:$0x3F9C];
	s0 =	simm.s32 @p1 $0x1  }
0x15: {  	[smem:$0x3FB9] =	sst s0;
	s0 =	simm.s32 @!p2 $0x0  }
0x16: {  	s3 =	sld [smem:$0x3FDB];
	s0 =	simm.s32 @p2 $0x1  }
0x17: {  	s4 =	simm.s32 $0x1BF5;
	[smem:$0x3FBB] =	sst s0  }
0x18: {  	s0 =	sld [smem:$0x3F9E];
	_ =	swait.ge [sflag:s4], $0x0  }
0x19: {  	s7 =	sld [smem:$0x3F9F]  }
0x1a: {  	s8 =	sadd.s32 $0xFFFFE003, lr  }
0x1b: {  	s9 =	sadd.s32 $0xFFFFFEF7, lr;
	s5 =	simm.s32 $0xFFFFFFFF;
	p2 =	slt.u32 s8, $0xFFFFF086  }
0x1c: {  	p1 =	slt.u32 s9, $0xF7A;
	s5 =	simm.s32 @!p2 $0x0  }
0x1d: {  	s5 =	simm.s32 @p1 $0x1;
	p0 =	seq.s32 s7, s2  }
0x1e: {  	s7 =	smul.u32 @!p0 $0xF7A, s2;
	p2 =	seq.s32 @!p0 s5, $0x0  }
0x1f: {  	s9 =	smul.u32 $0xF7A, s1;
	s8 =	simm.s32 @!p0 $0x1BF5;
	p2 =	por !p2, p0  }
0x20: {  	[sflag:s8] =	ssyncset.s32 @!p0 $0xFFFFF086;
	s6 =	sadd.s32 @!p0 s3, s7;
	s7 =	simm.s32 @!p0 $0x108  }
0x21: {  	s3 =	sadd.s32 s3, s9;
	s6 =	sadd.s32 @!p0 $0x88, s6;
	s7 =	simm.s32 @p2 $0x1082  }
0x22: {  	[simem:s7], [sflag:s8] =	dma.local @!p0 [hbm:s6], $0xF7A  }
0x23: {  	s9 =	sor.u32 $0xD0000000, s2;
	s6 =	simm.s32 $0x108;
	_ =	swait.ge @!p0 [sflag:s8], $0x0  }
0x24: {  	s3 =	sadd.s32 $0x88, s3;
	s6 =	simm.s32 @!p1 $0x1082;
	[sflag:s4] =	ssyncset.s32 $0xFFFFF086  }
0x25: {  	[simem:s6], [sflag:s4] =	dma.local [hbm:s3], $0xF7A  }
0x26: {  	[smem:$0x3F9F] =	sst s1;
	(tag) =	ssettag s2;
	_ =	strace s9  }
0x27: {  	s1 =	sld [smem:$0x3FAF]  }
0x28: {  	s2 =	sld [smem:$0x3FB0]  }
0x29: {  	s4 =	sld [smem:$0x3FB2]  }
0x2a: {  	p0 =	seq.s32 s5, $0x0;
	s5 =	sld [smem:$0x3FB3]  }
0x2b: {  	s6 =	sld [smem:$0x3FB4]  }
0x2c: {  	s7 =	sld [smem:$0x3FB5]  }
0x2d: {  	s3 =	simm.s32 $0x108;
	s8 =	sld [smem:$0x3FB6]  }
0x2e: {  	s3 =	simm.s32 @!p0 $0x1082;
	s9 =	sld [smem:$0x3FB7]  }
0x2f: {  	lr =	sadd.s32 s0, s3;
	s0 =	sld [smem:$0x3FAE]  }
0x30: {  	s3 =	sld [smem:$0x3FB1]  }
0x31: {  	[smem:$0x3FBA] =	sst s10  }
0x32: {  	s10 =	sld [smem:$0x3FB8];
	_ =	sdelay $0x3  }
0x33: {  	p0 =	seq.s32 s10, $0x1;
	s10 =	sld [smem:$0x3FBA];
	_ =	sdelay $0x3  }
0x34: {  	[smem:$0x3FBA] =	sst s10  }
0x35: {  	s10 =	sld [smem:$0x3FB9];
	_ =	sdelay $0x3  }
0x36: {  	p1 =	seq.s32 s10, $0x1;
	s10 =	sld [smem:$0x3FBA];
	_ =	sdelay $0x3  }
0x37: {  	[smem:$0x3FBA] =	sst s10  }
0x38: {  	s10 =	sld [smem:$0x3FBB]  }
0x39: {  	_ = 	snop;
	(pc) =	sbr.ind lr, $3  }
0x3a: {  	_ = 	snop  }
0x3b: {  	_ = 	snop  }
0x3c: {  	p2 =	seq.s32 s10, $0x1;
	s10 =	sld [smem:$0x3FBA]  }
0x3d: {  	_ =	shalt  }
0x3e: {  	_ =	shalt  }
0x3f: {  	_ =	shalt  }
0x40: {  	_ =	shalt  }
0x41: {  	_ =	shalt  }
0x42: {  	_ =	shalt  }
0x43: {  	_ =	shalt  }
0x44: {  	_ =	shalt  }
0x45: {  	_ =	shalt  }
0x46: {  	_ =	shalt  }
0x47: {  	_ =	shalt  }
0x48: {  	_ =	shalt  }
0x49: {  	_ =	shalt  }
0x4a: {  	_ =	shalt  }
0x4b: {  	_ =	shalt  }
0x4c: {  	_ =	shalt  }
0x4d: {  	_ =	shalt  }
0x4e: {  	_ =	shalt  }
0x4f: {  	_ =	shalt  }
0x50: {  	_ =	shalt  }
0x51: {  	_ =	shalt  }
0x52: {  	_ =	shalt  }
0x53: {  	_ =	shalt  }
0x54: {  	_ =	shalt  }
0x55: {  	_ =	shalt  }
0x56: {  	_ =	shalt  }
0x57: {  	_ =	shalt  }
0x58: {  	_ =	shalt  }
0x59: {  	_ =	shalt  }
0x5a: {  	_ =	shalt  }
0x5b: {  	_ =	shalt  }
0x5c: {  	_ =	shalt  }
0x5d: {  	_ =	shalt  }
0x5e: {  	_ =	shalt  }
0x5f: {  	_ =	shalt  }
0x60: {  	_ =	shalt  }
0x61: {  	_ =	shalt  }
0x62: {  	_ =	shalt  }
0x63: {  	_ =	shalt  }
0x64: {  	_ =	shalt  }
0x65: {  	_ =	shalt  }
0x66: {  	_ =	shalt  }
0x67: {  	_ =	shalt  }
0x68: {  	_ =	shalt  }
0x69: {  	_ =	shalt  }
0x6a: {  	_ =	shalt  }
0x6b: {  	_ =	shalt  }
0x6c: {  	_ =	shalt  }
0x6d: {  	_ =	shalt  }
0x6e: {  	_ =	shalt  }
0x6f: {  	_ =	shalt  }
0x70: {  	_ =	shalt  }
0x71: {  	_ =	shalt  }
0x72: {  	_ =	shalt  }
0x73: {  	_ =	shalt  }
0x74: {  	_ =	shalt  }
0x75: {  	_ =	shalt  }
0x76: {  	_ =	shalt  }
0x77: {  	_ =	shalt  }
0x78: {  	_ =	shalt  }
0x79: {  	_ =	shalt  }
0x7a: {  	_ =	shalt  }
0x7b: {  	_ =	shalt  }
0x7c: {  	_ =	shalt  }
0x7d: {  	_ =	shalt  }
0x7e: {  	_ =	shalt  }
0x7f: {  	_ =	shalt  }
0x80: {  	_ =	shalt  }
0x81: {  	_ =	shalt  }
0x82: {  	_ =	shalt  }
0x83: {  	_ =	shalt  }
0x84: {  	_ =	shalt  }
0x85: {  	_ =	shalt  }
0x86: {  	_ =	shalt  }
0x87: {  	_ =	shalt  }
.Lfunc_end0:
.L_simem_size_0:
called_computation_lowered:
.L_overlay_start_0:
0x88: {  	s2 =	sld [smem:$0x3FD9]  }
0x89: {  	s3 =	sld [smem:$0x3FFE];
	_ =	sdelay $0x1  }
0x8a: {  	s1 =	srdreg.scid  }
0x8b: {  	s0 =	sand.u32 $0x1, s1  }
0x8c: {  	s16 =	sshll.u32 s0, $0xA;
	s2 =	sadd.s32 s3, s2  }
0x8d: {  	s2 =	sadd.s32 s2, s16  }
0x8e: {  	[smem:$0x3FC6] =	sst s2  }
0x8f: {  	_ = 	snop  }
0x90: {  	(tm) =	ssettm $0x1  }
0x91: {  	s17 =	sld [smem:$0x3FFB];
	_ =	sdelay $0x3  }
0x92: {  	_ =	strace s17  }
0x93: {  	s2 =	sld [smem:$0x3FFC];
	_ =	sdelay $0x3  }
0x94: {  	_ =	strace s2  }
0x95: {  	s2 =	sld [smem:$0x3FFD];
	_ =	sdelay $0x3  }
0x96: {  	_ =	strace s2  }
0x97: {  	_ =	strace $0x8FFFFFFF  }
0x98: {  	s18 =	sld [smem:$0x3FDB];
	_ =	sdelay $0x1  }
0x99: {  	s19 =	simm.s32 $_scs_section_size  }
0x9a: {  	s4 =	simm.s32 $_size__tile_overlayer_lowered;
	s5 =	simm.s32 $_tile_overlayer_lowered  }
0x9b: {  	s22 =	simm.s32 $0x1BFF;
	s21 =	sshll.u32 s5, $0x1;
	s2 =	sadd.s32 s19, s18  }
0x9c: {  	s6 =	simm.s32 $0x0;
	s20 =	sshll.u32 s4, $0x1;
	s4 =	sadd.s32 s21, s2  }
0x9d: {  	[timem:s6], [sflag:s22] =	dma.local [hbm:s4], s20  }
0x9e: {  	_ =	swait.ge [sflag:s22], s20  }
0x9f: {  	s3 =	ssub.s32 $0x0, s20;
	[sflag:s22] =	ssyncset.done $0x0  }
0xa0: {  	[sflag:s22] =	ssyncadd.s32 s3;
	_ =	sdelay $0x1  }
0xa1: {  	s23 =	simm.s32 $0x1B8B  }
0xa2: {  	_ =	swait.ge [sflag:s23], $0x1  }
0xa3: {  	[sflag:s23] =	ssyncset.done $0x0  }
0xa4: {  	s25 =	simm.s32 $0x1B8E;
	s24 =	sld [smem:$0x3FFE];
	[sflag:s23] =	ssyncadd.s32 $0xFFFFFFFF  }
0xa5: {  	s26 =	simm.s32 $execute0_lowered;
	[smem:$0x3FD2] =	sst s25  }
0xa6: {  	s4 =	sshll.u32 s26, $0x1;
	_ =	strace $0x80000046;
	[dreg:$0x1] =	wrdreg $0xFFFFFFFF  }
0xa7: {  	s28 =	simm.s32 $_size_execute0_lowered;
	s2 =	sadd.s32 s2, s4;
	[dreg:$0x0] =	wrdreg $0x0  }
0xa8: {  	s4 =	sshll.u32 s28, $0x1;
	[dreg:$0x2] =	wrdreg s2  }
0xa9: {  	[dreg:$0x3] =	wrdreg s4  }
0xaa: {  	[dreg:$0x4] =	wrdreg $0xC0  }
0xab: {  	_ =	task [dreg:s6], $0x5FFFF  }
0xac: {  	[dreg:$0x1] =	wrdreg $0xFFFFFFFF  }
0xad: {  	[dreg:$0x0] =	wrdreg $0x60  }
0xae: {  	[dreg:$0x2] =	wrdreg s24  }
0xaf: {  	[dreg:$0x3] =	wrdreg $0x4000  }
0xb0: {  	[dreg:$0x4] =	wrdreg $0x9  }
0xb1: {  	_ =	task.clear_ibuf [dreg:s6], $0x5FFFF;
	_ =	strace $0x90000046  }
0xb2: {  	s29 =	simm.s32 $0x9;
	_ =	strace $0x80000048  }
0xb3: {  	_ =	swait.ge [sflag:s29], $0x1  }
0xb4: {  	[sflag:s29] =	ssyncadd.s32 $0xFFFFFFFF  }
0xb5: {  	_ =	strace $0x90000048  }
0xb6: {  	_ =	sfence  }
0xb7: {  	s30 =	sld [smem:$0x0];
	_ =	sdelay $0x2  }
0xb8: {  	s31 =	sshll.u32 s1, $0xD;
	s1 =	sshrl.u32 s1, $0x2  }
0xb9: {  	s3 =	sand.u32 $0x4000, s31;
	s1 =	sadd.s32 s1, s30  }
0xba: {  	s0 =	sor.u32 s3, s0;
	s1 =	sshll.u32 s1, $0x11  }
0xbb: {  	s0 =	sor.u32 s1, s0  }
0xbc: {  	s0 =	sadd.s32 $0x8F2B, s0  }
0xbd: {  	[sflag:s0] =	ssyncadd.remote.s32 $0x1  }
0xbe: {  	_ =	sfence.sel $0xFFFF  }
0xbf: {  	[dreg:$0x0] =	wrdreg $0xFFFFFFFF;
	(pc) =	sbr.abs _section_cstart, $3  }
0xc0: {  	[dreg:$0x1] =	wrdreg $0xFFFFFFFF  }
0xc1: {  	_ =	task.clear_ibuf [dreg:s6], $0x2FFFF;
	_ =	strace $0x9FFFFFFF  }
0xc2: {  	(tm) =	ssettm $0x7FFFFFFF  }
0xc3: {  	_ =	shalt  }
tec
execute0_lowered:
.L_overlay_start_1:
0x0: {  	(tag) =	ssettag $0x1  }
0x1: {  	s4 =	srdreg.scid  }
0x2: {  	s4 =	sand.u32 $0x1, s4  }
0x3: {  	s5 =	stileid.u32;
	s7 =	sshll.u32 s4, $0x6;
	s4 =	ssub.s32 $0x2, s4  }
0x4: {  	s3 =	rddreg [dreg:$0x0];
	s6 =	sshll.u32 s5, $0x7;
	s31 =	sshrl.u32 s4, $0x1  }
0x5: {  	s2 =	rddreg [dreg:$0x1];
	s6 =	sor.u32 s7, s6;
	s4 =	ssub.s32 s4, s31  }
0x6: {  	s8 =	sadd.s32 $0x1000, s3;
	s3 =	sadd.s32 s6, s3;
	s6 =	smax.u32 s4, $0x1  }
0x7: {  	s0 =	rddreg [dreg:$0x2];
	s1 =	simm.s32 $0x0;
	s18 =	sadd.s32 $0xFFFFFFFF, s6  }
0x8: {  	s10 =	simm.s32 $0x280;
	s11 =	simm.s32 $0x100;
	p2 =	sne.s32 s18, $0x0  }
.Ltmp0:
0x9: {  	s12 =	simm.s32 $0x300;
	s13 =	simm.s32 $0x180;
	(pc) =	sbr.rel @!p2 .LBB2_3-.Ltmp0, $4  }
0xa: {  	s14 =	simm.s32 $0x380;
	p1 =	por $0x0, $0x0;
	[smem:$0x7FF] =	sst s1  }
0xb: {  	p0 =	sne.s32 s5, $0x0;
	s5 =	simm.s32 $0x200;
	_ =	strace $0x80000047  }
0xc: {  	s15 =	sshrl.u32 @!p0 s2, $0x3;
	s7 =	simm.s32 $0x80;
	s9 =	sadd.s32 $0x1800, s3  }
0xd: {  	s3 =	sadd.s32 $0x2000, s3;
	s4 =	simm.s32 $0x2;
	s6 =	simm.s32 $0x1  }
0xe: {  	s16 =	simm.s32 @!p0 $0x1C02;
	s17 =	simm.s32 @!p0 $0x2  }
0xf: {  	[spmem:s15], [sflag:s16] =	dma.local @!p0 [hbm:s8], $0x800  }
0x10: {  	_ =	swait.ge @!p0 [sflag:s17], $0x800  }
0x11: {  	[sflag:s17] =	ssyncset.done @!p0 $0x0  }
0x12: {  	[sflag:s17] =	ssyncadd.s32 @!p0 $0xFFFFF800  }
0x13: {  	[tilespmem:s1], [sflag:$0x2] =	stream.linear.gather [hbm4b:s9+s1], $0x200, $0x38;
	[tilespmem:$0x800] =	vst v63  }
0x14: {  	_ =	swait.ge [sflag:s4], $0x200  }
0x15: {  	[sflag:s4] =	ssyncset.done $0x0  }
0x16: {  	[sflag:s4] =	ssyncadd.s32 $0xFFFFFE00  }
0x17: {  	[bflag:$0x0] =	sbarrier.arrive $0xFFFF  }
0x18: {  	[tilespmem:s5], [sflag:$0x1] =	stream.indirect.gather [spmem:s2], $0x1, s1, s7, $0xb8;
	[tilespmem:$0x800] =	vst v63  }
0x19: {  	_ = 	snop  }
0x1a: {  	[tilespmem:s10], [sflag:$0x1] =	stream.indirect.gather [spmem:s2], $0x1, s7, s7, $0xb8;
	[tilespmem:$0x800] =	vst v63  }
0x1b: {  	_ = 	snop  }
0x1c: {  	[tilespmem:s12], [sflag:$0x1] =	stream.indirect.gather [spmem:s2], $0x1, s11, s7, $0xb8;
	[tilespmem:$0x800] =	vst v63  }
0x1d: {  	_ = 	snop  }
0x1e: {  	[tilespmem:s14], [sflag:$0x1] =	stream.indirect.gather [spmem:s2], $0x1, s13, s7, $0xb8;
	[tilespmem:$0x800] =	vst v63  }
0x1f: {  	_ =	swait.ge [sflag:s6], $0x80  }
0x20: {  	[sflag:s6] =	ssyncset.done $0x0  }
0x21: {  	[sflag:s6] =	ssyncadd.s32 $0xFFFFFF80  }
0x22: {  	_ =	swait.ge [sflag:s6], $0x80  }
0x23: {  	[sflag:s6] =	ssyncset.done $0x0  }
0x24: {  	[sflag:s6] =	ssyncadd.s32 $0xFFFFFF80  }
0x25: {  	_ =	swait.ge [sflag:s6], $0x80  }
0x26: {  	[sflag:s6] =	ssyncset.done $0x0  }
0x27: {  	s18 =	sadd.s32 $0xFFFFFFFF, s18;
	[sflag:s6] =	ssyncadd.s32 $0xFFFFFF80  }
0x28: {  	p2 =	sne.s32 s18, $0x0;
	_ =	swait.ge [sflag:s6], $0x80  }
.Ltmp1:
0x29: {  	[sflag:s6] =	ssyncset.done $0x0;
	(pc) =	sbr.rel @!p2 .LBB2_3-.Ltmp1, $4  }
0x2a: {  	[sflag:s6] =	ssyncadd.s32 $0xFFFFFF80  }
0x2b: {  	[hbm4b:s3+s1] =	stream.linear.scatter [tilespmem:s5], [sflag:$0x2], $0x200, $0x38;
	[tilespmem:$0x800] =	vst v63  }
0x2c: {  	_ =	swait.ge [sflag:s4], $0x200  }
0x2d: {  	p1 =	por $0x1, $0x1;
	[sflag:s4] =	ssyncset.done $0x0  }
.LBB2_2:
0x2e: {  	[sflag:s4] =	ssyncadd.s32 $0xFFFFFE00  }
0x2f: {  	[spmem:s15], [sflag:s16] =	dma.local @!p0 [hbm:s8], $0x800  }
0x30: {  	s18 =	sadd.s32 $0xFFFFFFFF, s18;
	_ =	swait.ge @!p0 [sflag:s17], $0x800  }
0x31: {  	p2 =	sne.s32 s18, $0x0;
	[sflag:s17] =	ssyncset.done @!p0 $0x0  }
0x32: {  	[sflag:s17] =	ssyncadd.s32 @!p0 $0xFFFFF800  }
0x33: {  	[tilespmem:s1], [sflag:$0x2] =	stream.linear.gather [hbm4b:s9+s1], $0x200, $0x38;
	[tilespmem:$0x800] =	vst v63  }
0x34: {  	_ =	swait.ge [sflag:s4], $0x200  }
0x35: {  	[sflag:s4] =	ssyncset.done $0x0  }
0x36: {  	[sflag:s4] =	ssyncadd.s32 $0xFFFFFE00  }
0x37: {  	[bflag:$0x0] =	sbarrier.arrive $0xFFFF  }
0x38: {  	[tilespmem:s5], [sflag:$0x1] =	stream.indirect.gather [spmem:s2], $0x1, s1, s7, $0xb8;
	[tilespmem:$0x800] =	vst v63  }
0x39: {  	_ = 	snop  }
0x3a: {  	[tilespmem:s10], [sflag:$0x1] =	stream.indirect.gather [spmem:s2], $0x1, s7, s7, $0xb8;
	[tilespmem:$0x800] =	vst v63  }
0x3b: {  	_ = 	snop  }
0x3c: {  	[tilespmem:s12], [sflag:$0x1] =	stream.indirect.gather [spmem:s2], $0x1, s11, s7, $0xb8;
	[tilespmem:$0x800] =	vst v63  }
0x3d: {  	_ = 	snop  }
0x3e: {  	[tilespmem:s14], [sflag:$0x1] =	stream.indirect.gather [spmem:s2], $0x1, s13, s7, $0xb8;
	[tilespmem:$0x800] =	vst v63  }
0x3f: {  	_ =	swait.ge [sflag:s6], $0x80  }
0x40: {  	[sflag:s6] =	ssyncset.done $0x0  }
0x41: {  	[sflag:s6] =	ssyncadd.s32 $0xFFFFFF80  }
0x42: {  	_ =	swait.ge [sflag:s6], $0x80  }
0x43: {  	[sflag:s6] =	ssyncset.done $0x0  }
0x44: {  	[sflag:s6] =	ssyncadd.s32 $0xFFFFFF80  }
0x45: {  	_ =	swait.ge [sflag:s6], $0x80  }
0x46: {  	[sflag:s6] =	ssyncset.done $0x0  }
0x47: {  	[sflag:s6] =	ssyncadd.s32 $0xFFFFFF80  }
0x48: {  	_ =	swait.ge [sflag:s6], $0x80  }
.Ltmp2:
0x49: {  	[sflag:s6] =	ssyncset.done $0x0;
	(pc) =	sbr.rel @p2 .LBB2_2-.Ltmp2, $4  }
0x4a: {  	[sflag:s6] =	ssyncadd.s32 $0xFFFFFF80  }
0x4b: {  	[hbm4b:s3+s1] =	stream.linear.scatter [tilespmem:s5], [sflag:$0x2], $0x200, $0x38;
	[tilespmem:$0x800] =	vst v63  }
0x4c: {  	_ =	swait.ge [sflag:s4], $0x200  }
0x4d: {  	[sflag:s4] =	ssyncset.done $0x0  }
.LBB2_3:
0x4e: {  	s16 =	simm.s32 @!p0 $0x1C02;
	s17 =	simm.s32 @!p0 $0x2;
	[sflag:s4] =	ssyncadd.s32 @p1 $0xFFFFFE00  }
0x4f: {  	[spmem:s15], [sflag:s16] =	dma.local @!p0 [hbm:s8], $0x800  }
0x50: {  	_ =	swait.ge @!p0 [sflag:s17], $0x800  }
0x51: {  	[sflag:s17] =	ssyncset.done @!p0 $0x0  }
0x52: {  	[sflag:s17] =	ssyncadd.s32 @!p0 $0xFFFFF800  }
0x53: {  	[tilespmem:s1], [sflag:$0x2] =	stream.linear.gather [hbm4b:s9+s1], $0x200, $0x38;
	[tilespmem:$0x800] =	vst v63  }
0x54: {  	_ =	swait.ge [sflag:s4], $0x200  }
0x55: {  	[sflag:s4] =	ssyncset.done $0x0  }
0x56: {  	[sflag:s4] =	ssyncadd.s32 $0xFFFFFE00  }
0x57: {  	[bflag:$0x0] =	sbarrier.arrive $0xFFFF  }
0x58: {  	[tilespmem:s5], [sflag:$0x1] =	stream.indirect.gather [spmem:s2], $0x1, s1, s7, $0xb8;
	[tilespmem:$0x800] =	vst v63  }
0x59: {  	_ = 	snop  }
0x5a: {  	[tilespmem:s10], [sflag:$0x1] =	stream.indirect.gather [spmem:s2], $0x1, s7, s7, $0xb8;
	[tilespmem:$0x800] =	vst v63  }
0x5b: {  	_ = 	snop  }
0x5c: {  	[tilespmem:s12], [sflag:$0x1] =	stream.indirect.gather [spmem:s2], $0x1, s11, s7, $0xb8;
	[tilespmem:$0x800] =	vst v63  }
0x5d: {  	_ = 	snop  }
0x5e: {  	[tilespmem:s14], [sflag:$0x1] =	stream.indirect.gather [spmem:s2], $0x1, s13, s7, $0xb8;
	[tilespmem:$0x800] =	vst v63  }
0x5f: {  	_ =	swait.ge [sflag:s6], $0x80  }
0x60: {  	[sflag:s6] =	ssyncset.done $0x0  }
0x61: {  	[sflag:s6] =	ssyncadd.s32 $0xFFFFFF80  }
0x62: {  	_ =	swait.ge [sflag:s6], $0x80  }
0x63: {  	[sflag:s6] =	ssyncset.done $0x0  }
0x64: {  	[sflag:s6] =	ssyncadd.s32 $0xFFFFFF80  }
0x65: {  	_ =	swait.ge [sflag:s6], $0x80  }
0x66: {  	[sflag:s6] =	ssyncset.done $0x0  }
0x67: {  	[sflag:s6] =	ssyncadd.s32 $0xFFFFFF80  }
0x68: {  	_ =	swait.ge [sflag:s6], $0x80  }
0x69: {  	[sflag:s6] =	ssyncset.done $0x0  }
0x6a: {  	[sflag:s6] =	ssyncadd.s32 $0xFFFFFF80  }
0x6b: {  	[hbm4b:s3+s1] =	stream.linear.scatter [tilespmem:s5], [sflag:$0x2], $0x200, $0x38;
	[tilespmem:$0x800] =	vst v63  }
0x6c: {  	_ =	swait.ge [sflag:s4], $0x200  }
0x6d: {  	[sflag:s4] =	ssyncset.done $0x0  }
0x6e: {  	[sflag:s4] =	ssyncadd.s32 $0xFFFFFE00  }
0x6f: {  	_ =	sfence.sel $0x180000  }
0x70: {  	[bflag:$0x0] =	sbarrier.arrive $0xFFFF  }
0x71: {  	_ =	strace $0x90000047  }
0x72: {  	s0 =	sadd.s32 @!p0 $0x100000, s0;
	[bflag:$0x2] =	sbarrier.arrive $0xFFFF  }
0x73: {  	[sflag:s0] =	ssyncadd.tile.s32 @!p0 $0x1;
	_ =	shalt  }
.Lfunc_end2:
_tile_overlayer_lowered:
.L_overlay_start_2:
0x74: {  	(tag) =	ssettag $0x2  }
0x75: {  	s0 =	rddreg [dreg:$0x0];
	s2 =	stileid.u32  }
0x76: {  	s1 =	rddreg [dreg:$0x1];
	p0 =	sne.s32 s2, $0x0  }
0x77: {  	s3 =	rddreg [dreg:$0x2];
	[bflag:$0x3] =	sbarrier.arrive $0xFFFF;
	s2 =	simm.s32 @!p0 $0x1C02  }
0x78: {  	[timem:s3], [sflag:s2] =	dma.local @!p0 [hbm:s0], s1  }
0x79: {  	s0 =	simm.s32 @!p0 $0x2  }
0x7a: {  	_ =	swait.ge @!p0 [sflag:s0], s1  }
0x7b: {  	s1 =	ssub.s32 @!p0 $0x0, s1;
	[sflag:s0] =	ssyncset.done @!p0 $0x0  }
0x7c: {  	[sflag:s0] =	ssyncadd.s32 @!p0 s1  }
0x7d: {  	[bflag:$0x3] =	sbarrier.arrive $0xFFFF  }
0x7e: {  	_ =	shalt  }

</sc_bundles>
